<compile_context>
chip_gen: v7x
topology: tpu7x:2x2x1
jax: 0.10.2.dev20260603
libtpu: 0.0.44.dev20260713+nightly
codegen_flags: <defaults>
</compile_context>

<pallas_src>
import functools

import jax
import jax.numpy as jnp
import numpy as np
from jax import lax
from jax.experimental import pallas as pl
from jax.experimental.pallas import tpu as pltpu
from jax.experimental.pallas import tpu_sc as plsc

B, N, N1, N2, CGEO = 16, 4096, 512, 128, 256
R1, R2, KFP, MAXN1, MAXN2 = 0.2, 0.4, 3, 32, 64
EPS = 1e-5


def _fps_body(npoint, px, py, pz, idx_ref, ox, oy, oz, dists):
    Bb, Nn = px.shape
    dists[...] = jnp.full((Bb, Nn), 1e10, jnp.float32)
    colN = lax.broadcasted_iota(jnp.int32, (Bb, Nn), 1)
    colP = lax.broadcasted_iota(jnp.int32, (Bb, npoint), 1)

    def body(i, far):
        oh = colN == far
        pxv, pyv, pzv = px[...], py[...], pz[...]
        cx = jnp.sum(jnp.where(oh, pxv, 0.0), axis=1, keepdims=True)
        cy = jnp.sum(jnp.where(oh, pyv, 0.0), axis=1, keepdims=True)
        cz = jnp.sum(jnp.where(oh, pzv, 0.0), axis=1, keepdims=True)
        sm = colP == i
        idx_ref[...] = jnp.where(sm, far, idx_ref[...])
        ox[...] = jnp.where(sm, cx, ox[...])
        oy[...] = jnp.where(sm, cy, oy[...])
        oz[...] = jnp.where(sm, cz, oz[...])
        dx = pxv - cx
        dy = pyv - cy
        dz = pzv - cz
        d = dx * dx + dy * dy + dz * dz
        nd = jnp.minimum(dists[...], d)
        dists[...] = nd
        return jnp.argmax(nd, axis=1).astype(jnp.int32)[:, None]

    lax.fori_loop(0, npoint, body, jnp.zeros((Bb, 1), jnp.int32))


def _fps(px, py, pz, npoint):
    Bb, Nn = px.shape
    out_shape = (
        jax.ShapeDtypeStruct((Bb, npoint), jnp.int32),
        jax.ShapeDtypeStruct((Bb, npoint), jnp.float32),
        jax.ShapeDtypeStruct((Bb, npoint), jnp.float32),
        jax.ShapeDtypeStruct((Bb, npoint), jnp.float32),
    )
    return pl.pallas_call(
        functools.partial(_fps_body, npoint),
        out_shape=out_shape,
        scratch_shapes=[pltpu.VMEM((Bb, Nn), jnp.float32)],
    )(px, py, pz)


def _ballq_body(r2, S, G, GS, NW, sx, sy, sz, qx, qy, qz, pmat, out_ref):
    Qb = qx.shape[2]
    dx = qx[0, 0, :][:, None] - sx[0, 0, :][None, :]
    dy = qy[0, 0, :][:, None] - sy[0, 0, :][None, :]
    dz = qz[0, 0, :][:, None] - sz[0, 0, :][None, :]
    d2 = dx * dx + dy * dy + dz * dz
    mask = (d2 <= r2).astype(jnp.bfloat16)
    words = jnp.dot(mask, pmat[...], preferred_element_type=jnp.float32)
    cnt = words[:, :G]
    D = cnt
    k = 1
    while k < G:
        D = D + jnp.concatenate(
            [jnp.zeros((Qb, k), jnp.float32), D[:, : G - k]], axis=1)
        k *= 2
    Dm1i = (D - cnt).astype(jnp.int32)
    Di = D.astype(jnp.int32)
    T = Di[:, G - 1:G]
    wi = [words[:, (1 + w) * G:(2 + w) * G].astype(jnp.int32)
          for w in range(NW)]
    iota_g = lax.broadcasted_iota(jnp.int32, (Qb, G), 1)
    iota_s = lax.broadcasted_iota(jnp.int32, (Qb, S), 1)

    def seat(s, carry):
        gsel, rsel, wsel = carry
        le = (Di <= s).astype(jnp.int32)
        g = jnp.sum(le, axis=1, keepdims=True)
        oh = iota_g == g
        cg = jnp.sum(jnp.where(oh, Dm1i, 0), axis=1, keepdims=True)
        r = s - cg
        ws = [jnp.sum(jnp.where(oh, w, 0), axis=1, keepdims=True) for w in wi]
        sm = iota_s == s
        gsel = jnp.where(sm, g, gsel)
        rsel = jnp.where(sm, r, rsel)
        wsel = [jnp.where(sm, w, ww) for w, ww in zip(ws, wsel)]
        return gsel, rsel, wsel

    z = jnp.zeros((Qb, S), jnp.int32)
    gsel, rsel, wsel = lax.fori_loop(
        0, S, seat, (z, z, [z for _ in range(NW)]))

    cum = jnp.zeros((Qb, S), jnp.int32)
    pos = jnp.zeros((Qb, S), jnp.int32)
    for w in range(NW):
        for p in range(16):
            bit = (wsel[w] >> p) & 1
            hit = (bit == 1) & (cum == rsel)
            pos = jnp.where(hit, w * 16 + p, pos)
            cum = cum + bit
    idx = gsel * GS + pos
    first = idx[:, 0:1]
    out_ref[0] = jnp.where(iota_s < T, idx, first)


def _ball_query(sx, sy, sz, qx, qy, qz, r, S, GS=64, Qb=128):
    Bb, Ns = sx.shape
    Q = qx.shape[1]
    G = Ns // GS
    NW = GS // 16
    pm = np.zeros((Ns, (1 + NW) * G), np.float32)
    for i in range(Ns):
        g = i // GS
        j = i % GS
        pm[i, g] = 1.0
        pm[i, (1 + j // 16) * G + g] = float(1 << (j % 16))
    pmat = jnp.asarray(pm, jnp.bfloat16)
    grid = (Bb, Q // Qb)
    src_spec = pl.BlockSpec((1, 1, Ns), lambda b, q: (b, 0, 0))
    q_spec = pl.BlockSpec((1, 1, Qb), lambda b, q: (b, 0, q))
    return pl.pallas_call(
        functools.partial(_ballq_body, r * r, S, G, GS, NW),
        grid=grid,
        in_specs=[src_spec] * 3 + [q_spec] * 3
        + [pl.BlockSpec((Ns, (1 + NW) * G), lambda b, q: (0, 0))],
        out_specs=pl.BlockSpec((1, Qb, S), lambda b, q: (b, q, 0)),
        out_shape=jax.ShapeDtypeStruct((Bb, Q, S), jnp.int32),
    )(sx.reshape(Bb, 1, Ns), sy.reshape(Bb, 1, Ns), sz.reshape(Bb, 1, Ns),
      qx.reshape(Bb, 1, Q), qy.reshape(Bb, 1, Q), qz.reshape(Bb, 1, Q), pmat)


def _interp_body(k, sx, sy, sz, tx, ty, tz, x_ref, o_ref):
    Tb = tx.shape[2]
    Ns = sx.shape[2]
    dx = tx[0, 0, :][:, None] - sx[0, 0, :][None, :]
    dy = ty[0, 0, :][:, None] - sy[0, 0, :][None, :]
    dz = tz[0, 0, :][:, None] - sz[0, 0, :][None, :]
    d2 = dx * dx + dy * dy + dz * dz
    iota = lax.broadcasted_iota(jnp.int32, (Tb, Ns), 1)
    rw = jnp.zeros((Tb, Ns), jnp.float32)
    denom = jnp.zeros((Tb, 1), jnp.float32)
    for _ in range(k):
        mn = jnp.min(d2, axis=1, keepdims=True)
        am = jnp.argmin(d2, axis=1).astype(jnp.int32)[:, None]
        w = 1.0 / jnp.maximum(mn, 1e-16)
        oh = iota == am
        rw = rw + jnp.where(oh, w, 0.0)
        denom = denom + w
        d2 = jnp.where(oh, jnp.float32(1e30), d2)
    y = jnp.dot(rw, x_ref[0], preferred_element_type=jnp.float32,
                precision=lax.Precision.HIGHEST)
    o_ref[0] = y / denom


def _knn_interp(sx, sy, sz, tx, ty, tz, xsrc, tb=256):
    Bb, Ns = sx.shape
    Nt = tx.shape[1]
    C = xsrc.shape[2]
    sspec = pl.BlockSpec((1, 1, Ns), lambda b_, t: (b_, 0, 0))
    tspec = pl.BlockSpec((1, 1, tb), lambda b_, t: (b_, 0, t))
    return pl.pallas_call(
        functools.partial(_interp_body, KFP),
        grid=(Bb, Nt // tb),
        in_specs=[sspec, sspec, sspec, tspec, tspec, tspec,
                  pl.BlockSpec((1, Ns, C), lambda b_, t: (b_, 0, 0))],
        out_specs=pl.BlockSpec((1, tb, C), lambda b_, t: (b_, t, 0)),
        out_shape=jax.ShapeDtypeStruct((Bb, Nt, C), jnp.float32),
    )(sx.reshape(Bb, 1, Ns), sy.reshape(Bb, 1, Ns), sz.reshape(Bb, 1, Ns),
      tx.reshape(Bb, 1, Nt), ty.reshape(Bb, 1, Nt), tz.reshape(Bb, 1, Nt),
      xsrc)


def _sc_gather(table, idx):
    V, D = table.shape
    M = idx.shape[0]
    info = plsc.get_sparse_core_info()
    nw = info.num_cores * info.num_subcores
    per_w = M // nw
    assert per_w * nw == M
    ch = 128
    nch = per_w // ch
    assert nch * ch == per_w
    mesh = plsc.VectorSubcoreMesh(core_axis_name="c", subcore_axis_name="s")

    @functools.partial(
        pl.kernel, mesh=mesh,
        out_type=jax.ShapeDtypeStruct((M, D), jnp.float32),
        compiler_params=pltpu.CompilerParams(use_tc_tiling_on_sc=False),
        scratch_types=[pltpu.VMEM((ch,), jnp.int32),
                       pltpu.VMEM((ch, D), jnp.float32),
                       pltpu.SemaphoreType.DMA])
    def k(table_hbm, idx_hbm, out_hbm, idx_v, rows_v, sem):
        wid = lax.axis_index("s") * info.num_cores + lax.axis_index("c")
        base = wid * per_w

        def chunk(c_, carry):
            off = base + c_ * ch
            pltpu.sync_copy(idx_hbm.at[pl.ds(off, ch)], idx_v)
            pltpu.async_copy(table_hbm.at[idx_v], rows_v, sem).wait()
            pltpu.sync_copy(rows_v, out_hbm.at[pl.ds(off, ch)])
            return carry

        lax.fori_loop(0, nch, chunk, 0)

    return k(table, idx)


def _bn_relu_x(x, g, b):
    xs = x.reshape(-1, x.shape[-1])
    mean = xs.mean(axis=0)
    var = xs.var(axis=0)
    y = (x - mean) / jnp.sqrt(var + EPS) * g + b
    return jnp.maximum(y, 0.0)


def _apply_mlp_x(x, layers):
    for (Wl, bb, gm, bt) in layers:
        x = _bn_relu_x(x @ Wl + bb, gm, bt)
    return x


def _fps_x(pos, npoint):
    pos = jax.lax.stop_gradient(pos)
    Bb, Nn, _ = pos.shape

    def body(i, state):
        idxs, dists, far = state
        idxs = idxs.at[:, i].set(far)
        centroid = jnp.take_along_axis(
            pos, far[:, None, None].astype(jnp.int32), axis=1)
        dd = jnp.sum((pos - centroid) ** 2, axis=-1)
        dists = jnp.minimum(dists, dd)
        far = jnp.argmax(dists, axis=-1).astype(jnp.int32)
        return idxs, dists, far

    idxs = jnp.zeros((Bb, npoint), jnp.int32)
    dists = jnp.full((Bb, Nn), 1e10, jnp.float32)
    far = jnp.zeros((Bb,), jnp.int32)
    idxs, _, _ = jax.lax.fori_loop(0, npoint, body, (idxs, dists, far))
    return idxs


def _bgather(x, idx):
    return jax.vmap(lambda xb, ib: xb[ib])(x, idx)


def kernel(pts, params):
    ptsx, ptsy, ptsz = pts[:, :, 0], pts[:, :, 1], pts[:, :, 2]

    idx1 = _fps_x(pts, N1)
    pos1 = _bgather(pts, idx1)
    p1x, p1y, p1z = pos1[:, :, 0], pos1[:, :, 1], pos1[:, :, 2]
    g1 = _ball_query(ptsx, ptsy, ptsz, p1x, p1y, p1z, R1, MAXN1)
    tab1 = jnp.concatenate(
        [pts.reshape(B * N, 3),
         jnp.zeros((B * N, 13), jnp.float32)], axis=1)
    offs = (jnp.arange(B, dtype=jnp.int32) * N)[:, None]
    gidx1 = (g1.reshape(B, -1) + offs).reshape(-1)
    rows1 = _sc_gather(tab1, gidx1)
    pj = rows1[:, :3].reshape(B, N1, MAXN1, 3)
    feat = jnp.concatenate([pj, pj - pos1[:, :, None, :]], axis=-1)
    h = _apply_mlp_x(feat, params['sa1_local'])
    x1 = _apply_mlp_x(jnp.max(h, axis=2), params['sa1_global'])

    idx2 = _fps_x(pos1, N2)
    pos2 = _bgather(pos1, idx2)
    p2x, p2y, p2z = pos2[:, :, 0], pos2[:, :, 1], pos2[:, :, 2]
    g2 = _ball_query(p1x, p1y, p1z, p2x, p2y, p2z, R2, MAXN2)
    tab2 = jnp.concatenate(
        [x1.reshape(B * N1, 256), pos1.reshape(B * N1, 3),
         jnp.zeros((B * N1, 13), jnp.float32)], axis=1)
    offs1 = (jnp.arange(B, dtype=jnp.int32) * N1)[:, None]
    gidx2 = (g2.reshape(B, -1) + offs1).reshape(-1)
    rows2 = _sc_gather(tab2, gidx2)
    xj = rows2[:, :256].reshape(B, N2, MAXN2, 256)
    pj2 = rows2[:, 256:259].reshape(B, N2, MAXN2, 3)
    feat2 = jnp.concatenate([xj, pj2 - pos2[:, :, None, :]], axis=-1)
    hh = _apply_mlp_x(feat2, params['sa2_local'])
    x2 = _apply_mlp_x(jnp.max(hh, axis=2), params['sa2_global'])

    gg = _apply_mlp_x(jnp.max(x2, axis=1), params['glob'])

    x1_up = _knn_interp(p2x, p2y, p2z, p1x, p1y, p1z, x2, tb=256)
    x1_fp = _apply_mlp_x(jnp.concatenate([x1_up, x1], axis=-1),
                         params['fp1'])

    x0_up = _knn_interp(p1x, p1y, p1z, ptsx, ptsy, ptsz, x1_fp, tb=256)
    F = _apply_mlp_x(jnp.concatenate([x0_up, pts], axis=-1), params['fp0'])
    return (F, gg)

# --- scband reference (transcript-rebuilt; emitter-appended) ---
"""Pipeline reference for scband-pn2-geometry-encoder-6734508720335 (READ-ONLY COPY).

The authoritative reference and input builder live on the scoring server;
editing this copy changes nothing except your own understanding.
"""

import jax, jax.numpy as jnp
import numpy as np

B, N, N1, N2, CGEO = 16, 4096, 512, 128, 256
R1, R2, KFP, MAXN1, MAXN2 = 0.2, 0.4, 3, 32, 64


def init_mlp(key, chs):
    layers = []
    for i in range(len(chs) - 1):
        key, k1 = jax.random.split(key)
        W = jax.random.normal(k1, (chs[i], chs[i + 1]), jnp.float32) * (1.0 / np.sqrt(chs[i]))
        b = jnp.zeros((chs[i + 1],), jnp.float32)
        g = jnp.ones((chs[i + 1],), jnp.float32)
        bt = jnp.zeros((chs[i + 1],), jnp.float32)
        layers.append((W, b, g, bt))
    return layers


def bn_relu(x, g, b):
    xs = x.reshape(-1, x.shape[-1])
    mean = xs.mean(axis=0)
    var = xs.var(axis=0)
    y = (x - mean) / jnp.sqrt(var + 1e-5) * g + b
    return jnp.maximum(y, 0.0)


def apply_mlp(x, layers):
    for (W, bb, gm, bt) in layers:
        x = bn_relu(x @ W + bb, gm, bt)
    return x


def batched_gather(x, idx):
    return jax.vmap(lambda xb, ib: xb[ib])(x, idx)


def fps(pos, npoint):
    pos = jax.lax.stop_gradient(pos)
    Bb, Nn, _ = pos.shape

    def body(i, state):
        idxs, dists, far = state
        idxs = idxs.at[:, i].set(far)
        centroid = jnp.take_along_axis(pos, far[:, None, None].astype(jnp.int32), axis=1)
        d = jnp.sum((pos - centroid) ** 2, axis=-1)
        dists = jnp.minimum(dists, d)
        far = jnp.argmax(dists, axis=-1).astype(jnp.int32)
        return idxs, dists, far

    idxs = jnp.zeros((Bb, npoint), jnp.int32)
    dists = jnp.full((Bb, Nn), 1e10, jnp.float32)
    far = jnp.zeros((Bb,), jnp.int32)
    idxs, _, _ = jax.lax.fori_loop(0, npoint, body, (idxs, dists, far))
    return idxs


def ball_query(pos_src, pos_q, r, nsample):
    ps = jax.lax.stop_gradient(pos_src)
    pq = jax.lax.stop_gradient(pos_q)
    d2 = jnp.sum((pq[:, :, None, :] - ps[:, None, :, :]) ** 2, axis=-1)
    Ns = pos_src.shape[1]
    ar = jnp.arange(Ns, dtype=jnp.int32)
    gidx = jnp.where(d2 <= r * r, ar[None, None, :], Ns)
    gidx = jnp.sort(gidx, axis=-1)[:, :, :nsample]
    first = gidx[:, :, :1]
    gidx = jnp.where(gidx == Ns, first, gidx)
    return gidx


def knn_interpolate(x, pos_src, pos_tgt, k):
    d2 = jnp.sum((pos_tgt[:, :, None, :] - pos_src[:, None, :, :]) ** 2, axis=-1)
    negd, idx = jax.lax.top_k(-d2, k)
    w = 1.0 / jnp.maximum(-negd, 1e-16)
    xk = batched_gather(x, idx)
    return jnp.sum(w[..., None] * xk, axis=2) / jnp.sum(w, axis=-1, keepdims=True)


def forward(pts, params):
    x0 = pts
    idx1 = fps(pts, N1)
    pos1 = batched_gather(pts, idx1)
    g1 = ball_query(pts, pos1, R1, MAXN1)
    xj = batched_gather(x0, g1)
    pj = batched_gather(pts, g1)
    h = apply_mlp(jnp.concatenate([xj, pj - pos1[:, :, None, :]], axis=-1), params['sa1_local'])
    x1 = apply_mlp(jnp.max(h, axis=2), params['sa1_global'])
    idx2 = fps(pos1, N2)
    pos2 = batched_gather(pos1, idx2)
    g2 = ball_query(pos1, pos2, R2, MAXN2)
    xj = batched_gather(x1, g2)
    pj = batched_gather(pos1, g2)
    h = apply_mlp(jnp.concatenate([xj, pj - pos2[:, :, None, :]], axis=-1), params['sa2_local'])
    x2 = apply_mlp(jnp.max(h, axis=2), params['sa2_global'])
    g = apply_mlp(jnp.max(x2, axis=1), params['glob'])
    x1_up = knn_interpolate(x2, pos2, pos1, KFP)
    x1_fp = apply_mlp(jnp.concatenate([x1_up, x1], axis=-1), params['fp1'])
    x0_up = knn_interpolate(x1_fp, pos1, pts, KFP)
    F = apply_mlp(jnp.concatenate([x0_up, x0], axis=-1), params['fp0'])
    return (F, g)


def setup_inputs(seed: int = 0):
    key = jax.random.key(seed)
    ks = jax.random.split(key, 8)
    pts = jax.random.uniform(ks[0], (B, N, 3), jnp.float32)
    params = {
        'sa1_local': init_mlp(ks[1], [6, 64, 64, 128]),
        'sa1_global': init_mlp(ks[2], [128, 256]),
        'sa2_local': init_mlp(ks[3], [259, 128, 128, 256]),
        'sa2_global': init_mlp(ks[4], [256, 256]),
        'glob': init_mlp(ks[5], [256, 512, CGEO]),
        'fp1': init_mlp(ks[6], [512, 256, 256]),
        'fp0': init_mlp(ks[7], [259, 256, CGEO]),
    }
    return {"pts": pts, "params": params}


def reference(pts, params):
    return forward(pts, params)

if __name__ == "__main__":
    import jax
    _d = setup_inputs()
    print(jax.jit(kernel)(*tuple(_d.values())))

</pallas_src>

<mosaic_0001>
#map = affine_map<(d0, d1) -> (0, 0)>
#map1 = affine_map<(d0, d1) -> (0)>
module attributes {stable_mosaic.version = 14 : i64} {
  func.func @k(%arg0: i32, %arg1: i32, %arg2: memref<65536x16xf32, #tpu.memory_space<hbm>>, %arg3: memref<262144xi32, #tpu.memory_space<hbm>>, %arg4: memref<262144x16xf32, #tpu.memory_space<hbm>>, %arg5: memref<128xi32, #tpu.memory_space<vmem>>, %arg6: memref<128x16xf32, #tpu.memory_space<vmem>>, %arg7: memref<!tpu.dma_semaphore, #tpu.memory_space<semaphore_mem>>) attributes {dimension_semantics = [#tpu.dimension_semantics<core_parallel>, #tpu.dimension_semantics<subcore_parallel>], iteration_bounds = array<i64: 2, 16>, scalar_prefetch = 0 : i64, scratch_operands = 3 : i64, tpu.core_type = #tpu.core_type<sc_vector_subcore>, window_params = [{transform_indices = #map}, {transform_indices = #map1}, {transform_indices = #map}]} {
    %mul3A = arith.constant 2 : i32
    %mul3A_0 = arith.muli %arg1, %mul3A : i32
    %add3A = arith.addi %mul3A_0, %arg0 : i32
    %mul3A_1 = arith.constant 8192 : i32
    %mul3A_2 = arith.muli %add3A, %mul3A_1 : i32
    %scan3A = arith.constant 0 : i32
    %scan3A_3 = arith.constant 0 : i32
    %scan3A_4 = arith.constant 64 : i32
    %scan3A_5 = arith.addi %scan3A_3, %scan3A_4 : i32
    %scan3A_6 = arith.constant 1 : i32
    scf.for %scan3A_8 = %scan3A_3 to %scan3A_5 step %scan3A_6  : i32 {
      %mul3A_9 = arith.constant 128 : i32
      %mul3A_10 = arith.muli %scan3A_8, %mul3A_9 : i32
      %add3A_11 = arith.addi %mul3A_2, %mul3A_10 : i32
      "tpu.region"() ({
        %run_scoped3A = tpu.sem_alloc : memref<!tpu.dma_semaphore, #tpu.memory_space<semaphore_mem>>
        %dma_start3A_16 = tpu.memref_slice %arg3[%add3A_11] : memref<262144xi32, #tpu.memory_space<hbm>> -> memref<128xi32, #tpu.memory_space<hbm>>
        %dma_start3A_17 = tpu.memref_slice %arg3[%add3A_11] : memref<262144xi32, #tpu.memory_space<hbm>> -> memref<128xi32, #tpu.memory_space<hbm>>
        tpu.enqueue_dma source(%dma_start3A_17 : memref<128xi32, #tpu.memory_space<hbm>>) target(%arg5 : memref<128xi32, #tpu.memory_space<vmem>>) target_semaphore(%run_scoped3A : memref<!tpu.dma_semaphore, #tpu.memory_space<semaphore_mem>>)
        %dma_wait3A_18 = tpu.memref_slice %arg3[%add3A_11] : memref<262144xi32, #tpu.memory_space<hbm>> -> memref<128xi32, #tpu.memory_space<hbm>>
        %dma_wait3A_19 = tpu.memref_slice %arg3[%add3A_11] : memref<262144xi32, #tpu.memory_space<hbm>> -> memref<128xi32, #tpu.memory_space<hbm>>
        tpu.wait_dma2 semaphore(%run_scoped3A : memref<!tpu.dma_semaphore, #tpu.memory_space<semaphore_mem>>) src(%dma_wait3A_19 : memref<128xi32, #tpu.memory_space<hbm>>) dst(%arg5 : memref<128xi32, #tpu.memory_space<vmem>>)
        tpu.yield
      }) : () -> ()
      %dma_start3A = arith.constant 0 : i32
      %dma_start3A_12 = arith.constant 0 : i32
      %dma_start3A_13 = tpu.memref_slice %arg2[%dma_start3A, %dma_start3A_12] : memref<65536x16xf32, #tpu.memory_space<hbm>> -> memref<65536x16xf32, #tpu.memory_space<hbm>>
      tpu.enqueue_indirect_dma source(%dma_start3A_13 : memref<65536x16xf32, #tpu.memory_space<hbm>>) target(%arg6 : memref<128x16xf32, #tpu.memory_space<vmem>>) offsets(%arg5 : memref<128xi32, #tpu.memory_space<vmem>>) semaphore(%arg7 : memref<!tpu.dma_semaphore, #tpu.memory_space<semaphore_mem>>)
      %dma_wait3A = arith.constant 0 : i32
      %dma_wait3A_14 = arith.constant 0 : i32
      %dma_wait3A_15 = tpu.memref_slice %arg2[%dma_wait3A, %dma_wait3A_14] : memref<65536x16xf32, #tpu.memory_space<hbm>> -> memref<65536x16xf32, #tpu.memory_space<hbm>>
      tpu.wait_indirect_dma semaphore(%arg7 : memref<!tpu.dma_semaphore, #tpu.memory_space<semaphore_mem>>) src(%dma_wait3A_15 : memref<65536x16xf32, #tpu.memory_space<hbm>>) dst(%arg6 : memref<128x16xf32, #tpu.memory_space<vmem>>)
      "tpu.region"() ({
        %run_scoped3A = tpu.sem_alloc : memref<!tpu.dma_semaphore, #tpu.memory_space<semaphore_mem>>
        %dma_start3A_16 = arith.constant 0 : i32
        %dma_start3A_17 = tpu.memref_slice %arg4[%add3A_11, %dma_start3A_16] : memref<262144x16xf32, #tpu.memory_space<hbm>> -> memref<128x16xf32, #tpu.memory_space<hbm>>
        %dma_start3A_18 = arith.constant 0 : i32
        %dma_start3A_19 = tpu.memref_slice %arg4[%add3A_11, %dma_start3A_18] : memref<262144x16xf32, #tpu.memory_space<hbm>> -> memref<128x16xf32, #tpu.memory_space<hbm>>
        tpu.enqueue_dma source(%arg6 : memref<128x16xf32, #tpu.memory_space<vmem>>) target(%dma_start3A_19 : memref<128x16xf32, #tpu.memory_space<hbm>>) target_semaphore(%run_scoped3A : memref<!tpu.dma_semaphore, #tpu.memory_space<semaphore_mem>>)
        %dma_wait3A_20 = arith.constant 0 : i32
        %dma_wait3A_21 = tpu.memref_slice %arg4[%add3A_11, %dma_wait3A_20] : memref<262144x16xf32, #tpu.memory_space<hbm>> -> memref<128x16xf32, #tpu.memory_space<hbm>>
        %dma_wait3A_22 = arith.constant 0 : i32
        %dma_wait3A_23 = tpu.memref_slice %arg4[%add3A_11, %dma_wait3A_22] : memref<262144x16xf32, #tpu.memory_space<hbm>> -> memref<128x16xf32, #tpu.memory_space<hbm>>
        tpu.wait_dma2 semaphore(%run_scoped3A : memref<!tpu.dma_semaphore, #tpu.memory_space<semaphore_mem>>) src(%arg6 : memref<128x16xf32, #tpu.memory_space<vmem>>) dst(%dma_wait3A_23 : memref<128x16xf32, #tpu.memory_space<hbm>>)
        tpu.yield
      }) : () -> ()
    }
    %scan3A_7 = arith.constant 64 : i32
    return
  }
}

#map = affine_map<(d0, d1) -> (0, 0)>
#map1 = affine_map<(d0, d1) -> (0)>
module attributes {stable_mosaic.version = 14 : i64} {
  func.func @k(%arg0: i32, %arg1: i32, %arg2: memref<8192x272xf32, #tpu.memory_space<hbm>>, %arg3: memref<131072xi32, #tpu.memory_space<hbm>>, %arg4: memref<131072x272xf32, #tpu.memory_space<hbm>>, %arg5: memref<128xi32, #tpu.memory_space<vmem>>, %arg6: memref<128x272xf32, #tpu.memory_space<vmem>>, %arg7: memref<!tpu.dma_semaphore, #tpu.memory_space<semaphore_mem>>) attributes {dimension_semantics = [#tpu.dimension_semantics<core_parallel>, #tpu.dimension_semantics<subcore_parallel>], iteration_bounds = array<i64: 2, 16>, scalar_prefetch = 0 : i64, scratch_operands = 3 : i64, tpu.core_type = #tpu.core_type<sc_vector_subcore>, window_params = [{transform_indices = #map}, {transform_indices = #map1}, {transform_indices = #map}]} {
    %mul3A = arith.constant 2 : i32
    %mul3A_0 = arith.muli %arg1, %mul3A : i32
    %add3A = arith.addi %mul3A_0, %arg0 : i32
    %mul3A_1 = arith.constant 4096 : i32
    %mul3A_2 = arith.muli %add3A, %mul3A_1 : i32
    %scan3A = arith.constant 0 : i32
    %scan3A_3 = arith.constant 0 : i32
    %scan3A_4 = arith.constant 32 : i32
    %scan3A_5 = arith.addi %scan3A_3, %scan3A_4 : i32
    %scan3A_6 = arith.constant 1 : i32
    scf.for %scan3A_8 = %scan3A_3 to %scan3A_5 step %scan3A_6  : i32 {
      %mul3A_9 = arith.constant 128 : i32
      %mul3A_10 = arith.muli %scan3A_8, %mul3A_9 : i32
      %add3A_11 = arith.addi %mul3A_2, %mul3A_10 : i32
      "tpu.region"() ({
        %run_scoped3A = tpu.sem_alloc : memref<!tpu.dma_semaphore, #tpu.memory_space<semaphore_mem>>
        %dma_start3A_16 = tpu.memref_slice %arg3[%add3A_11] : memref<131072xi32, #tpu.memory_space<hbm>> -> memref<128xi32, #tpu.memory_space<hbm>>
        %dma_start3A_17 = tpu.memref_slice %arg3[%add3A_11] : memref<131072xi32, #tpu.memory_space<hbm>> -> memref<128xi32, #tpu.memory_space<hbm>>
        tpu.enqueue_dma source(%dma_start3A_17 : memref<128xi32, #tpu.memory_space<hbm>>) target(%arg5 : memref<128xi32, #tpu.memory_space<vmem>>) target_semaphore(%run_scoped3A : memref<!tpu.dma_semaphore, #tpu.memory_space<semaphore_mem>>)
        %dma_wait3A_18 = tpu.memref_slice %arg3[%add3A_11] : memref<131072xi32, #tpu.memory_space<hbm>> -> memref<128xi32, #tpu.memory_space<hbm>>
        %dma_wait3A_19 = tpu.memref_slice %arg3[%add3A_11] : memref<131072xi32, #tpu.memory_space<hbm>> -> memref<128xi32, #tpu.memory_space<hbm>>
        tpu.wait_dma2 semaphore(%run_scoped3A : memref<!tpu.dma_semaphore, #tpu.memory_space<semaphore_mem>>) src(%dma_wait3A_19 : memref<128xi32, #tpu.memory_space<hbm>>) dst(%arg5 : memref<128xi32, #tpu.memory_space<vmem>>)
        tpu.yield
      }) : () -> ()
      %dma_start3A = arith.constant 0 : i32
      %dma_start3A_12 = arith.constant 0 : i32
      %dma_start3A_13 = tpu.memref_slice %arg2[%dma_start3A, %dma_start3A_12] : memref<8192x272xf32, #tpu.memory_space<hbm>> -> memref<8192x272xf32, #tpu.memory_space<hbm>>
      tpu.enqueue_indirect_dma source(%dma_start3A_13 : memref<8192x272xf32, #tpu.memory_space<hbm>>) target(%arg6 : memref<128x272xf32, #tpu.memory_space<vmem>>) offsets(%arg5 : memref<128xi32, #tpu.memory_space<vmem>>) semaphore(%arg7 : memref<!tpu.dma_semaphore, #tpu.memory_space<semaphore_mem>>)
      %dma_wait3A = arith.constant 0 : i32
      %dma_wait3A_14 = arith.constant 0 : i32
      %dma_wait3A_15 = tpu.memref_slice %arg2[%dma_wait3A, %dma_wait3A_14] : memref<8192x272xf32, #tpu.memory_space<hbm>> -> memref<8192x272xf32, #tpu.memory_space<hbm>>
      tpu.wait_indirect_dma semaphore(%arg7 : memref<!tpu.dma_semaphore, #tpu.memory_space<semaphore_mem>>) src(%dma_wait3A_15 : memref<8192x272xf32, #tpu.memory_space<hbm>>) dst(%arg6 : memref<128x272xf32, #tpu.memory_space<vmem>>)
      "tpu.region"() ({
        %run_scoped3A = tpu.sem_alloc : memref<!tpu.dma_semaphore, #tpu.memory_space<semaphore_mem>>
        %dma_start3A_16 = arith.constant 0 : i32
        %dma_start3A_17 = tpu.memref_slice %arg4[%add3A_11, %dma_start3A_16] : memref<131072x272xf32, #tpu.memory_space<hbm>> -> memref<128x272xf32, #tpu.memory_space<hbm>>
        %dma_start3A_18 = arith.constant 0 : i32
        %dma_start3A_19 = tpu.memref_slice %arg4[%add3A_11, %dma_start3A_18] : memref<131072x272xf32, #tpu.memory_space<hbm>> -> memref<128x272xf32, #tpu.memory_space<hbm>>
        tpu.enqueue_dma source(%arg6 : memref<128x272xf32, #tpu.memory_space<vmem>>) target(%dma_start3A_19 : memref<128x272xf32, #tpu.memory_space<hbm>>) target_semaphore(%run_scoped3A : memref<!tpu.dma_semaphore, #tpu.memory_space<semaphore_mem>>)
        %dma_wait3A_20 = arith.constant 0 : i32
        %dma_wait3A_21 = tpu.memref_slice %arg4[%add3A_11, %dma_wait3A_20] : memref<131072x272xf32, #tpu.memory_space<hbm>> -> memref<128x272xf32, #tpu.memory_space<hbm>>
        %dma_wait3A_22 = arith.constant 0 : i32
        %dma_wait3A_23 = tpu.memref_slice %arg4[%add3A_11, %dma_wait3A_22] : memref<131072x272xf32, #tpu.memory_space<hbm>> -> memref<128x272xf32, #tpu.memory_space<hbm>>
        tpu.wait_dma2 semaphore(%run_scoped3A : memref<!tpu.dma_semaphore, #tpu.memory_space<semaphore_mem>>) src(%arg6 : memref<128x272xf32, #tpu.memory_space<vmem>>) dst(%dma_wait3A_23 : memref<128x272xf32, #tpu.memory_space<hbm>>)
        tpu.yield
      }) : () -> ()
    }
    %scan3A_7 = arith.constant 32 : i32
    return
  }
}

module attributes {stable_mosaic.version = 14 : i64} {
  func.func @_ballq_body(%arg0: i32, %arg1: i32, %arg2: memref<1x1x4096xf32, #tpu.memory_space<vmem>>, %arg3: memref<1x1x4096xf32, #tpu.memory_space<vmem>>, %arg4: memref<1x1x4096xf32, #tpu.memory_space<vmem>>, %arg5: memref<1x1x128xf32, #tpu.memory_space<vmem>>, %arg6: memref<1x1x128xf32, #tpu.memory_space<vmem>>, %arg7: memref<1x1x128xf32, #tpu.memory_space<vmem>>, %arg8: memref<4096x320xbf16, #tpu.memory_space<vmem>>, %arg9: memref<1x128x32xi32, #tpu.memory_space<vmem>>) attributes {dimension_semantics = [#tpu.dimension_semantics<arbitrary>, #tpu.dimension_semantics<arbitrary>], iteration_bounds = array<i64: 16, 4>, scalar_prefetch = 0 : i64, scratch_operands = 0 : i64, tpu.core_type = #tpu.core_type<tc>, window_params = [{transform_indices = @transform_0, window_bounds = array<i64: 1, 1, 4096>}, {transform_indices = @transform_1, window_bounds = array<i64: 1, 1, 4096>}, {transform_indices = @transform_2, window_bounds = array<i64: 1, 1, 4096>}, {transform_indices = @transform_3, window_bounds = array<i64: 1, 1, 128>}, {transform_indices = @transform_4, window_bounds = array<i64: 1, 1, 128>}, {transform_indices = @transform_5, window_bounds = array<i64: 1, 1, 128>}, {pipeline_mode = #tpu.pipeline_mode<synchronous>, transform_indices = @transform_6, window_bounds = array<i64: 4096, 320>}, {transform_indices = @transform_7, window_bounds = array<i64: 1, 128, 32>}]} {
    %get3A = arith.constant 0 : index
    %get3A_0 = arith.constant 0 : index
    %get3A_1 = arith.constant 0 : index
    %get3A_2 = vector.load %arg5[%get3A, %get3A_0, %get3A_1] : memref<1x1x128xf32, #tpu.memory_space<vmem>>, vector<1x1x128xf32>
    %get3A_3 = vector.shape_cast %get3A_2 : vector<1x1x128xf32> to vector<128xf32>
    %broadcast_in_dim3A = vector.shape_cast %get3A_3 : vector<128xf32> to vector<128x1xf32>
    %get3A_4 = arith.constant 0 : index
    %get3A_5 = arith.constant 0 : index
    %get3A_6 = arith.constant 0 : index
    %get3A_7 = vector.load %arg2[%get3A_4, %get3A_5, %get3A_6] : memref<1x1x4096xf32, #tpu.memory_space<vmem>>, vector<1x1x4096xf32>
    %get3A_8 = vector.shape_cast %get3A_7 : vector<1x1x4096xf32> to vector<4096xf32>
    %broadcast_in_dim3A_9 = vector.shape_cast %get3A_8 : vector<4096xf32> to vector<1x4096xf32>
    %sub3A = vector.broadcast %broadcast_in_dim3A : vector<128x1xf32> to vector<128x4096xf32>
    %sub3A_10 = vector.broadcast %broadcast_in_dim3A_9 : vector<1x4096xf32> to vector<128x4096xf32>
    %sub3A_11 = arith.subf %sub3A, %sub3A_10 : vector<128x4096xf32>
    %get3A_12 = arith.constant 0 : index
    %get3A_13 = arith.constant 0 : index
    %get3A_14 = arith.constant 0 : index
    %get3A_15 = vector.load %arg6[%get3A_12, %get3A_13, %get3A_14] : memref<1x1x128xf32, #tpu.memory_space<vmem>>, vector<1x1x128xf32>
    %get3A_16 = vector.shape_cast %get3A_15 : vector<1x1x128xf32> to vector<128xf32>
    %broadcast_in_dim3A_17 = vector.shape_cast %get3A_16 : vector<128xf32> to vector<128x1xf32>
    %get3A_18 = arith.constant 0 : index
    %get3A_19 = arith.constant 0 : index
    %get3A_20 = arith.constant 0 : index
    %get3A_21 = vector.load %arg3[%get3A_18, %get3A_19, %get3A_20] : memref<1x1x4096xf32, #tpu.memory_space<vmem>>, vector<1x1x4096xf32>
    %get3A_22 = vector.shape_cast %get3A_21 : vector<1x1x4096xf32> to vector<4096xf32>
    %broadcast_in_dim3A_23 = vector.shape_cast %get3A_22 : vector<4096xf32> to vector<1x4096xf32>
    %sub3A_24 = vector.broadcast %broadcast_in_dim3A_17 : vector<128x1xf32> to vector<128x4096xf32>
    %sub3A_25 = vector.broadcast %broadcast_in_dim3A_23 : vector<1x4096xf32> to vector<128x4096xf32>
    %sub3A_26 = arith.subf %sub3A_24, %sub3A_25 : vector<128x4096xf32>
    %get3A_27 = arith.constant 0 : index
    %get3A_28 = arith.constant 0 : index
    %get3A_29 = arith.constant 0 : index
    %get3A_30 = vector.load %arg7[%get3A_27, %get3A_28, %get3A_29] : memref<1x1x128xf32, #tpu.memory_space<vmem>>, vector<1x1x128xf32>
    %get3A_31 = vector.shape_cast %get3A_30 : vector<1x1x128xf32> to vector<128xf32>
    %broadcast_in_dim3A_32 = vector.shape_cast %get3A_31 : vector<128xf32> to vector<128x1xf32>
    %get3A_33 = arith.constant 0 : index
    %get3A_34 = arith.constant 0 : index
    %get3A_35 = arith.constant 0 : index
    %get3A_36 = vector.load %arg4[%get3A_33, %get3A_34, %get3A_35] : memref<1x1x4096xf32, #tpu.memory_space<vmem>>, vector<1x1x4096xf32>
    %get3A_37 = vector.shape_cast %get3A_36 : vector<1x1x4096xf32> to vector<4096xf32>
    %broadcast_in_dim3A_38 = vector.shape_cast %get3A_37 : vector<4096xf32> to vector<1x4096xf32>
    %sub3A_39 = vector.broadcast %broadcast_in_dim3A_32 : vector<128x1xf32> to vector<128x4096xf32>
    %sub3A_40 = vector.broadcast %broadcast_in_dim3A_38 : vector<1x4096xf32> to vector<128x4096xf32>
    %sub3A_41 = arith.subf %sub3A_39, %sub3A_40 : vector<128x4096xf32>
    %mul3A = arith.mulf %sub3A_11, %sub3A_11 : vector<128x4096xf32>
    %mul3A_42 = arith.mulf %sub3A_26, %sub3A_26 : vector<128x4096xf32>
    %add3A = arith.addf %mul3A, %mul3A_42 : vector<128x4096xf32>
    %mul3A_43 = arith.mulf %sub3A_41, %sub3A_41 : vector<128x4096xf32>
    %add3A_44 = arith.addf %add3A, %mul3A_43 : vector<128x4096xf32>
    %le3A = arith.constant 4.000000e-02 : f32
    %le3A_45 = vector.broadcast %le3A : f32 to vector<128x4096xf32>
    %le3A_46 = arith.cmpf ole, %add3A_44, %le3A_45 : vector<128x4096xf32>
    %convert_element_type3A = arith.extui %le3A_46 : vector<128x4096xi1> to vector<128x4096xi32>
    %convert_element_type3A_47 = arith.sitofp %convert_element_type3A : vector<128x4096xi32> to vector<128x4096xf32>
    %convert_element_type3A_48 = arith.truncf %convert_element_type3A_47 : vector<128x4096xf32> to vector<128x4096xbf16>
    %get3A_49 = arith.constant 0 : index
    %get3A_50 = arith.constant 0 : index
    %get3A_51 = vector.load %arg8[%get3A_49, %get3A_50] : memref<4096x320xbf16, #tpu.memory_space<vmem>>, vector<4096x320xbf16>
    %dot_general3A = arith.constant dense<0.000000e+00> : vector<128x320xf32>
    %dot_general3A_52 = tpu.matmul %convert_element_type3A_48, %get3A_51, %dot_general3A {dimension_numbers = #tpu.dot_dimension_numbers<[1], [0], [0], [1], [0, 0, 1, 1], [], []>, transpose_lhs_hint = false} : vector<128x4096xbf16>, vector<4096x320xbf16>, vector<128x320xf32> -> vector<128x320xf32>
    %slice3A = vector.extract_strided_slice %dot_general3A_52 {offsets = [0, 0], sizes = [128, 64], strides = [1, 1]} : vector<128x320xf32> to vector<128x64xf32>
    %broadcast_in_dim3A_53 = arith.constant 0.000000e+00 : f32
    %broadcast_in_dim3A_54 = vector.broadcast %broadcast_in_dim3A_53 : f32 to vector<128x1xf32>
    %slice3A_55 = vector.extract_strided_slice %slice3A {offsets = [0, 0], sizes = [128, 63], strides = [1, 1]} : vector<128x64xf32> to vector<128x63xf32>
    %concatenate3A = tpu.concatenate %broadcast_in_dim3A_54, %slice3A_55 in 1 : vector<128x1xf32>, vector<128x63xf32> -> vector<128x64xf32>
    %add3A_56 = arith.addf %slice3A, %concatenate3A : vector<128x64xf32>
    %broadcast_in_dim3A_57 = arith.constant 0.000000e+00 : f32
    %broadcast_in_dim3A_58 = vector.broadcast %broadcast_in_dim3A_57 : f32 to vector<128x2xf32>
    %slice3A_59 = vector.extract_strided_slice %add3A_56 {offsets = [0, 0], sizes = [128, 62], strides = [1, 1]} : vector<128x64xf32> to vector<128x62xf32>
    %concatenate3A_60 = tpu.concatenate %broadcast_in_dim3A_58, %slice3A_59 in 1 : vector<128x2xf32>, vector<128x62xf32> -> vector<128x64xf32>
    %add3A_61 = arith.addf %add3A_56, %concatenate3A_60 : vector<128x64xf32>
    %broadcast_in_dim3A_62 = arith.constant 0.000000e+00 : f32
    %broadcast_in_dim3A_63 = vector.broadcast %broadcast_in_dim3A_62 : f32 to vector<128x4xf32>
    %slice3A_64 = vector.extract_strided_slice %add3A_61 {offsets = [0, 0], sizes = [128, 60], strides = [1, 1]} : vector<128x64xf32> to vector<128x60xf32>
    %concatenate3A_65 = tpu.concatenate %broadcast_in_dim3A_63, %slice3A_64 in 1 : vector<128x4xf32>, vector<128x60xf32> -> vector<128x64xf32>
    %add3A_66 = arith.addf %add3A_61, %concatenate3A_65 : vector<128x64xf32>
    %broadcast_in_dim3A_67 = arith.constant 0.000000e+00 : f32
    %broadcast_in_dim3A_68 = vector.broadcast %broadcast_in_dim3A_67 : f32 to vector<128x8xf32>
    %slice3A_69 = vector.extract_strided_slice %add3A_66 {offsets = [0, 0], sizes = [128, 56], strides = [1, 1]} : vector<128x64xf32> to vector<128x56xf32>
    %concatenate3A_70 = tpu.concatenate %broadcast_in_dim3A_68, %slice3A_69 in 1 : vector<128x8xf32>, vector<128x56xf32> -> vector<128x64xf32>
    %add3A_71 = arith.addf %add3A_66, %concatenate3A_70 : vector<128x64xf32>
    %broadcast_in_dim3A_72 = arith.constant 0.000000e+00 : f32
    %broadcast_in_dim3A_73 = vector.broadcast %broadcast_in_dim3A_72 : f32 to vector<128x16xf32>
    %slice3A_74 = vector.extract_strided_slice %add3A_71 {offsets = [0, 0], sizes = [128, 48], strides = [1, 1]} : vector<128x64xf32> to vector<128x48xf32>
    %concatenate3A_75 = tpu.concatenate %broadcast_in_dim3A_73, %slice3A_74 in 1 : vector<128x16xf32>, vector<128x48xf32> -> vector<128x64xf32>
    %add3A_76 = arith.addf %add3A_71, %concatenate3A_75 : vector<128x64xf32>
    %broadcast_in_dim3A_77 = arith.constant 0.000000e+00 : f32
    %broadcast_in_dim3A_78 = vector.broadcast %broadcast_in_dim3A_77 : f32 to vector<128x32xf32>
    %slice3A_79 = vector.extract_strided_slice %add3A_76 {offsets = [0, 0], sizes = [128, 32], strides = [1, 1]} : vector<128x64xf32> to vector<128x32xf32>
    %concatenate3A_80 = tpu.concatenate %broadcast_in_dim3A_78, %slice3A_79 in 1 : vector<128x32xf32>, vector<128x32xf32> -> vector<128x64xf32>
    %add3A_81 = arith.addf %add3A_76, %concatenate3A_80 : vector<128x64xf32>
    %sub3A_82 = arith.subf %add3A_81, %slice3A : vector<128x64xf32>
    %convert_element_type3A_83 = arith.fptosi %sub3A_82 : vector<128x64xf32> to vector<128x64xi32>
    %convert_element_type3A_84 = arith.fptosi %add3A_81 : vector<128x64xf32> to vector<128x64xi32>
    %slice3A_85 = vector.extract_strided_slice %convert_element_type3A_84 {offsets = [0, 63], sizes = [128, 1], strides = [1, 1]} : vector<128x64xi32> to vector<128x1xi32>
    %slice3A_86 = vector.extract_strided_slice %dot_general3A_52 {offsets = [0, 64], sizes = [128, 64], strides = [1, 1]} : vector<128x320xf32> to vector<128x64xf32>
    %convert_element_type3A_87 = arith.fptosi %slice3A_86 : vector<128x64xf32> to vector<128x64xi32>
    %slice3A_88 = vector.extract_strided_slice %dot_general3A_52 {offsets = [0, 128], sizes = [128, 64], strides = [1, 1]} : vector<128x320xf32> to vector<128x64xf32>
    %convert_element_type3A_89 = arith.fptosi %slice3A_88 : vector<128x64xf32> to vector<128x64xi32>
    %slice3A_90 = vector.extract_strided_slice %dot_general3A_52 {offsets = [0, 192], sizes = [128, 64], strides = [1, 1]} : vector<128x320xf32> to vector<128x64xf32>
    %convert_element_type3A_91 = arith.fptosi %slice3A_90 : vector<128x64xf32> to vector<128x64xi32>
    %slice3A_92 = vector.extract_strided_slice %dot_general3A_52 {offsets = [0, 256], sizes = [128, 64], strides = [1, 1]} : vector<128x320xf32> to vector<128x64xf32>
    %convert_element_type3A_93 = arith.fptosi %slice3A_92 : vector<128x64xf32> to vector<128x64xi32>
    %iota3A = tpu.iota {dimensions = array<i32: 1>} : vector<128x64xi32>
    %iota3A_94 = tpu.iota {dimensions = array<i32: 1>} : vector<128x32xi32>
    %broadcast_in_dim3A_95 = arith.constant 0 : i32
    %broadcast_in_dim3A_96 = vector.broadcast %broadcast_in_dim3A_95 : i32 to vector<128x32xi32>
    %scan3A = arith.constant 0 : i32
    %scan3A_97 = arith.constant 32 : i32
    %scan3A_98 = arith.addi %scan3A, %scan3A_97 : i32
    %scan3A_99 = arith.constant 1 : i32
    %scan3A_100:6 = scf.for %scan3A_1074 = %scan3A to %scan3A_98 step %scan3A_99 iter_args(%scan3A_1075 = %broadcast_in_dim3A_96, %scan3A_1076 = %broadcast_in_dim3A_96, %scan3A_1077 = %broadcast_in_dim3A_96, %scan3A_1078 = %broadcast_in_dim3A_96, %scan3A_1079 = %broadcast_in_dim3A_96, %scan3A_1080 = %broadcast_in_dim3A_96) -> (vector<128x32xi32>, vector<128x32xi32>, vector<128x32xi32>, vector<128x32xi32>, vector<128x32xi32>, vector<128x32xi32>)  : i32 {
      %le3A_1081 = vector.broadcast %scan3A_1074 : i32 to vector<128x64xi32>
      %le3A_1082 = arith.cmpi sle, %convert_element_type3A_84, %le3A_1081 : vector<128x64xi32>
      %convert_element_type3A_1083 = arith.extui %le3A_1082 : vector<128x64xi1> to vector<128x64xi32>
      %reduce_sum3A = arith.constant dense<0> : vector<128xi32>
      %reduce_sum3A_1084 = vector.multi_reduction <add>, %convert_element_type3A_1083, %reduce_sum3A [1] : vector<128x64xi32> to vector<128xi32>
      %broadcast_in_dim3A_1085 = vector.shape_cast %reduce_sum3A_1084 : vector<128xi32> to vector<128x1xi32>
      %eq3A_1086 = vector.broadcast %broadcast_in_dim3A_1085 : vector<128x1xi32> to vector<128x64xi32>
      %eq3A_1087 = arith.cmpi eq, %iota3A, %eq3A_1086 : vector<128x64xi32>
      %jit3A_1088 = arith.constant 0 : i32
      %broadcast_in_dim3A_1089 = vector.broadcast %jit3A_1088 : i32 to vector<128x64xi32>
      %select_n3A_1090 = arith.select %eq3A_1087, %convert_element_type3A_83, %broadcast_in_dim3A_1089 : vector<128x64xi1>, vector<128x64xi32>
      %reduce_sum3A_1091 = arith.constant dense<0> : vector<128xi32>
      %reduce_sum3A_1092 = vector.multi_reduction <add>, %select_n3A_1090, %reduce_sum3A_1091 [1] : vector<128x64xi32> to vector<128xi32>
      %broadcast_in_dim3A_1093 = vector.shape_cast %reduce_sum3A_1092 : vector<128xi32> to vector<128x1xi32>
      %sub3A_1094 = vector.broadcast %scan3A_1074 : i32 to vector<128x1xi32>
      %sub3A_1095 = arith.subi %sub3A_1094, %broadcast_in_dim3A_1093 : vector<128x1xi32>
      %jit3A_1096 = arith.constant 0 : i32
      %broadcast_in_dim3A_1097 = vector.broadcast %jit3A_1096 : i32 to vector<128x64xi32>
      %select_n3A_1098 = arith.select %eq3A_1087, %convert_element_type3A_87, %broadcast_in_dim3A_1097 : vector<128x64xi1>, vector<128x64xi32>
      %reduce_sum3A_1099 = arith.constant dense<0> : vector<128xi32>
      %reduce_sum3A_1100 = vector.multi_reduction <add>, %select_n3A_1098, %reduce_sum3A_1099 [1] : vector<128x64xi32> to vector<128xi32>
      %broadcast_in_dim3A_1101 = vector.shape_cast %reduce_sum3A_1100 : vector<128xi32> to vector<128x1xi32>
      %jit3A_1102 = arith.constant 0 : i32
      %broadcast_in_dim3A_1103 = vector.broadcast %jit3A_1102 : i32 to vector<128x64xi32>
      %select_n3A_1104 = arith.select %eq3A_1087, %convert_element_type3A_89, %broadcast_in_dim3A_1103 : vector<128x64xi1>, vector<128x64xi32>
      %reduce_sum3A_1105 = arith.constant dense<0> : vector<128xi32>
      %reduce_sum3A_1106 = vector.multi_reduction <add>, %select_n3A_1104, %reduce_sum3A_1105 [1] : vector<128x64xi32> to vector<128xi32>
      %broadcast_in_dim3A_1107 = vector.shape_cast %reduce_sum3A_1106 : vector<128xi32> to vector<128x1xi32>
      %jit3A_1108 = arith.constant 0 : i32
      %broadcast_in_dim3A_1109 = vector.broadcast %jit3A_1108 : i32 to vector<128x64xi32>
      %select_n3A_1110 = arith.select %eq3A_1087, %convert_element_type3A_91, %broadcast_in_dim3A_1109 : vector<128x64xi1>, vector<128x64xi32>
      %reduce_sum3A_1111 = arith.constant dense<0> : vector<128xi32>
      %reduce_sum3A_1112 = vector.multi_reduction <add>, %select_n3A_1110, %reduce_sum3A_1111 [1] : vector<128x64xi32> to vector<128xi32>
      %broadcast_in_dim3A_1113 = vector.shape_cast %reduce_sum3A_1112 : vector<128xi32> to vector<128x1xi32>
      %jit3A_1114 = arith.constant 0 : i32
      %broadcast_in_dim3A_1115 = vector.broadcast %jit3A_1114 : i32 to vector<128x64xi32>
      %select_n3A_1116 = arith.select %eq3A_1087, %convert_element_type3A_93, %broadcast_in_dim3A_1115 : vector<128x64xi1>, vector<128x64xi32>
      %reduce_sum3A_1117 = arith.constant dense<0> : vector<128xi32>
      %reduce_sum3A_1118 = vector.multi_reduction <add>, %select_n3A_1116, %reduce_sum3A_1117 [1] : vector<128x64xi32> to vector<128xi32>
      %broadcast_in_dim3A_1119 = vector.shape_cast %reduce_sum3A_1118 : vector<128xi32> to vector<128x1xi32>
      %eq3A_1120 = vector.broadcast %scan3A_1074 : i32 to vector<128x32xi32>
      %eq3A_1121 = arith.cmpi eq, %iota3A_94, %eq3A_1120 : vector<128x32xi32>
      %broadcast_in_dim3A_1122 = vector.shape_cast %broadcast_in_dim3A_1085 : vector<128x1xi32> to vector<128x1xi32>
      %broadcast_in_dim3A_1123 = vector.broadcast %broadcast_in_dim3A_1122 : vector<128x1xi32> to vector<128x32xi32>
      %select_n3A_1124 = arith.select %eq3A_1121, %broadcast_in_dim3A_1123, %scan3A_1075 : vector<128x32xi1>, vector<128x32xi32>
      %broadcast_in_dim3A_1125 = vector.shape_cast %sub3A_1095 : vector<128x1xi32> to vector<128x1xi32>
      %broadcast_in_dim3A_1126 = vector.broadcast %broadcast_in_dim3A_1125 : vector<128x1xi32> to vector<128x32xi32>
      %select_n3A_1127 = arith.select %eq3A_1121, %broadcast_in_dim3A_1126, %scan3A_1076 : vector<128x32xi1>, vector<128x32xi32>
      %broadcast_in_dim3A_1128 = vector.shape_cast %broadcast_in_dim3A_1101 : vector<128x1xi32> to vector<128x1xi32>
      %broadcast_in_dim3A_1129 = vector.broadcast %broadcast_in_dim3A_1128 : vector<128x1xi32> to vector<128x32xi32>
      %select_n3A_1130 = arith.select %eq3A_1121, %broadcast_in_dim3A_1129, %scan3A_1077 : vector<128x32xi1>, vector<128x32xi32>
      %broadcast_in_dim3A_1131 = vector.shape_cast %broadcast_in_dim3A_1107 : vector<128x1xi32> to vector<128x1xi32>
      %broadcast_in_dim3A_1132 = vector.broadcast %broadcast_in_dim3A_1131 : vector<128x1xi32> to vector<128x32xi32>
      %select_n3A_1133 = arith.select %eq3A_1121, %broadcast_in_dim3A_1132, %scan3A_1078 : vector<128x32xi1>, vector<128x32xi32>
      %broadcast_in_dim3A_1134 = vector.shape_cast %broadcast_in_dim3A_1113 : vector<128x1xi32> to vector<128x1xi32>
      %broadcast_in_dim3A_1135 = vector.broadcast %broadcast_in_dim3A_1134 : vector<128x1xi32> to vector<128x32xi32>
      %select_n3A_1136 = arith.select %eq3A_1121, %broadcast_in_dim3A_1135, %scan3A_1079 : vector<128x32xi1>, vector<128x32xi32>
      %broadcast_in_dim3A_1137 = vector.shape_cast %broadcast_in_dim3A_1119 : vector<128x1xi32> to vector<128x1xi32>
      %broadcast_in_dim3A_1138 = vector.broadcast %broadcast_in_dim3A_1137 : vector<128x1xi32> to vector<128x32xi32>
      %select_n3A_1139 = arith.select %eq3A_1121, %broadcast_in_dim3A_1138, %scan3A_1080 : vector<128x32xi1>, vector<128x32xi32>
      scf.yield %select_n3A_1124, %select_n3A_1127, %select_n3A_1130, %select_n3A_1133, %select_n3A_1136, %select_n3A_1139 : vector<128x32xi32>, vector<128x32xi32>, vector<128x32xi32>, vector<128x32xi32>, vector<128x32xi32>, vector<128x32xi32>
    }
    %scan3A_101 = arith.constant 32 : i32
    %broadcast_in_dim3A_102 = arith.constant 0 : i32
    %broadcast_in_dim3A_103 = vector.broadcast %broadcast_in_dim3A_102 : i32 to vector<128x32xi32>
    %broadcast_in_dim3A_104 = arith.constant 0 : i32
    %broadcast_in_dim3A_105 = vector.broadcast %broadcast_in_dim3A_104 : i32 to vector<128x32xi32>
    %shift_right_arithmetic3A = arith.constant 0 : i32
    %shift_right_arithmetic3A_106 = vector.broadcast %shift_right_arithmetic3A : i32 to vector<128x32xi32>
    %shift_right_arithmetic3A_107 = arith.shrsi %scan3A_100#2, %shift_right_arithmetic3A_106 : vector<128x32xi32>
    %and3A = arith.constant 1 : i32
    %and3A_108 = vector.broadcast %and3A : i32 to vector<128x32xi32>
    %and3A_109 = arith.andi %shift_right_arithmetic3A_107, %and3A_108 : vector<128x32xi32>
    %eq3A = arith.constant 1 : i32
    %eq3A_110 = vector.broadcast %eq3A : i32 to vector<128x32xi32>
    %eq3A_111 = arith.cmpi eq, %and3A_109, %eq3A_110 : vector<128x32xi32>
    %eq3A_112 = arith.cmpi eq, %broadcast_in_dim3A_103, %scan3A_100#1 : vector<128x32xi32>
    %and3A_113 = arith.andi %eq3A_111, %eq3A_112 : vector<128x32xi1>
    %jit3A = arith.constant 0 : i32
    %broadcast_in_dim3A_114 = vector.broadcast %jit3A : i32 to vector<128x32xi32>
    %select_n3A = arith.select %and3A_113, %broadcast_in_dim3A_114, %broadcast_in_dim3A_105 : vector<128x32xi1>, vector<128x32xi32>
    %add3A_115 = arith.addi %broadcast_in_dim3A_103, %and3A_109 : vector<128x32xi32>
    %shift_right_arithmetic3A_116 = arith.constant 1 : i32
    %shift_right_arithmetic3A_117 = vector.broadcast %shift_right_arithmetic3A_116 : i32 to vector<128x32xi32>
    %shift_right_arithmetic3A_118 = arith.shrsi %scan3A_100#2, %shift_right_arithmetic3A_117 : vector<128x32xi32>
    %and3A_119 = arith.constant 1 : i32
    %and3A_120 = vector.broadcast %and3A_119 : i32 to vector<128x32xi32>
    %and3A_121 = arith.andi %shift_right_arithmetic3A_118, %and3A_120 : vector<128x32xi32>
    %eq3A_122 = arith.constant 1 : i32
    %eq3A_123 = vector.broadcast %eq3A_122 : i32 to vector<128x32xi32>
    %eq3A_124 = arith.cmpi eq, %and3A_121, %eq3A_123 : vector<128x32xi32>
    %eq3A_125 = arith.cmpi eq, %add3A_115, %scan3A_100#1 : vector<128x32xi32>
    %and3A_126 = arith.andi %eq3A_124, %eq3A_125 : vector<128x32xi1>
    %jit3A_127 = arith.constant 1 : i32
    %broadcast_in_dim3A_128 = vector.broadcast %jit3A_127 : i32 to vector<128x32xi32>
    %select_n3A_129 = arith.select %and3A_126, %broadcast_in_dim3A_128, %select_n3A : vector<128x32xi1>, vector<128x32xi32>
    %add3A_130 = arith.addi %add3A_115, %and3A_121 : vector<128x32xi32>
    %shift_right_arithmetic3A_131 = arith.constant 2 : i32
    %shift_right_arithmetic3A_132 = vector.broadcast %shift_right_arithmetic3A_131 : i32 to vector<128x32xi32>
    %shift_right_arithmetic3A_133 = arith.shrsi %scan3A_100#2, %shift_right_arithmetic3A_132 : vector<128x32xi32>
    %and3A_134 = arith.constant 1 : i32
    %and3A_135 = vector.broadcast %and3A_134 : i32 to vector<128x32xi32>
    %and3A_136 = arith.andi %shift_right_arithmetic3A_133, %and3A_135 : vector<128x32xi32>
    %eq3A_137 = arith.constant 1 : i32
    %eq3A_138 = vector.broadcast %eq3A_137 : i32 to vector<128x32xi32>
    %eq3A_139 = arith.cmpi eq, %and3A_136, %eq3A_138 : vector<128x32xi32>
    %eq3A_140 = arith.cmpi eq, %add3A_130, %scan3A_100#1 : vector<128x32xi32>
    %and3A_141 = arith.andi %eq3A_139, %eq3A_140 : vector<128x32xi1>
    %jit3A_142 = arith.constant 2 : i32
    %broadcast_in_dim3A_143 = vector.broadcast %jit3A_142 : i32 to vector<128x32xi32>
    %select_n3A_144 = arith.select %and3A_141, %broadcast_in_dim3A_143, %select_n3A_129 : vector<128x32xi1>, vector<128x32xi32>
    %add3A_145 = arith.addi %add3A_130, %and3A_136 : vector<128x32xi32>
    %shift_right_arithmetic3A_146 = arith.constant 3 : i32
    %shift_right_arithmetic3A_147 = vector.broadcast %shift_right_arithmetic3A_146 : i32 to vector<128x32xi32>
    %shift_right_arithmetic3A_148 = arith.shrsi %scan3A_100#2, %shift_right_arithmetic3A_147 : vector<128x32xi32>
    %and3A_149 = arith.constant 1 : i32
    %and3A_150 = vector.broadcast %and3A_149 : i32 to vector<128x32xi32>
    %and3A_151 = arith.andi %shift_right_arithmetic3A_148, %and3A_150 : vector<128x32xi32>
    %eq3A_152 = arith.constant 1 : i32
    %eq3A_153 = vector.broadcast %eq3A_152 : i32 to vector<128x32xi32>
    %eq3A_154 = arith.cmpi eq, %and3A_151, %eq3A_153 : vector<128x32xi32>
    %eq3A_155 = arith.cmpi eq, %add3A_145, %scan3A_100#1 : vector<128x32xi32>
    %and3A_156 = arith.andi %eq3A_154, %eq3A_155 : vector<128x32xi1>
    %jit3A_157 = arith.constant 3 : i32
    %broadcast_in_dim3A_158 = vector.broadcast %jit3A_157 : i32 to vector<128x32xi32>
    %select_n3A_159 = arith.select %and3A_156, %broadcast_in_dim3A_158, %select_n3A_144 : vector<128x32xi1>, vector<128x32xi32>
    %add3A_160 = arith.addi %add3A_145, %and3A_151 : vector<128x32xi32>
    %shift_right_arithmetic3A_161 = arith.constant 4 : i32
    %shift_right_arithmetic3A_162 = vector.broadcast %shift_right_arithmetic3A_161 : i32 to vector<128x32xi32>
    %shift_right_arithmetic3A_163 = arith.shrsi %scan3A_100#2, %shift_right_arithmetic3A_162 : vector<128x32xi32>
    %and3A_164 = arith.constant 1 : i32
    %and3A_165 = vector.broadcast %and3A_164 : i32 to vector<128x32xi32>
    %and3A_166 = arith.andi %shift_right_arithmetic3A_163, %and3A_165 : vector<128x32xi32>
    %eq3A_167 = arith.constant 1 : i32
    %eq3A_168 = vector.broadcast %eq3A_167 : i32 to vector<128x32xi32>
    %eq3A_169 = arith.cmpi eq, %and3A_166, %eq3A_168 : vector<128x32xi32>
    %eq3A_170 = arith.cmpi eq, %add3A_160, %scan3A_100#1 : vector<128x32xi32>
    %and3A_171 = arith.andi %eq3A_169, %eq3A_170 : vector<128x32xi1>
    %jit3A_172 = arith.constant 4 : i32
    %broadcast_in_dim3A_173 = vector.broadcast %jit3A_172 : i32 to vector<128x32xi32>
    %select_n3A_174 = arith.select %and3A_171, %broadcast_in_dim3A_173, %select_n3A_159 : vector<128x32xi1>, vector<128x32xi32>
    %add3A_175 = arith.addi %add3A_160, %and3A_166 : vector<128x32xi32>
    %shift_right_arithmetic3A_176 = arith.constant 5 : i32
    %shift_right_arithmetic3A_177 = vector.broadcast %shift_right_arithmetic3A_176 : i32 to vector<128x32xi32>
    %shift_right_arithmetic3A_178 = arith.shrsi %scan3A_100#2, %shift_right_arithmetic3A_177 : vector<128x32xi32>
    %and3A_179 = arith.constant 1 : i32
    %and3A_180 = vector.broadcast %and3A_179 : i32 to vector<128x32xi32>
    %and3A_181 = arith.andi %shift_right_arithmetic3A_178, %and3A_180 : vector<128x32xi32>
    %eq3A_182 = arith.constant 1 : i32
    %eq3A_183 = vector.broadcast %eq3A_182 : i32 to vector<128x32xi32>
    %eq3A_184 = arith.cmpi eq, %and3A_181, %eq3A_183 : vector<128x32xi32>
    %eq3A_185 = arith.cmpi eq, %add3A_175, %scan3A_100#1 : vector<128x32xi32>
    %and3A_186 = arith.andi %eq3A_184, %eq3A_185 : vector<128x32xi1>
    %jit3A_187 = arith.constant 5 : i32
    %broadcast_in_dim3A_188 = vector.broadcast %jit3A_187 : i32 to vector<128x32xi32>
    %select_n3A_189 = arith.select %and3A_186, %broadcast_in_dim3A_188, %select_n3A_174 : vector<128x32xi1>, vector<128x32xi32>
    %add3A_190 = arith.addi %add3A_175, %and3A_181 : vector<128x32xi32>
    %shift_right_arithmetic3A_191 = arith.constant 6 : i32
    %shift_right_arithmetic3A_192 = vector.broadcast %shift_right_arithmetic3A_191 : i32 to vector<128x32xi32>
    %shift_right_arithmetic3A_193 = arith.shrsi %scan3A_100#2, %shift_right_arithmetic3A_192 : vector<128x32xi32>
    %and3A_194 = arith.constant 1 : i32
    %and3A_195 = vector.broadcast %and3A_194 : i32 to vector<128x32xi32>
    %and3A_196 = arith.andi %shift_right_arithmetic3A_193, %and3A_195 : vector<128x32xi32>
    %eq3A_197 = arith.constant 1 : i32
    %eq3A_198 = vector.broadcast %eq3A_197 : i32 to vector<128x32xi32>
    %eq3A_199 = arith.cmpi eq, %and3A_196, %eq3A_198 : vector<128x32xi32>
    %eq3A_200 = arith.cmpi eq, %add3A_190, %scan3A_100#1 : vector<128x32xi32>
    %and3A_201 = arith.andi %eq3A_199, %eq3A_200 : vector<128x32xi1>
    %jit3A_202 = arith.constant 6 : i32
    %broadcast_in_dim3A_203 = vector.broadcast %jit3A_202 : i32 to vector<128x32xi32>
    %select_n3A_204 = arith.select %and3A_201, %broadcast_in_dim3A_203, %select_n3A_189 : vector<128x32xi1>, vector<128x32xi32>
    %add3A_205 = arith.addi %add3A_190, %and3A_196 : vector<128x32xi32>
    %shift_right_arithmetic3A_206 = arith.constant 7 : i32
    %shift_right_arithmetic3A_207 = vector.broadcast %shift_right_arithmetic3A_206 : i32 to vector<128x32xi32>
    %shift_right_arithmetic3A_208 = arith.shrsi %scan3A_100#2, %shift_right_arithmetic3A_207 : vector<128x32xi32>
    %and3A_209 = arith.constant 1 : i32
    %and3A_210 = vector.broadcast %and3A_209 : i32 to vector<128x32xi32>
    %and3A_211 = arith.andi %shift_right_arithmetic3A_208, %and3A_210 : vector<128x32xi32>
    %eq3A_212 = arith.constant 1 : i32
    %eq3A_213 = vector.broadcast %eq3A_212 : i32 to vector<128x32xi32>
    %eq3A_214 = arith.cmpi eq, %and3A_211, %eq3A_213 : vector<128x32xi32>
    %eq3A_215 = arith.cmpi eq, %add3A_205, %scan3A_100#1 : vector<128x32xi32>
    %and3A_216 = arith.andi %eq3A_214, %eq3A_215 : vector<128x32xi1>
    %jit3A_217 = arith.constant 7 : i32
    %broadcast_in_dim3A_218 = vector.broadcast %jit3A_217 : i32 to vector<128x32xi32>
    %select_n3A_219 = arith.select %and3A_216, %broadcast_in_dim3A_218, %select_n3A_204 : vector<128x32xi1>, vector<128x32xi32>
    %add3A_220 = arith.addi %add3A_205, %and3A_211 : vector<128x32xi32>
    %shift_right_arithmetic3A_221 = arith.constant 8 : i32
    %shift_right_arithmetic3A_222 = vector.broadcast %shift_right_arithmetic3A_221 : i32 to vector<128x32xi32>
    %shift_right_arithmetic3A_223 = arith.shrsi %scan3A_100#2, %shift_right_arithmetic3A_222 : vector<128x32xi32>
    %and3A_224 = arith.constant 1 : i32
    %and3A_225 = vector.broadcast %and3A_224 : i32 to vector<128x32xi32>
    %and3A_226 = arith.andi %shift_right_arithmetic3A_223, %and3A_225 : vector<128x32xi32>
    %eq3A_227 = arith.constant 1 : i32
    %eq3A_228 = vector.broadcast %eq3A_227 : i32 to vector<128x32xi32>
    %eq3A_229 = arith.cmpi eq, %and3A_226, %eq3A_228 : vector<128x32xi32>
    %eq3A_230 = arith.cmpi eq, %add3A_220, %scan3A_100#1 : vector<128x32xi32>
    %and3A_231 = arith.andi %eq3A_229, %eq3A_230 : vector<128x32xi1>
    %jit3A_232 = arith.constant 8 : i32
    %broadcast_in_dim3A_233 = vector.broadcast %jit3A_232 : i32 to vector<128x32xi32>
    %select_n3A_234 = arith.select %and3A_231, %broadcast_in_dim3A_233, %select_n3A_219 : vector<128x32xi1>, vector<128x32xi32>
    %add3A_235 = arith.addi %add3A_220, %and3A_226 : vector<128x32xi32>
    %shift_right_arithmetic3A_236 = arith.constant 9 : i32
    %shift_right_arithmetic3A_237 = vector.broadcast %shift_right_arithmetic3A_236 : i32 to vector<128x32xi32>
    %shift_right_arithmetic3A_238 = arith.shrsi %scan3A_100#2, %shift_right_arithmetic3A_237 : vector<128x32xi32>
    %and3A_239 = arith.constant 1 : i32
    %and3A_240 = vector.broadcast %and3A_239 : i32 to vector<128x32xi32>
    %and3A_241 = arith.andi %shift_right_arithmetic3A_238, %and3A_240 : vector<128x32xi32>
    %eq3A_242 = arith.constant 1 : i32
    %eq3A_243 = vector.broadcast %eq3A_242 : i32 to vector<128x32xi32>
    %eq3A_244 = arith.cmpi eq, %and3A_241, %eq3A_243 : vector<128x32xi32>
    %eq3A_245 = arith.cmpi eq, %add3A_235, %scan3A_100#1 : vector<128x32xi32>
    %and3A_246 = arith.andi %eq3A_244, %eq3A_245 : vector<128x32xi1>
    %jit3A_247 = arith.constant 9 : i32
    %broadcast_in_dim3A_248 = vector.broadcast %jit3A_247 : i32 to vector<128x32xi32>
    %select_n3A_249 = arith.select %and3A_246, %broadcast_in_dim3A_248, %select_n3A_234 : vector<128x32xi1>, vector<128x32xi32>
    %add3A_250 = arith.addi %add3A_235, %and3A_241 : vector<128x32xi32>
    %shift_right_arithmetic3A_251 = arith.constant 10 : i32
    %shift_right_arithmetic3A_252 = vector.broadcast %shift_right_arithmetic3A_251 : i32 to vector<128x32xi32>
    %shift_right_arithmetic3A_253 = arith.shrsi %scan3A_100#2, %shift_right_arithmetic3A_252 : vector<128x32xi32>
    %and3A_254 = arith.constant 1 : i32
    %and3A_255 = vector.broadcast %and3A_254 : i32 to vector<128x32xi32>
    %and3A_256 = arith.andi %shift_right_arithmetic3A_253, %and3A_255 : vector<128x32xi32>
    %eq3A_257 = arith.constant 1 : i32
    %eq3A_258 = vector.broadcast %eq3A_257 : i32 to vector<128x32xi32>
    %eq3A_259 = arith.cmpi eq, %and3A_256, %eq3A_258 : vector<128x32xi32>
    %eq3A_260 = arith.cmpi eq, %add3A_250, %scan3A_100#1 : vector<128x32xi32>
    %and3A_261 = arith.andi %eq3A_259, %eq3A_260 : vector<128x32xi1>
    %jit3A_262 = arith.constant 10 : i32
    %broadcast_in_dim3A_263 = vector.broadcast %jit3A_262 : i32 to vector<128x32xi32>
    %select_n3A_264 = arith.select %and3A_261, %broadcast_in_dim3A_263, %select_n3A_249 : vector<128x32xi1>, vector<128x32xi32>
    %add3A_265 = arith.addi %add3A_250, %and3A_256 : vector<128x32xi32>
    %shift_right_arithmetic3A_266 = arith.constant 11 : i32
    %shift_right_arithmetic3A_267 = vector.broadcast %shift_right_arithmetic3A_266 : i32 to vector<128x32xi32>
    %shift_right_arithmetic3A_268 = arith.shrsi %scan3A_100#2, %shift_right_arithmetic3A_267 : vector<128x32xi32>
    %and3A_269 = arith.constant 1 : i32
    %and3A_270 = vector.broadcast %and3A_269 : i32 to vector<128x32xi32>
    %and3A_271 = arith.andi %shift_right_arithmetic3A_268, %and3A_270 : vector<128x32xi32>
    %eq3A_272 = arith.constant 1 : i32
    %eq3A_273 = vector.broadcast %eq3A_272 : i32 to vector<128x32xi32>
    %eq3A_274 = arith.cmpi eq, %and3A_271, %eq3A_273 : vector<128x32xi32>
    %eq3A_275 = arith.cmpi eq, %add3A_265, %scan3A_100#1 : vector<128x32xi32>
    %and3A_276 = arith.andi %eq3A_274, %eq3A_275 : vector<128x32xi1>
    %jit3A_277 = arith.constant 11 : i32
    %broadcast_in_dim3A_278 = vector.broadcast %jit3A_277 : i32 to vector<128x32xi32>
    %select_n3A_279 = arith.select %and3A_276, %broadcast_in_dim3A_278, %select_n3A_264 : vector<128x32xi1>, vector<128x32xi32>
    %add3A_280 = arith.addi %add3A_265, %and3A_271 : vector<128x32xi32>
    %shift_right_arithmetic3A_281 = arith.constant 12 : i32
    %shift_right_arithmetic3A_282 = vector.broadcast %shift_right_arithmetic3A_281 : i32 to vector<128x32xi32>
    %shift_right_arithmetic3A_283 = arith.shrsi %scan3A_100#2, %shift_right_arithmetic3A_282 : vector<128x32xi32>
    %and3A_284 = arith.constant 1 : i32
    %and3A_285 = vector.broadcast %and3A_284 : i32 to vector<128x32xi32>
    %and3A_286 = arith.andi %shift_right_arithmetic3A_283, %and3A_285 : vector<128x32xi32>
    %eq3A_287 = arith.constant 1 : i32
    %eq3A_288 = vector.broadcast %eq3A_287 : i32 to vector<128x32xi32>
    %eq3A_289 = arith.cmpi eq, %and3A_286, %eq3A_288 : vector<128x32xi32>
    %eq3A_290 = arith.cmpi eq, %add3A_280, %scan3A_100#1 : vector<128x32xi32>
    %and3A_291 = arith.andi %eq3A_289, %eq3A_290 : vector<128x32xi1>
    %jit3A_292 = arith.constant 12 : i32
    %broadcast_in_dim3A_293 = vector.broadcast %jit3A_292 : i32 to vector<128x32xi32>
    %select_n3A_294 = arith.select %and3A_291, %broadcast_in_dim3A_293, %select_n3A_279 : vector<128x32xi1>, vector<128x32xi32>
    %add3A_295 = arith.addi %add3A_280, %and3A_286 : vector<128x32xi32>
    %shift_right_arithmetic3A_296 = arith.constant 13 : i32
    %shift_right_arithmetic3A_297 = vector.broadcast %shift_right_arithmetic3A_296 : i32 to vector<128x32xi32>
    %shift_right_arithmetic3A_298 = arith.shrsi %scan3A_100#2, %shift_right_arithmetic3A_297 : vector<128x32xi32>
    %and3A_299 = arith.constant 1 : i32
    %and3A_300 = vector.broadcast %and3A_299 : i32 to vector<128x32xi32>
    %and3A_301 = arith.andi %shift_right_arithmetic3A_298, %and3A_300 : vector<128x32xi32>
    %eq3A_302 = arith.constant 1 : i32
    %eq3A_303 = vector.broadcast %eq3A_302 : i32 to vector<128x32xi32>
    %eq3A_304 = arith.cmpi eq, %and3A_301, %eq3A_303 : vector<128x32xi32>
    %eq3A_305 = arith.cmpi eq, %add3A_295, %scan3A_100#1 : vector<128x32xi32>
    %and3A_306 = arith.andi %eq3A_304, %eq3A_305 : vector<128x32xi1>
    %jit3A_307 = arith.constant 13 : i32
    %broadcast_in_dim3A_308 = vector.broadcast %jit3A_307 : i32 to vector<128x32xi32>
    %select_n3A_309 = arith.select %and3A_306, %broadcast_in_dim3A_308, %select_n3A_294 : vector<128x32xi1>, vector<128x32xi32>
    %add3A_310 = arith.addi %add3A_295, %and3A_301 : vector<128x32xi32>
    %shift_right_arithmetic3A_311 = arith.constant 14 : i32
    %shift_right_arithmetic3A_312 = vector.broadcast %shift_right_arithmetic3A_311 : i32 to vector<128x32xi32>
    %shift_right_arithmetic3A_313 = arith.shrsi %scan3A_100#2, %shift_right_arithmetic3A_312 : vector<128x32xi32>
    %and3A_314 = arith.constant 1 : i32
    %and3A_315 = vector.broadcast %and3A_314 : i32 to vector<128x32xi32>
    %and3A_316 = arith.andi %shift_right_arithmetic3A_313, %and3A_315 : vector<128x32xi32>
    %eq3A_317 = arith.constant 1 : i32
    %eq3A_318 = vector.broadcast %eq3A_317 : i32 to vector<128x32xi32>
    %eq3A_319 = arith.cmpi eq, %and3A_316, %eq3A_318 : vector<128x32xi32>
    %eq3A_320 = arith.cmpi eq, %add3A_310, %scan3A_100#1 : vector<128x32xi32>
    %and3A_321 = arith.andi %eq3A_319, %eq3A_320 : vector<128x32xi1>
    %jit3A_322 = arith.constant 14 : i32
    %broadcast_in_dim3A_323 = vector.broadcast %jit3A_322 : i32 to vector<128x32xi32>
    %select_n3A_324 = arith.select %and3A_321, %broadcast_in_dim3A_323, %select_n3A_309 : vector<128x32xi1>, vector<128x32xi32>
    %add3A_325 = arith.addi %add3A_310, %and3A_316 : vector<128x32xi32>
    %shift_right_arithmetic3A_326 = arith.constant 15 : i32
    %shift_right_arithmetic3A_327 = vector.broadcast %shift_right_arithmetic3A_326 : i32 to vector<128x32xi32>
    %shift_right_arithmetic3A_328 = arith.shrsi %scan3A_100#2, %shift_right_arithmetic3A_327 : vector<128x32xi32>
    %and3A_329 = arith.constant 1 : i32
    %and3A_330 = vector.broadcast %and3A_329 : i32 to vector<128x32xi32>
    %and3A_331 = arith.andi %shift_right_arithmetic3A_328, %and3A_330 : vector<128x32xi32>
    %eq3A_332 = arith.constant 1 : i32
    %eq3A_333 = vector.broadcast %eq3A_332 : i32 to vector<128x32xi32>
    %eq3A_334 = arith.cmpi eq, %and3A_331, %eq3A_333 : vector<128x32xi32>
    %eq3A_335 = arith.cmpi eq, %add3A_325, %scan3A_100#1 : vector<128x32xi32>
    %and3A_336 = arith.andi %eq3A_334, %eq3A_335 : vector<128x32xi1>
    %jit3A_337 = arith.constant 15 : i32
    %broadcast_in_dim3A_338 = vector.broadcast %jit3A_337 : i32 to vector<128x32xi32>
    %select_n3A_339 = arith.select %and3A_336, %broadcast_in_dim3A_338, %select_n3A_324 : vector<128x32xi1>, vector<128x32xi32>
    %add3A_340 = arith.addi %add3A_325, %and3A_331 : vector<128x32xi32>
    %shift_right_arithmetic3A_341 = arith.constant 0 : i32
    %shift_right_arithmetic3A_342 = vector.broadcast %shift_right_arithmetic3A_341 : i32 to vector<128x32xi32>
    %shift_right_arithmetic3A_343 = arith.shrsi %scan3A_100#3, %shift_right_arithmetic3A_342 : vector<128x32xi32>
    %and3A_344 = arith.constant 1 : i32
    %and3A_345 = vector.broadcast %and3A_344 : i32 to vector<128x32xi32>
    %and3A_346 = arith.andi %shift_right_arithmetic3A_343, %and3A_345 : vector<128x32xi32>
    %eq3A_347 = arith.constant 1 : i32
    %eq3A_348 = vector.broadcast %eq3A_347 : i32 to vector<128x32xi32>
    %eq3A_349 = arith.cmpi eq, %and3A_346, %eq3A_348 : vector<128x32xi32>
    %eq3A_350 = arith.cmpi eq, %add3A_340, %scan3A_100#1 : vector<128x32xi32>
    %and3A_351 = arith.andi %eq3A_349, %eq3A_350 : vector<128x32xi1>
    %jit3A_352 = arith.constant 16 : i32
    %broadcast_in_dim3A_353 = vector.broadcast %jit3A_352 : i32 to vector<128x32xi32>
    %select_n3A_354 = arith.select %and3A_351, %broadcast_in_dim3A_353, %select_n3A_339 : vector<128x32xi1>, vector<128x32xi32>
    %add3A_355 = arith.addi %add3A_340, %and3A_346 : vector<128x32xi32>
    %shift_right_arithmetic3A_356 = arith.constant 1 : i32
    %shift_right_arithmetic3A_357 = vector.broadcast %shift_right_arithmetic3A_356 : i32 to vector<128x32xi32>
    %shift_right_arithmetic3A_358 = arith.shrsi %scan3A_100#3, %shift_right_arithmetic3A_357 : vector<128x32xi32>
    %and3A_359 = arith.constant 1 : i32
    %and3A_360 = vector.broadcast %and3A_359 : i32 to vector<128x32xi32>
    %and3A_361 = arith.andi %shift_right_arithmetic3A_358, %and3A_360 : vector<128x32xi32>
    %eq3A_362 = arith.constant 1 : i32
    %eq3A_363 = vector.broadcast %eq3A_362 : i32 to vector<128x32xi32>
    %eq3A_364 = arith.cmpi eq, %and3A_361, %eq3A_363 : vector<128x32xi32>
    %eq3A_365 = arith.cmpi eq, %add3A_355, %scan3A_100#1 : vector<128x32xi32>
    %and3A_366 = arith.andi %eq3A_364, %eq3A_365 : vector<128x32xi1>
    %jit3A_367 = arith.constant 17 : i32
    %broadcast_in_dim3A_368 = vector.broadcast %jit3A_367 : i32 to vector<128x32xi32>
    %select_n3A_369 = arith.select %and3A_366, %broadcast_in_dim3A_368, %select_n3A_354 : vector<128x32xi1>, vector<128x32xi32>
    %add3A_370 = arith.addi %add3A_355, %and3A_361 : vector<128x32xi32>
    %shift_right_arithmetic3A_371 = arith.constant 2 : i32
    %shift_right_arithmetic3A_372 = vector.broadcast %shift_right_arithmetic3A_371 : i32 to vector<128x32xi32>
    %shift_right_arithmetic3A_373 = arith.shrsi %scan3A_100#3, %shift_right_arithmetic3A_372 : vector<128x32xi32>
    %and3A_374 = arith.constant 1 : i32
    %and3A_375 = vector.broadcast %and3A_374 : i32 to vector<128x32xi32>
    %and3A_376 = arith.andi %shift_right_arithmetic3A_373, %and3A_375 : vector<128x32xi32>
    %eq3A_377 = arith.constant 1 : i32
    %eq3A_378 = vector.broadcast %eq3A_377 : i32 to vector<128x32xi32>
    %eq3A_379 = arith.cmpi eq, %and3A_376, %eq3A_378 : vector<128x32xi32>
    %eq3A_380 = arith.cmpi eq, %add3A_370, %scan3A_100#1 : vector<128x32xi32>
    %and3A_381 = arith.andi %eq3A_379, %eq3A_380 : vector<128x32xi1>
    %jit3A_382 = arith.constant 18 : i32
    %broadcast_in_dim3A_383 = vector.broadcast %jit3A_382 : i32 to vector<128x32xi32>
    %select_n3A_384 = arith.select %and3A_381, %broadcast_in_dim3A_383, %select_n3A_369 : vector<128x32xi1>, vector<128x32xi32>
    %add3A_385 = arith.addi %add3A_370, %and3A_376 : vector<128x32xi32>
    %shift_right_arithmetic3A_386 = arith.constant 3 : i32
    %shift_right_arithmetic3A_387 = vector.broadcast %shift_right_arithmetic3A_386 : i32 to vector<128x32xi32>
    %shift_right_arithmetic3A_388 = arith.shrsi %scan3A_100#3, %shift_right_arithmetic3A_387 : vector<128x32xi32>
    %and3A_389 = arith.constant 1 : i32
    %and3A_390 = vector.broadcast %and3A_389 : i32 to vector<128x32xi32>
    %and3A_391 = arith.andi %shift_right_arithmetic3A_388, %and3A_390 : vector<128x32xi32>
    %eq3A_392 = arith.constant 1 : i32
    %eq3A_393 = vector.broadcast %eq3A_392 : i32 to vector<128x32xi32>
    %eq3A_394 = arith.cmpi eq, %and3A_391, %eq3A_393 : vector<128x32xi32>
    %eq3A_395 = arith.cmpi eq, %add3A_385, %scan3A_100#1 : vector<128x32xi32>
    %and3A_396 = arith.andi %eq3A_394, %eq3A_395 : vector<128x32xi1>
    %jit3A_397 = arith.constant 19 : i32
    %broadcast_in_dim3A_398 = vector.broadcast %jit3A_397 : i32 to vector<128x32xi32>
    %select_n3A_399 = arith.select %and3A_396, %broadcast_in_dim3A_398, %select_n3A_384 : vector<128x32xi1>, vector<128x32xi32>
    %add3A_400 = arith.addi %add3A_385, %and3A_391 : vector<128x32xi32>
    %shift_right_arithmetic3A_401 = arith.constant 4 : i32
    %shift_right_arithmetic3A_402 = vector.broadcast %shift_right_arithmetic3A_401 : i32 to vector<128x32xi32>
    %shift_right_arithmetic3A_403 = arith.shrsi %scan3A_100#3, %shift_right_arithmetic3A_402 : vector<128x32xi32>
    %and3A_404 = arith.constant 1 : i32
    %and3A_405 = vector.broadcast %and3A_404 : i32 to vector<128x32xi32>
    %and3A_406 = arith.andi %shift_right_arithmetic3A_403, %and3A_405 : vector<128x32xi32>
    %eq3A_407 = arith.constant 1 : i32
    %eq3A_408 = vector.broadcast %eq3A_407 : i32 to vector<128x32xi32>
    %eq3A_409 = arith.cmpi eq, %and3A_406, %eq3A_408 : vector<128x32xi32>
    %eq3A_410 = arith.cmpi eq, %add3A_400, %scan3A_100#1 : vector<128x32xi32>
    %and3A_411 = arith.andi %eq3A_409, %eq3A_410 : vector<128x32xi1>
    %jit3A_412 = arith.constant 20 : i32
    %broadcast_in_dim3A_413 = vector.broadcast %jit3A_412 : i32 to vector<128x32xi32>
    %select_n3A_414 = arith.select %and3A_411, %broadcast_in_dim3A_413, %select_n3A_399 : vector<128x32xi1>, vector<128x32xi32>
    %add3A_415 = arith.addi %add3A_400, %and3A_406 : vector<128x32xi32>
    %shift_right_arithmetic3A_416 = arith.constant 5 : i32
    %shift_right_arithmetic3A_417 = vector.broadcast %shift_right_arithmetic3A_416 : i32 to vector<128x32xi32>
    %shift_right_arithmetic3A_418 = arith.shrsi %scan3A_100#3, %shift_right_arithmetic3A_417 : vector<128x32xi32>
    %and3A_419 = arith.constant 1 : i32
    %and3A_420 = vector.broadcast %and3A_419 : i32 to vector<128x32xi32>
    %and3A_421 = arith.andi %shift_right_arithmetic3A_418, %and3A_420 : vector<128x32xi32>
    %eq3A_422 = arith.constant 1 : i32
    %eq3A_423 = vector.broadcast %eq3A_422 : i32 to vector<128x32xi32>
    %eq3A_424 = arith.cmpi eq, %and3A_421, %eq3A_423 : vector<128x32xi32>
    %eq3A_425 = arith.cmpi eq, %add3A_415, %scan3A_100#1 : vector<128x32xi32>
    %and3A_426 = arith.andi %eq3A_424, %eq3A_425 : vector<128x32xi1>
    %jit3A_427 = arith.constant 21 : i32
    %broadcast_in_dim3A_428 = vector.broadcast %jit3A_427 : i32 to vector<128x32xi32>
    %select_n3A_429 = arith.select %and3A_426, %broadcast_in_dim3A_428, %select_n3A_414 : vector<128x32xi1>, vector<128x32xi32>
    %add3A_430 = arith.addi %add3A_415, %and3A_421 : vector<128x32xi32>
    %shift_right_arithmetic3A_431 = arith.constant 6 : i32
    %shift_right_arithmetic3A_432 = vector.broadcast %shift_right_arithmetic3A_431 : i32 to vector<128x32xi32>
    %shift_right_arithmetic3A_433 = arith.shrsi %scan3A_100#3, %shift_right_arithmetic3A_432 : vector<128x32xi32>
    %and3A_434 = arith.constant 1 : i32
    %and3A_435 = vector.broadcast %and3A_434 : i32 to vector<128x32xi32>
    %and3A_436 = arith.andi %shift_right_arithmetic3A_433, %and3A_435 : vector<128x32xi32>
    %eq3A_437 = arith.constant 1 : i32
    %eq3A_438 = vector.broadcast %eq3A_437 : i32 to vector<128x32xi32>
    %eq3A_439 = arith.cmpi eq, %and3A_436, %eq3A_438 : vector<128x32xi32>
    %eq3A_440 = arith.cmpi eq, %add3A_430, %scan3A_100#1 : vector<128x32xi32>
    %and3A_441 = arith.andi %eq3A_439, %eq3A_440 : vector<128x32xi1>
    %jit3A_442 = arith.constant 22 : i32
    %broadcast_in_dim3A_443 = vector.broadcast %jit3A_442 : i32 to vector<128x32xi32>
    %select_n3A_444 = arith.select %and3A_441, %broadcast_in_dim3A_443, %select_n3A_429 : vector<128x32xi1>, vector<128x32xi32>
    %add3A_445 = arith.addi %add3A_430, %and3A_436 : vector<128x32xi32>
    %shift_right_arithmetic3A_446 = arith.constant 7 : i32
    %shift_right_arithmetic3A_447 = vector.broadcast %shift_right_arithmetic3A_446 : i32 to vector<128x32xi32>
    %shift_right_arithmetic3A_448 = arith.shrsi %scan3A_100#3, %shift_right_arithmetic3A_447 : vector<128x32xi32>
    %and3A_449 = arith.constant 1 : i32
    %and3A_450 = vector.broadcast %and3A_449 : i32 to vector<128x32xi32>
    %and3A_451 = arith.andi %shift_right_arithmetic3A_448, %and3A_450 : vector<128x32xi32>
    %eq3A_452 = arith.constant 1 : i32
    %eq3A_453 = vector.broadcast %eq3A_452 : i32 to vector<128x32xi32>
    %eq3A_454 = arith.cmpi eq, %and3A_451, %eq3A_453 : vector<128x32xi32>
    %eq3A_455 = arith.cmpi eq, %add3A_445, %scan3A_100#1 : vector<128x32xi32>
    %and3A_456 = arith.andi %eq3A_454, %eq3A_455 : vector<128x32xi1>
    %jit3A_457 = arith.constant 23 : i32
    %broadcast_in_dim3A_458 = vector.broadcast %jit3A_457 : i32 to vector<128x32xi32>
    %select_n3A_459 = arith.select %and3A_456, %broadcast_in_dim3A_458, %select_n3A_444 : vector<128x32xi1>, vector<128x32xi32>
    %add3A_460 = arith.addi %add3A_445, %and3A_451 : vector<128x32xi32>
    %shift_right_arithmetic3A_461 = arith.constant 8 : i32
    %shift_right_arithmetic3A_462 = vector.broadcast %shift_right_arithmetic3A_461 : i32 to vector<128x32xi32>
    %shift_right_arithmetic3A_463 = arith.shrsi %scan3A_100#3, %shift_right_arithmetic3A_462 : vector<128x32xi32>
    %and3A_464 = arith.constant 1 : i32
    %and3A_465 = vector.broadcast %and3A_464 : i32 to vector<128x32xi32>
    %and3A_466 = arith.andi %shift_right_arithmetic3A_463, %and3A_465 : vector<128x32xi32>
    %eq3A_467 = arith.constant 1 : i32
    %eq3A_468 = vector.broadcast %eq3A_467 : i32 to vector<128x32xi32>
    %eq3A_469 = arith.cmpi eq, %and3A_466, %eq3A_468 : vector<128x32xi32>
    %eq3A_470 = arith.cmpi eq, %add3A_460, %scan3A_100#1 : vector<128x32xi32>
    %and3A_471 = arith.andi %eq3A_469, %eq3A_470 : vector<128x32xi1>
    %jit3A_472 = arith.constant 24 : i32
    %broadcast_in_dim3A_473 = vector.broadcast %jit3A_472 : i32 to vector<128x32xi32>
    %select_n3A_474 = arith.select %and3A_471, %broadcast_in_dim3A_473, %select_n3A_459 : vector<128x32xi1>, vector<128x32xi32>
    %add3A_475 = arith.addi %add3A_460, %and3A_466 : vector<128x32xi32>
    %shift_right_arithmetic3A_476 = arith.constant 9 : i32
    %shift_right_arithmetic3A_477 = vector.broadcast %shift_right_arithmetic3A_476 : i32 to vector<128x32xi32>
    %shift_right_arithmetic3A_478 = arith.shrsi %scan3A_100#3, %shift_right_arithmetic3A_477 : vector<128x32xi32>
    %and3A_479 = arith.constant 1 : i32
    %and3A_480 = vector.broadcast %and3A_479 : i32 to vector<128x32xi32>
    %and3A_481 = arith.andi %shift_right_arithmetic3A_478, %and3A_480 : vector<128x32xi32>
    %eq3A_482 = arith.constant 1 : i32
    %eq3A_483 = vector.broadcast %eq3A_482 : i32 to vector<128x32xi32>
    %eq3A_484 = arith.cmpi eq, %and3A_481, %eq3A_483 : vector<128x32xi32>
    %eq3A_485 = arith.cmpi eq, %add3A_475, %scan3A_100#1 : vector<128x32xi32>
    %and3A_486 = arith.andi %eq3A_484, %eq3A_485 : vector<128x32xi1>
    %jit3A_487 = arith.constant 25 : i32
    %broadcast_in_dim3A_488 = vector.broadcast %jit3A_487 : i32 to vector<128x32xi32>
    %select_n3A_489 = arith.select %and3A_486, %broadcast_in_dim3A_488, %select_n3A_474 : vector<128x32xi1>, vector<128x32xi32>
    %add3A_490 = arith.addi %add3A_475, %and3A_481 : vector<128x32xi32>
    %shift_right_arithmetic3A_491 = arith.constant 10 : i32
    %shift_right_arithmetic3A_492 = vector.broadcast %shift_right_arithmetic3A_491 : i32 to vector<128x32xi32>
    %shift_right_arithmetic3A_493 = arith.shrsi %scan3A_100#3, %shift_right_arithmetic3A_492 : vector<128x32xi32>
    %and3A_494 = arith.constant 1 : i32
    %and3A_495 = vector.broadcast %and3A_494 : i32 to vector<128x32xi32>
    %and3A_496 = arith.andi %shift_right_arithmetic3A_493, %and3A_495 : vector<128x32xi32>
    %eq3A_497 = arith.constant 1 : i32
    %eq3A_498 = vector.broadcast %eq3A_497 : i32 to vector<128x32xi32>
    %eq3A_499 = arith.cmpi eq, %and3A_496, %eq3A_498 : vector<128x32xi32>
    %eq3A_500 = arith.cmpi eq, %add3A_490, %scan3A_100#1 : vector<128x32xi32>
    %and3A_501 = arith.andi %eq3A_499, %eq3A_500 : vector<128x32xi1>
    %jit3A_502 = arith.constant 26 : i32
    %broadcast_in_dim3A_503 = vector.broadcast %jit3A_502 : i32 to vector<128x32xi32>
    %select_n3A_504 = arith.select %and3A_501, %broadcast_in_dim3A_503, %select_n3A_489 : vector<128x32xi1>, vector<128x32xi32>
    %add3A_505 = arith.addi %add3A_490, %and3A_496 : vector<128x32xi32>
    %shift_right_arithmetic3A_506 = arith.constant 11 : i32
    %shift_right_arithmetic3A_507 = vector.broadcast %shift_right_arithmetic3A_506 : i32 to vector<128x32xi32>
    %shift_right_arithmetic3A_508 = arith.shrsi %scan3A_100#3, %shift_right_arithmetic3A_507 : vector<128x32xi32>
    %and3A_509 = arith.constant 1 : i32
    %and3A_510 = vector.broadcast %and3A_509 : i32 to vector<128x32xi32>
    %and3A_511 = arith.andi %shift_right_arithmetic3A_508, %and3A_510 : vector<128x32xi32>
    %eq3A_512 = arith.constant 1 : i32
    %eq3A_513 = vector.broadcast %eq3A_512 : i32 to vector<128x32xi32>
    %eq3A_514 = arith.cmpi eq, %and3A_511, %eq3A_513 : vector<128x32xi32>
    %eq3A_515 = arith.cmpi eq, %add3A_505, %scan3A_100#1 : vector<128x32xi32>
    %and3A_516 = arith.andi %eq3A_514, %eq3A_515 : vector<128x32xi1>
    %jit3A_517 = arith.constant 27 : i32
    %broadcast_in_dim3A_518 = vector.broadcast %jit3A_517 : i32 to vector<128x32xi32>
    %select_n3A_519 = arith.select %and3A_516, %broadcast_in_dim3A_518, %select_n3A_504 : vector<128x32xi1>, vector<128x32xi32>
    %add3A_520 = arith.addi %add3A_505, %and3A_511 : vector<128x32xi32>
    %shift_right_arithmetic3A_521 = arith.constant 12 : i32
    %shift_right_arithmetic3A_522 = vector.broadcast %shift_right_arithmetic3A_521 : i32 to vector<128x32xi32>
    %shift_right_arithmetic3A_523 = arith.shrsi %scan3A_100#3, %shift_right_arithmetic3A_522 : vector<128x32xi32>
    %and3A_524 = arith.constant 1 : i32
    %and3A_525 = vector.broadcast %and3A_524 : i32 to vector<128x32xi32>
    %and3A_526 = arith.andi %shift_right_arithmetic3A_523, %and3A_525 : vector<128x32xi32>
    %eq3A_527 = arith.constant 1 : i32
    %eq3A_528 = vector.broadcast %eq3A_527 : i32 to vector<128x32xi32>
    %eq3A_529 = arith.cmpi eq, %and3A_526, %eq3A_528 : vector<128x32xi32>
    %eq3A_530 = arith.cmpi eq, %add3A_520, %scan3A_100#1 : vector<128x32xi32>
    %and3A_531 = arith.andi %eq3A_529, %eq3A_530 : vector<128x32xi1>
    %jit3A_532 = arith.constant 28 : i32
    %broadcast_in_dim3A_533 = vector.broadcast %jit3A_532 : i32 to vector<128x32xi32>
    %select_n3A_534 = arith.select %and3A_531, %broadcast_in_dim3A_533, %select_n3A_519 : vector<128x32xi1>, vector<128x32xi32>
    %add3A_535 = arith.addi %add3A_520, %and3A_526 : vector<128x32xi32>
    %shift_right_arithmetic3A_536 = arith.constant 13 : i32
    %shift_right_arithmetic3A_537 = vector.broadcast %shift_right_arithmetic3A_536 : i32 to vector<128x32xi32>
    %shift_right_arithmetic3A_538 = arith.shrsi %scan3A_100#3, %shift_right_arithmetic3A_537 : vector<128x32xi32>
    %and3A_539 = arith.constant 1 : i32
    %and3A_540 = vector.broadcast %and3A_539 : i32 to vector<128x32xi32>
    %and3A_541 = arith.andi %shift_right_arithmetic3A_538, %and3A_540 : vector<128x32xi32>
    %eq3A_542 = arith.constant 1 : i32
    %eq3A_543 = vector.broadcast %eq3A_542 : i32 to vector<128x32xi32>
    %eq3A_544 = arith.cmpi eq, %and3A_541, %eq3A_543 : vector<128x32xi32>
    %eq3A_545 = arith.cmpi eq, %add3A_535, %scan3A_100#1 : vector<128x32xi32>
    %and3A_546 = arith.andi %eq3A_544, %eq3A_545 : vector<128x32xi1>
    %jit3A_547 = arith.constant 29 : i32
    %broadcast_in_dim3A_548 = vector.broadcast %jit3A_547 : i32 to vector<128x32xi32>
    %select_n3A_549 = arith.select %and3A_546, %broadcast_in_dim3A_548, %select_n3A_534 : vector<128x32xi1>, vector<128x32xi32>
    %add3A_550 = arith.addi %add3A_535, %and3A_541 : vector<128x32xi32>
    %shift_right_arithmetic3A_551 = arith.constant 14 : i32
    %shift_right_arithmetic3A_552 = vector.broadcast %shift_right_arithmetic3A_551 : i32 to vector<128x32xi32>
    %shift_right_arithmetic3A_553 = arith.shrsi %scan3A_100#3, %shift_right_arithmetic3A_552 : vector<128x32xi32>
    %and3A_554 = arith.constant 1 : i32
    %and3A_555 = vector.broadcast %and3A_554 : i32 to vector<128x32xi32>
    %and3A_556 = arith.andi %shift_right_arithmetic3A_553, %and3A_555 : vector<128x32xi32>
    %eq3A_557 = arith.constant 1 : i32
    %eq3A_558 = vector.broadcast %eq3A_557 : i32 to vector<128x32xi32>
    %eq3A_559 = arith.cmpi eq, %and3A_556, %eq3A_558 : vector<128x32xi32>
    %eq3A_560 = arith.cmpi eq, %add3A_550, %scan3A_100#1 : vector<128x32xi32>
    %and3A_561 = arith.andi %eq3A_559, %eq3A_560 : vector<128x32xi1>
    %jit3A_562 = arith.constant 30 : i32
    %broadcast_in_dim3A_563 = vector.broadcast %jit3A_562 : i32 to vector<128x32xi32>
    %select_n3A_564 = arith.select %and3A_561, %broadcast_in_dim3A_563, %select_n3A_549 : vector<128x32xi1>, vector<128x32xi32>
    %add3A_565 = arith.addi %add3A_550, %and3A_556 : vector<128x32xi32>
    %shift_right_arithmetic3A_566 = arith.constant 15 : i32
    %shift_right_arithmetic3A_567 = vector.broadcast %shift_right_arithmetic3A_566 : i32 to vector<128x32xi32>
    %shift_right_arithmetic3A_568 = arith.shrsi %scan3A_100#3, %shift_right_arithmetic3A_567 : vector<128x32xi32>
    %and3A_569 = arith.constant 1 : i32
    %and3A_570 = vector.broadcast %and3A_569 : i32 to vector<128x32xi32>
    %and3A_571 = arith.andi %shift_right_arithmetic3A_568, %and3A_570 : vector<128x32xi32>
    %eq3A_572 = arith.constant 1 : i32
    %eq3A_573 = vector.broadcast %eq3A_572 : i32 to vector<128x32xi32>
    %eq3A_574 = arith.cmpi eq, %and3A_571, %eq3A_573 : vector<128x32xi32>
    %eq3A_575 = arith.cmpi eq, %add3A_565, %scan3A_100#1 : vector<128x32xi32>
    %and3A_576 = arith.andi %eq3A_574, %eq3A_575 : vector<128x32xi1>
    %jit3A_577 = arith.constant 31 : i32
    %broadcast_in_dim3A_578 = vector.broadcast %jit3A_577 : i32 to vector<128x32xi32>
    %select_n3A_579 = arith.select %and3A_576, %broadcast_in_dim3A_578, %select_n3A_564 : vector<128x32xi1>, vector<128x32xi32>
    %add3A_580 = arith.addi %add3A_565, %and3A_571 : vector<128x32xi32>
    %shift_right_arithmetic3A_581 = arith.constant 0 : i32
    %shift_right_arithmetic3A_582 = vector.broadcast %shift_right_arithmetic3A_581 : i32 to vector<128x32xi32>
    %shift_right_arithmetic3A_583 = arith.shrsi %scan3A_100#4, %shift_right_arithmetic3A_582 : vector<128x32xi32>
    %and3A_584 = arith.constant 1 : i32
    %and3A_585 = vector.broadcast %and3A_584 : i32 to vector<128x32xi32>
    %and3A_586 = arith.andi %shift_right_arithmetic3A_583, %and3A_585 : vector<128x32xi32>
    %eq3A_587 = arith.constant 1 : i32
    %eq3A_588 = vector.broadcast %eq3A_587 : i32 to vector<128x32xi32>
    %eq3A_589 = arith.cmpi eq, %and3A_586, %eq3A_588 : vector<128x32xi32>
    %eq3A_590 = arith.cmpi eq, %add3A_580, %scan3A_100#1 : vector<128x32xi32>
    %and3A_591 = arith.andi %eq3A_589, %eq3A_590 : vector<128x32xi1>
    %jit3A_592 = arith.constant 32 : i32
    %broadcast_in_dim3A_593 = vector.broadcast %jit3A_592 : i32 to vector<128x32xi32>
    %select_n3A_594 = arith.select %and3A_591, %broadcast_in_dim3A_593, %select_n3A_579 : vector<128x32xi1>, vector<128x32xi32>
    %add3A_595 = arith.addi %add3A_580, %and3A_586 : vector<128x32xi32>
    %shift_right_arithmetic3A_596 = arith.constant 1 : i32
    %shift_right_arithmetic3A_597 = vector.broadcast %shift_right_arithmetic3A_596 : i32 to vector<128x32xi32>
    %shift_right_arithmetic3A_598 = arith.shrsi %scan3A_100#4, %shift_right_arithmetic3A_597 : vector<128x32xi32>
    %and3A_599 = arith.constant 1 : i32
    %and3A_600 = vector.broadcast %and3A_599 : i32 to vector<128x32xi32>
    %and3A_601 = arith.andi %shift_right_arithmetic3A_598, %and3A_600 : vector<128x32xi32>
    %eq3A_602 = arith.constant 1 : i32
    %eq3A_603 = vector.broadcast %eq3A_602 : i32 to vector<128x32xi32>
    %eq3A_604 = arith.cmpi eq, %and3A_601, %eq3A_603 : vector<128x32xi32>
    %eq3A_605 = arith.cmpi eq, %add3A_595, %scan3A_100#1 : vector<128x32xi32>
    %and3A_606 = arith.andi %eq3A_604, %eq3A_605 : vector<128x32xi1>
    %jit3A_607 = arith.constant 33 : i32
    %broadcast_in_dim3A_608 = vector.broadcast %jit3A_607 : i32 to vector<128x32xi32>
    %select_n3A_609 = arith.select %and3A_606, %broadcast_in_dim3A_608, %select_n3A_594 : vector<128x32xi1>, vector<128x32xi32>
    %add3A_610 = arith.addi %add3A_595, %and3A_601 : vector<128x32xi32>
    %shift_right_arithmetic3A_611 = arith.constant 2 : i32
    %shift_right_arithmetic3A_612 = vector.broadcast %shift_right_arithmetic3A_611 : i32 to vector<128x32xi32>
    %shift_right_arithmetic3A_613 = arith.shrsi %scan3A_100#4, %shift_right_arithmetic3A_612 : vector<128x32xi32>
    %and3A_614 = arith.constant 1 : i32
    %and3A_615 = vector.broadcast %and3A_614 : i32 to vector<128x32xi32>
    %and3A_616 = arith.andi %shift_right_arithmetic3A_613, %and3A_615 : vector<128x32xi32>
    %eq3A_617 = arith.constant 1 : i32
    %eq3A_618 = vector.broadcast %eq3A_617 : i32 to vector<128x32xi32>
    %eq3A_619 = arith.cmpi eq, %and3A_616, %eq3A_618 : vector<128x32xi32>
    %eq3A_620 = arith.cmpi eq, %add3A_610, %scan3A_100#1 : vector<128x32xi32>
    %and3A_621 = arith.andi %eq3A_619, %eq3A_620 : vector<128x32xi1>
    %jit3A_622 = arith.constant 34 : i32
    %broadcast_in_dim3A_623 = vector.broadcast %jit3A_622 : i32 to vector<128x32xi32>
    %select_n3A_624 = arith.select %and3A_621, %broadcast_in_dim3A_623, %select_n3A_609 : vector<128x32xi1>, vector<128x32xi32>
    %add3A_625 = arith.addi %add3A_610, %and3A_616 : vector<128x32xi32>
    %shift_right_arithmetic3A_626 = arith.constant 3 : i32
    %shift_right_arithmetic3A_627 = vector.broadcast %shift_right_arithmetic3A_626 : i32 to vector<128x32xi32>
    %shift_right_arithmetic3A_628 = arith.shrsi %scan3A_100#4, %shift_right_arithmetic3A_627 : vector<128x32xi32>
    %and3A_629 = arith.constant 1 : i32
    %and3A_630 = vector.broadcast %and3A_629 : i32 to vector<128x32xi32>
    %and3A_631 = arith.andi %shift_right_arithmetic3A_628, %and3A_630 : vector<128x32xi32>
    %eq3A_632 = arith.constant 1 : i32
    %eq3A_633 = vector.broadcast %eq3A_632 : i32 to vector<128x32xi32>
    %eq3A_634 = arith.cmpi eq, %and3A_631, %eq3A_633 : vector<128x32xi32>
    %eq3A_635 = arith.cmpi eq, %add3A_625, %scan3A_100#1 : vector<128x32xi32>
    %and3A_636 = arith.andi %eq3A_634, %eq3A_635 : vector<128x32xi1>
    %jit3A_637 = arith.constant 35 : i32
    %broadcast_in_dim3A_638 = vector.broadcast %jit3A_637 : i32 to vector<128x32xi32>
    %select_n3A_639 = arith.select %and3A_636, %broadcast_in_dim3A_638, %select_n3A_624 : vector<128x32xi1>, vector<128x32xi32>
    %add3A_640 = arith.addi %add3A_625, %and3A_631 : vector<128x32xi32>
    %shift_right_arithmetic3A_641 = arith.constant 4 : i32
    %shift_right_arithmetic3A_642 = vector.broadcast %shift_right_arithmetic3A_641 : i32 to vector<128x32xi32>
    %shift_right_arithmetic3A_643 = arith.shrsi %scan3A_100#4, %shift_right_arithmetic3A_642 : vector<128x32xi32>
    %and3A_644 = arith.constant 1 : i32
    %and3A_645 = vector.broadcast %and3A_644 : i32 to vector<128x32xi32>
    %and3A_646 = arith.andi %shift_right_arithmetic3A_643, %and3A_645 : vector<128x32xi32>
    %eq3A_647 = arith.constant 1 : i32
    %eq3A_648 = vector.broadcast %eq3A_647 : i32 to vector<128x32xi32>
    %eq3A_649 = arith.cmpi eq, %and3A_646, %eq3A_648 : vector<128x32xi32>
    %eq3A_650 = arith.cmpi eq, %add3A_640, %scan3A_100#1 : vector<128x32xi32>
    %and3A_651 = arith.andi %eq3A_649, %eq3A_650 : vector<128x32xi1>
    %jit3A_652 = arith.constant 36 : i32
    %broadcast_in_dim3A_653 = vector.broadcast %jit3A_652 : i32 to vector<128x32xi32>
    %select_n3A_654 = arith.select %and3A_651, %broadcast_in_dim3A_653, %select_n3A_639 : vector<128x32xi1>, vector<128x32xi32>
    %add3A_655 = arith.addi %add3A_640, %and3A_646 : vector<128x32xi32>
    %shift_right_arithmetic3A_656 = arith.constant 5 : i32
    %shift_right_arithmetic3A_657 = vector.broadcast %shift_right_arithmetic3A_656 : i32 to vector<128x32xi32>
    %shift_right_arithmetic3A_658 = arith.shrsi %scan3A_100#4, %shift_right_arithmetic3A_657 : vector<128x32xi32>
    %and3A_659 = arith.constant 1 : i32
    %and3A_660 = vector.broadcast %and3A_659 : i32 to vector<128x32xi32>
    %and3A_661 = arith.andi %shift_right_arithmetic3A_658, %and3A_660 : vector<128x32xi32>
    %eq3A_662 = arith.constant 1 : i32
    %eq3A_663 = vector.broadcast %eq3A_662 : i32 to vector<128x32xi32>
    %eq3A_664 = arith.cmpi eq, %and3A_661, %eq3A_663 : vector<128x32xi32>
    %eq3A_665 = arith.cmpi eq, %add3A_655, %scan3A_100#1 : vector<128x32xi32>
    %and3A_666 = arith.andi %eq3A_664, %eq3A_665 : vector<128x32xi1>
    %jit3A_667 = arith.constant 37 : i32
    %broadcast_in_dim3A_668 = vector.broadcast %jit3A_667 : i32 to vector<128x32xi32>
    %select_n3A_669 = arith.select %and3A_666, %broadcast_in_dim3A_668, %select_n3A_654 : vector<128x32xi1>, vector<128x32xi32>
    %add3A_670 = arith.addi %add3A_655, %and3A_661 : vector<128x32xi32>
    %shift_right_arithmetic3A_671 = arith.constant 6 : i32
    %shift_right_arithmetic3A_672 = vector.broadcast %shift_right_arithmetic3A_671 : i32 to vector<128x32xi32>
    %shift_right_arithmetic3A_673 = arith.shrsi %scan3A_100#4, %shift_right_arithmetic3A_672 : vector<128x32xi32>
    %and3A_674 = arith.constant 1 : i32
    %and3A_675 = vector.broadcast %and3A_674 : i32 to vector<128x32xi32>
    %and3A_676 = arith.andi %shift_right_arithmetic3A_673, %and3A_675 : vector<128x32xi32>
    %eq3A_677 = arith.constant 1 : i32
    %eq3A_678 = vector.broadcast %eq3A_677 : i32 to vector<128x32xi32>
    %eq3A_679 = arith.cmpi eq, %and3A_676, %eq3A_678 : vector<128x32xi32>
    %eq3A_680 = arith.cmpi eq, %add3A_670, %scan3A_100#1 : vector<128x32xi32>
    %and3A_681 = arith.andi %eq3A_679, %eq3A_680 : vector<128x32xi1>
    %jit3A_682 = arith.constant 38 : i32
    %broadcast_in_dim3A_683 = vector.broadcast %jit3A_682 : i32 to vector<128x32xi32>
    %select_n3A_684 = arith.select %and3A_681, %broadcast_in_dim3A_683, %select_n3A_669 : vector<128x32xi1>, vector<128x32xi32>
    %add3A_685 = arith.addi %add3A_670, %and3A_676 : vector<128x32xi32>
    %shift_right_arithmetic3A_686 = arith.constant 7 : i32
    %shift_right_arithmetic3A_687 = vector.broadcast %shift_right_arithmetic3A_686 : i32 to vector<128x32xi32>
    %shift_right_arithmetic3A_688 = arith.shrsi %scan3A_100#4, %shift_right_arithmetic3A_687 : vector<128x32xi32>
    %and3A_689 = arith.constant 1 : i32
    %and3A_690 = vector.broadcast %and3A_689 : i32 to vector<128x32xi32>
    %and3A_691 = arith.andi %shift_right_arithmetic3A_688, %and3A_690 : vector<128x32xi32>
    %eq3A_692 = arith.constant 1 : i32
    %eq3A_693 = vector.broadcast %eq3A_692 : i32 to vector<128x32xi32>
    %eq3A_694 = arith.cmpi eq, %and3A_691, %eq3A_693 : vector<128x32xi32>
    %eq3A_695 = arith.cmpi eq, %add3A_685, %scan3A_100#1 : vector<128x32xi32>
    %and3A_696 = arith.andi %eq3A_694, %eq3A_695 : vector<128x32xi1>
    %jit3A_697 = arith.constant 39 : i32
    %broadcast_in_dim3A_698 = vector.broadcast %jit3A_697 : i32 to vector<128x32xi32>
    %select_n3A_699 = arith.select %and3A_696, %broadcast_in_dim3A_698, %select_n3A_684 : vector<128x32xi1>, vector<128x32xi32>
    %add3A_700 = arith.addi %add3A_685, %and3A_691 : vector<128x32xi32>
    %shift_right_arithmetic3A_701 = arith.constant 8 : i32
    %shift_right_arithmetic3A_702 = vector.broadcast %shift_right_arithmetic3A_701 : i32 to vector<128x32xi32>
    %shift_right_arithmetic3A_703 = arith.shrsi %scan3A_100#4, %shift_right_arithmetic3A_702 : vector<128x32xi32>
    %and3A_704 = arith.constant 1 : i32
    %and3A_705 = vector.broadcast %and3A_704 : i32 to vector<128x32xi32>
    %and3A_706 = arith.andi %shift_right_arithmetic3A_703, %and3A_705 : vector<128x32xi32>
    %eq3A_707 = arith.constant 1 : i32
    %eq3A_708 = vector.broadcast %eq3A_707 : i32 to vector<128x32xi32>
    %eq3A_709 = arith.cmpi eq, %and3A_706, %eq3A_708 : vector<128x32xi32>
    %eq3A_710 = arith.cmpi eq, %add3A_700, %scan3A_100#1 : vector<128x32xi32>
    %and3A_711 = arith.andi %eq3A_709, %eq3A_710 : vector<128x32xi1>
    %jit3A_712 = arith.constant 40 : i32
    %broadcast_in_dim3A_713 = vector.broadcast %jit3A_712 : i32 to vector<128x32xi32>
    %select_n3A_714 = arith.select %and3A_711, %broadcast_in_dim3A_713, %select_n3A_699 : vector<128x32xi1>, vector<128x32xi32>
    %add3A_715 = arith.addi %add3A_700, %and3A_706 : vector<128x32xi32>
    %shift_right_arithmetic3A_716 = arith.constant 9 : i32
    %shift_right_arithmetic3A_717 = vector.broadcast %shift_right_arithmetic3A_716 : i32 to vector<128x32xi32>
    %shift_right_arithmetic3A_718 = arith.shrsi %scan3A_100#4, %shift_right_arithmetic3A_717 : vector<128x32xi32>
    %and3A_719 = arith.constant 1 : i32
    %and3A_720 = vector.broadcast %and3A_719 : i32 to vector<128x32xi32>
    %and3A_721 = arith.andi %shift_right_arithmetic3A_718, %and3A_720 : vector<128x32xi32>
    %eq3A_722 = arith.constant 1 : i32
    %eq3A_723 = vector.broadcast %eq3A_722 : i32 to vector<128x32xi32>
    %eq3A_724 = arith.cmpi eq, %and3A_721, %eq3A_723 : vector<128x32xi32>
    %eq3A_725 = arith.cmpi eq, %add3A_715, %scan3A_100#1 : vector<128x32xi32>
    %and3A_726 = arith.andi %eq3A_724, %eq3A_725 : vector<128x32xi1>
    %jit3A_727 = arith.constant 41 : i32
    %broadcast_in_dim3A_728 = vector.broadcast %jit3A_727 : i32 to vector<128x32xi32>
    %select_n3A_729 = arith.select %and3A_726, %broadcast_in_dim3A_728, %select_n3A_714 : vector<128x32xi1>, vector<128x32xi32>
    %add3A_730 = arith.addi %add3A_715, %and3A_721 : vector<128x32xi32>
    %shift_right_arithmetic3A_731 = arith.constant 10 : i32
    %shift_right_arithmetic3A_732 = vector.broadcast %shift_right_arithmetic3A_731 : i32 to vector<128x32xi32>
    %shift_right_arithmetic3A_733 = arith.shrsi %scan3A_100#4, %shift_right_arithmetic3A_732 : vector<128x32xi32>
    %and3A_734 = arith.constant 1 : i32
    %and3A_735 = vector.broadcast %and3A_734 : i32 to vector<128x32xi32>
    %and3A_736 = arith.andi %shift_right_arithmetic3A_733, %and3A_735 : vector<128x32xi32>
    %eq3A_737 = arith.constant 1 : i32
    %eq3A_738 = vector.broadcast %eq3A_737 : i32 to vector<128x32xi32>
    %eq3A_739 = arith.cmpi eq, %and3A_736, %eq3A_738 : vector<128x32xi32>
    %eq3A_740 = arith.cmpi eq, %add3A_730, %scan3A_100#1 : vector<128x32xi32>
    %and3A_741 = arith.andi %eq3A_739, %eq3A_740 : vector<128x32xi1>
    %jit3A_742 = arith.constant 42 : i32
    %broadcast_in_dim3A_743 = vector.broadcast %jit3A_742 : i32 to vector<128x32xi32>
    %select_n3A_744 = arith.select %and3A_741, %broadcast_in_dim3A_743, %select_n3A_729 : vector<128x32xi1>, vector<128x32xi32>
    %add3A_745 = arith.addi %add3A_730, %and3A_736 : vector<128x32xi32>
    %shift_right_arithmetic3A_746 = arith.constant 11 : i32
    %shift_right_arithmetic3A_747 = vector.broadcast %shift_right_arithmetic3A_746 : i32 to vector<128x32xi32>
    %shift_right_arithmetic3A_748 = arith.shrsi %scan3A_100#4, %shift_right_arithmetic3A_747 : vector<128x32xi32>
    %and3A_749 = arith.constant 1 : i32
    %and3A_750 = vector.broadcast %and3A_749 : i32 to vector<128x32xi32>
    %and3A_751 = arith.andi %shift_right_arithmetic3A_748, %and3A_750 : vector<128x32xi32>
    %eq3A_752 = arith.constant 1 : i32
    %eq3A_753 = vector.broadcast %eq3A_752 : i32 to vector<128x32xi32>
    %eq3A_754 = arith.cmpi eq, %and3A_751, %eq3A_753 : vector<128x32xi32>
    %eq3A_755 = arith.cmpi eq, %add3A_745, %scan3A_100#1 : vector<128x32xi32>
    %and3A_756 = arith.andi %eq3A_754, %eq3A_755 : vector<128x32xi1>
    %jit3A_757 = arith.constant 43 : i32
    %broadcast_in_dim3A_758 = vector.broadcast %jit3A_757 : i32 to vector<128x32xi32>
    %select_n3A_759 = arith.select %and3A_756, %broadcast_in_dim3A_758, %select_n3A_744 : vector<128x32xi1>, vector<128x32xi32>
    %add3A_760 = arith.addi %add3A_745, %and3A_751 : vector<128x32xi32>
    %shift_right_arithmetic3A_761 = arith.constant 12 : i32
    %shift_right_arithmetic3A_762 = vector.broadcast %shift_right_arithmetic3A_761 : i32 to vector<128x32xi32>
    %shift_right_arithmetic3A_763 = arith.shrsi %scan3A_100#4, %shift_right_arithmetic3A_762 : vector<128x32xi32>
    %and3A_764 = arith.constant 1 : i32
    %and3A_765 = vector.broadcast %and3A_764 : i32 to vector<128x32xi32>
    %and3A_766 = arith.andi %shift_right_arithmetic3A_763, %and3A_765 : vector<128x32xi32>
    %eq3A_767 = arith.constant 1 : i32
    %eq3A_768 = vector.broadcast %eq3A_767 : i32 to vector<128x32xi32>
    %eq3A_769 = arith.cmpi eq, %and3A_766, %eq3A_768 : vector<128x32xi32>
    %eq3A_770 = arith.cmpi eq, %add3A_760, %scan3A_100#1 : vector<128x32xi32>
    %and3A_771 = arith.andi %eq3A_769, %eq3A_770 : vector<128x32xi1>
    %jit3A_772 = arith.constant 44 : i32
    %broadcast_in_dim3A_773 = vector.broadcast %jit3A_772 : i32 to vector<128x32xi32>
    %select_n3A_774 = arith.select %and3A_771, %broadcast_in_dim3A_773, %select_n3A_759 : vector<128x32xi1>, vector<128x32xi32>
    %add3A_775 = arith.addi %add3A_760, %and3A_766 : vector<128x32xi32>
    %shift_right_arithmetic3A_776 = arith.constant 13 : i32
    %shift_right_arithmetic3A_777 = vector.broadcast %shift_right_arithmetic3A_776 : i32 to vector<128x32xi32>
    %shift_right_arithmetic3A_778 = arith.shrsi %scan3A_100#4, %shift_right_arithmetic3A_777 : vector<128x32xi32>
    %and3A_779 = arith.constant 1 : i32
    %and3A_780 = vector.broadcast %and3A_779 : i32 to vector<128x32xi32>
    %and3A_781 = arith.andi %shift_right_arithmetic3A_778, %and3A_780 : vector<128x32xi32>
    %eq3A_782 = arith.constant 1 : i32
    %eq3A_783 = vector.broadcast %eq3A_782 : i32 to vector<128x32xi32>
    %eq3A_784 = arith.cmpi eq, %and3A_781, %eq3A_783 : vector<128x32xi32>
    %eq3A_785 = arith.cmpi eq, %add3A_775, %scan3A_100#1 : vector<128x32xi32>
    %and3A_786 = arith.andi %eq3A_784, %eq3A_785 : vector<128x32xi1>
    %jit3A_787 = arith.constant 45 : i32
    %broadcast_in_dim3A_788 = vector.broadcast %jit3A_787 : i32 to vector<128x32xi32>
    %select_n3A_789 = arith.select %and3A_786, %broadcast_in_dim3A_788, %select_n3A_774 : vector<128x32xi1>, vector<128x32xi32>
    %add3A_790 = arith.addi %add3A_775, %and3A_781 : vector<128x32xi32>
    %shift_right_arithmetic3A_791 = arith.constant 14 : i32
    %shift_right_arithmetic3A_792 = vector.broadcast %shift_right_arithmetic3A_791 : i32 to vector<128x32xi32>
    %shift_right_arithmetic3A_793 = arith.shrsi %scan3A_100#4, %shift_right_arithmetic3A_792 : vector<128x32xi32>
    %and3A_794 = arith.constant 1 : i32
    %and3A_795 = vector.broadcast %and3A_794 : i32 to vector<128x32xi32>
    %and3A_796 = arith.andi %shift_right_arithmetic3A_793, %and3A_795 : vector<128x32xi32>
    %eq3A_797 = arith.constant 1 : i32
    %eq3A_798 = vector.broadcast %eq3A_797 : i32 to vector<128x32xi32>
    %eq3A_799 = arith.cmpi eq, %and3A_796, %eq3A_798 : vector<128x32xi32>
    %eq3A_800 = arith.cmpi eq, %add3A_790, %scan3A_100#1 : vector<128x32xi32>
    %and3A_801 = arith.andi %eq3A_799, %eq3A_800 : vector<128x32xi1>
    %jit3A_802 = arith.constant 46 : i32
    %broadcast_in_dim3A_803 = vector.broadcast %jit3A_802 : i32 to vector<128x32xi32>
    %select_n3A_804 = arith.select %and3A_801, %broadcast_in_dim3A_803, %select_n3A_789 : vector<128x32xi1>, vector<128x32xi32>
    %add3A_805 = arith.addi %add3A_790, %and3A_796 : vector<128x32xi32>
    %shift_right_arithmetic3A_806 = arith.constant 15 : i32
    %shift_right_arithmetic3A_807 = vector.broadcast %shift_right_arithmetic3A_806 : i32 to vector<128x32xi32>
    %shift_right_arithmetic3A_808 = arith.shrsi %scan3A_100#4, %shift_right_arithmetic3A_807 : vector<128x32xi32>
    %and3A_809 = arith.constant 1 : i32
    %and3A_810 = vector.broadcast %and3A_809 : i32 to vector<128x32xi32>
    %and3A_811 = arith.andi %shift_right_arithmetic3A_808, %and3A_810 : vector<128x32xi32>
    %eq3A_812 = arith.constant 1 : i32
    %eq3A_813 = vector.broadcast %eq3A_812 : i32 to vector<128x32xi32>
    %eq3A_814 = arith.cmpi eq, %and3A_811, %eq3A_813 : vector<128x32xi32>
    %eq3A_815 = arith.cmpi eq, %add3A_805, %scan3A_100#1 : vector<128x32xi32>
    %and3A_816 = arith.andi %eq3A_814, %eq3A_815 : vector<128x32xi1>
    %jit3A_817 = arith.constant 47 : i32
    %broadcast_in_dim3A_818 = vector.broadcast %jit3A_817 : i32 to vector<128x32xi32>
    %select_n3A_819 = arith.select %and3A_816, %broadcast_in_dim3A_818, %select_n3A_804 : vector<128x32xi1>, vector<128x32xi32>
    %add3A_820 = arith.addi %add3A_805, %and3A_811 : vector<128x32xi32>
    %shift_right_arithmetic3A_821 = arith.constant 0 : i32
    %shift_right_arithmetic3A_822 = vector.broadcast %shift_right_arithmetic3A_821 : i32 to vector<128x32xi32>
    %shift_right_arithmetic3A_823 = arith.shrsi %scan3A_100#5, %shift_right_arithmetic3A_822 : vector<128x32xi32>
    %and3A_824 = arith.constant 1 : i32
    %and3A_825 = vector.broadcast %and3A_824 : i32 to vector<128x32xi32>
    %and3A_826 = arith.andi %shift_right_arithmetic3A_823, %and3A_825 : vector<128x32xi32>
    %eq3A_827 = arith.constant 1 : i32
    %eq3A_828 = vector.broadcast %eq3A_827 : i32 to vector<128x32xi32>
    %eq3A_829 = arith.cmpi eq, %and3A_826, %eq3A_828 : vector<128x32xi32>
    %eq3A_830 = arith.cmpi eq, %add3A_820, %scan3A_100#1 : vector<128x32xi32>
    %and3A_831 = arith.andi %eq3A_829, %eq3A_830 : vector<128x32xi1>
    %jit3A_832 = arith.constant 48 : i32
    %broadcast_in_dim3A_833 = vector.broadcast %jit3A_832 : i32 to vector<128x32xi32>
    %select_n3A_834 = arith.select %and3A_831, %broadcast_in_dim3A_833, %select_n3A_819 : vector<128x32xi1>, vector<128x32xi32>
    %add3A_835 = arith.addi %add3A_820, %and3A_826 : vector<128x32xi32>
    %shift_right_arithmetic3A_836 = arith.constant 1 : i32
    %shift_right_arithmetic3A_837 = vector.broadcast %shift_right_arithmetic3A_836 : i32 to vector<128x32xi32>
    %shift_right_arithmetic3A_838 = arith.shrsi %scan3A_100#5, %shift_right_arithmetic3A_837 : vector<128x32xi32>
    %and3A_839 = arith.constant 1 : i32
    %and3A_840 = vector.broadcast %and3A_839 : i32 to vector<128x32xi32>
    %and3A_841 = arith.andi %shift_right_arithmetic3A_838, %and3A_840 : vector<128x32xi32>
    %eq3A_842 = arith.constant 1 : i32
    %eq3A_843 = vector.broadcast %eq3A_842 : i32 to vector<128x32xi32>
    %eq3A_844 = arith.cmpi eq, %and3A_841, %eq3A_843 : vector<128x32xi32>
    %eq3A_845 = arith.cmpi eq, %add3A_835, %scan3A_100#1 : vector<128x32xi32>
    %and3A_846 = arith.andi %eq3A_844, %eq3A_845 : vector<128x32xi1>
    %jit3A_847 = arith.constant 49 : i32
    %broadcast_in_dim3A_848 = vector.broadcast %jit3A_847 : i32 to vector<128x32xi32>
    %select_n3A_849 = arith.select %and3A_846, %broadcast_in_dim3A_848, %select_n3A_834 : vector<128x32xi1>, vector<128x32xi32>
    %add3A_850 = arith.addi %add3A_835, %and3A_841 : vector<128x32xi32>
    %shift_right_arithmetic3A_851 = arith.constant 2 : i32
    %shift_right_arithmetic3A_852 = vector.broadcast %shift_right_arithmetic3A_851 : i32 to vector<128x32xi32>
    %shift_right_arithmetic3A_853 = arith.shrsi %scan3A_100#5, %shift_right_arithmetic3A_852 : vector<128x32xi32>
    %and3A_854 = arith.constant 1 : i32
    %and3A_855 = vector.broadcast %and3A_854 : i32 to vector<128x32xi32>
    %and3A_856 = arith.andi %shift_right_arithmetic3A_853, %and3A_855 : vector<128x32xi32>
    %eq3A_857 = arith.constant 1 : i32
    %eq3A_858 = vector.broadcast %eq3A_857 : i32 to vector<128x32xi32>
    %eq3A_859 = arith.cmpi eq, %and3A_856, %eq3A_858 : vector<128x32xi32>
    %eq3A_860 = arith.cmpi eq, %add3A_850, %scan3A_100#1 : vector<128x32xi32>
    %and3A_861 = arith.andi %eq3A_859, %eq3A_860 : vector<128x32xi1>
    %jit3A_862 = arith.constant 50 : i32
    %broadcast_in_dim3A_863 = vector.broadcast %jit3A_862 : i32 to vector<128x32xi32>
    %select_n3A_864 = arith.select %and3A_861, %broadcast_in_dim3A_863, %select_n3A_849 : vector<128x32xi1>, vector<128x32xi32>
    %add3A_865 = arith.addi %add3A_850, %and3A_856 : vector<128x32xi32>
    %shift_right_arithmetic3A_866 = arith.constant 3 : i32
    %shift_right_arithmetic3A_867 = vector.broadcast %shift_right_arithmetic3A_866 : i32 to vector<128x32xi32>
    %shift_right_arithmetic3A_868 = arith.shrsi %scan3A_100#5, %shift_right_arithmetic3A_867 : vector<128x32xi32>
    %and3A_869 = arith.constant 1 : i32
    %and3A_870 = vector.broadcast %and3A_869 : i32 to vector<128x32xi32>
    %and3A_871 = arith.andi %shift_right_arithmetic3A_868, %and3A_870 : vector<128x32xi32>
    %eq3A_872 = arith.constant 1 : i32
    %eq3A_873 = vector.broadcast %eq3A_872 : i32 to vector<128x32xi32>
    %eq3A_874 = arith.cmpi eq, %and3A_871, %eq3A_873 : vector<128x32xi32>
    %eq3A_875 = arith.cmpi eq, %add3A_865, %scan3A_100#1 : vector<128x32xi32>
    %and3A_876 = arith.andi %eq3A_874, %eq3A_875 : vector<128x32xi1>
    %jit3A_877 = arith.constant 51 : i32
    %broadcast_in_dim3A_878 = vector.broadcast %jit3A_877 : i32 to vector<128x32xi32>
    %select_n3A_879 = arith.select %and3A_876, %broadcast_in_dim3A_878, %select_n3A_864 : vector<128x32xi1>, vector<128x32xi32>
    %add3A_880 = arith.addi %add3A_865, %and3A_871 : vector<128x32xi32>
    %shift_right_arithmetic3A_881 = arith.constant 4 : i32
    %shift_right_arithmetic3A_882 = vector.broadcast %shift_right_arithmetic3A_881 : i32 to vector<128x32xi32>
    %shift_right_arithmetic3A_883 = arith.shrsi %scan3A_100#5, %shift_right_arithmetic3A_882 : vector<128x32xi32>
    %and3A_884 = arith.constant 1 : i32
    %and3A_885 = vector.broadcast %and3A_884 : i32 to vector<128x32xi32>
    %and3A_886 = arith.andi %shift_right_arithmetic3A_883, %and3A_885 : vector<128x32xi32>
    %eq3A_887 = arith.constant 1 : i32
    %eq3A_888 = vector.broadcast %eq3A_887 : i32 to vector<128x32xi32>
    %eq3A_889 = arith.cmpi eq, %and3A_886, %eq3A_888 : vector<128x32xi32>
    %eq3A_890 = arith.cmpi eq, %add3A_880, %scan3A_100#1 : vector<128x32xi32>
    %and3A_891 = arith.andi %eq3A_889, %eq3A_890 : vector<128x32xi1>
    %jit3A_892 = arith.constant 52 : i32
    %broadcast_in_dim3A_893 = vector.broadcast %jit3A_892 : i32 to vector<128x32xi32>
    %select_n3A_894 = arith.select %and3A_891, %broadcast_in_dim3A_893, %select_n3A_879 : vector<128x32xi1>, vector<128x32xi32>
    %add3A_895 = arith.addi %add3A_880, %and3A_886 : vector<128x32xi32>
    %shift_right_arithmetic3A_896 = arith.constant 5 : i32
    %shift_right_arithmetic3A_897 = vector.broadcast %shift_right_arithmetic3A_896 : i32 to vector<128x32xi32>
    %shift_right_arithmetic3A_898 = arith.shrsi %scan3A_100#5, %shift_right_arithmetic3A_897 : vector<128x32xi32>
    %and3A_899 = arith.constant 1 : i32
    %and3A_900 = vector.broadcast %and3A_899 : i32 to vector<128x32xi32>
    %and3A_901 = arith.andi %shift_right_arithmetic3A_898, %and3A_900 : vector<128x32xi32>
    %eq3A_902 = arith.constant 1 : i32
    %eq3A_903 = vector.broadcast %eq3A_902 : i32 to vector<128x32xi32>
    %eq3A_904 = arith.cmpi eq, %and3A_901, %eq3A_903 : vector<128x32xi32>
    %eq3A_905 = arith.cmpi eq, %add3A_895, %scan3A_100#1 : vector<128x32xi32>
    %and3A_906 = arith.andi %eq3A_904, %eq3A_905 : vector<128x32xi1>
    %jit3A_907 = arith.constant 53 : i32
    %broadcast_in_dim3A_908 = vector.broadcast %jit3A_907 : i32 to vector<128x32xi32>
    %select_n3A_909 = arith.select %and3A_906, %broadcast_in_dim3A_908, %select_n3A_894 : vector<128x32xi1>, vector<128x32xi32>
    %add3A_910 = arith.addi %add3A_895, %and3A_901 : vector<128x32xi32>
    %shift_right_arithmetic3A_911 = arith.constant 6 : i32
    %shift_right_arithmetic3A_912 = vector.broadcast %shift_right_arithmetic3A_911 : i32 to vector<128x32xi32>
    %shift_right_arithmetic3A_913 = arith.shrsi %scan3A_100#5, %shift_right_arithmetic3A_912 : vector<128x32xi32>
    %and3A_914 = arith.constant 1 : i32
    %and3A_915 = vector.broadcast %and3A_914 : i32 to vector<128x32xi32>
    %and3A_916 = arith.andi %shift_right_arithmetic3A_913, %and3A_915 : vector<128x32xi32>
    %eq3A_917 = arith.constant 1 : i32
    %eq3A_918 = vector.broadcast %eq3A_917 : i32 to vector<128x32xi32>
    %eq3A_919 = arith.cmpi eq, %and3A_916, %eq3A_918 : vector<128x32xi32>
    %eq3A_920 = arith.cmpi eq, %add3A_910, %scan3A_100#1 : vector<128x32xi32>
    %and3A_921 = arith.andi %eq3A_919, %eq3A_920 : vector<128x32xi1>
    %jit3A_922 = arith.constant 54 : i32
    %broadcast_in_dim3A_923 = vector.broadcast %jit3A_922 : i32 to vector<128x32xi32>
    %select_n3A_924 = arith.select %and3A_921, %broadcast_in_dim3A_923, %select_n3A_909 : vector<128x32xi1>, vector<128x32xi32>
    %add3A_925 = arith.addi %add3A_910, %and3A_916 : vector<128x32xi32>
    %shift_right_arithmetic3A_926 = arith.constant 7 : i32
    %shift_right_arithmetic3A_927 = vector.broadcast %shift_right_arithmetic3A_926 : i32 to vector<128x32xi32>
    %shift_right_arithmetic3A_928 = arith.shrsi %scan3A_100#5, %shift_right_arithmetic3A_927 : vector<128x32xi32>
    %and3A_929 = arith.constant 1 : i32
    %and3A_930 = vector.broadcast %and3A_929 : i32 to vector<128x32xi32>
    %and3A_931 = arith.andi %shift_right_arithmetic3A_928, %and3A_930 : vector<128x32xi32>
    %eq3A_932 = arith.constant 1 : i32
    %eq3A_933 = vector.broadcast %eq3A_932 : i32 to vector<128x32xi32>
    %eq3A_934 = arith.cmpi eq, %and3A_931, %eq3A_933 : vector<128x32xi32>
    %eq3A_935 = arith.cmpi eq, %add3A_925, %scan3A_100#1 : vector<128x32xi32>
    %and3A_936 = arith.andi %eq3A_934, %eq3A_935 : vector<128x32xi1>
    %jit3A_937 = arith.constant 55 : i32
    %broadcast_in_dim3A_938 = vector.broadcast %jit3A_937 : i32 to vector<128x32xi32>
    %select_n3A_939 = arith.select %and3A_936, %broadcast_in_dim3A_938, %select_n3A_924 : vector<128x32xi1>, vector<128x32xi32>
    %add3A_940 = arith.addi %add3A_925, %and3A_931 : vector<128x32xi32>
    %shift_right_arithmetic3A_941 = arith.constant 8 : i32
    %shift_right_arithmetic3A_942 = vector.broadcast %shift_right_arithmetic3A_941 : i32 to vector<128x32xi32>
    %shift_right_arithmetic3A_943 = arith.shrsi %scan3A_100#5, %shift_right_arithmetic3A_942 : vector<128x32xi32>
    %and3A_944 = arith.constant 1 : i32
    %and3A_945 = vector.broadcast %and3A_944 : i32 to vector<128x32xi32>
    %and3A_946 = arith.andi %shift_right_arithmetic3A_943, %and3A_945 : vector<128x32xi32>
    %eq3A_947 = arith.constant 1 : i32
    %eq3A_948 = vector.broadcast %eq3A_947 : i32 to vector<128x32xi32>
    %eq3A_949 = arith.cmpi eq, %and3A_946, %eq3A_948 : vector<128x32xi32>
    %eq3A_950 = arith.cmpi eq, %add3A_940, %scan3A_100#1 : vector<128x32xi32>
    %and3A_951 = arith.andi %eq3A_949, %eq3A_950 : vector<128x32xi1>
    %jit3A_952 = arith.constant 56 : i32
    %broadcast_in_dim3A_953 = vector.broadcast %jit3A_952 : i32 to vector<128x32xi32>
    %select_n3A_954 = arith.select %and3A_951, %broadcast_in_dim3A_953, %select_n3A_939 : vector<128x32xi1>, vector<128x32xi32>
    %add3A_955 = arith.addi %add3A_940, %and3A_946 : vector<128x32xi32>
    %shift_right_arithmetic3A_956 = arith.constant 9 : i32
    %shift_right_arithmetic3A_957 = vector.broadcast %shift_right_arithmetic3A_956 : i32 to vector<128x32xi32>
    %shift_right_arithmetic3A_958 = arith.shrsi %scan3A_100#5, %shift_right_arithmetic3A_957 : vector<128x32xi32>
    %and3A_959 = arith.constant 1 : i32
    %and3A_960 = vector.broadcast %and3A_959 : i32 to vector<128x32xi32>
    %and3A_961 = arith.andi %shift_right_arithmetic3A_958, %and3A_960 : vector<128x32xi32>
    %eq3A_962 = arith.constant 1 : i32
    %eq3A_963 = vector.broadcast %eq3A_962 : i32 to vector<128x32xi32>
    %eq3A_964 = arith.cmpi eq, %and3A_961, %eq3A_963 : vector<128x32xi32>
    %eq3A_965 = arith.cmpi eq, %add3A_955, %scan3A_100#1 : vector<128x32xi32>
    %and3A_966 = arith.andi %eq3A_964, %eq3A_965 : vector<128x32xi1>
    %jit3A_967 = arith.constant 57 : i32
    %broadcast_in_dim3A_968 = vector.broadcast %jit3A_967 : i32 to vector<128x32xi32>
    %select_n3A_969 = arith.select %and3A_966, %broadcast_in_dim3A_968, %select_n3A_954 : vector<128x32xi1>, vector<128x32xi32>
    %add3A_970 = arith.addi %add3A_955, %and3A_961 : vector<128x32xi32>
    %shift_right_arithmetic3A_971 = arith.constant 10 : i32
    %shift_right_arithmetic3A_972 = vector.broadcast %shift_right_arithmetic3A_971 : i32 to vector<128x32xi32>
    %shift_right_arithmetic3A_973 = arith.shrsi %scan3A_100#5, %shift_right_arithmetic3A_972 : vector<128x32xi32>
    %and3A_974 = arith.constant 1 : i32
    %and3A_975 = vector.broadcast %and3A_974 : i32 to vector<128x32xi32>
    %and3A_976 = arith.andi %shift_right_arithmetic3A_973, %and3A_975 : vector<128x32xi32>
    %eq3A_977 = arith.constant 1 : i32
    %eq3A_978 = vector.broadcast %eq3A_977 : i32 to vector<128x32xi32>
    %eq3A_979 = arith.cmpi eq, %and3A_976, %eq3A_978 : vector<128x32xi32>
    %eq3A_980 = arith.cmpi eq, %add3A_970, %scan3A_100#1 : vector<128x32xi32>
    %and3A_981 = arith.andi %eq3A_979, %eq3A_980 : vector<128x32xi1>
    %jit3A_982 = arith.constant 58 : i32
    %broadcast_in_dim3A_983 = vector.broadcast %jit3A_982 : i32 to vector<128x32xi32>
    %select_n3A_984 = arith.select %and3A_981, %broadcast_in_dim3A_983, %select_n3A_969 : vector<128x32xi1>, vector<128x32xi32>
    %add3A_985 = arith.addi %add3A_970, %and3A_976 : vector<128x32xi32>
    %shift_right_arithmetic3A_986 = arith.constant 11 : i32
    %shift_right_arithmetic3A_987 = vector.broadcast %shift_right_arithmetic3A_986 : i32 to vector<128x32xi32>
    %shift_right_arithmetic3A_988 = arith.shrsi %scan3A_100#5, %shift_right_arithmetic3A_987 : vector<128x32xi32>
    %and3A_989 = arith.constant 1 : i32
    %and3A_990 = vector.broadcast %and3A_989 : i32 to vector<128x32xi32>
    %and3A_991 = arith.andi %shift_right_arithmetic3A_988, %and3A_990 : vector<128x32xi32>
    %eq3A_992 = arith.constant 1 : i32
    %eq3A_993 = vector.broadcast %eq3A_992 : i32 to vector<128x32xi32>
    %eq3A_994 = arith.cmpi eq, %and3A_991, %eq3A_993 : vector<128x32xi32>
    %eq3A_995 = arith.cmpi eq, %add3A_985, %scan3A_100#1 : vector<128x32xi32>
    %and3A_996 = arith.andi %eq3A_994, %eq3A_995 : vector<128x32xi1>
    %jit3A_997 = arith.constant 59 : i32
    %broadcast_in_dim3A_998 = vector.broadcast %jit3A_997 : i32 to vector<128x32xi32>
    %select_n3A_999 = arith.select %and3A_996, %broadcast_in_dim3A_998, %select_n3A_984 : vector<128x32xi1>, vector<128x32xi32>
    %add3A_1000 = arith.addi %add3A_985, %and3A_991 : vector<128x32xi32>
    %shift_right_arithmetic3A_1001 = arith.constant 12 : i32
    %shift_right_arithmetic3A_1002 = vector.broadcast %shift_right_arithmetic3A_1001 : i32 to vector<128x32xi32>
    %shift_right_arithmetic3A_1003 = arith.shrsi %scan3A_100#5, %shift_right_arithmetic3A_1002 : vector<128x32xi32>
    %and3A_1004 = arith.constant 1 : i32
    %and3A_1005 = vector.broadcast %and3A_1004 : i32 to vector<128x32xi32>
    %and3A_1006 = arith.andi %shift_right_arithmetic3A_1003, %and3A_1005 : vector<128x32xi32>
    %eq3A_1007 = arith.constant 1 : i32
    %eq3A_1008 = vector.broadcast %eq3A_1007 : i32 to vector<128x32xi32>
    %eq3A_1009 = arith.cmpi eq, %and3A_1006, %eq3A_1008 : vector<128x32xi32>
    %eq3A_1010 = arith.cmpi eq, %add3A_1000, %scan3A_100#1 : vector<128x32xi32>
    %and3A_1011 = arith.andi %eq3A_1009, %eq3A_1010 : vector<128x32xi1>
    %jit3A_1012 = arith.constant 60 : i32
    %broadcast_in_dim3A_1013 = vector.broadcast %jit3A_1012 : i32 to vector<128x32xi32>
    %select_n3A_1014 = arith.select %and3A_1011, %broadcast_in_dim3A_1013, %select_n3A_999 : vector<128x32xi1>, vector<128x32xi32>
    %add3A_1015 = arith.addi %add3A_1000, %and3A_1006 : vector<128x32xi32>
    %shift_right_arithmetic3A_1016 = arith.constant 13 : i32
    %shift_right_arithmetic3A_1017 = vector.broadcast %shift_right_arithmetic3A_1016 : i32 to vector<128x32xi32>
    %shift_right_arithmetic3A_1018 = arith.shrsi %scan3A_100#5, %shift_right_arithmetic3A_1017 : vector<128x32xi32>
    %and3A_1019 = arith.constant 1 : i32
    %and3A_1020 = vector.broadcast %and3A_1019 : i32 to vector<128x32xi32>
    %and3A_1021 = arith.andi %shift_right_arithmetic3A_1018, %and3A_1020 : vector<128x32xi32>
    %eq3A_1022 = arith.constant 1 : i32
    %eq3A_1023 = vector.broadcast %eq3A_1022 : i32 to vector<128x32xi32>
    %eq3A_1024 = arith.cmpi eq, %and3A_1021, %eq3A_1023 : vector<128x32xi32>
    %eq3A_1025 = arith.cmpi eq, %add3A_1015, %scan3A_100#1 : vector<128x32xi32>
    %and3A_1026 = arith.andi %eq3A_1024, %eq3A_1025 : vector<128x32xi1>
    %jit3A_1027 = arith.constant 61 : i32
    %broadcast_in_dim3A_1028 = vector.broadcast %jit3A_1027 : i32 to vector<128x32xi32>
    %select_n3A_1029 = arith.select %and3A_1026, %broadcast_in_dim3A_1028, %select_n3A_1014 : vector<128x32xi1>, vector<128x32xi32>
    %add3A_1030 = arith.addi %add3A_1015, %and3A_1021 : vector<128x32xi32>
    %shift_right_arithmetic3A_1031 = arith.constant 14 : i32
    %shift_right_arithmetic3A_1032 = vector.broadcast %shift_right_arithmetic3A_1031 : i32 to vector<128x32xi32>
    %shift_right_arithmetic3A_1033 = arith.shrsi %scan3A_100#5, %shift_right_arithmetic3A_1032 : vector<128x32xi32>
    %and3A_1034 = arith.constant 1 : i32
    %and3A_1035 = vector.broadcast %and3A_1034 : i32 to vector<128x32xi32>
    %and3A_1036 = arith.andi %shift_right_arithmetic3A_1033, %and3A_1035 : vector<128x32xi32>
    %eq3A_1037 = arith.constant 1 : i32
    %eq3A_1038 = vector.broadcast %eq3A_1037 : i32 to vector<128x32xi32>
    %eq3A_1039 = arith.cmpi eq, %and3A_1036, %eq3A_1038 : vector<128x32xi32>
    %eq3A_1040 = arith.cmpi eq, %add3A_1030, %scan3A_100#1 : vector<128x32xi32>
    %and3A_1041 = arith.andi %eq3A_1039, %eq3A_1040 : vector<128x32xi1>
    %jit3A_1042 = arith.constant 62 : i32
    %broadcast_in_dim3A_1043 = vector.broadcast %jit3A_1042 : i32 to vector<128x32xi32>
    %select_n3A_1044 = arith.select %and3A_1041, %broadcast_in_dim3A_1043, %select_n3A_1029 : vector<128x32xi1>, vector<128x32xi32>
    %add3A_1045 = arith.addi %add3A_1030, %and3A_1036 : vector<128x32xi32>
    %shift_right_arithmetic3A_1046 = arith.constant 15 : i32
    %shift_right_arithmetic3A_1047 = vector.broadcast %shift_right_arithmetic3A_1046 : i32 to vector<128x32xi32>
    %shift_right_arithmetic3A_1048 = arith.shrsi %scan3A_100#5, %shift_right_arithmetic3A_1047 : vector<128x32xi32>
    %and3A_1049 = arith.constant 1 : i32
    %and3A_1050 = vector.broadcast %and3A_1049 : i32 to vector<128x32xi32>
    %and3A_1051 = arith.andi %shift_right_arithmetic3A_1048, %and3A_1050 : vector<128x32xi32>
    %eq3A_1052 = arith.constant 1 : i32
    %eq3A_1053 = vector.broadcast %eq3A_1052 : i32 to vector<128x32xi32>
    %eq3A_1054 = arith.cmpi eq, %and3A_1051, %eq3A_1053 : vector<128x32xi32>
    %eq3A_1055 = arith.cmpi eq, %add3A_1045, %scan3A_100#1 : vector<128x32xi32>
    %and3A_1056 = arith.andi %eq3A_1054, %eq3A_1055 : vector<128x32xi1>
    %jit3A_1057 = arith.constant 63 : i32
    %broadcast_in_dim3A_1058 = vector.broadcast %jit3A_1057 : i32 to vector<128x32xi32>
    %select_n3A_1059 = arith.select %and3A_1056, %broadcast_in_dim3A_1058, %select_n3A_1044 : vector<128x32xi1>, vector<128x32xi32>
    %mul3A_1060 = arith.constant 64 : i32
    %mul3A_1061 = vector.broadcast %mul3A_1060 : i32 to vector<128x32xi32>
    %mul3A_1062 = arith.muli %scan3A_100#0, %mul3A_1061 : vector<128x32xi32>
    %add3A_1063 = arith.addi %mul3A_1062, %select_n3A_1059 : vector<128x32xi32>
    %slice3A_1064 = vector.extract_strided_slice %add3A_1063 {offsets = [0, 0], sizes = [128, 1], strides = [1, 1]} : vector<128x32xi32> to vector<128x1xi32>
    %lt3A = vector.broadcast %slice3A_85 : vector<128x1xi32> to vector<128x32xi32>
    %lt3A_1065 = arith.cmpi slt, %iota3A_94, %lt3A : vector<128x32xi32>
    %broadcast_in_dim3A_1066 = vector.shape_cast %slice3A_1064 : vector<128x1xi32> to vector<128x1xi32>
    %broadcast_in_dim3A_1067 = vector.broadcast %broadcast_in_dim3A_1066 : vector<128x1xi32> to vector<128x32xi32>
    %select_n3A_1068 = arith.select %lt3A_1065, %add3A_1063, %broadcast_in_dim3A_1067 : vector<128x32xi1>, vector<128x32xi32>
    %swap3A = arith.constant 0 : index
    %swap3A_1069 = arith.constant 0 : index
    %swap3A_1070 = arith.constant 0 : index
    %swap3A_1071 = vector.load %arg9[%swap3A, %swap3A_1069, %swap3A_1070] : memref<1x128x32xi32, #tpu.memory_space<vmem>>, vector<1x128x32xi32>
    %swap3A_1072 = vector.shape_cast %swap3A_1071 : vector<1x128x32xi32> to vector<128x32xi32>
    %swap3A_1073 = vector.shape_cast %select_n3A_1068 : vector<128x32xi32> to vector<1x128x32xi32>
    tpu.vector_store %arg9[%swap3A, %swap3A_1069, %swap3A_1070], %swap3A_1073 {strides = array<i32>} : memref<1x128x32xi32, #tpu.memory_space<vmem>>, vector<1x128x32xi32>,
    return
  }
  func.func @transform_0(%arg0: i32, %arg1: i32) -> (i32, i32, i32) {
    %c0_i32 = arith.constant 0 : i32
    %c0_i32_0 = arith.constant 0 : i32
    %c0_i32_1 = arith.constant 0 : i32
    return %arg0, %c0_i32, %c0_i32_0 : i32, i32, i32
  }
  func.func @transform_1(%arg0: i32, %arg1: i32) -> (i32, i32, i32) {
    %c0_i32 = arith.constant 0 : i32
    %c0_i32_0 = arith.constant 0 : i32
    %c0_i32_1 = arith.constant 0 : i32
    return %arg0, %c0_i32, %c0_i32_0 : i32, i32, i32
  }
  func.func @transform_2(%arg0: i32, %arg1: i32) -> (i32, i32, i32) {
    %c0_i32 = arith.constant 0 : i32
    %c0_i32_0 = arith.constant 0 : i32
    %c0_i32_1 = arith.constant 0 : i32
    return %arg0, %c0_i32, %c0_i32_0 : i32, i32, i32
  }
  func.func @transform_3(%arg0: i32, %arg1: i32) -> (i32, i32, i32) {
    %c0_i32 = arith.constant 0 : i32
    %c0_i32_0 = arith.constant 0 : i32
    return %arg0, %c0_i32, %arg1 : i32, i32, i32
  }
  func.func @transform_4(%arg0: i32, %arg1: i32) -> (i32, i32, i32) {
    %c0_i32 = arith.constant 0 : i32
    %c0_i32_0 = arith.constant 0 : i32
    return %arg0, %c0_i32, %arg1 : i32, i32, i32
  }
  func.func @transform_5(%arg0: i32, %arg1: i32) -> (i32, i32, i32) {
    %c0_i32 = arith.constant 0 : i32
    %c0_i32_0 = arith.constant 0 : i32
    return %arg0, %c0_i32, %arg1 : i32, i32, i32
  }
  func.func @transform_6(%arg0: i32, %arg1: i32) -> (i32, i32) {
    %c0_i32 = arith.constant 0 : i32
    %c0_i32_0 = arith.constant 0 : i32
    %c0_i32_1 = arith.constant 0 : i32
    return %c0_i32, %c0_i32_0 : i32, i32
  }
  func.func @transform_7(%arg0: i32, %arg1: i32) -> (i32, i32, i32) {
    %c0_i32 = arith.constant 0 : i32
    %c0_i32_0 = arith.constant 0 : i32
    return %arg0, %arg1, %c0_i32 : i32, i32, i32
  }
}

module attributes {stable_mosaic.version = 14 : i64} {
  func.func @_ballq_body(%arg0: i32, %arg1: i32, %arg2: memref<1x1x512xf32, #tpu.memory_space<vmem>>, %arg3: memref<1x1x512xf32, #tpu.memory_space<vmem>>, %arg4: memref<1x1x512xf32, #tpu.memory_space<vmem>>, %arg5: memref<1x1x128xf32, #tpu.memory_space<vmem>>, %arg6: memref<1x1x128xf32, #tpu.memory_space<vmem>>, %arg7: memref<1x1x128xf32, #tpu.memory_space<vmem>>, %arg8: memref<512x40xbf16, #tpu.memory_space<vmem>>, %arg9: memref<1x128x64xi32, #tpu.memory_space<vmem>>) attributes {dimension_semantics = [#tpu.dimension_semantics<arbitrary>, #tpu.dimension_semantics<arbitrary>], iteration_bounds = array<i64: 16, 1>, scalar_prefetch = 0 : i64, scratch_operands = 0 : i64, tpu.core_type = #tpu.core_type<tc>, window_params = [{transform_indices = @transform_0, window_bounds = array<i64: 1, 1, 512>}, {transform_indices = @transform_1, window_bounds = array<i64: 1, 1, 512>}, {transform_indices = @transform_2, window_bounds = array<i64: 1, 1, 512>}, {transform_indices = @transform_3, window_bounds = array<i64: 1, 1, 128>}, {transform_indices = @transform_4, window_bounds = array<i64: 1, 1, 128>}, {transform_indices = @transform_5, window_bounds = array<i64: 1, 1, 128>}, {pipeline_mode = #tpu.pipeline_mode<synchronous>, transform_indices = @transform_6, window_bounds = array<i64: 512, 40>}, {transform_indices = @transform_7, window_bounds = array<i64: 1, 128, 64>}]} {
    %get3A = arith.constant 0 : index
    %get3A_0 = arith.constant 0 : index
    %get3A_1 = arith.constant 0 : index
    %get3A_2 = vector.load %arg5[%get3A, %get3A_0, %get3A_1] : memref<1x1x128xf32, #tpu.memory_space<vmem>>, vector<1x1x128xf32>
    %get3A_3 = vector.shape_cast %get3A_2 : vector<1x1x128xf32> to vector<128xf32>
    %broadcast_in_dim3A = vector.shape_cast %get3A_3 : vector<128xf32> to vector<128x1xf32>
    %get3A_4 = arith.constant 0 : index
    %get3A_5 = arith.constant 0 : index
    %get3A_6 = arith.constant 0 : index
    %get3A_7 = vector.load %arg2[%get3A_4, %get3A_5, %get3A_6] : memref<1x1x512xf32, #tpu.memory_space<vmem>>, vector<1x1x512xf32>
    %get3A_8 = vector.shape_cast %get3A_7 : vector<1x1x512xf32> to vector<512xf32>
    %broadcast_in_dim3A_9 = vector.shape_cast %get3A_8 : vector<512xf32> to vector<1x512xf32>
    %sub3A = vector.broadcast %broadcast_in_dim3A : vector<128x1xf32> to vector<128x512xf32>
    %sub3A_10 = vector.broadcast %broadcast_in_dim3A_9 : vector<1x512xf32> to vector<128x512xf32>
    %sub3A_11 = arith.subf %sub3A, %sub3A_10 : vector<128x512xf32>
    %get3A_12 = arith.constant 0 : index
    %get3A_13 = arith.constant 0 : index
    %get3A_14 = arith.constant 0 : index
    %get3A_15 = vector.load %arg6[%get3A_12, %get3A_13, %get3A_14] : memref<1x1x128xf32, #tpu.memory_space<vmem>>, vector<1x1x128xf32>
    %get3A_16 = vector.shape_cast %get3A_15 : vector<1x1x128xf32> to vector<128xf32>
    %broadcast_in_dim3A_17 = vector.shape_cast %get3A_16 : vector<128xf32> to vector<128x1xf32>
    %get3A_18 = arith.constant 0 : index
    %get3A_19 = arith.constant 0 : index
    %get3A_20 = arith.constant 0 : index
    %get3A_21 = vector.load %arg3[%get3A_18, %get3A_19, %get3A_20] : memref<1x1x512xf32, #tpu.memory_space<vmem>>, vector<1x1x512xf32>
    %get3A_22 = vector.shape_cast %get3A_21 : vector<1x1x512xf32> to vector<512xf32>
    %broadcast_in_dim3A_23 = vector.shape_cast %get3A_22 : vector<512xf32> to vector<1x512xf32>
    %sub3A_24 = vector.broadcast %broadcast_in_dim3A_17 : vector<128x1xf32> to vector<128x512xf32>
    %sub3A_25 = vector.broadcast %broadcast_in_dim3A_23 : vector<1x512xf32> to vector<128x512xf32>
    %sub3A_26 = arith.subf %sub3A_24, %sub3A_25 : vector<128x512xf32>
    %get3A_27 = arith.constant 0 : index
    %get3A_28 = arith.constant 0 : index
    %get3A_29 = arith.constant 0 : index
    %get3A_30 = vector.load %arg7[%get3A_27, %get3A_28, %get3A_29] : memref<1x1x128xf32, #tpu.memory_space<vmem>>, vector<1x1x128xf32>
    %get3A_31 = vector.shape_cast %get3A_30 : vector<1x1x128xf32> to vector<128xf32>
    %broadcast_in_dim3A_32 = vector.shape_cast %get3A_31 : vector<128xf32> to vector<128x1xf32>
    %get3A_33 = arith.constant 0 : index
    %get3A_34 = arith.constant 0 : index
    %get3A_35 = arith.constant 0 : index
    %get3A_36 = vector.load %arg4[%get3A_33, %get3A_34, %get3A_35] : memref<1x1x512xf32, #tpu.memory_space<vmem>>, vector<1x1x512xf32>
    %get3A_37 = vector.shape_cast %get3A_36 : vector<1x1x512xf32> to vector<512xf32>
    %broadcast_in_dim3A_38 = vector.shape_cast %get3A_37 : vector<512xf32> to vector<1x512xf32>
    %sub3A_39 = vector.broadcast %broadcast_in_dim3A_32 : vector<128x1xf32> to vector<128x512xf32>
    %sub3A_40 = vector.broadcast %broadcast_in_dim3A_38 : vector<1x512xf32> to vector<128x512xf32>
    %sub3A_41 = arith.subf %sub3A_39, %sub3A_40 : vector<128x512xf32>
    %mul3A = arith.mulf %sub3A_11, %sub3A_11 : vector<128x512xf32>
    %mul3A_42 = arith.mulf %sub3A_26, %sub3A_26 : vector<128x512xf32>
    %add3A = arith.addf %mul3A, %mul3A_42 : vector<128x512xf32>
    %mul3A_43 = arith.mulf %sub3A_41, %sub3A_41 : vector<128x512xf32>
    %add3A_44 = arith.addf %add3A, %mul3A_43 : vector<128x512xf32>
    %le3A = arith.constant 1.600000e-01 : f32
    %le3A_45 = vector.broadcast %le3A : f32 to vector<128x512xf32>
    %le3A_46 = arith.cmpf ole, %add3A_44, %le3A_45 : vector<128x512xf32>
    %convert_element_type3A = arith.extui %le3A_46 : vector<128x512xi1> to vector<128x512xi32>
    %convert_element_type3A_47 = arith.sitofp %convert_element_type3A : vector<128x512xi32> to vector<128x512xf32>
    %convert_element_type3A_48 = arith.truncf %convert_element_type3A_47 : vector<128x512xf32> to vector<128x512xbf16>
    %get3A_49 = arith.constant 0 : index
    %get3A_50 = arith.constant 0 : index
    %get3A_51 = vector.load %arg8[%get3A_49, %get3A_50] : memref<512x40xbf16, #tpu.memory_space<vmem>>, vector<512x40xbf16>
    %dot_general3A = arith.constant dense<0.000000e+00> : vector<128x40xf32>
    %dot_general3A_52 = tpu.matmul %convert_element_type3A_48, %get3A_51, %dot_general3A {dimension_numbers = #tpu.dot_dimension_numbers<[1], [0], [0], [1], [0, 0, 1, 1], [], []>, transpose_lhs_hint = false} : vector<128x512xbf16>, vector<512x40xbf16>, vector<128x40xf32> -> vector<128x40xf32>
    %slice3A = vector.extract_strided_slice %dot_general3A_52 {offsets = [0, 0], sizes = [128, 8], strides = [1, 1]} : vector<128x40xf32> to vector<128x8xf32>
    %broadcast_in_dim3A_53 = arith.constant 0.000000e+00 : f32
    %broadcast_in_dim3A_54 = vector.broadcast %broadcast_in_dim3A_53 : f32 to vector<128x1xf32>
    %slice3A_55 = vector.extract_strided_slice %slice3A {offsets = [0, 0], sizes = [128, 7], strides = [1, 1]} : vector<128x8xf32> to vector<128x7xf32>
    %concatenate3A = tpu.concatenate %broadcast_in_dim3A_54, %slice3A_55 in 1 : vector<128x1xf32>, vector<128x7xf32> -> vector<128x8xf32>
    %add3A_56 = arith.addf %slice3A, %concatenate3A : vector<128x8xf32>
    %broadcast_in_dim3A_57 = arith.constant 0.000000e+00 : f32
    %broadcast_in_dim3A_58 = vector.broadcast %broadcast_in_dim3A_57 : f32 to vector<128x2xf32>
    %slice3A_59 = vector.extract_strided_slice %add3A_56 {offsets = [0, 0], sizes = [128, 6], strides = [1, 1]} : vector<128x8xf32> to vector<128x6xf32>
    %concatenate3A_60 = tpu.concatenate %broadcast_in_dim3A_58, %slice3A_59 in 1 : vector<128x2xf32>, vector<128x6xf32> -> vector<128x8xf32>
    %add3A_61 = arith.addf %add3A_56, %concatenate3A_60 : vector<128x8xf32>
    %broadcast_in_dim3A_62 = arith.constant 0.000000e+00 : f32
    %broadcast_in_dim3A_63 = vector.broadcast %broadcast_in_dim3A_62 : f32 to vector<128x4xf32>
    %slice3A_64 = vector.extract_strided_slice %add3A_61 {offsets = [0, 0], sizes = [128, 4], strides = [1, 1]} : vector<128x8xf32> to vector<128x4xf32>
    %concatenate3A_65 = tpu.concatenate %broadcast_in_dim3A_63, %slice3A_64 in 1 : vector<128x4xf32>, vector<128x4xf32> -> vector<128x8xf32>
    %add3A_66 = arith.addf %add3A_61, %concatenate3A_65 : vector<128x8xf32>
    %sub3A_67 = arith.subf %add3A_66, %slice3A : vector<128x8xf32>
    %convert_element_type3A_68 = arith.fptosi %sub3A_67 : vector<128x8xf32> to vector<128x8xi32>
    %convert_element_type3A_69 = arith.fptosi %add3A_66 : vector<128x8xf32> to vector<128x8xi32>
    %slice3A_70 = vector.extract_strided_slice %convert_element_type3A_69 {offsets = [0, 7], sizes = [128, 1], strides = [1, 1]} : vector<128x8xi32> to vector<128x1xi32>
    %slice3A_71 = vector.extract_strided_slice %dot_general3A_52 {offsets = [0, 8], sizes = [128, 8], strides = [1, 1]} : vector<128x40xf32> to vector<128x8xf32>
    %convert_element_type3A_72 = arith.fptosi %slice3A_71 : vector<128x8xf32> to vector<128x8xi32>
    %slice3A_73 = vector.extract_strided_slice %dot_general3A_52 {offsets = [0, 16], sizes = [128, 8], strides = [1, 1]} : vector<128x40xf32> to vector<128x8xf32>
    %convert_element_type3A_74 = arith.fptosi %slice3A_73 : vector<128x8xf32> to vector<128x8xi32>
    %slice3A_75 = vector.extract_strided_slice %dot_general3A_52 {offsets = [0, 24], sizes = [128, 8], strides = [1, 1]} : vector<128x40xf32> to vector<128x8xf32>
    %convert_element_type3A_76 = arith.fptosi %slice3A_75 : vector<128x8xf32> to vector<128x8xi32>
    %slice3A_77 = vector.extract_strided_slice %dot_general3A_52 {offsets = [0, 32], sizes = [128, 8], strides = [1, 1]} : vector<128x40xf32> to vector<128x8xf32>
    %convert_element_type3A_78 = arith.fptosi %slice3A_77 : vector<128x8xf32> to vector<128x8xi32>
    %iota3A = tpu.iota {dimensions = array<i32: 1>} : vector<128x8xi32>
    %iota3A_79 = tpu.iota {dimensions = array<i32: 1>} : vector<128x64xi32>
    %broadcast_in_dim3A_80 = arith.constant 0 : i32
    %broadcast_in_dim3A_81 = vector.broadcast %broadcast_in_dim3A_80 : i32 to vector<128x64xi32>
    %scan3A = arith.constant 0 : i32
    %scan3A_82 = arith.constant 64 : i32
    %scan3A_83 = arith.addi %scan3A, %scan3A_82 : i32
    %scan3A_84 = arith.constant 1 : i32
    %scan3A_85:6 = scf.for %scan3A_1059 = %scan3A to %scan3A_83 step %scan3A_84 iter_args(%scan3A_1060 = %broadcast_in_dim3A_81, %scan3A_1061 = %broadcast_in_dim3A_81, %scan3A_1062 = %broadcast_in_dim3A_81, %scan3A_1063 = %broadcast_in_dim3A_81, %scan3A_1064 = %broadcast_in_dim3A_81, %scan3A_1065 = %broadcast_in_dim3A_81) -> (vector<128x64xi32>, vector<128x64xi32>, vector<128x64xi32>, vector<128x64xi32>, vector<128x64xi32>, vector<128x64xi32>)  : i32 {
      %le3A_1066 = vector.broadcast %scan3A_1059 : i32 to vector<128x8xi32>
      %le3A_1067 = arith.cmpi sle, %convert_element_type3A_69, %le3A_1066 : vector<128x8xi32>
      %convert_element_type3A_1068 = arith.extui %le3A_1067 : vector<128x8xi1> to vector<128x8xi32>
      %reduce_sum3A = arith.constant dense<0> : vector<128xi32>
      %reduce_sum3A_1069 = vector.multi_reduction <add>, %convert_element_type3A_1068, %reduce_sum3A [1] : vector<128x8xi32> to vector<128xi32>
      %broadcast_in_dim3A_1070 = vector.shape_cast %reduce_sum3A_1069 : vector<128xi32> to vector<128x1xi32>
      %eq3A_1071 = vector.broadcast %broadcast_in_dim3A_1070 : vector<128x1xi32> to vector<128x8xi32>
      %eq3A_1072 = arith.cmpi eq, %iota3A, %eq3A_1071 : vector<128x8xi32>
      %jit3A_1073 = arith.constant 0 : i32
      %broadcast_in_dim3A_1074 = vector.broadcast %jit3A_1073 : i32 to vector<128x8xi32>
      %select_n3A_1075 = arith.select %eq3A_1072, %convert_element_type3A_68, %broadcast_in_dim3A_1074 : vector<128x8xi1>, vector<128x8xi32>
      %reduce_sum3A_1076 = arith.constant dense<0> : vector<128xi32>
      %reduce_sum3A_1077 = vector.multi_reduction <add>, %select_n3A_1075, %reduce_sum3A_1076 [1] : vector<128x8xi32> to vector<128xi32>
      %broadcast_in_dim3A_1078 = vector.shape_cast %reduce_sum3A_1077 : vector<128xi32> to vector<128x1xi32>
      %sub3A_1079 = vector.broadcast %scan3A_1059 : i32 to vector<128x1xi32>
      %sub3A_1080 = arith.subi %sub3A_1079, %broadcast_in_dim3A_1078 : vector<128x1xi32>
      %jit3A_1081 = arith.constant 0 : i32
      %broadcast_in_dim3A_1082 = vector.broadcast %jit3A_1081 : i32 to vector<128x8xi32>
      %select_n3A_1083 = arith.select %eq3A_1072, %convert_element_type3A_72, %broadcast_in_dim3A_1082 : vector<128x8xi1>, vector<128x8xi32>
      %reduce_sum3A_1084 = arith.constant dense<0> : vector<128xi32>
      %reduce_sum3A_1085 = vector.multi_reduction <add>, %select_n3A_1083, %reduce_sum3A_1084 [1] : vector<128x8xi32> to vector<128xi32>
      %broadcast_in_dim3A_1086 = vector.shape_cast %reduce_sum3A_1085 : vector<128xi32> to vector<128x1xi32>
      %jit3A_1087 = arith.constant 0 : i32
      %broadcast_in_dim3A_1088 = vector.broadcast %jit3A_1087 : i32 to vector<128x8xi32>
      %select_n3A_1089 = arith.select %eq3A_1072, %convert_element_type3A_74, %broadcast_in_dim3A_1088 : vector<128x8xi1>, vector<128x8xi32>
      %reduce_sum3A_1090 = arith.constant dense<0> : vector<128xi32>
      %reduce_sum3A_1091 = vector.multi_reduction <add>, %select_n3A_1089, %reduce_sum3A_1090 [1] : vector<128x8xi32> to vector<128xi32>
      %broadcast_in_dim3A_1092 = vector.shape_cast %reduce_sum3A_1091 : vector<128xi32> to vector<128x1xi32>
      %jit3A_1093 = arith.constant 0 : i32
      %broadcast_in_dim3A_1094 = vector.broadcast %jit3A_1093 : i32 to vector<128x8xi32>
      %select_n3A_1095 = arith.select %eq3A_1072, %convert_element_type3A_76, %broadcast_in_dim3A_1094 : vector<128x8xi1>, vector<128x8xi32>
      %reduce_sum3A_1096 = arith.constant dense<0> : vector<128xi32>
      %reduce_sum3A_1097 = vector.multi_reduction <add>, %select_n3A_1095, %reduce_sum3A_1096 [1] : vector<128x8xi32> to vector<128xi32>
      %broadcast_in_dim3A_1098 = vector.shape_cast %reduce_sum3A_1097 : vector<128xi32> to vector<128x1xi32>
      %jit3A_1099 = arith.constant 0 : i32
      %broadcast_in_dim3A_1100 = vector.broadcast %jit3A_1099 : i32 to vector<128x8xi32>
      %select_n3A_1101 = arith.select %eq3A_1072, %convert_element_type3A_78, %broadcast_in_dim3A_1100 : vector<128x8xi1>, vector<128x8xi32>
      %reduce_sum3A_1102 = arith.constant dense<0> : vector<128xi32>
      %reduce_sum3A_1103 = vector.multi_reduction <add>, %select_n3A_1101, %reduce_sum3A_1102 [1] : vector<128x8xi32> to vector<128xi32>
      %broadcast_in_dim3A_1104 = vector.shape_cast %reduce_sum3A_1103 : vector<128xi32> to vector<128x1xi32>
      %eq3A_1105 = vector.broadcast %scan3A_1059 : i32 to vector<128x64xi32>
      %eq3A_1106 = arith.cmpi eq, %iota3A_79, %eq3A_1105 : vector<128x64xi32>
      %broadcast_in_dim3A_1107 = vector.shape_cast %broadcast_in_dim3A_1070 : vector<128x1xi32> to vector<128x1xi32>
      %broadcast_in_dim3A_1108 = vector.broadcast %broadcast_in_dim3A_1107 : vector<128x1xi32> to vector<128x64xi32>
      %select_n3A_1109 = arith.select %eq3A_1106, %broadcast_in_dim3A_1108, %scan3A_1060 : vector<128x64xi1>, vector<128x64xi32>
      %broadcast_in_dim3A_1110 = vector.shape_cast %sub3A_1080 : vector<128x1xi32> to vector<128x1xi32>
      %broadcast_in_dim3A_1111 = vector.broadcast %broadcast_in_dim3A_1110 : vector<128x1xi32> to vector<128x64xi32>
      %select_n3A_1112 = arith.select %eq3A_1106, %broadcast_in_dim3A_1111, %scan3A_1061 : vector<128x64xi1>, vector<128x64xi32>
      %broadcast_in_dim3A_1113 = vector.shape_cast %broadcast_in_dim3A_1086 : vector<128x1xi32> to vector<128x1xi32>
      %broadcast_in_dim3A_1114 = vector.broadcast %broadcast_in_dim3A_1113 : vector<128x1xi32> to vector<128x64xi32>
      %select_n3A_1115 = arith.select %eq3A_1106, %broadcast_in_dim3A_1114, %scan3A_1062 : vector<128x64xi1>, vector<128x64xi32>
      %broadcast_in_dim3A_1116 = vector.shape_cast %broadcast_in_dim3A_1092 : vector<128x1xi32> to vector<128x1xi32>
      %broadcast_in_dim3A_1117 = vector.broadcast %broadcast_in_dim3A_1116 : vector<128x1xi32> to vector<128x64xi32>
      %select_n3A_1118 = arith.select %eq3A_1106, %broadcast_in_dim3A_1117, %scan3A_1063 : vector<128x64xi1>, vector<128x64xi32>
      %broadcast_in_dim3A_1119 = vector.shape_cast %broadcast_in_dim3A_1098 : vector<128x1xi32> to vector<128x1xi32>
      %broadcast_in_dim3A_1120 = vector.broadcast %broadcast_in_dim3A_1119 : vector<128x1xi32> to vector<128x64xi32>
      %select_n3A_1121 = arith.select %eq3A_1106, %broadcast_in_dim3A_1120, %scan3A_1064 : vector<128x64xi1>, vector<128x64xi32>
      %broadcast_in_dim3A_1122 = vector.shape_cast %broadcast_in_dim3A_1104 : vector<128x1xi32> to vector<128x1xi32>
      %broadcast_in_dim3A_1123 = vector.broadcast %broadcast_in_dim3A_1122 : vector<128x1xi32> to vector<128x64xi32>
      %select_n3A_1124 = arith.select %eq3A_1106, %broadcast_in_dim3A_1123, %scan3A_1065 : vector<128x64xi1>, vector<128x64xi32>
      scf.yield %select_n3A_1109, %select_n3A_1112, %select_n3A_1115, %select_n3A_1118, %select_n3A_1121, %select_n3A_1124 : vector<128x64xi32>, vector<128x64xi32>, vector<128x64xi32>, vector<128x64xi32>, vector<128x64xi32>, vector<128x64xi32>
    }
    %scan3A_86 = arith.constant 64 : i32
    %broadcast_in_dim3A_87 = arith.constant 0 : i32
    %broadcast_in_dim3A_88 = vector.broadcast %broadcast_in_dim3A_87 : i32 to vector<128x64xi32>
    %broadcast_in_dim3A_89 = arith.constant 0 : i32
    %broadcast_in_dim3A_90 = vector.broadcast %broadcast_in_dim3A_89 : i32 to vector<128x64xi32>
    %shift_right_arithmetic3A = arith.constant 0 : i32
    %shift_right_arithmetic3A_91 = vector.broadcast %shift_right_arithmetic3A : i32 to vector<128x64xi32>
    %shift_right_arithmetic3A_92 = arith.shrsi %scan3A_85#2, %shift_right_arithmetic3A_91 : vector<128x64xi32>
    %and3A = arith.constant 1 : i32
    %and3A_93 = vector.broadcast %and3A : i32 to vector<128x64xi32>
    %and3A_94 = arith.andi %shift_right_arithmetic3A_92, %and3A_93 : vector<128x64xi32>
    %eq3A = arith.constant 1 : i32
    %eq3A_95 = vector.broadcast %eq3A : i32 to vector<128x64xi32>
    %eq3A_96 = arith.cmpi eq, %and3A_94, %eq3A_95 : vector<128x64xi32>
    %eq3A_97 = arith.cmpi eq, %broadcast_in_dim3A_88, %scan3A_85#1 : vector<128x64xi32>
    %and3A_98 = arith.andi %eq3A_96, %eq3A_97 : vector<128x64xi1>
    %jit3A = arith.constant 0 : i32
    %broadcast_in_dim3A_99 = vector.broadcast %jit3A : i32 to vector<128x64xi32>
    %select_n3A = arith.select %and3A_98, %broadcast_in_dim3A_99, %broadcast_in_dim3A_90 : vector<128x64xi1>, vector<128x64xi32>
    %add3A_100 = arith.addi %broadcast_in_dim3A_88, %and3A_94 : vector<128x64xi32>
    %shift_right_arithmetic3A_101 = arith.constant 1 : i32
    %shift_right_arithmetic3A_102 = vector.broadcast %shift_right_arithmetic3A_101 : i32 to vector<128x64xi32>
    %shift_right_arithmetic3A_103 = arith.shrsi %scan3A_85#2, %shift_right_arithmetic3A_102 : vector<128x64xi32>
    %and3A_104 = arith.constant 1 : i32
    %and3A_105 = vector.broadcast %and3A_104 : i32 to vector<128x64xi32>
    %and3A_106 = arith.andi %shift_right_arithmetic3A_103, %and3A_105 : vector<128x64xi32>
    %eq3A_107 = arith.constant 1 : i32
    %eq3A_108 = vector.broadcast %eq3A_107 : i32 to vector<128x64xi32>
    %eq3A_109 = arith.cmpi eq, %and3A_106, %eq3A_108 : vector<128x64xi32>
    %eq3A_110 = arith.cmpi eq, %add3A_100, %scan3A_85#1 : vector<128x64xi32>
    %and3A_111 = arith.andi %eq3A_109, %eq3A_110 : vector<128x64xi1>
    %jit3A_112 = arith.constant 1 : i32
    %broadcast_in_dim3A_113 = vector.broadcast %jit3A_112 : i32 to vector<128x64xi32>
    %select_n3A_114 = arith.select %and3A_111, %broadcast_in_dim3A_113, %select_n3A : vector<128x64xi1>, vector<128x64xi32>
    %add3A_115 = arith.addi %add3A_100, %and3A_106 : vector<128x64xi32>
    %shift_right_arithmetic3A_116 = arith.constant 2 : i32
    %shift_right_arithmetic3A_117 = vector.broadcast %shift_right_arithmetic3A_116 : i32 to vector<128x64xi32>
    %shift_right_arithmetic3A_118 = arith.shrsi %scan3A_85#2, %shift_right_arithmetic3A_117 : vector<128x64xi32>
    %and3A_119 = arith.constant 1 : i32
    %and3A_120 = vector.broadcast %and3A_119 : i32 to vector<128x64xi32>
    %and3A_121 = arith.andi %shift_right_arithmetic3A_118, %and3A_120 : vector<128x64xi32>
    %eq3A_122 = arith.constant 1 : i32
    %eq3A_123 = vector.broadcast %eq3A_122 : i32 to vector<128x64xi32>
    %eq3A_124 = arith.cmpi eq, %and3A_121, %eq3A_123 : vector<128x64xi32>
    %eq3A_125 = arith.cmpi eq, %add3A_115, %scan3A_85#1 : vector<128x64xi32>
    %and3A_126 = arith.andi %eq3A_124, %eq3A_125 : vector<128x64xi1>
    %jit3A_127 = arith.constant 2 : i32
    %broadcast_in_dim3A_128 = vector.broadcast %jit3A_127 : i32 to vector<128x64xi32>
    %select_n3A_129 = arith.select %and3A_126, %broadcast_in_dim3A_128, %select_n3A_114 : vector<128x64xi1>, vector<128x64xi32>
    %add3A_130 = arith.addi %add3A_115, %and3A_121 : vector<128x64xi32>
    %shift_right_arithmetic3A_131 = arith.constant 3 : i32
    %shift_right_arithmetic3A_132 = vector.broadcast %shift_right_arithmetic3A_131 : i32 to vector<128x64xi32>
    %shift_right_arithmetic3A_133 = arith.shrsi %scan3A_85#2, %shift_right_arithmetic3A_132 : vector<128x64xi32>
    %and3A_134 = arith.constant 1 : i32
    %and3A_135 = vector.broadcast %and3A_134 : i32 to vector<128x64xi32>
    %and3A_136 = arith.andi %shift_right_arithmetic3A_133, %and3A_135 : vector<128x64xi32>
    %eq3A_137 = arith.constant 1 : i32
    %eq3A_138 = vector.broadcast %eq3A_137 : i32 to vector<128x64xi32>
    %eq3A_139 = arith.cmpi eq, %and3A_136, %eq3A_138 : vector<128x64xi32>
    %eq3A_140 = arith.cmpi eq, %add3A_130, %scan3A_85#1 : vector<128x64xi32>
    %and3A_141 = arith.andi %eq3A_139, %eq3A_140 : vector<128x64xi1>
    %jit3A_142 = arith.constant 3 : i32
    %broadcast_in_dim3A_143 = vector.broadcast %jit3A_142 : i32 to vector<128x64xi32>
    %select_n3A_144 = arith.select %and3A_141, %broadcast_in_dim3A_143, %select_n3A_129 : vector<128x64xi1>, vector<128x64xi32>
    %add3A_145 = arith.addi %add3A_130, %and3A_136 : vector<128x64xi32>
    %shift_right_arithmetic3A_146 = arith.constant 4 : i32
    %shift_right_arithmetic3A_147 = vector.broadcast %shift_right_arithmetic3A_146 : i32 to vector<128x64xi32>
    %shift_right_arithmetic3A_148 = arith.shrsi %scan3A_85#2, %shift_right_arithmetic3A_147 : vector<128x64xi32>
    %and3A_149 = arith.constant 1 : i32
    %and3A_150 = vector.broadcast %and3A_149 : i32 to vector<128x64xi32>
    %and3A_151 = arith.andi %shift_right_arithmetic3A_148, %and3A_150 : vector<128x64xi32>
    %eq3A_152 = arith.constant 1 : i32
    %eq3A_153 = vector.broadcast %eq3A_152 : i32 to vector<128x64xi32>
    %eq3A_154 = arith.cmpi eq, %and3A_151, %eq3A_153 : vector<128x64xi32>
    %eq3A_155 = arith.cmpi eq, %add3A_145, %scan3A_85#1 : vector<128x64xi32>
    %and3A_156 = arith.andi %eq3A_154, %eq3A_155 : vector<128x64xi1>
    %jit3A_157 = arith.constant 4 : i32
    %broadcast_in_dim3A_158 = vector.broadcast %jit3A_157 : i32 to vector<128x64xi32>
    %select_n3A_159 = arith.select %and3A_156, %broadcast_in_dim3A_158, %select_n3A_144 : vector<128x64xi1>, vector<128x64xi32>
    %add3A_160 = arith.addi %add3A_145, %and3A_151 : vector<128x64xi32>
    %shift_right_arithmetic3A_161 = arith.constant 5 : i32
    %shift_right_arithmetic3A_162 = vector.broadcast %shift_right_arithmetic3A_161 : i32 to vector<128x64xi32>
    %shift_right_arithmetic3A_163 = arith.shrsi %scan3A_85#2, %shift_right_arithmetic3A_162 : vector<128x64xi32>
    %and3A_164 = arith.constant 1 : i32
    %and3A_165 = vector.broadcast %and3A_164 : i32 to vector<128x64xi32>
    %and3A_166 = arith.andi %shift_right_arithmetic3A_163, %and3A_165 : vector<128x64xi32>
    %eq3A_167 = arith.constant 1 : i32
    %eq3A_168 = vector.broadcast %eq3A_167 : i32 to vector<128x64xi32>
    %eq3A_169 = arith.cmpi eq, %and3A_166, %eq3A_168 : vector<128x64xi32>
    %eq3A_170 = arith.cmpi eq, %add3A_160, %scan3A_85#1 : vector<128x64xi32>
    %and3A_171 = arith.andi %eq3A_169, %eq3A_170 : vector<128x64xi1>
    %jit3A_172 = arith.constant 5 : i32
    %broadcast_in_dim3A_173 = vector.broadcast %jit3A_172 : i32 to vector<128x64xi32>
    %select_n3A_174 = arith.select %and3A_171, %broadcast_in_dim3A_173, %select_n3A_159 : vector<128x64xi1>, vector<128x64xi32>
    %add3A_175 = arith.addi %add3A_160, %and3A_166 : vector<128x64xi32>
    %shift_right_arithmetic3A_176 = arith.constant 6 : i32
    %shift_right_arithmetic3A_177 = vector.broadcast %shift_right_arithmetic3A_176 : i32 to vector<128x64xi32>
    %shift_right_arithmetic3A_178 = arith.shrsi %scan3A_85#2, %shift_right_arithmetic3A_177 : vector<128x64xi32>
    %and3A_179 = arith.constant 1 : i32
    %and3A_180 = vector.broadcast %and3A_179 : i32 to vector<128x64xi32>
    %and3A_181 = arith.andi %shift_right_arithmetic3A_178, %and3A_180 : vector<128x64xi32>
    %eq3A_182 = arith.constant 1 : i32
    %eq3A_183 = vector.broadcast %eq3A_182 : i32 to vector<128x64xi32>
    %eq3A_184 = arith.cmpi eq, %and3A_181, %eq3A_183 : vector<128x64xi32>
    %eq3A_185 = arith.cmpi eq, %add3A_175, %scan3A_85#1 : vector<128x64xi32>
    %and3A_186 = arith.andi %eq3A_184, %eq3A_185 : vector<128x64xi1>
    %jit3A_187 = arith.constant 6 : i32
    %broadcast_in_dim3A_188 = vector.broadcast %jit3A_187 : i32 to vector<128x64xi32>
    %select_n3A_189 = arith.select %and3A_186, %broadcast_in_dim3A_188, %select_n3A_174 : vector<128x64xi1>, vector<128x64xi32>
    %add3A_190 = arith.addi %add3A_175, %and3A_181 : vector<128x64xi32>
    %shift_right_arithmetic3A_191 = arith.constant 7 : i32
    %shift_right_arithmetic3A_192 = vector.broadcast %shift_right_arithmetic3A_191 : i32 to vector<128x64xi32>
    %shift_right_arithmetic3A_193 = arith.shrsi %scan3A_85#2, %shift_right_arithmetic3A_192 : vector<128x64xi32>
    %and3A_194 = arith.constant 1 : i32
    %and3A_195 = vector.broadcast %and3A_194 : i32 to vector<128x64xi32>
    %and3A_196 = arith.andi %shift_right_arithmetic3A_193, %and3A_195 : vector<128x64xi32>
    %eq3A_197 = arith.constant 1 : i32
    %eq3A_198 = vector.broadcast %eq3A_197 : i32 to vector<128x64xi32>
    %eq3A_199 = arith.cmpi eq, %and3A_196, %eq3A_198 : vector<128x64xi32>
    %eq3A_200 = arith.cmpi eq, %add3A_190, %scan3A_85#1 : vector<128x64xi32>
    %and3A_201 = arith.andi %eq3A_199, %eq3A_200 : vector<128x64xi1>
    %jit3A_202 = arith.constant 7 : i32
    %broadcast_in_dim3A_203 = vector.broadcast %jit3A_202 : i32 to vector<128x64xi32>
    %select_n3A_204 = arith.select %and3A_201, %broadcast_in_dim3A_203, %select_n3A_189 : vector<128x64xi1>, vector<128x64xi32>
    %add3A_205 = arith.addi %add3A_190, %and3A_196 : vector<128x64xi32>
    %shift_right_arithmetic3A_206 = arith.constant 8 : i32
    %shift_right_arithmetic3A_207 = vector.broadcast %shift_right_arithmetic3A_206 : i32 to vector<128x64xi32>
    %shift_right_arithmetic3A_208 = arith.shrsi %scan3A_85#2, %shift_right_arithmetic3A_207 : vector<128x64xi32>
    %and3A_209 = arith.constant 1 : i32
    %and3A_210 = vector.broadcast %and3A_209 : i32 to vector<128x64xi32>
    %and3A_211 = arith.andi %shift_right_arithmetic3A_208, %and3A_210 : vector<128x64xi32>
    %eq3A_212 = arith.constant 1 : i32
    %eq3A_213 = vector.broadcast %eq3A_212 : i32 to vector<128x64xi32>
    %eq3A_214 = arith.cmpi eq, %and3A_211, %eq3A_213 : vector<128x64xi32>
    %eq3A_215 = arith.cmpi eq, %add3A_205, %scan3A_85#1 : vector<128x64xi32>
    %and3A_216 = arith.andi %eq3A_214, %eq3A_215 : vector<128x64xi1>
    %jit3A_217 = arith.constant 8 : i32
    %broadcast_in_dim3A_218 = vector.broadcast %jit3A_217 : i32 to vector<128x64xi32>
    %select_n3A_219 = arith.select %and3A_216, %broadcast_in_dim3A_218, %select_n3A_204 : vector<128x64xi1>, vector<128x64xi32>
    %add3A_220 = arith.addi %add3A_205, %and3A_211 : vector<128x64xi32>
    %shift_right_arithmetic3A_221 = arith.constant 9 : i32
    %shift_right_arithmetic3A_222 = vector.broadcast %shift_right_arithmetic3A_221 : i32 to vector<128x64xi32>
    %shift_right_arithmetic3A_223 = arith.shrsi %scan3A_85#2, %shift_right_arithmetic3A_222 : vector<128x64xi32>
    %and3A_224 = arith.constant 1 : i32
    %and3A_225 = vector.broadcast %and3A_224 : i32 to vector<128x64xi32>
    %and3A_226 = arith.andi %shift_right_arithmetic3A_223, %and3A_225 : vector<128x64xi32>
    %eq3A_227 = arith.constant 1 : i32
    %eq3A_228 = vector.broadcast %eq3A_227 : i32 to vector<128x64xi32>
    %eq3A_229 = arith.cmpi eq, %and3A_226, %eq3A_228 : vector<128x64xi32>
    %eq3A_230 = arith.cmpi eq, %add3A_220, %scan3A_85#1 : vector<128x64xi32>
    %and3A_231 = arith.andi %eq3A_229, %eq3A_230 : vector<128x64xi1>
    %jit3A_232 = arith.constant 9 : i32
    %broadcast_in_dim3A_233 = vector.broadcast %jit3A_232 : i32 to vector<128x64xi32>
    %select_n3A_234 = arith.select %and3A_231, %broadcast_in_dim3A_233, %select_n3A_219 : vector<128x64xi1>, vector<128x64xi32>
    %add3A_235 = arith.addi %add3A_220, %and3A_226 : vector<128x64xi32>
    %shift_right_arithmetic3A_236 = arith.constant 10 : i32
    %shift_right_arithmetic3A_237 = vector.broadcast %shift_right_arithmetic3A_236 : i32 to vector<128x64xi32>
    %shift_right_arithmetic3A_238 = arith.shrsi %scan3A_85#2, %shift_right_arithmetic3A_237 : vector<128x64xi32>
    %and3A_239 = arith.constant 1 : i32
    %and3A_240 = vector.broadcast %and3A_239 : i32 to vector<128x64xi32>
    %and3A_241 = arith.andi %shift_right_arithmetic3A_238, %and3A_240 : vector<128x64xi32>
    %eq3A_242 = arith.constant 1 : i32
    %eq3A_243 = vector.broadcast %eq3A_242 : i32 to vector<128x64xi32>
    %eq3A_244 = arith.cmpi eq, %and3A_241, %eq3A_243 : vector<128x64xi32>
    %eq3A_245 = arith.cmpi eq, %add3A_235, %scan3A_85#1 : vector<128x64xi32>
    %and3A_246 = arith.andi %eq3A_244, %eq3A_245 : vector<128x64xi1>
    %jit3A_247 = arith.constant 10 : i32
    %broadcast_in_dim3A_248 = vector.broadcast %jit3A_247 : i32 to vector<128x64xi32>
    %select_n3A_249 = arith.select %and3A_246, %broadcast_in_dim3A_248, %select_n3A_234 : vector<128x64xi1>, vector<128x64xi32>
    %add3A_250 = arith.addi %add3A_235, %and3A_241 : vector<128x64xi32>
    %shift_right_arithmetic3A_251 = arith.constant 11 : i32
    %shift_right_arithmetic3A_252 = vector.broadcast %shift_right_arithmetic3A_251 : i32 to vector<128x64xi32>
    %shift_right_arithmetic3A_253 = arith.shrsi %scan3A_85#2, %shift_right_arithmetic3A_252 : vector<128x64xi32>
    %and3A_254 = arith.constant 1 : i32
    %and3A_255 = vector.broadcast %and3A_254 : i32 to vector<128x64xi32>
    %and3A_256 = arith.andi %shift_right_arithmetic3A_253, %and3A_255 : vector<128x64xi32>
    %eq3A_257 = arith.constant 1 : i32
    %eq3A_258 = vector.broadcast %eq3A_257 : i32 to vector<128x64xi32>
    %eq3A_259 = arith.cmpi eq, %and3A_256, %eq3A_258 : vector<128x64xi32>
    %eq3A_260 = arith.cmpi eq, %add3A_250, %scan3A_85#1 : vector<128x64xi32>
    %and3A_261 = arith.andi %eq3A_259, %eq3A_260 : vector<128x64xi1>
    %jit3A_262 = arith.constant 11 : i32
    %broadcast_in_dim3A_263 = vector.broadcast %jit3A_262 : i32 to vector<128x64xi32>
    %select_n3A_264 = arith.select %and3A_261, %broadcast_in_dim3A_263, %select_n3A_249 : vector<128x64xi1>, vector<128x64xi32>
    %add3A_265 = arith.addi %add3A_250, %and3A_256 : vector<128x64xi32>
    %shift_right_arithmetic3A_266 = arith.constant 12 : i32
    %shift_right_arithmetic3A_267 = vector.broadcast %shift_right_arithmetic3A_266 : i32 to vector<128x64xi32>
    %shift_right_arithmetic3A_268 = arith.shrsi %scan3A_85#2, %shift_right_arithmetic3A_267 : vector<128x64xi32>
    %and3A_269 = arith.constant 1 : i32
    %and3A_270 = vector.broadcast %and3A_269 : i32 to vector<128x64xi32>
    %and3A_271 = arith.andi %shift_right_arithmetic3A_268, %and3A_270 : vector<128x64xi32>
    %eq3A_272 = arith.constant 1 : i32
    %eq3A_273 = vector.broadcast %eq3A_272 : i32 to vector<128x64xi32>
    %eq3A_274 = arith.cmpi eq, %and3A_271, %eq3A_273 : vector<128x64xi32>
    %eq3A_275 = arith.cmpi eq, %add3A_265, %scan3A_85#1 : vector<128x64xi32>
    %and3A_276 = arith.andi %eq3A_274, %eq3A_275 : vector<128x64xi1>
    %jit3A_277 = arith.constant 12 : i32
    %broadcast_in_dim3A_278 = vector.broadcast %jit3A_277 : i32 to vector<128x64xi32>
    %select_n3A_279 = arith.select %and3A_276, %broadcast_in_dim3A_278, %select_n3A_264 : vector<128x64xi1>, vector<128x64xi32>
    %add3A_280 = arith.addi %add3A_265, %and3A_271 : vector<128x64xi32>
    %shift_right_arithmetic3A_281 = arith.constant 13 : i32
    %shift_right_arithmetic3A_282 = vector.broadcast %shift_right_arithmetic3A_281 : i32 to vector<128x64xi32>
    %shift_right_arithmetic3A_283 = arith.shrsi %scan3A_85#2, %shift_right_arithmetic3A_282 : vector<128x64xi32>
    %and3A_284 = arith.constant 1 : i32
    %and3A_285 = vector.broadcast %and3A_284 : i32 to vector<128x64xi32>
    %and3A_286 = arith.andi %shift_right_arithmetic3A_283, %and3A_285 : vector<128x64xi32>
    %eq3A_287 = arith.constant 1 : i32
    %eq3A_288 = vector.broadcast %eq3A_287 : i32 to vector<128x64xi32>
    %eq3A_289 = arith.cmpi eq, %and3A_286, %eq3A_288 : vector<128x64xi32>
    %eq3A_290 = arith.cmpi eq, %add3A_280, %scan3A_85#1 : vector<128x64xi32>
    %and3A_291 = arith.andi %eq3A_289, %eq3A_290 : vector<128x64xi1>
    %jit3A_292 = arith.constant 13 : i32
    %broadcast_in_dim3A_293 = vector.broadcast %jit3A_292 : i32 to vector<128x64xi32>
    %select_n3A_294 = arith.select %and3A_291, %broadcast_in_dim3A_293, %select_n3A_279 : vector<128x64xi1>, vector<128x64xi32>
    %add3A_295 = arith.addi %add3A_280, %and3A_286 : vector<128x64xi32>
    %shift_right_arithmetic3A_296 = arith.constant 14 : i32
    %shift_right_arithmetic3A_297 = vector.broadcast %shift_right_arithmetic3A_296 : i32 to vector<128x64xi32>
    %shift_right_arithmetic3A_298 = arith.shrsi %scan3A_85#2, %shift_right_arithmetic3A_297 : vector<128x64xi32>
    %and3A_299 = arith.constant 1 : i32
    %and3A_300 = vector.broadcast %and3A_299 : i32 to vector<128x64xi32>
    %and3A_301 = arith.andi %shift_right_arithmetic3A_298, %and3A_300 : vector<128x64xi32>
    %eq3A_302 = arith.constant 1 : i32
    %eq3A_303 = vector.broadcast %eq3A_302 : i32 to vector<128x64xi32>
    %eq3A_304 = arith.cmpi eq, %and3A_301, %eq3A_303 : vector<128x64xi32>
    %eq3A_305 = arith.cmpi eq, %add3A_295, %scan3A_85#1 : vector<128x64xi32>
    %and3A_306 = arith.andi %eq3A_304, %eq3A_305 : vector<128x64xi1>
    %jit3A_307 = arith.constant 14 : i32
    %broadcast_in_dim3A_308 = vector.broadcast %jit3A_307 : i32 to vector<128x64xi32>
    %select_n3A_309 = arith.select %and3A_306, %broadcast_in_dim3A_308, %select_n3A_294 : vector<128x64xi1>, vector<128x64xi32>
    %add3A_310 = arith.addi %add3A_295, %and3A_301 : vector<128x64xi32>
    %shift_right_arithmetic3A_311 = arith.constant 15 : i32
    %shift_right_arithmetic3A_312 = vector.broadcast %shift_right_arithmetic3A_311 : i32 to vector<128x64xi32>
    %shift_right_arithmetic3A_313 = arith.shrsi %scan3A_85#2, %shift_right_arithmetic3A_312 : vector<128x64xi32>
    %and3A_314 = arith.constant 1 : i32
    %and3A_315 = vector.broadcast %and3A_314 : i32 to vector<128x64xi32>
    %and3A_316 = arith.andi %shift_right_arithmetic3A_313, %and3A_315 : vector<128x64xi32>
    %eq3A_317 = arith.constant 1 : i32
    %eq3A_318 = vector.broadcast %eq3A_317 : i32 to vector<128x64xi32>
    %eq3A_319 = arith.cmpi eq, %and3A_316, %eq3A_318 : vector<128x64xi32>
    %eq3A_320 = arith.cmpi eq, %add3A_310, %scan3A_85#1 : vector<128x64xi32>
    %and3A_321 = arith.andi %eq3A_319, %eq3A_320 : vector<128x64xi1>
    %jit3A_322 = arith.constant 15 : i32
    %broadcast_in_dim3A_323 = vector.broadcast %jit3A_322 : i32 to vector<128x64xi32>
    %select_n3A_324 = arith.select %and3A_321, %broadcast_in_dim3A_323, %select_n3A_309 : vector<128x64xi1>, vector<128x64xi32>
    %add3A_325 = arith.addi %add3A_310, %and3A_316 : vector<128x64xi32>
    %shift_right_arithmetic3A_326 = arith.constant 0 : i32
    %shift_right_arithmetic3A_327 = vector.broadcast %shift_right_arithmetic3A_326 : i32 to vector<128x64xi32>
    %shift_right_arithmetic3A_328 = arith.shrsi %scan3A_85#3, %shift_right_arithmetic3A_327 : vector<128x64xi32>
    %and3A_329 = arith.constant 1 : i32
    %and3A_330 = vector.broadcast %and3A_329 : i32 to vector<128x64xi32>
    %and3A_331 = arith.andi %shift_right_arithmetic3A_328, %and3A_330 : vector<128x64xi32>
    %eq3A_332 = arith.constant 1 : i32
    %eq3A_333 = vector.broadcast %eq3A_332 : i32 to vector<128x64xi32>
    %eq3A_334 = arith.cmpi eq, %and3A_331, %eq3A_333 : vector<128x64xi32>
    %eq3A_335 = arith.cmpi eq, %add3A_325, %scan3A_85#1 : vector<128x64xi32>
    %and3A_336 = arith.andi %eq3A_334, %eq3A_335 : vector<128x64xi1>
    %jit3A_337 = arith.constant 16 : i32
    %broadcast_in_dim3A_338 = vector.broadcast %jit3A_337 : i32 to vector<128x64xi32>
    %select_n3A_339 = arith.select %and3A_336, %broadcast_in_dim3A_338, %select_n3A_324 : vector<128x64xi1>, vector<128x64xi32>
    %add3A_340 = arith.addi %add3A_325, %and3A_331 : vector<128x64xi32>
    %shift_right_arithmetic3A_341 = arith.constant 1 : i32
    %shift_right_arithmetic3A_342 = vector.broadcast %shift_right_arithmetic3A_341 : i32 to vector<128x64xi32>
    %shift_right_arithmetic3A_343 = arith.shrsi %scan3A_85#3, %shift_right_arithmetic3A_342 : vector<128x64xi32>
    %and3A_344 = arith.constant 1 : i32
    %and3A_345 = vector.broadcast %and3A_344 : i32 to vector<128x64xi32>
    %and3A_346 = arith.andi %shift_right_arithmetic3A_343, %and3A_345 : vector<128x64xi32>
    %eq3A_347 = arith.constant 1 : i32
    %eq3A_348 = vector.broadcast %eq3A_347 : i32 to vector<128x64xi32>
    %eq3A_349 = arith.cmpi eq, %and3A_346, %eq3A_348 : vector<128x64xi32>
    %eq3A_350 = arith.cmpi eq, %add3A_340, %scan3A_85#1 : vector<128x64xi32>
    %and3A_351 = arith.andi %eq3A_349, %eq3A_350 : vector<128x64xi1>
    %jit3A_352 = arith.constant 17 : i32
    %broadcast_in_dim3A_353 = vector.broadcast %jit3A_352 : i32 to vector<128x64xi32>
    %select_n3A_354 = arith.select %and3A_351, %broadcast_in_dim3A_353, %select_n3A_339 : vector<128x64xi1>, vector<128x64xi32>
    %add3A_355 = arith.addi %add3A_340, %and3A_346 : vector<128x64xi32>
    %shift_right_arithmetic3A_356 = arith.constant 2 : i32
    %shift_right_arithmetic3A_357 = vector.broadcast %shift_right_arithmetic3A_356 : i32 to vector<128x64xi32>
    %shift_right_arithmetic3A_358 = arith.shrsi %scan3A_85#3, %shift_right_arithmetic3A_357 : vector<128x64xi32>
    %and3A_359 = arith.constant 1 : i32
    %and3A_360 = vector.broadcast %and3A_359 : i32 to vector<128x64xi32>
    %and3A_361 = arith.andi %shift_right_arithmetic3A_358, %and3A_360 : vector<128x64xi32>
    %eq3A_362 = arith.constant 1 : i32
    %eq3A_363 = vector.broadcast %eq3A_362 : i32 to vector<128x64xi32>
    %eq3A_364 = arith.cmpi eq, %and3A_361, %eq3A_363 : vector<128x64xi32>
    %eq3A_365 = arith.cmpi eq, %add3A_355, %scan3A_85#1 : vector<128x64xi32>
    %and3A_366 = arith.andi %eq3A_364, %eq3A_365 : vector<128x64xi1>
    %jit3A_367 = arith.constant 18 : i32
    %broadcast_in_dim3A_368 = vector.broadcast %jit3A_367 : i32 to vector<128x64xi32>
    %select_n3A_369 = arith.select %and3A_366, %broadcast_in_dim3A_368, %select_n3A_354 : vector<128x64xi1>, vector<128x64xi32>
    %add3A_370 = arith.addi %add3A_355, %and3A_361 : vector<128x64xi32>
    %shift_right_arithmetic3A_371 = arith.constant 3 : i32
    %shift_right_arithmetic3A_372 = vector.broadcast %shift_right_arithmetic3A_371 : i32 to vector<128x64xi32>
    %shift_right_arithmetic3A_373 = arith.shrsi %scan3A_85#3, %shift_right_arithmetic3A_372 : vector<128x64xi32>
    %and3A_374 = arith.constant 1 : i32
    %and3A_375 = vector.broadcast %and3A_374 : i32 to vector<128x64xi32>
    %and3A_376 = arith.andi %shift_right_arithmetic3A_373, %and3A_375 : vector<128x64xi32>
    %eq3A_377 = arith.constant 1 : i32
    %eq3A_378 = vector.broadcast %eq3A_377 : i32 to vector<128x64xi32>
    %eq3A_379 = arith.cmpi eq, %and3A_376, %eq3A_378 : vector<128x64xi32>
    %eq3A_380 = arith.cmpi eq, %add3A_370, %scan3A_85#1 : vector<128x64xi32>
    %and3A_381 = arith.andi %eq3A_379, %eq3A_380 : vector<128x64xi1>
    %jit3A_382 = arith.constant 19 : i32
    %broadcast_in_dim3A_383 = vector.broadcast %jit3A_382 : i32 to vector<128x64xi32>
    %select_n3A_384 = arith.select %and3A_381, %broadcast_in_dim3A_383, %select_n3A_369 : vector<128x64xi1>, vector<128x64xi32>
    %add3A_385 = arith.addi %add3A_370, %and3A_376 : vector<128x64xi32>
    %shift_right_arithmetic3A_386 = arith.constant 4 : i32
    %shift_right_arithmetic3A_387 = vector.broadcast %shift_right_arithmetic3A_386 : i32 to vector<128x64xi32>
    %shift_right_arithmetic3A_388 = arith.shrsi %scan3A_85#3, %shift_right_arithmetic3A_387 : vector<128x64xi32>
    %and3A_389 = arith.constant 1 : i32
    %and3A_390 = vector.broadcast %and3A_389 : i32 to vector<128x64xi32>
    %and3A_391 = arith.andi %shift_right_arithmetic3A_388, %and3A_390 : vector<128x64xi32>
    %eq3A_392 = arith.constant 1 : i32
    %eq3A_393 = vector.broadcast %eq3A_392 : i32 to vector<128x64xi32>
    %eq3A_394 = arith.cmpi eq, %and3A_391, %eq3A_393 : vector<128x64xi32>
    %eq3A_395 = arith.cmpi eq, %add3A_385, %scan3A_85#1 : vector<128x64xi32>
    %and3A_396 = arith.andi %eq3A_394, %eq3A_395 : vector<128x64xi1>
    %jit3A_397 = arith.constant 20 : i32
    %broadcast_in_dim3A_398 = vector.broadcast %jit3A_397 : i32 to vector<128x64xi32>
    %select_n3A_399 = arith.select %and3A_396, %broadcast_in_dim3A_398, %select_n3A_384 : vector<128x64xi1>, vector<128x64xi32>
    %add3A_400 = arith.addi %add3A_385, %and3A_391 : vector<128x64xi32>
    %shift_right_arithmetic3A_401 = arith.constant 5 : i32
    %shift_right_arithmetic3A_402 = vector.broadcast %shift_right_arithmetic3A_401 : i32 to vector<128x64xi32>
    %shift_right_arithmetic3A_403 = arith.shrsi %scan3A_85#3, %shift_right_arithmetic3A_402 : vector<128x64xi32>
    %and3A_404 = arith.constant 1 : i32
    %and3A_405 = vector.broadcast %and3A_404 : i32 to vector<128x64xi32>
    %and3A_406 = arith.andi %shift_right_arithmetic3A_403, %and3A_405 : vector<128x64xi32>
    %eq3A_407 = arith.constant 1 : i32
    %eq3A_408 = vector.broadcast %eq3A_407 : i32 to vector<128x64xi32>
    %eq3A_409 = arith.cmpi eq, %and3A_406, %eq3A_408 : vector<128x64xi32>
    %eq3A_410 = arith.cmpi eq, %add3A_400, %scan3A_85#1 : vector<128x64xi32>
    %and3A_411 = arith.andi %eq3A_409, %eq3A_410 : vector<128x64xi1>
    %jit3A_412 = arith.constant 21 : i32
    %broadcast_in_dim3A_413 = vector.broadcast %jit3A_412 : i32 to vector<128x64xi32>
    %select_n3A_414 = arith.select %and3A_411, %broadcast_in_dim3A_413, %select_n3A_399 : vector<128x64xi1>, vector<128x64xi32>
    %add3A_415 = arith.addi %add3A_400, %and3A_406 : vector<128x64xi32>
    %shift_right_arithmetic3A_416 = arith.constant 6 : i32
    %shift_right_arithmetic3A_417 = vector.broadcast %shift_right_arithmetic3A_416 : i32 to vector<128x64xi32>
    %shift_right_arithmetic3A_418 = arith.shrsi %scan3A_85#3, %shift_right_arithmetic3A_417 : vector<128x64xi32>
    %and3A_419 = arith.constant 1 : i32
    %and3A_420 = vector.broadcast %and3A_419 : i32 to vector<128x64xi32>
    %and3A_421 = arith.andi %shift_right_arithmetic3A_418, %and3A_420 : vector<128x64xi32>
    %eq3A_422 = arith.constant 1 : i32
    %eq3A_423 = vector.broadcast %eq3A_422 : i32 to vector<128x64xi32>
    %eq3A_424 = arith.cmpi eq, %and3A_421, %eq3A_423 : vector<128x64xi32>
    %eq3A_425 = arith.cmpi eq, %add3A_415, %scan3A_85#1 : vector<128x64xi32>
    %and3A_426 = arith.andi %eq3A_424, %eq3A_425 : vector<128x64xi1>
    %jit3A_427 = arith.constant 22 : i32
    %broadcast_in_dim3A_428 = vector.broadcast %jit3A_427 : i32 to vector<128x64xi32>
    %select_n3A_429 = arith.select %and3A_426, %broadcast_in_dim3A_428, %select_n3A_414 : vector<128x64xi1>, vector<128x64xi32>
    %add3A_430 = arith.addi %add3A_415, %and3A_421 : vector<128x64xi32>
    %shift_right_arithmetic3A_431 = arith.constant 7 : i32
    %shift_right_arithmetic3A_432 = vector.broadcast %shift_right_arithmetic3A_431 : i32 to vector<128x64xi32>
    %shift_right_arithmetic3A_433 = arith.shrsi %scan3A_85#3, %shift_right_arithmetic3A_432 : vector<128x64xi32>
    %and3A_434 = arith.constant 1 : i32
    %and3A_435 = vector.broadcast %and3A_434 : i32 to vector<128x64xi32>
    %and3A_436 = arith.andi %shift_right_arithmetic3A_433, %and3A_435 : vector<128x64xi32>
    %eq3A_437 = arith.constant 1 : i32
    %eq3A_438 = vector.broadcast %eq3A_437 : i32 to vector<128x64xi32>
    %eq3A_439 = arith.cmpi eq, %and3A_436, %eq3A_438 : vector<128x64xi32>
    %eq3A_440 = arith.cmpi eq, %add3A_430, %scan3A_85#1 : vector<128x64xi32>
    %and3A_441 = arith.andi %eq3A_439, %eq3A_440 : vector<128x64xi1>
    %jit3A_442 = arith.constant 23 : i32
    %broadcast_in_dim3A_443 = vector.broadcast %jit3A_442 : i32 to vector<128x64xi32>
    %select_n3A_444 = arith.select %and3A_441, %broadcast_in_dim3A_443, %select_n3A_429 : vector<128x64xi1>, vector<128x64xi32>
    %add3A_445 = arith.addi %add3A_430, %and3A_436 : vector<128x64xi32>
    %shift_right_arithmetic3A_446 = arith.constant 8 : i32
    %shift_right_arithmetic3A_447 = vector.broadcast %shift_right_arithmetic3A_446 : i32 to vector<128x64xi32>
    %shift_right_arithmetic3A_448 = arith.shrsi %scan3A_85#3, %shift_right_arithmetic3A_447 : vector<128x64xi32>
    %and3A_449 = arith.constant 1 : i32
    %and3A_450 = vector.broadcast %and3A_449 : i32 to vector<128x64xi32>
    %and3A_451 = arith.andi %shift_right_arithmetic3A_448, %and3A_450 : vector<128x64xi32>
    %eq3A_452 = arith.constant 1 : i32
    %eq3A_453 = vector.broadcast %eq3A_452 : i32 to vector<128x64xi32>
    %eq3A_454 = arith.cmpi eq, %and3A_451, %eq3A_453 : vector<128x64xi32>
    %eq3A_455 = arith.cmpi eq, %add3A_445, %scan3A_85#1 : vector<128x64xi32>
    %and3A_456 = arith.andi %eq3A_454, %eq3A_455 : vector<128x64xi1>
    %jit3A_457 = arith.constant 24 : i32
    %broadcast_in_dim3A_458 = vector.broadcast %jit3A_457 : i32 to vector<128x64xi32>
    %select_n3A_459 = arith.select %and3A_456, %broadcast_in_dim3A_458, %select_n3A_444 : vector<128x64xi1>, vector<128x64xi32>
    %add3A_460 = arith.addi %add3A_445, %and3A_451 : vector<128x64xi32>
    %shift_right_arithmetic3A_461 = arith.constant 9 : i32
    %shift_right_arithmetic3A_462 = vector.broadcast %shift_right_arithmetic3A_461 : i32 to vector<128x64xi32>
    %shift_right_arithmetic3A_463 = arith.shrsi %scan3A_85#3, %shift_right_arithmetic3A_462 : vector<128x64xi32>
    %and3A_464 = arith.constant 1 : i32
    %and3A_465 = vector.broadcast %and3A_464 : i32 to vector<128x64xi32>
    %and3A_466 = arith.andi %shift_right_arithmetic3A_463, %and3A_465 : vector<128x64xi32>
    %eq3A_467 = arith.constant 1 : i32
    %eq3A_468 = vector.broadcast %eq3A_467 : i32 to vector<128x64xi32>
    %eq3A_469 = arith.cmpi eq, %and3A_466, %eq3A_468 : vector<128x64xi32>
    %eq3A_470 = arith.cmpi eq, %add3A_460, %scan3A_85#1 : vector<128x64xi32>
    %and3A_471 = arith.andi %eq3A_469, %eq3A_470 : vector<128x64xi1>
    %jit3A_472 = arith.constant 25 : i32
    %broadcast_in_dim3A_473 = vector.broadcast %jit3A_472 : i32 to vector<128x64xi32>
    %select_n3A_474 = arith.select %and3A_471, %broadcast_in_dim3A_473, %select_n3A_459 : vector<128x64xi1>, vector<128x64xi32>
    %add3A_475 = arith.addi %add3A_460, %and3A_466 : vector<128x64xi32>
    %shift_right_arithmetic3A_476 = arith.constant 10 : i32
    %shift_right_arithmetic3A_477 = vector.broadcast %shift_right_arithmetic3A_476 : i32 to vector<128x64xi32>
    %shift_right_arithmetic3A_478 = arith.shrsi %scan3A_85#3, %shift_right_arithmetic3A_477 : vector<128x64xi32>
    %and3A_479 = arith.constant 1 : i32
    %and3A_480 = vector.broadcast %and3A_479 : i32 to vector<128x64xi32>
    %and3A_481 = arith.andi %shift_right_arithmetic3A_478, %and3A_480 : vector<128x64xi32>
    %eq3A_482 = arith.constant 1 : i32
    %eq3A_483 = vector.broadcast %eq3A_482 : i32 to vector<128x64xi32>
    %eq3A_484 = arith.cmpi eq, %and3A_481, %eq3A_483 : vector<128x64xi32>
    %eq3A_485 = arith.cmpi eq, %add3A_475, %scan3A_85#1 : vector<128x64xi32>
    %and3A_486 = arith.andi %eq3A_484, %eq3A_485 : vector<128x64xi1>
    %jit3A_487 = arith.constant 26 : i32
    %broadcast_in_dim3A_488 = vector.broadcast %jit3A_487 : i32 to vector<128x64xi32>
    %select_n3A_489 = arith.select %and3A_486, %broadcast_in_dim3A_488, %select_n3A_474 : vector<128x64xi1>, vector<128x64xi32>
    %add3A_490 = arith.addi %add3A_475, %and3A_481 : vector<128x64xi32>
    %shift_right_arithmetic3A_491 = arith.constant 11 : i32
    %shift_right_arithmetic3A_492 = vector.broadcast %shift_right_arithmetic3A_491 : i32 to vector<128x64xi32>
    %shift_right_arithmetic3A_493 = arith.shrsi %scan3A_85#3, %shift_right_arithmetic3A_492 : vector<128x64xi32>
    %and3A_494 = arith.constant 1 : i32
    %and3A_495 = vector.broadcast %and3A_494 : i32 to vector<128x64xi32>
    %and3A_496 = arith.andi %shift_right_arithmetic3A_493, %and3A_495 : vector<128x64xi32>
    %eq3A_497 = arith.constant 1 : i32
    %eq3A_498 = vector.broadcast %eq3A_497 : i32 to vector<128x64xi32>
    %eq3A_499 = arith.cmpi eq, %and3A_496, %eq3A_498 : vector<128x64xi32>
    %eq3A_500 = arith.cmpi eq, %add3A_490, %scan3A_85#1 : vector<128x64xi32>
    %and3A_501 = arith.andi %eq3A_499, %eq3A_500 : vector<128x64xi1>
    %jit3A_502 = arith.constant 27 : i32
    %broadcast_in_dim3A_503 = vector.broadcast %jit3A_502 : i32 to vector<128x64xi32>
    %select_n3A_504 = arith.select %and3A_501, %broadcast_in_dim3A_503, %select_n3A_489 : vector<128x64xi1>, vector<128x64xi32>
    %add3A_505 = arith.addi %add3A_490, %and3A_496 : vector<128x64xi32>
    %shift_right_arithmetic3A_506 = arith.constant 12 : i32
    %shift_right_arithmetic3A_507 = vector.broadcast %shift_right_arithmetic3A_506 : i32 to vector<128x64xi32>
    %shift_right_arithmetic3A_508 = arith.shrsi %scan3A_85#3, %shift_right_arithmetic3A_507 : vector<128x64xi32>
    %and3A_509 = arith.constant 1 : i32
    %and3A_510 = vector.broadcast %and3A_509 : i32 to vector<128x64xi32>
    %and3A_511 = arith.andi %shift_right_arithmetic3A_508, %and3A_510 : vector<128x64xi32>
    %eq3A_512 = arith.constant 1 : i32
    %eq3A_513 = vector.broadcast %eq3A_512 : i32 to vector<128x64xi32>
    %eq3A_514 = arith.cmpi eq, %and3A_511, %eq3A_513 : vector<128x64xi32>
    %eq3A_515 = arith.cmpi eq, %add3A_505, %scan3A_85#1 : vector<128x64xi32>
    %and3A_516 = arith.andi %eq3A_514, %eq3A_515 : vector<128x64xi1>
    %jit3A_517 = arith.constant 28 : i32
    %broadcast_in_dim3A_518 = vector.broadcast %jit3A_517 : i32 to vector<128x64xi32>
    %select_n3A_519 = arith.select %and3A_516, %broadcast_in_dim3A_518, %select_n3A_504 : vector<128x64xi1>, vector<128x64xi32>
    %add3A_520 = arith.addi %add3A_505, %and3A_511 : vector<128x64xi32>
    %shift_right_arithmetic3A_521 = arith.constant 13 : i32
    %shift_right_arithmetic3A_522 = vector.broadcast %shift_right_arithmetic3A_521 : i32 to vector<128x64xi32>
    %shift_right_arithmetic3A_523 = arith.shrsi %scan3A_85#3, %shift_right_arithmetic3A_522 : vector<128x64xi32>
    %and3A_524 = arith.constant 1 : i32
    %and3A_525 = vector.broadcast %and3A_524 : i32 to vector<128x64xi32>
    %and3A_526 = arith.andi %shift_right_arithmetic3A_523, %and3A_525 : vector<128x64xi32>
    %eq3A_527 = arith.constant 1 : i32
    %eq3A_528 = vector.broadcast %eq3A_527 : i32 to vector<128x64xi32>
    %eq3A_529 = arith.cmpi eq, %and3A_526, %eq3A_528 : vector<128x64xi32>
    %eq3A_530 = arith.cmpi eq, %add3A_520, %scan3A_85#1 : vector<128x64xi32>
    %and3A_531 = arith.andi %eq3A_529, %eq3A_530 : vector<128x64xi1>
    %jit3A_532 = arith.constant 29 : i32
    %broadcast_in_dim3A_533 = vector.broadcast %jit3A_532 : i32 to vector<128x64xi32>
    %select_n3A_534 = arith.select %and3A_531, %broadcast_in_dim3A_533, %select_n3A_519 : vector<128x64xi1>, vector<128x64xi32>
    %add3A_535 = arith.addi %add3A_520, %and3A_526 : vector<128x64xi32>
    %shift_right_arithmetic3A_536 = arith.constant 14 : i32
    %shift_right_arithmetic3A_537 = vector.broadcast %shift_right_arithmetic3A_536 : i32 to vector<128x64xi32>
    %shift_right_arithmetic3A_538 = arith.shrsi %scan3A_85#3, %shift_right_arithmetic3A_537 : vector<128x64xi32>
    %and3A_539 = arith.constant 1 : i32
    %and3A_540 = vector.broadcast %and3A_539 : i32 to vector<128x64xi32>
    %and3A_541 = arith.andi %shift_right_arithmetic3A_538, %and3A_540 : vector<128x64xi32>
    %eq3A_542 = arith.constant 1 : i32
    %eq3A_543 = vector.broadcast %eq3A_542 : i32 to vector<128x64xi32>
    %eq3A_544 = arith.cmpi eq, %and3A_541, %eq3A_543 : vector<128x64xi32>
    %eq3A_545 = arith.cmpi eq, %add3A_535, %scan3A_85#1 : vector<128x64xi32>
    %and3A_546 = arith.andi %eq3A_544, %eq3A_545 : vector<128x64xi1>
    %jit3A_547 = arith.constant 30 : i32
    %broadcast_in_dim3A_548 = vector.broadcast %jit3A_547 : i32 to vector<128x64xi32>
    %select_n3A_549 = arith.select %and3A_546, %broadcast_in_dim3A_548, %select_n3A_534 : vector<128x64xi1>, vector<128x64xi32>
    %add3A_550 = arith.addi %add3A_535, %and3A_541 : vector<128x64xi32>
    %shift_right_arithmetic3A_551 = arith.constant 15 : i32
    %shift_right_arithmetic3A_552 = vector.broadcast %shift_right_arithmetic3A_551 : i32 to vector<128x64xi32>
    %shift_right_arithmetic3A_553 = arith.shrsi %scan3A_85#3, %shift_right_arithmetic3A_552 : vector<128x64xi32>
    %and3A_554 = arith.constant 1 : i32
    %and3A_555 = vector.broadcast %and3A_554 : i32 to vector<128x64xi32>
    %and3A_556 = arith.andi %shift_right_arithmetic3A_553, %and3A_555 : vector<128x64xi32>
    %eq3A_557 = arith.constant 1 : i32
    %eq3A_558 = vector.broadcast %eq3A_557 : i32 to vector<128x64xi32>
    %eq3A_559 = arith.cmpi eq, %and3A_556, %eq3A_558 : vector<128x64xi32>
    %eq3A_560 = arith.cmpi eq, %add3A_550, %scan3A_85#1 : vector<128x64xi32>
    %and3A_561 = arith.andi %eq3A_559, %eq3A_560 : vector<128x64xi1>
    %jit3A_562 = arith.constant 31 : i32
    %broadcast_in_dim3A_563 = vector.broadcast %jit3A_562 : i32 to vector<128x64xi32>
    %select_n3A_564 = arith.select %and3A_561, %broadcast_in_dim3A_563, %select_n3A_549 : vector<128x64xi1>, vector<128x64xi32>
    %add3A_565 = arith.addi %add3A_550, %and3A_556 : vector<128x64xi32>
    %shift_right_arithmetic3A_566 = arith.constant 0 : i32
    %shift_right_arithmetic3A_567 = vector.broadcast %shift_right_arithmetic3A_566 : i32 to vector<128x64xi32>
    %shift_right_arithmetic3A_568 = arith.shrsi %scan3A_85#4, %shift_right_arithmetic3A_567 : vector<128x64xi32>
    %and3A_569 = arith.constant 1 : i32
    %and3A_570 = vector.broadcast %and3A_569 : i32 to vector<128x64xi32>
    %and3A_571 = arith.andi %shift_right_arithmetic3A_568, %and3A_570 : vector<128x64xi32>
    %eq3A_572 = arith.constant 1 : i32
    %eq3A_573 = vector.broadcast %eq3A_572 : i32 to vector<128x64xi32>
    %eq3A_574 = arith.cmpi eq, %and3A_571, %eq3A_573 : vector<128x64xi32>
    %eq3A_575 = arith.cmpi eq, %add3A_565, %scan3A_85#1 : vector<128x64xi32>
    %and3A_576 = arith.andi %eq3A_574, %eq3A_575 : vector<128x64xi1>
    %jit3A_577 = arith.constant 32 : i32
    %broadcast_in_dim3A_578 = vector.broadcast %jit3A_577 : i32 to vector<128x64xi32>
    %select_n3A_579 = arith.select %and3A_576, %broadcast_in_dim3A_578, %select_n3A_564 : vector<128x64xi1>, vector<128x64xi32>
    %add3A_580 = arith.addi %add3A_565, %and3A_571 : vector<128x64xi32>
    %shift_right_arithmetic3A_581 = arith.constant 1 : i32
    %shift_right_arithmetic3A_582 = vector.broadcast %shift_right_arithmetic3A_581 : i32 to vector<128x64xi32>
    %shift_right_arithmetic3A_583 = arith.shrsi %scan3A_85#4, %shift_right_arithmetic3A_582 : vector<128x64xi32>
    %and3A_584 = arith.constant 1 : i32
    %and3A_585 = vector.broadcast %and3A_584 : i32 to vector<128x64xi32>
    %and3A_586 = arith.andi %shift_right_arithmetic3A_583, %and3A_585 : vector<128x64xi32>
    %eq3A_587 = arith.constant 1 : i32
    %eq3A_588 = vector.broadcast %eq3A_587 : i32 to vector<128x64xi32>
    %eq3A_589 = arith.cmpi eq, %and3A_586, %eq3A_588 : vector<128x64xi32>
    %eq3A_590 = arith.cmpi eq, %add3A_580, %scan3A_85#1 : vector<128x64xi32>
    %and3A_591 = arith.andi %eq3A_589, %eq3A_590 : vector<128x64xi1>
    %jit3A_592 = arith.constant 33 : i32
    %broadcast_in_dim3A_593 = vector.broadcast %jit3A_592 : i32 to vector<128x64xi32>
    %select_n3A_594 = arith.select %and3A_591, %broadcast_in_dim3A_593, %select_n3A_579 : vector<128x64xi1>, vector<128x64xi32>
    %add3A_595 = arith.addi %add3A_580, %and3A_586 : vector<128x64xi32>
    %shift_right_arithmetic3A_596 = arith.constant 2 : i32
    %shift_right_arithmetic3A_597 = vector.broadcast %shift_right_arithmetic3A_596 : i32 to vector<128x64xi32>
    %shift_right_arithmetic3A_598 = arith.shrsi %scan3A_85#4, %shift_right_arithmetic3A_597 : vector<128x64xi32>
    %and3A_599 = arith.constant 1 : i32
    %and3A_600 = vector.broadcast %and3A_599 : i32 to vector<128x64xi32>
    %and3A_601 = arith.andi %shift_right_arithmetic3A_598, %and3A_600 : vector<128x64xi32>
    %eq3A_602 = arith.constant 1 : i32
    %eq3A_603 = vector.broadcast %eq3A_602 : i32 to vector<128x64xi32>
    %eq3A_604 = arith.cmpi eq, %and3A_601, %eq3A_603 : vector<128x64xi32>
    %eq3A_605 = arith.cmpi eq, %add3A_595, %scan3A_85#1 : vector<128x64xi32>
    %and3A_606 = arith.andi %eq3A_604, %eq3A_605 : vector<128x64xi1>
    %jit3A_607 = arith.constant 34 : i32
    %broadcast_in_dim3A_608 = vector.broadcast %jit3A_607 : i32 to vector<128x64xi32>
    %select_n3A_609 = arith.select %and3A_606, %broadcast_in_dim3A_608, %select_n3A_594 : vector<128x64xi1>, vector<128x64xi32>
    %add3A_610 = arith.addi %add3A_595, %and3A_601 : vector<128x64xi32>
    %shift_right_arithmetic3A_611 = arith.constant 3 : i32
    %shift_right_arithmetic3A_612 = vector.broadcast %shift_right_arithmetic3A_611 : i32 to vector<128x64xi32>
    %shift_right_arithmetic3A_613 = arith.shrsi %scan3A_85#4, %shift_right_arithmetic3A_612 : vector<128x64xi32>
    %and3A_614 = arith.constant 1 : i32
    %and3A_615 = vector.broadcast %and3A_614 : i32 to vector<128x64xi32>
    %and3A_616 = arith.andi %shift_right_arithmetic3A_613, %and3A_615 : vector<128x64xi32>
    %eq3A_617 = arith.constant 1 : i32
    %eq3A_618 = vector.broadcast %eq3A_617 : i32 to vector<128x64xi32>
    %eq3A_619 = arith.cmpi eq, %and3A_616, %eq3A_618 : vector<128x64xi32>
    %eq3A_620 = arith.cmpi eq, %add3A_610, %scan3A_85#1 : vector<128x64xi32>
    %and3A_621 = arith.andi %eq3A_619, %eq3A_620 : vector<128x64xi1>
    %jit3A_622 = arith.constant 35 : i32
    %broadcast_in_dim3A_623 = vector.broadcast %jit3A_622 : i32 to vector<128x64xi32>
    %select_n3A_624 = arith.select %and3A_621, %broadcast_in_dim3A_623, %select_n3A_609 : vector<128x64xi1>, vector<128x64xi32>
    %add3A_625 = arith.addi %add3A_610, %and3A_616 : vector<128x64xi32>
    %shift_right_arithmetic3A_626 = arith.constant 4 : i32
    %shift_right_arithmetic3A_627 = vector.broadcast %shift_right_arithmetic3A_626 : i32 to vector<128x64xi32>
    %shift_right_arithmetic3A_628 = arith.shrsi %scan3A_85#4, %shift_right_arithmetic3A_627 : vector<128x64xi32>
    %and3A_629 = arith.constant 1 : i32
    %and3A_630 = vector.broadcast %and3A_629 : i32 to vector<128x64xi32>
    %and3A_631 = arith.andi %shift_right_arithmetic3A_628, %and3A_630 : vector<128x64xi32>
    %eq3A_632 = arith.constant 1 : i32
    %eq3A_633 = vector.broadcast %eq3A_632 : i32 to vector<128x64xi32>
    %eq3A_634 = arith.cmpi eq, %and3A_631, %eq3A_633 : vector<128x64xi32>
    %eq3A_635 = arith.cmpi eq, %add3A_625, %scan3A_85#1 : vector<128x64xi32>
    %and3A_636 = arith.andi %eq3A_634, %eq3A_635 : vector<128x64xi1>
    %jit3A_637 = arith.constant 36 : i32
    %broadcast_in_dim3A_638 = vector.broadcast %jit3A_637 : i32 to vector<128x64xi32>
    %select_n3A_639 = arith.select %and3A_636, %broadcast_in_dim3A_638, %select_n3A_624 : vector<128x64xi1>, vector<128x64xi32>
    %add3A_640 = arith.addi %add3A_625, %and3A_631 : vector<128x64xi32>
    %shift_right_arithmetic3A_641 = arith.constant 5 : i32
    %shift_right_arithmetic3A_642 = vector.broadcast %shift_right_arithmetic3A_641 : i32 to vector<128x64xi32>
    %shift_right_arithmetic3A_643 = arith.shrsi %scan3A_85#4, %shift_right_arithmetic3A_642 : vector<128x64xi32>
    %and3A_644 = arith.constant 1 : i32
    %and3A_645 = vector.broadcast %and3A_644 : i32 to vector<128x64xi32>
    %and3A_646 = arith.andi %shift_right_arithmetic3A_643, %and3A_645 : vector<128x64xi32>
    %eq3A_647 = arith.constant 1 : i32
    %eq3A_648 = vector.broadcast %eq3A_647 : i32 to vector<128x64xi32>
    %eq3A_649 = arith.cmpi eq, %and3A_646, %eq3A_648 : vector<128x64xi32>
    %eq3A_650 = arith.cmpi eq, %add3A_640, %scan3A_85#1 : vector<128x64xi32>
    %and3A_651 = arith.andi %eq3A_649, %eq3A_650 : vector<128x64xi1>
    %jit3A_652 = arith.constant 37 : i32
    %broadcast_in_dim3A_653 = vector.broadcast %jit3A_652 : i32 to vector<128x64xi32>
    %select_n3A_654 = arith.select %and3A_651, %broadcast_in_dim3A_653, %select_n3A_639 : vector<128x64xi1>, vector<128x64xi32>
    %add3A_655 = arith.addi %add3A_640, %and3A_646 : vector<128x64xi32>
    %shift_right_arithmetic3A_656 = arith.constant 6 : i32
    %shift_right_arithmetic3A_657 = vector.broadcast %shift_right_arithmetic3A_656 : i32 to vector<128x64xi32>
    %shift_right_arithmetic3A_658 = arith.shrsi %scan3A_85#4, %shift_right_arithmetic3A_657 : vector<128x64xi32>
    %and3A_659 = arith.constant 1 : i32
    %and3A_660 = vector.broadcast %and3A_659 : i32 to vector<128x64xi32>
    %and3A_661 = arith.andi %shift_right_arithmetic3A_658, %and3A_660 : vector<128x64xi32>
    %eq3A_662 = arith.constant 1 : i32
    %eq3A_663 = vector.broadcast %eq3A_662 : i32 to vector<128x64xi32>
    %eq3A_664 = arith.cmpi eq, %and3A_661, %eq3A_663 : vector<128x64xi32>
    %eq3A_665 = arith.cmpi eq, %add3A_655, %scan3A_85#1 : vector<128x64xi32>
    %and3A_666 = arith.andi %eq3A_664, %eq3A_665 : vector<128x64xi1>
    %jit3A_667 = arith.constant 38 : i32
    %broadcast_in_dim3A_668 = vector.broadcast %jit3A_667 : i32 to vector<128x64xi32>
    %select_n3A_669 = arith.select %and3A_666, %broadcast_in_dim3A_668, %select_n3A_654 : vector<128x64xi1>, vector<128x64xi32>
    %add3A_670 = arith.addi %add3A_655, %and3A_661 : vector<128x64xi32>
    %shift_right_arithmetic3A_671 = arith.constant 7 : i32
    %shift_right_arithmetic3A_672 = vector.broadcast %shift_right_arithmetic3A_671 : i32 to vector<128x64xi32>
    %shift_right_arithmetic3A_673 = arith.shrsi %scan3A_85#4, %shift_right_arithmetic3A_672 : vector<128x64xi32>
    %and3A_674 = arith.constant 1 : i32
    %and3A_675 = vector.broadcast %and3A_674 : i32 to vector<128x64xi32>
    %and3A_676 = arith.andi %shift_right_arithmetic3A_673, %and3A_675 : vector<128x64xi32>
    %eq3A_677 = arith.constant 1 : i32
    %eq3A_678 = vector.broadcast %eq3A_677 : i32 to vector<128x64xi32>
    %eq3A_679 = arith.cmpi eq, %and3A_676, %eq3A_678 : vector<128x64xi32>
    %eq3A_680 = arith.cmpi eq, %add3A_670, %scan3A_85#1 : vector<128x64xi32>
    %and3A_681 = arith.andi %eq3A_679, %eq3A_680 : vector<128x64xi1>
    %jit3A_682 = arith.constant 39 : i32
    %broadcast_in_dim3A_683 = vector.broadcast %jit3A_682 : i32 to vector<128x64xi32>
    %select_n3A_684 = arith.select %and3A_681, %broadcast_in_dim3A_683, %select_n3A_669 : vector<128x64xi1>, vector<128x64xi32>
    %add3A_685 = arith.addi %add3A_670, %and3A_676 : vector<128x64xi32>
    %shift_right_arithmetic3A_686 = arith.constant 8 : i32
    %shift_right_arithmetic3A_687 = vector.broadcast %shift_right_arithmetic3A_686 : i32 to vector<128x64xi32>
    %shift_right_arithmetic3A_688 = arith.shrsi %scan3A_85#4, %shift_right_arithmetic3A_687 : vector<128x64xi32>
    %and3A_689 = arith.constant 1 : i32
    %and3A_690 = vector.broadcast %and3A_689 : i32 to vector<128x64xi32>
    %and3A_691 = arith.andi %shift_right_arithmetic3A_688, %and3A_690 : vector<128x64xi32>
    %eq3A_692 = arith.constant 1 : i32
    %eq3A_693 = vector.broadcast %eq3A_692 : i32 to vector<128x64xi32>
    %eq3A_694 = arith.cmpi eq, %and3A_691, %eq3A_693 : vector<128x64xi32>
    %eq3A_695 = arith.cmpi eq, %add3A_685, %scan3A_85#1 : vector<128x64xi32>
    %and3A_696 = arith.andi %eq3A_694, %eq3A_695 : vector<128x64xi1>
    %jit3A_697 = arith.constant 40 : i32
    %broadcast_in_dim3A_698 = vector.broadcast %jit3A_697 : i32 to vector<128x64xi32>
    %select_n3A_699 = arith.select %and3A_696, %broadcast_in_dim3A_698, %select_n3A_684 : vector<128x64xi1>, vector<128x64xi32>
    %add3A_700 = arith.addi %add3A_685, %and3A_691 : vector<128x64xi32>
    %shift_right_arithmetic3A_701 = arith.constant 9 : i32
    %shift_right_arithmetic3A_702 = vector.broadcast %shift_right_arithmetic3A_701 : i32 to vector<128x64xi32>
    %shift_right_arithmetic3A_703 = arith.shrsi %scan3A_85#4, %shift_right_arithmetic3A_702 : vector<128x64xi32>
    %and3A_704 = arith.constant 1 : i32
    %and3A_705 = vector.broadcast %and3A_704 : i32 to vector<128x64xi32>
    %and3A_706 = arith.andi %shift_right_arithmetic3A_703, %and3A_705 : vector<128x64xi32>
    %eq3A_707 = arith.constant 1 : i32
    %eq3A_708 = vector.broadcast %eq3A_707 : i32 to vector<128x64xi32>
    %eq3A_709 = arith.cmpi eq, %and3A_706, %eq3A_708 : vector<128x64xi32>
    %eq3A_710 = arith.cmpi eq, %add3A_700, %scan3A_85#1 : vector<128x64xi32>
    %and3A_711 = arith.andi %eq3A_709, %eq3A_710 : vector<128x64xi1>
    %jit3A_712 = arith.constant 41 : i32
    %broadcast_in_dim3A_713 = vector.broadcast %jit3A_712 : i32 to vector<128x64xi32>
    %select_n3A_714 = arith.select %and3A_711, %broadcast_in_dim3A_713, %select_n3A_699 : vector<128x64xi1>, vector<128x64xi32>
    %add3A_715 = arith.addi %add3A_700, %and3A_706 : vector<128x64xi32>
    %shift_right_arithmetic3A_716 = arith.constant 10 : i32
    %shift_right_arithmetic3A_717 = vector.broadcast %shift_right_arithmetic3A_716 : i32 to vector<128x64xi32>
    %shift_right_arithmetic3A_718 = arith.shrsi %scan3A_85#4, %shift_right_arithmetic3A_717 : vector<128x64xi32>
    %and3A_719 = arith.constant 1 : i32
    %and3A_720 = vector.broadcast %and3A_719 : i32 to vector<128x64xi32>
    %and3A_721 = arith.andi %shift_right_arithmetic3A_718, %and3A_720 : vector<128x64xi32>
    %eq3A_722 = arith.constant 1 : i32
    %eq3A_723 = vector.broadcast %eq3A_722 : i32 to vector<128x64xi32>
    %eq3A_724 = arith.cmpi eq, %and3A_721, %eq3A_723 : vector<128x64xi32>
    %eq3A_725 = arith.cmpi eq, %add3A_715, %scan3A_85#1 : vector<128x64xi32>
    %and3A_726 = arith.andi %eq3A_724, %eq3A_725 : vector<128x64xi1>
    %jit3A_727 = arith.constant 42 : i32
    %broadcast_in_dim3A_728 = vector.broadcast %jit3A_727 : i32 to vector<128x64xi32>
    %select_n3A_729 = arith.select %and3A_726, %broadcast_in_dim3A_728, %select_n3A_714 : vector<128x64xi1>, vector<128x64xi32>
    %add3A_730 = arith.addi %add3A_715, %and3A_721 : vector<128x64xi32>
    %shift_right_arithmetic3A_731 = arith.constant 11 : i32
    %shift_right_arithmetic3A_732 = vector.broadcast %shift_right_arithmetic3A_731 : i32 to vector<128x64xi32>
    %shift_right_arithmetic3A_733 = arith.shrsi %scan3A_85#4, %shift_right_arithmetic3A_732 : vector<128x64xi32>
    %and3A_734 = arith.constant 1 : i32
    %and3A_735 = vector.broadcast %and3A_734 : i32 to vector<128x64xi32>
    %and3A_736 = arith.andi %shift_right_arithmetic3A_733, %and3A_735 : vector<128x64xi32>
    %eq3A_737 = arith.constant 1 : i32
    %eq3A_738 = vector.broadcast %eq3A_737 : i32 to vector<128x64xi32>
    %eq3A_739 = arith.cmpi eq, %and3A_736, %eq3A_738 : vector<128x64xi32>
    %eq3A_740 = arith.cmpi eq, %add3A_730, %scan3A_85#1 : vector<128x64xi32>
    %and3A_741 = arith.andi %eq3A_739, %eq3A_740 : vector<128x64xi1>
    %jit3A_742 = arith.constant 43 : i32
    %broadcast_in_dim3A_743 = vector.broadcast %jit3A_742 : i32 to vector<128x64xi32>
    %select_n3A_744 = arith.select %and3A_741, %broadcast_in_dim3A_743, %select_n3A_729 : vector<128x64xi1>, vector<128x64xi32>
    %add3A_745 = arith.addi %add3A_730, %and3A_736 : vector<128x64xi32>
    %shift_right_arithmetic3A_746 = arith.constant 12 : i32
    %shift_right_arithmetic3A_747 = vector.broadcast %shift_right_arithmetic3A_746 : i32 to vector<128x64xi32>
    %shift_right_arithmetic3A_748 = arith.shrsi %scan3A_85#4, %shift_right_arithmetic3A_747 : vector<128x64xi32>
    %and3A_749 = arith.constant 1 : i32
    %and3A_750 = vector.broadcast %and3A_749 : i32 to vector<128x64xi32>
    %and3A_751 = arith.andi %shift_right_arithmetic3A_748, %and3A_750 : vector<128x64xi32>
    %eq3A_752 = arith.constant 1 : i32
    %eq3A_753 = vector.broadcast %eq3A_752 : i32 to vector<128x64xi32>
    %eq3A_754 = arith.cmpi eq, %and3A_751, %eq3A_753 : vector<128x64xi32>
    %eq3A_755 = arith.cmpi eq, %add3A_745, %scan3A_85#1 : vector<128x64xi32>
    %and3A_756 = arith.andi %eq3A_754, %eq3A_755 : vector<128x64xi1>
    %jit3A_757 = arith.constant 44 : i32
    %broadcast_in_dim3A_758 = vector.broadcast %jit3A_757 : i32 to vector<128x64xi32>
    %select_n3A_759 = arith.select %and3A_756, %broadcast_in_dim3A_758, %select_n3A_744 : vector<128x64xi1>, vector<128x64xi32>
    %add3A_760 = arith.addi %add3A_745, %and3A_751 : vector<128x64xi32>
    %shift_right_arithmetic3A_761 = arith.constant 13 : i32
    %shift_right_arithmetic3A_762 = vector.broadcast %shift_right_arithmetic3A_761 : i32 to vector<128x64xi32>
    %shift_right_arithmetic3A_763 = arith.shrsi %scan3A_85#4, %shift_right_arithmetic3A_762 : vector<128x64xi32>
    %and3A_764 = arith.constant 1 : i32
    %and3A_765 = vector.broadcast %and3A_764 : i32 to vector<128x64xi32>
    %and3A_766 = arith.andi %shift_right_arithmetic3A_763, %and3A_765 : vector<128x64xi32>
    %eq3A_767 = arith.constant 1 : i32
    %eq3A_768 = vector.broadcast %eq3A_767 : i32 to vector<128x64xi32>
    %eq3A_769 = arith.cmpi eq, %and3A_766, %eq3A_768 : vector<128x64xi32>
    %eq3A_770 = arith.cmpi eq, %add3A_760, %scan3A_85#1 : vector<128x64xi32>
    %and3A_771 = arith.andi %eq3A_769, %eq3A_770 : vector<128x64xi1>
    %jit3A_772 = arith.constant 45 : i32
    %broadcast_in_dim3A_773 = vector.broadcast %jit3A_772 : i32 to vector<128x64xi32>
    %select_n3A_774 = arith.select %and3A_771, %broadcast_in_dim3A_773, %select_n3A_759 : vector<128x64xi1>, vector<128x64xi32>
    %add3A_775 = arith.addi %add3A_760, %and3A_766 : vector<128x64xi32>
    %shift_right_arithmetic3A_776 = arith.constant 14 : i32
    %shift_right_arithmetic3A_777 = vector.broadcast %shift_right_arithmetic3A_776 : i32 to vector<128x64xi32>
    %shift_right_arithmetic3A_778 = arith.shrsi %scan3A_85#4, %shift_right_arithmetic3A_777 : vector<128x64xi32>
    %and3A_779 = arith.constant 1 : i32
    %and3A_780 = vector.broadcast %and3A_779 : i32 to vector<128x64xi32>
    %and3A_781 = arith.andi %shift_right_arithmetic3A_778, %and3A_780 : vector<128x64xi32>
    %eq3A_782 = arith.constant 1 : i32
    %eq3A_783 = vector.broadcast %eq3A_782 : i32 to vector<128x64xi32>
    %eq3A_784 = arith.cmpi eq, %and3A_781, %eq3A_783 : vector<128x64xi32>
    %eq3A_785 = arith.cmpi eq, %add3A_775, %scan3A_85#1 : vector<128x64xi32>
    %and3A_786 = arith.andi %eq3A_784, %eq3A_785 : vector<128x64xi1>
    %jit3A_787 = arith.constant 46 : i32
    %broadcast_in_dim3A_788 = vector.broadcast %jit3A_787 : i32 to vector<128x64xi32>
    %select_n3A_789 = arith.select %and3A_786, %broadcast_in_dim3A_788, %select_n3A_774 : vector<128x64xi1>, vector<128x64xi32>
    %add3A_790 = arith.addi %add3A_775, %and3A_781 : vector<128x64xi32>
    %shift_right_arithmetic3A_791 = arith.constant 15 : i32
    %shift_right_arithmetic3A_792 = vector.broadcast %shift_right_arithmetic3A_791 : i32 to vector<128x64xi32>
    %shift_right_arithmetic3A_793 = arith.shrsi %scan3A_85#4, %shift_right_arithmetic3A_792 : vector<128x64xi32>
    %and3A_794 = arith.constant 1 : i32
    %and3A_795 = vector.broadcast %and3A_794 : i32 to vector<128x64xi32>
    %and3A_796 = arith.andi %shift_right_arithmetic3A_793, %and3A_795 : vector<128x64xi32>
    %eq3A_797 = arith.constant 1 : i32
    %eq3A_798 = vector.broadcast %eq3A_797 : i32 to vector<128x64xi32>
    %eq3A_799 = arith.cmpi eq, %and3A_796, %eq3A_798 : vector<128x64xi32>
    %eq3A_800 = arith.cmpi eq, %add3A_790, %scan3A_85#1 : vector<128x64xi32>
    %and3A_801 = arith.andi %eq3A_799, %eq3A_800 : vector<128x64xi1>
    %jit3A_802 = arith.constant 47 : i32
    %broadcast_in_dim3A_803 = vector.broadcast %jit3A_802 : i32 to vector<128x64xi32>
    %select_n3A_804 = arith.select %and3A_801, %broadcast_in_dim3A_803, %select_n3A_789 : vector<128x64xi1>, vector<128x64xi32>
    %add3A_805 = arith.addi %add3A_790, %and3A_796 : vector<128x64xi32>
    %shift_right_arithmetic3A_806 = arith.constant 0 : i32
    %shift_right_arithmetic3A_807 = vector.broadcast %shift_right_arithmetic3A_806 : i32 to vector<128x64xi32>
    %shift_right_arithmetic3A_808 = arith.shrsi %scan3A_85#5, %shift_right_arithmetic3A_807 : vector<128x64xi32>
    %and3A_809 = arith.constant 1 : i32
    %and3A_810 = vector.broadcast %and3A_809 : i32 to vector<128x64xi32>
    %and3A_811 = arith.andi %shift_right_arithmetic3A_808, %and3A_810 : vector<128x64xi32>
    %eq3A_812 = arith.constant 1 : i32
    %eq3A_813 = vector.broadcast %eq3A_812 : i32 to vector<128x64xi32>
    %eq3A_814 = arith.cmpi eq, %and3A_811, %eq3A_813 : vector<128x64xi32>
    %eq3A_815 = arith.cmpi eq, %add3A_805, %scan3A_85#1 : vector<128x64xi32>
    %and3A_816 = arith.andi %eq3A_814, %eq3A_815 : vector<128x64xi1>
    %jit3A_817 = arith.constant 48 : i32
    %broadcast_in_dim3A_818 = vector.broadcast %jit3A_817 : i32 to vector<128x64xi32>
    %select_n3A_819 = arith.select %and3A_816, %broadcast_in_dim3A_818, %select_n3A_804 : vector<128x64xi1>, vector<128x64xi32>
    %add3A_820 = arith.addi %add3A_805, %and3A_811 : vector<128x64xi32>
    %shift_right_arithmetic3A_821 = arith.constant 1 : i32
    %shift_right_arithmetic3A_822 = vector.broadcast %shift_right_arithmetic3A_821 : i32 to vector<128x64xi32>
    %shift_right_arithmetic3A_823 = arith.shrsi %scan3A_85#5, %shift_right_arithmetic3A_822 : vector<128x64xi32>
    %and3A_824 = arith.constant 1 : i32
    %and3A_825 = vector.broadcast %and3A_824 : i32 to vector<128x64xi32>
    %and3A_826 = arith.andi %shift_right_arithmetic3A_823, %and3A_825 : vector<128x64xi32>
    %eq3A_827 = arith.constant 1 : i32
    %eq3A_828 = vector.broadcast %eq3A_827 : i32 to vector<128x64xi32>
    %eq3A_829 = arith.cmpi eq, %and3A_826, %eq3A_828 : vector<128x64xi32>
    %eq3A_830 = arith.cmpi eq, %add3A_820, %scan3A_85#1 : vector<128x64xi32>
    %and3A_831 = arith.andi %eq3A_829, %eq3A_830 : vector<128x64xi1>
    %jit3A_832 = arith.constant 49 : i32
    %broadcast_in_dim3A_833 = vector.broadcast %jit3A_832 : i32 to vector<128x64xi32>
    %select_n3A_834 = arith.select %and3A_831, %broadcast_in_dim3A_833, %select_n3A_819 : vector<128x64xi1>, vector<128x64xi32>
    %add3A_835 = arith.addi %add3A_820, %and3A_826 : vector<128x64xi32>
    %shift_right_arithmetic3A_836 = arith.constant 2 : i32
    %shift_right_arithmetic3A_837 = vector.broadcast %shift_right_arithmetic3A_836 : i32 to vector<128x64xi32>
    %shift_right_arithmetic3A_838 = arith.shrsi %scan3A_85#5, %shift_right_arithmetic3A_837 : vector<128x64xi32>
    %and3A_839 = arith.constant 1 : i32
    %and3A_840 = vector.broadcast %and3A_839 : i32 to vector<128x64xi32>
    %and3A_841 = arith.andi %shift_right_arithmetic3A_838, %and3A_840 : vector<128x64xi32>
    %eq3A_842 = arith.constant 1 : i32
    %eq3A_843 = vector.broadcast %eq3A_842 : i32 to vector<128x64xi32>
    %eq3A_844 = arith.cmpi eq, %and3A_841, %eq3A_843 : vector<128x64xi32>
    %eq3A_845 = arith.cmpi eq, %add3A_835, %scan3A_85#1 : vector<128x64xi32>
    %and3A_846 = arith.andi %eq3A_844, %eq3A_845 : vector<128x64xi1>
    %jit3A_847 = arith.constant 50 : i32
    %broadcast_in_dim3A_848 = vector.broadcast %jit3A_847 : i32 to vector<128x64xi32>
    %select_n3A_849 = arith.select %and3A_846, %broadcast_in_dim3A_848, %select_n3A_834 : vector<128x64xi1>, vector<128x64xi32>
    %add3A_850 = arith.addi %add3A_835, %and3A_841 : vector<128x64xi32>
    %shift_right_arithmetic3A_851 = arith.constant 3 : i32
    %shift_right_arithmetic3A_852 = vector.broadcast %shift_right_arithmetic3A_851 : i32 to vector<128x64xi32>
    %shift_right_arithmetic3A_853 = arith.shrsi %scan3A_85#5, %shift_right_arithmetic3A_852 : vector<128x64xi32>
    %and3A_854 = arith.constant 1 : i32
    %and3A_855 = vector.broadcast %and3A_854 : i32 to vector<128x64xi32>
    %and3A_856 = arith.andi %shift_right_arithmetic3A_853, %and3A_855 : vector<128x64xi32>
    %eq3A_857 = arith.constant 1 : i32
    %eq3A_858 = vector.broadcast %eq3A_857 : i32 to vector<128x64xi32>
    %eq3A_859 = arith.cmpi eq, %and3A_856, %eq3A_858 : vector<128x64xi32>
    %eq3A_860 = arith.cmpi eq, %add3A_850, %scan3A_85#1 : vector<128x64xi32>
    %and3A_861 = arith.andi %eq3A_859, %eq3A_860 : vector<128x64xi1>
    %jit3A_862 = arith.constant 51 : i32
    %broadcast_in_dim3A_863 = vector.broadcast %jit3A_862 : i32 to vector<128x64xi32>
    %select_n3A_864 = arith.select %and3A_861, %broadcast_in_dim3A_863, %select_n3A_849 : vector<128x64xi1>, vector<128x64xi32>
    %add3A_865 = arith.addi %add3A_850, %and3A_856 : vector<128x64xi32>
    %shift_right_arithmetic3A_866 = arith.constant 4 : i32
    %shift_right_arithmetic3A_867 = vector.broadcast %shift_right_arithmetic3A_866 : i32 to vector<128x64xi32>
    %shift_right_arithmetic3A_868 = arith.shrsi %scan3A_85#5, %shift_right_arithmetic3A_867 : vector<128x64xi32>
    %and3A_869 = arith.constant 1 : i32
    %and3A_870 = vector.broadcast %and3A_869 : i32 to vector<128x64xi32>
    %and3A_871 = arith.andi %shift_right_arithmetic3A_868, %and3A_870 : vector<128x64xi32>
    %eq3A_872 = arith.constant 1 : i32
    %eq3A_873 = vector.broadcast %eq3A_872 : i32 to vector<128x64xi32>
    %eq3A_874 = arith.cmpi eq, %and3A_871, %eq3A_873 : vector<128x64xi32>
    %eq3A_875 = arith.cmpi eq, %add3A_865, %scan3A_85#1 : vector<128x64xi32>
    %and3A_876 = arith.andi %eq3A_874, %eq3A_875 : vector<128x64xi1>
    %jit3A_877 = arith.constant 52 : i32
    %broadcast_in_dim3A_878 = vector.broadcast %jit3A_877 : i32 to vector<128x64xi32>
    %select_n3A_879 = arith.select %and3A_876, %broadcast_in_dim3A_878, %select_n3A_864 : vector<128x64xi1>, vector<128x64xi32>
    %add3A_880 = arith.addi %add3A_865, %and3A_871 : vector<128x64xi32>
    %shift_right_arithmetic3A_881 = arith.constant 5 : i32
    %shift_right_arithmetic3A_882 = vector.broadcast %shift_right_arithmetic3A_881 : i32 to vector<128x64xi32>
    %shift_right_arithmetic3A_883 = arith.shrsi %scan3A_85#5, %shift_right_arithmetic3A_882 : vector<128x64xi32>
    %and3A_884 = arith.constant 1 : i32
    %and3A_885 = vector.broadcast %and3A_884 : i32 to vector<128x64xi32>
    %and3A_886 = arith.andi %shift_right_arithmetic3A_883, %and3A_885 : vector<128x64xi32>
    %eq3A_887 = arith.constant 1 : i32
    %eq3A_888 = vector.broadcast %eq3A_887 : i32 to vector<128x64xi32>
    %eq3A_889 = arith.cmpi eq, %and3A_886, %eq3A_888 : vector<128x64xi32>
    %eq3A_890 = arith.cmpi eq, %add3A_880, %scan3A_85#1 : vector<128x64xi32>
    %and3A_891 = arith.andi %eq3A_889, %eq3A_890 : vector<128x64xi1>
    %jit3A_892 = arith.constant 53 : i32
    %broadcast_in_dim3A_893 = vector.broadcast %jit3A_892 : i32 to vector<128x64xi32>
    %select_n3A_894 = arith.select %and3A_891, %broadcast_in_dim3A_893, %select_n3A_879 : vector<128x64xi1>, vector<128x64xi32>
    %add3A_895 = arith.addi %add3A_880, %and3A_886 : vector<128x64xi32>
    %shift_right_arithmetic3A_896 = arith.constant 6 : i32
    %shift_right_arithmetic3A_897 = vector.broadcast %shift_right_arithmetic3A_896 : i32 to vector<128x64xi32>
    %shift_right_arithmetic3A_898 = arith.shrsi %scan3A_85#5, %shift_right_arithmetic3A_897 : vector<128x64xi32>
    %and3A_899 = arith.constant 1 : i32
    %and3A_900 = vector.broadcast %and3A_899 : i32 to vector<128x64xi32>
    %and3A_901 = arith.andi %shift_right_arithmetic3A_898, %and3A_900 : vector<128x64xi32>
    %eq3A_902 = arith.constant 1 : i32
    %eq3A_903 = vector.broadcast %eq3A_902 : i32 to vector<128x64xi32>
    %eq3A_904 = arith.cmpi eq, %and3A_901, %eq3A_903 : vector<128x64xi32>
    %eq3A_905 = arith.cmpi eq, %add3A_895, %scan3A_85#1 : vector<128x64xi32>
    %and3A_906 = arith.andi %eq3A_904, %eq3A_905 : vector<128x64xi1>
    %jit3A_907 = arith.constant 54 : i32
    %broadcast_in_dim3A_908 = vector.broadcast %jit3A_907 : i32 to vector<128x64xi32>
    %select_n3A_909 = arith.select %and3A_906, %broadcast_in_dim3A_908, %select_n3A_894 : vector<128x64xi1>, vector<128x64xi32>
    %add3A_910 = arith.addi %add3A_895, %and3A_901 : vector<128x64xi32>
    %shift_right_arithmetic3A_911 = arith.constant 7 : i32
    %shift_right_arithmetic3A_912 = vector.broadcast %shift_right_arithmetic3A_911 : i32 to vector<128x64xi32>
    %shift_right_arithmetic3A_913 = arith.shrsi %scan3A_85#5, %shift_right_arithmetic3A_912 : vector<128x64xi32>
    %and3A_914 = arith.constant 1 : i32
    %and3A_915 = vector.broadcast %and3A_914 : i32 to vector<128x64xi32>
    %and3A_916 = arith.andi %shift_right_arithmetic3A_913, %and3A_915 : vector<128x64xi32>
    %eq3A_917 = arith.constant 1 : i32
    %eq3A_918 = vector.broadcast %eq3A_917 : i32 to vector<128x64xi32>
    %eq3A_919 = arith.cmpi eq, %and3A_916, %eq3A_918 : vector<128x64xi32>
    %eq3A_920 = arith.cmpi eq, %add3A_910, %scan3A_85#1 : vector<128x64xi32>
    %and3A_921 = arith.andi %eq3A_919, %eq3A_920 : vector<128x64xi1>
    %jit3A_922 = arith.constant 55 : i32
    %broadcast_in_dim3A_923 = vector.broadcast %jit3A_922 : i32 to vector<128x64xi32>
    %select_n3A_924 = arith.select %and3A_921, %broadcast_in_dim3A_923, %select_n3A_909 : vector<128x64xi1>, vector<128x64xi32>
    %add3A_925 = arith.addi %add3A_910, %and3A_916 : vector<128x64xi32>
    %shift_right_arithmetic3A_926 = arith.constant 8 : i32
    %shift_right_arithmetic3A_927 = vector.broadcast %shift_right_arithmetic3A_926 : i32 to vector<128x64xi32>
    %shift_right_arithmetic3A_928 = arith.shrsi %scan3A_85#5, %shift_right_arithmetic3A_927 : vector<128x64xi32>
    %and3A_929 = arith.constant 1 : i32
    %and3A_930 = vector.broadcast %and3A_929 : i32 to vector<128x64xi32>
    %and3A_931 = arith.andi %shift_right_arithmetic3A_928, %and3A_930 : vector<128x64xi32>
    %eq3A_932 = arith.constant 1 : i32
    %eq3A_933 = vector.broadcast %eq3A_932 : i32 to vector<128x64xi32>
    %eq3A_934 = arith.cmpi eq, %and3A_931, %eq3A_933 : vector<128x64xi32>
    %eq3A_935 = arith.cmpi eq, %add3A_925, %scan3A_85#1 : vector<128x64xi32>
    %and3A_936 = arith.andi %eq3A_934, %eq3A_935 : vector<128x64xi1>
    %jit3A_937 = arith.constant 56 : i32
    %broadcast_in_dim3A_938 = vector.broadcast %jit3A_937 : i32 to vector<128x64xi32>
    %select_n3A_939 = arith.select %and3A_936, %broadcast_in_dim3A_938, %select_n3A_924 : vector<128x64xi1>, vector<128x64xi32>
    %add3A_940 = arith.addi %add3A_925, %and3A_931 : vector<128x64xi32>
    %shift_right_arithmetic3A_941 = arith.constant 9 : i32
    %shift_right_arithmetic3A_942 = vector.broadcast %shift_right_arithmetic3A_941 : i32 to vector<128x64xi32>
    %shift_right_arithmetic3A_943 = arith.shrsi %scan3A_85#5, %shift_right_arithmetic3A_942 : vector<128x64xi32>
    %and3A_944 = arith.constant 1 : i32
    %and3A_945 = vector.broadcast %and3A_944 : i32 to vector<128x64xi32>
    %and3A_946 = arith.andi %shift_right_arithmetic3A_943, %and3A_945 : vector<128x64xi32>
    %eq3A_947 = arith.constant 1 : i32
    %eq3A_948 = vector.broadcast %eq3A_947 : i32 to vector<128x64xi32>
    %eq3A_949 = arith.cmpi eq, %and3A_946, %eq3A_948 : vector<128x64xi32>
    %eq3A_950 = arith.cmpi eq, %add3A_940, %scan3A_85#1 : vector<128x64xi32>
    %and3A_951 = arith.andi %eq3A_949, %eq3A_950 : vector<128x64xi1>
    %jit3A_952 = arith.constant 57 : i32
    %broadcast_in_dim3A_953 = vector.broadcast %jit3A_952 : i32 to vector<128x64xi32>
    %select_n3A_954 = arith.select %and3A_951, %broadcast_in_dim3A_953, %select_n3A_939 : vector<128x64xi1>, vector<128x64xi32>
    %add3A_955 = arith.addi %add3A_940, %and3A_946 : vector<128x64xi32>
    %shift_right_arithmetic3A_956 = arith.constant 10 : i32
    %shift_right_arithmetic3A_957 = vector.broadcast %shift_right_arithmetic3A_956 : i32 to vector<128x64xi32>
    %shift_right_arithmetic3A_958 = arith.shrsi %scan3A_85#5, %shift_right_arithmetic3A_957 : vector<128x64xi32>
    %and3A_959 = arith.constant 1 : i32
    %and3A_960 = vector.broadcast %and3A_959 : i32 to vector<128x64xi32>
    %and3A_961 = arith.andi %shift_right_arithmetic3A_958, %and3A_960 : vector<128x64xi32>
    %eq3A_962 = arith.constant 1 : i32
    %eq3A_963 = vector.broadcast %eq3A_962 : i32 to vector<128x64xi32>
    %eq3A_964 = arith.cmpi eq, %and3A_961, %eq3A_963 : vector<128x64xi32>
    %eq3A_965 = arith.cmpi eq, %add3A_955, %scan3A_85#1 : vector<128x64xi32>
    %and3A_966 = arith.andi %eq3A_964, %eq3A_965 : vector<128x64xi1>
    %jit3A_967 = arith.constant 58 : i32
    %broadcast_in_dim3A_968 = vector.broadcast %jit3A_967 : i32 to vector<128x64xi32>
    %select_n3A_969 = arith.select %and3A_966, %broadcast_in_dim3A_968, %select_n3A_954 : vector<128x64xi1>, vector<128x64xi32>
    %add3A_970 = arith.addi %add3A_955, %and3A_961 : vector<128x64xi32>
    %shift_right_arithmetic3A_971 = arith.constant 11 : i32
    %shift_right_arithmetic3A_972 = vector.broadcast %shift_right_arithmetic3A_971 : i32 to vector<128x64xi32>
    %shift_right_arithmetic3A_973 = arith.shrsi %scan3A_85#5, %shift_right_arithmetic3A_972 : vector<128x64xi32>
    %and3A_974 = arith.constant 1 : i32
    %and3A_975 = vector.broadcast %and3A_974 : i32 to vector<128x64xi32>
    %and3A_976 = arith.andi %shift_right_arithmetic3A_973, %and3A_975 : vector<128x64xi32>
    %eq3A_977 = arith.constant 1 : i32
    %eq3A_978 = vector.broadcast %eq3A_977 : i32 to vector<128x64xi32>
    %eq3A_979 = arith.cmpi eq, %and3A_976, %eq3A_978 : vector<128x64xi32>
    %eq3A_980 = arith.cmpi eq, %add3A_970, %scan3A_85#1 : vector<128x64xi32>
    %and3A_981 = arith.andi %eq3A_979, %eq3A_980 : vector<128x64xi1>
    %jit3A_982 = arith.constant 59 : i32
    %broadcast_in_dim3A_983 = vector.broadcast %jit3A_982 : i32 to vector<128x64xi32>
    %select_n3A_984 = arith.select %and3A_981, %broadcast_in_dim3A_983, %select_n3A_969 : vector<128x64xi1>, vector<128x64xi32>
    %add3A_985 = arith.addi %add3A_970, %and3A_976 : vector<128x64xi32>
    %shift_right_arithmetic3A_986 = arith.constant 12 : i32
    %shift_right_arithmetic3A_987 = vector.broadcast %shift_right_arithmetic3A_986 : i32 to vector<128x64xi32>
    %shift_right_arithmetic3A_988 = arith.shrsi %scan3A_85#5, %shift_right_arithmetic3A_987 : vector<128x64xi32>
    %and3A_989 = arith.constant 1 : i32
    %and3A_990 = vector.broadcast %and3A_989 : i32 to vector<128x64xi32>
    %and3A_991 = arith.andi %shift_right_arithmetic3A_988, %and3A_990 : vector<128x64xi32>
    %eq3A_992 = arith.constant 1 : i32
    %eq3A_993 = vector.broadcast %eq3A_992 : i32 to vector<128x64xi32>
    %eq3A_994 = arith.cmpi eq, %and3A_991, %eq3A_993 : vector<128x64xi32>
    %eq3A_995 = arith.cmpi eq, %add3A_985, %scan3A_85#1 : vector<128x64xi32>
    %and3A_996 = arith.andi %eq3A_994, %eq3A_995 : vector<128x64xi1>
    %jit3A_997 = arith.constant 60 : i32
    %broadcast_in_dim3A_998 = vector.broadcast %jit3A_997 : i32 to vector<128x64xi32>
    %select_n3A_999 = arith.select %and3A_996, %broadcast_in_dim3A_998, %select_n3A_984 : vector<128x64xi1>, vector<128x64xi32>
    %add3A_1000 = arith.addi %add3A_985, %and3A_991 : vector<128x64xi32>
    %shift_right_arithmetic3A_1001 = arith.constant 13 : i32
    %shift_right_arithmetic3A_1002 = vector.broadcast %shift_right_arithmetic3A_1001 : i32 to vector<128x64xi32>
    %shift_right_arithmetic3A_1003 = arith.shrsi %scan3A_85#5, %shift_right_arithmetic3A_1002 : vector<128x64xi32>
    %and3A_1004 = arith.constant 1 : i32
    %and3A_1005 = vector.broadcast %and3A_1004 : i32 to vector<128x64xi32>
    %and3A_1006 = arith.andi %shift_right_arithmetic3A_1003, %and3A_1005 : vector<128x64xi32>
    %eq3A_1007 = arith.constant 1 : i32
    %eq3A_1008 = vector.broadcast %eq3A_1007 : i32 to vector<128x64xi32>
    %eq3A_1009 = arith.cmpi eq, %and3A_1006, %eq3A_1008 : vector<128x64xi32>
    %eq3A_1010 = arith.cmpi eq, %add3A_1000, %scan3A_85#1 : vector<128x64xi32>
    %and3A_1011 = arith.andi %eq3A_1009, %eq3A_1010 : vector<128x64xi1>
    %jit3A_1012 = arith.constant 61 : i32
    %broadcast_in_dim3A_1013 = vector.broadcast %jit3A_1012 : i32 to vector<128x64xi32>
    %select_n3A_1014 = arith.select %and3A_1011, %broadcast_in_dim3A_1013, %select_n3A_999 : vector<128x64xi1>, vector<128x64xi32>
    %add3A_1015 = arith.addi %add3A_1000, %and3A_1006 : vector<128x64xi32>
    %shift_right_arithmetic3A_1016 = arith.constant 14 : i32
    %shift_right_arithmetic3A_1017 = vector.broadcast %shift_right_arithmetic3A_1016 : i32 to vector<128x64xi32>
    %shift_right_arithmetic3A_1018 = arith.shrsi %scan3A_85#5, %shift_right_arithmetic3A_1017 : vector<128x64xi32>
    %and3A_1019 = arith.constant 1 : i32
    %and3A_1020 = vector.broadcast %and3A_1019 : i32 to vector<128x64xi32>
    %and3A_1021 = arith.andi %shift_right_arithmetic3A_1018, %and3A_1020 : vector<128x64xi32>
    %eq3A_1022 = arith.constant 1 : i32
    %eq3A_1023 = vector.broadcast %eq3A_1022 : i32 to vector<128x64xi32>
    %eq3A_1024 = arith.cmpi eq, %and3A_1021, %eq3A_1023 : vector<128x64xi32>
    %eq3A_1025 = arith.cmpi eq, %add3A_1015, %scan3A_85#1 : vector<128x64xi32>
    %and3A_1026 = arith.andi %eq3A_1024, %eq3A_1025 : vector<128x64xi1>
    %jit3A_1027 = arith.constant 62 : i32
    %broadcast_in_dim3A_1028 = vector.broadcast %jit3A_1027 : i32 to vector<128x64xi32>
    %select_n3A_1029 = arith.select %and3A_1026, %broadcast_in_dim3A_1028, %select_n3A_1014 : vector<128x64xi1>, vector<128x64xi32>
    %add3A_1030 = arith.addi %add3A_1015, %and3A_1021 : vector<128x64xi32>
    %shift_right_arithmetic3A_1031 = arith.constant 15 : i32
    %shift_right_arithmetic3A_1032 = vector.broadcast %shift_right_arithmetic3A_1031 : i32 to vector<128x64xi32>
    %shift_right_arithmetic3A_1033 = arith.shrsi %scan3A_85#5, %shift_right_arithmetic3A_1032 : vector<128x64xi32>
    %and3A_1034 = arith.constant 1 : i32
    %and3A_1035 = vector.broadcast %and3A_1034 : i32 to vector<128x64xi32>
    %and3A_1036 = arith.andi %shift_right_arithmetic3A_1033, %and3A_1035 : vector<128x64xi32>
    %eq3A_1037 = arith.constant 1 : i32
    %eq3A_1038 = vector.broadcast %eq3A_1037 : i32 to vector<128x64xi32>
    %eq3A_1039 = arith.cmpi eq, %and3A_1036, %eq3A_1038 : vector<128x64xi32>
    %eq3A_1040 = arith.cmpi eq, %add3A_1030, %scan3A_85#1 : vector<128x64xi32>
    %and3A_1041 = arith.andi %eq3A_1039, %eq3A_1040 : vector<128x64xi1>
    %jit3A_1042 = arith.constant 63 : i32
    %broadcast_in_dim3A_1043 = vector.broadcast %jit3A_1042 : i32 to vector<128x64xi32>
    %select_n3A_1044 = arith.select %and3A_1041, %broadcast_in_dim3A_1043, %select_n3A_1029 : vector<128x64xi1>, vector<128x64xi32>
    %mul3A_1045 = arith.constant 64 : i32
    %mul3A_1046 = vector.broadcast %mul3A_1045 : i32 to vector<128x64xi32>
    %mul3A_1047 = arith.muli %scan3A_85#0, %mul3A_1046 : vector<128x64xi32>
    %add3A_1048 = arith.addi %mul3A_1047, %select_n3A_1044 : vector<128x64xi32>
    %slice3A_1049 = vector.extract_strided_slice %add3A_1048 {offsets = [0, 0], sizes = [128, 1], strides = [1, 1]} : vector<128x64xi32> to vector<128x1xi32>
    %lt3A = vector.broadcast %slice3A_70 : vector<128x1xi32> to vector<128x64xi32>
    %lt3A_1050 = arith.cmpi slt, %iota3A_79, %lt3A : vector<128x64xi32>
    %broadcast_in_dim3A_1051 = vector.shape_cast %slice3A_1049 : vector<128x1xi32> to vector<128x1xi32>
    %broadcast_in_dim3A_1052 = vector.broadcast %broadcast_in_dim3A_1051 : vector<128x1xi32> to vector<128x64xi32>
    %select_n3A_1053 = arith.select %lt3A_1050, %add3A_1048, %broadcast_in_dim3A_1052 : vector<128x64xi1>, vector<128x64xi32>
    %swap3A = arith.constant 0 : index
    %swap3A_1054 = arith.constant 0 : index
    %swap3A_1055 = arith.constant 0 : index
    %swap3A_1056 = vector.load %arg9[%swap3A, %swap3A_1054, %swap3A_1055] : memref<1x128x64xi32, #tpu.memory_space<vmem>>, vector<1x128x64xi32>
    %swap3A_1057 = vector.shape_cast %swap3A_1056 : vector<1x128x64xi32> to vector<128x64xi32>
    %swap3A_1058 = vector.shape_cast %select_n3A_1053 : vector<128x64xi32> to vector<1x128x64xi32>
    tpu.vector_store %arg9[%swap3A, %swap3A_1054, %swap3A_1055], %swap3A_1058 {strides = array<i32>} : memref<1x128x64xi32, #tpu.memory_space<vmem>>, vector<1x128x64xi32>,
    return
  }
  func.func @transform_0(%arg0: i32, %arg1: i32) -> (i32, i32, i32) {
    %c0_i32 = arith.constant 0 : i32
    %c0_i32_0 = arith.constant 0 : i32
    %c0_i32_1 = arith.constant 0 : i32
    return %arg0, %c0_i32, %c0_i32_0 : i32, i32, i32
  }
  func.func @transform_1(%arg0: i32, %arg1: i32) -> (i32, i32, i32) {
    %c0_i32 = arith.constant 0 : i32
    %c0_i32_0 = arith.constant 0 : i32
    %c0_i32_1 = arith.constant 0 : i32
    return %arg0, %c0_i32, %c0_i32_0 : i32, i32, i32
  }
  func.func @transform_2(%arg0: i32, %arg1: i32) -> (i32, i32, i32) {
    %c0_i32 = arith.constant 0 : i32
    %c0_i32_0 = arith.constant 0 : i32
    %c0_i32_1 = arith.constant 0 : i32
    return %arg0, %c0_i32, %c0_i32_0 : i32, i32, i32
  }
  func.func @transform_3(%arg0: i32, %arg1: i32) -> (i32, i32, i32) {
    %c0_i32 = arith.constant 0 : i32
    %c0_i32_0 = arith.constant 0 : i32
    return %arg0, %c0_i32, %arg1 : i32, i32, i32
  }
  func.func @transform_4(%arg0: i32, %arg1: i32) -> (i32, i32, i32) {
    %c0_i32 = arith.constant 0 : i32
    %c0_i32_0 = arith.constant 0 : i32
    return %arg0, %c0_i32, %arg1 : i32, i32, i32
  }
  func.func @transform_5(%arg0: i32, %arg1: i32) -> (i32, i32, i32) {
    %c0_i32 = arith.constant 0 : i32
    %c0_i32_0 = arith.constant 0 : i32
    return %arg0, %c0_i32, %arg1 : i32, i32, i32
  }
  func.func @transform_6(%arg0: i32, %arg1: i32) -> (i32, i32) {
    %c0_i32 = arith.constant 0 : i32
    %c0_i32_0 = arith.constant 0 : i32
    %c0_i32_1 = arith.constant 0 : i32
    return %c0_i32, %c0_i32_0 : i32, i32
  }
  func.func @transform_7(%arg0: i32, %arg1: i32) -> (i32, i32, i32) {
    %c0_i32 = arith.constant 0 : i32
    %c0_i32_0 = arith.constant 0 : i32
    return %arg0, %arg1, %c0_i32 : i32, i32, i32
  }
}

module attributes {stable_mosaic.version = 14 : i64} {
  func.func @_interp_body(%arg0: i32, %arg1: i32, %arg2: memref<1x1x128xf32, #tpu.memory_space<vmem>>, %arg3: memref<1x1x128xf32, #tpu.memory_space<vmem>>, %arg4: memref<1x1x128xf32, #tpu.memory_space<vmem>>, %arg5: memref<1x1x256xf32, #tpu.memory_space<vmem>>, %arg6: memref<1x1x256xf32, #tpu.memory_space<vmem>>, %arg7: memref<1x1x256xf32, #tpu.memory_space<vmem>>, %arg8: memref<1x128x256xf32, #tpu.memory_space<vmem>>, %arg9: memref<1x256x256xf32, #tpu.memory_space<vmem>>) attributes {dimension_semantics = [#tpu.dimension_semantics<arbitrary>, #tpu.dimension_semantics<arbitrary>], iteration_bounds = array<i64: 16, 2>, scalar_prefetch = 0 : i64, scratch_operands = 0 : i64, tpu.core_type = #tpu.core_type<tc>, window_params = [{transform_indices = @transform_0, window_bounds = array<i64: 1, 1, 128>}, {transform_indices = @transform_1, window_bounds = array<i64: 1, 1, 128>}, {transform_indices = @transform_2, window_bounds = array<i64: 1, 1, 128>}, {transform_indices = @transform_3, window_bounds = array<i64: 1, 1, 256>}, {transform_indices = @transform_4, window_bounds = array<i64: 1, 1, 256>}, {transform_indices = @transform_5, window_bounds = array<i64: 1, 1, 256>}, {transform_indices = @transform_6, window_bounds = array<i64: 1, 128, 256>}, {transform_indices = @transform_7, window_bounds = array<i64: 1, 256, 256>}]} {
    %get3A = arith.constant 0 : index
    %get3A_0 = arith.constant 0 : index
    %get3A_1 = arith.constant 0 : index
    %get3A_2 = vector.load %arg5[%get3A, %get3A_0, %get3A_1] : memref<1x1x256xf32, #tpu.memory_space<vmem>>, vector<1x1x256xf32>
    %get3A_3 = vector.shape_cast %get3A_2 : vector<1x1x256xf32> to vector<256xf32>
    %broadcast_in_dim3A = vector.shape_cast %get3A_3 : vector<256xf32> to vector<256x1xf32>
    %get3A_4 = arith.constant 0 : index
    %get3A_5 = arith.constant 0 : index
    %get3A_6 = arith.constant 0 : index
    %get3A_7 = vector.load %arg2[%get3A_4, %get3A_5, %get3A_6] : memref<1x1x128xf32, #tpu.memory_space<vmem>>, vector<1x1x128xf32>
    %get3A_8 = vector.shape_cast %get3A_7 : vector<1x1x128xf32> to vector<128xf32>
    %broadcast_in_dim3A_9 = vector.shape_cast %get3A_8 : vector<128xf32> to vector<1x128xf32>
    %sub3A = vector.broadcast %broadcast_in_dim3A : vector<256x1xf32> to vector<256x128xf32>
    %sub3A_10 = vector.broadcast %broadcast_in_dim3A_9 : vector<1x128xf32> to vector<256x128xf32>
    %sub3A_11 = arith.subf %sub3A, %sub3A_10 : vector<256x128xf32>
    %get3A_12 = arith.constant 0 : index
    %get3A_13 = arith.constant 0 : index
    %get3A_14 = arith.constant 0 : index
    %get3A_15 = vector.load %arg6[%get3A_12, %get3A_13, %get3A_14] : memref<1x1x256xf32, #tpu.memory_space<vmem>>, vector<1x1x256xf32>
    %get3A_16 = vector.shape_cast %get3A_15 : vector<1x1x256xf32> to vector<256xf32>
    %broadcast_in_dim3A_17 = vector.shape_cast %get3A_16 : vector<256xf32> to vector<256x1xf32>
    %get3A_18 = arith.constant 0 : index
    %get3A_19 = arith.constant 0 : index
    %get3A_20 = arith.constant 0 : index
    %get3A_21 = vector.load %arg3[%get3A_18, %get3A_19, %get3A_20] : memref<1x1x128xf32, #tpu.memory_space<vmem>>, vector<1x1x128xf32>
    %get3A_22 = vector.shape_cast %get3A_21 : vector<1x1x128xf32> to vector<128xf32>
    %broadcast_in_dim3A_23 = vector.shape_cast %get3A_22 : vector<128xf32> to vector<1x128xf32>
    %sub3A_24 = vector.broadcast %broadcast_in_dim3A_17 : vector<256x1xf32> to vector<256x128xf32>
    %sub3A_25 = vector.broadcast %broadcast_in_dim3A_23 : vector<1x128xf32> to vector<256x128xf32>
    %sub3A_26 = arith.subf %sub3A_24, %sub3A_25 : vector<256x128xf32>
    %get3A_27 = arith.constant 0 : index
    %get3A_28 = arith.constant 0 : index
    %get3A_29 = arith.constant 0 : index
    %get3A_30 = vector.load %arg7[%get3A_27, %get3A_28, %get3A_29] : memref<1x1x256xf32, #tpu.memory_space<vmem>>, vector<1x1x256xf32>
    %get3A_31 = vector.shape_cast %get3A_30 : vector<1x1x256xf32> to vector<256xf32>
    %broadcast_in_dim3A_32 = vector.shape_cast %get3A_31 : vector<256xf32> to vector<256x1xf32>
    %get3A_33 = arith.constant 0 : index
    %get3A_34 = arith.constant 0 : index
    %get3A_35 = arith.constant 0 : index
    %get3A_36 = vector.load %arg4[%get3A_33, %get3A_34, %get3A_35] : memref<1x1x128xf32, #tpu.memory_space<vmem>>, vector<1x1x128xf32>
    %get3A_37 = vector.shape_cast %get3A_36 : vector<1x1x128xf32> to vector<128xf32>
    %broadcast_in_dim3A_38 = vector.shape_cast %get3A_37 : vector<128xf32> to vector<1x128xf32>
    %sub3A_39 = vector.broadcast %broadcast_in_dim3A_32 : vector<256x1xf32> to vector<256x128xf32>
    %sub3A_40 = vector.broadcast %broadcast_in_dim3A_38 : vector<1x128xf32> to vector<256x128xf32>
    %sub3A_41 = arith.subf %sub3A_39, %sub3A_40 : vector<256x128xf32>
    %mul3A = arith.mulf %sub3A_11, %sub3A_11 : vector<256x128xf32>
    %mul3A_42 = arith.mulf %sub3A_26, %sub3A_26 : vector<256x128xf32>
    %add3A = arith.addf %mul3A, %mul3A_42 : vector<256x128xf32>
    %mul3A_43 = arith.mulf %sub3A_41, %sub3A_41 : vector<256x128xf32>
    %add3A_44 = arith.addf %add3A, %mul3A_43 : vector<256x128xf32>
    %iota3A = tpu.iota {dimensions = array<i32: 1>} : vector<256x128xi32>
    %broadcast_in_dim3A_45 = arith.constant 0.000000e+00 : f32
    %broadcast_in_dim3A_46 = vector.broadcast %broadcast_in_dim3A_45 : f32 to vector<256x128xf32>
    %broadcast_in_dim3A_47 = arith.constant 0.000000e+00 : f32
    %broadcast_in_dim3A_48 = vector.broadcast %broadcast_in_dim3A_47 : f32 to vector<256x1xf32>
    %reduce_min3A = arith.constant dense<0x7F800000> : vector<256xf32>
    %reduce_min3A_49 = vector.multi_reduction <minimumf>, %add3A_44, %reduce_min3A [1] : vector<256x128xf32> to vector<256xf32>
    %broadcast_in_dim3A_50 = vector.shape_cast %reduce_min3A_49 : vector<256xf32> to vector<256x1xf32>
    %argmin3A = tpu.reduce_index %add3A_44 {axis = 1 : i32, kind = #tpu.reduction_kind<arg_min>} : vector<256x128xf32> -> vector<256xi32>
    %broadcast_in_dim3A_51 = vector.shape_cast %argmin3A : vector<256xi32> to vector<256x1xi32>
    %max3A = arith.constant 1.000000e-16 : f32
    %max3A_52 = vector.broadcast %max3A : f32 to vector<256x1xf32>
    %max3A_53 = arith.maximumf %broadcast_in_dim3A_50, %max3A_52 : vector<256x1xf32>
    %div3A = arith.constant 1.000000e+00 : f32
    %div3A_54 = vector.broadcast %div3A : f32 to vector<256x1xf32>
    %div3A_55 = arith.divf %div3A_54, %max3A_53 : vector<256x1xf32>
    %eq3A = vector.broadcast %broadcast_in_dim3A_51 : vector<256x1xi32> to vector<256x128xi32>
    %eq3A_56 = arith.cmpi eq, %iota3A, %eq3A : vector<256x128xi32>
    %jit3A = arith.constant 0.000000e+00 : f32
    %broadcast_in_dim3A_57 = vector.shape_cast %div3A_55 : vector<256x1xf32> to vector<256x1xf32>
    %broadcast_in_dim3A_58 = vector.broadcast %broadcast_in_dim3A_57 : vector<256x1xf32> to vector<256x128xf32>
    %broadcast_in_dim3A_59 = vector.broadcast %jit3A : f32 to vector<256x128xf32>
    %select_n3A = arith.select %eq3A_56, %broadcast_in_dim3A_58, %broadcast_in_dim3A_59 : vector<256x128xi1>, vector<256x128xf32>
    %add3A_60 = arith.addf %broadcast_in_dim3A_46, %select_n3A : vector<256x128xf32>
    %add3A_61 = arith.addf %broadcast_in_dim3A_48, %div3A_55 : vector<256x1xf32>
    %jit3A_62 = arith.constant 1.000000e+30 : f32
    %broadcast_in_dim3A_63 = vector.broadcast %jit3A_62 : f32 to vector<256x128xf32>
    %select_n3A_64 = arith.select %eq3A_56, %broadcast_in_dim3A_63, %add3A_44 : vector<256x128xi1>, vector<256x128xf32>
    %reduce_min3A_65 = arith.constant dense<0x7F800000> : vector<256xf32>
    %reduce_min3A_66 = vector.multi_reduction <minimumf>, %select_n3A_64, %reduce_min3A_65 [1] : vector<256x128xf32> to vector<256xf32>
    %broadcast_in_dim3A_67 = vector.shape_cast %reduce_min3A_66 : vector<256xf32> to vector<256x1xf32>
    %argmin3A_68 = tpu.reduce_index %select_n3A_64 {axis = 1 : i32, kind = #tpu.reduction_kind<arg_min>} : vector<256x128xf32> -> vector<256xi32>
    %broadcast_in_dim3A_69 = vector.shape_cast %argmin3A_68 : vector<256xi32> to vector<256x1xi32>
    %max3A_70 = arith.constant 1.000000e-16 : f32
    %max3A_71 = vector.broadcast %max3A_70 : f32 to vector<256x1xf32>
    %max3A_72 = arith.maximumf %broadcast_in_dim3A_67, %max3A_71 : vector<256x1xf32>
    %div3A_73 = arith.constant 1.000000e+00 : f32
    %div3A_74 = vector.broadcast %div3A_73 : f32 to vector<256x1xf32>
    %div3A_75 = arith.divf %div3A_74, %max3A_72 : vector<256x1xf32>
    %eq3A_76 = vector.broadcast %broadcast_in_dim3A_69 : vector<256x1xi32> to vector<256x128xi32>
    %eq3A_77 = arith.cmpi eq, %iota3A, %eq3A_76 : vector<256x128xi32>
    %jit3A_78 = arith.constant 0.000000e+00 : f32
    %broadcast_in_dim3A_79 = vector.shape_cast %div3A_75 : vector<256x1xf32> to vector<256x1xf32>
    %broadcast_in_dim3A_80 = vector.broadcast %broadcast_in_dim3A_79 : vector<256x1xf32> to vector<256x128xf32>
    %broadcast_in_dim3A_81 = vector.broadcast %jit3A_78 : f32 to vector<256x128xf32>
    %select_n3A_82 = arith.select %eq3A_77, %broadcast_in_dim3A_80, %broadcast_in_dim3A_81 : vector<256x128xi1>, vector<256x128xf32>
    %add3A_83 = arith.addf %add3A_60, %select_n3A_82 : vector<256x128xf32>
    %add3A_84 = arith.addf %add3A_61, %div3A_75 : vector<256x1xf32>
    %jit3A_85 = arith.constant 1.000000e+30 : f32
    %broadcast_in_dim3A_86 = vector.broadcast %jit3A_85 : f32 to vector<256x128xf32>
    %select_n3A_87 = arith.select %eq3A_77, %broadcast_in_dim3A_86, %select_n3A_64 : vector<256x128xi1>, vector<256x128xf32>
    %reduce_min3A_88 = arith.constant dense<0x7F800000> : vector<256xf32>
    %reduce_min3A_89 = vector.multi_reduction <minimumf>, %select_n3A_87, %reduce_min3A_88 [1] : vector<256x128xf32> to vector<256xf32>
    %broadcast_in_dim3A_90 = vector.shape_cast %reduce_min3A_89 : vector<256xf32> to vector<256x1xf32>
    %argmin3A_91 = tpu.reduce_index %select_n3A_87 {axis = 1 : i32, kind = #tpu.reduction_kind<arg_min>} : vector<256x128xf32> -> vector<256xi32>
    %broadcast_in_dim3A_92 = vector.shape_cast %argmin3A_91 : vector<256xi32> to vector<256x1xi32>
    %max3A_93 = arith.constant 1.000000e-16 : f32
    %max3A_94 = vector.broadcast %max3A_93 : f32 to vector<256x1xf32>
    %max3A_95 = arith.maximumf %broadcast_in_dim3A_90, %max3A_94 : vector<256x1xf32>
    %div3A_96 = arith.constant 1.000000e+00 : f32
    %div3A_97 = vector.broadcast %div3A_96 : f32 to vector<256x1xf32>
    %div3A_98 = arith.divf %div3A_97, %max3A_95 : vector<256x1xf32>
    %eq3A_99 = vector.broadcast %broadcast_in_dim3A_92 : vector<256x1xi32> to vector<256x128xi32>
    %eq3A_100 = arith.cmpi eq, %iota3A, %eq3A_99 : vector<256x128xi32>
    %jit3A_101 = arith.constant 0.000000e+00 : f32
    %broadcast_in_dim3A_102 = vector.shape_cast %div3A_98 : vector<256x1xf32> to vector<256x1xf32>
    %broadcast_in_dim3A_103 = vector.broadcast %broadcast_in_dim3A_102 : vector<256x1xf32> to vector<256x128xf32>
    %broadcast_in_dim3A_104 = vector.broadcast %jit3A_101 : f32 to vector<256x128xf32>
    %select_n3A_105 = arith.select %eq3A_100, %broadcast_in_dim3A_103, %broadcast_in_dim3A_104 : vector<256x128xi1>, vector<256x128xf32>
    %add3A_106 = arith.addf %add3A_83, %select_n3A_105 : vector<256x128xf32>
    %add3A_107 = arith.addf %add3A_84, %div3A_98 : vector<256x1xf32>
    %get3A_108 = arith.constant 0 : index
    %get3A_109 = arith.constant 0 : index
    %get3A_110 = arith.constant 0 : index
    %get3A_111 = vector.load %arg8[%get3A_108, %get3A_109, %get3A_110] : memref<1x128x256xf32, #tpu.memory_space<vmem>>, vector<1x128x256xf32>
    %get3A_112 = vector.shape_cast %get3A_111 : vector<1x128x256xf32> to vector<128x256xf32>
    %dot_general3A = arith.constant dense<0.000000e+00> : vector<256x256xf32>
    %dot_general3A_113 = tpu.matmul %add3A_106, %get3A_112, %dot_general3A {dimension_numbers = #tpu.dot_dimension_numbers<[1], [0], [0], [1], [0, 0, 1, 1], [], []>, precision = #tpu.contract_precision<fp32>, transpose_lhs_hint = false} : vector<256x128xf32>, vector<128x256xf32>, vector<256x256xf32> -> vector<256x256xf32>
    %div3A_114 = vector.broadcast %add3A_107 : vector<256x1xf32> to vector<256x256xf32>
    %div3A_115 = arith.divf %dot_general3A_113, %div3A_114 : vector<256x256xf32>
    %swap3A = arith.constant 0 : index
    %swap3A_116 = arith.constant 0 : index
    %swap3A_117 = arith.constant 0 : index
    %swap3A_118 = vector.load %arg9[%swap3A, %swap3A_116, %swap3A_117] : memref<1x256x256xf32, #tpu.memory_space<vmem>>, vector<1x256x256xf32>
    %swap3A_119 = vector.shape_cast %swap3A_118 : vector<1x256x256xf32> to vector<256x256xf32>
    %swap3A_120 = vector.shape_cast %div3A_115 : vector<256x256xf32> to vector<1x256x256xf32>
    tpu.vector_store %arg9[%swap3A, %swap3A_116, %swap3A_117], %swap3A_120 {strides = array<i32>} : memref<1x256x256xf32, #tpu.memory_space<vmem>>, vector<1x256x256xf32>,
    return
  }
  func.func @transform_0(%arg0: i32, %arg1: i32) -> (i32, i32, i32) {
    %c0_i32 = arith.constant 0 : i32
    %c0_i32_0 = arith.constant 0 : i32
    %c0_i32_1 = arith.constant 0 : i32
    return %arg0, %c0_i32, %c0_i32_0 : i32, i32, i32
  }
  func.func @transform_1(%arg0: i32, %arg1: i32) -> (i32, i32, i32) {
    %c0_i32 = arith.constant 0 : i32
    %c0_i32_0 = arith.constant 0 : i32
    %c0_i32_1 = arith.constant 0 : i32
    return %arg0, %c0_i32, %c0_i32_0 : i32, i32, i32
  }
  func.func @transform_2(%arg0: i32, %arg1: i32) -> (i32, i32, i32) {
    %c0_i32 = arith.constant 0 : i32
    %c0_i32_0 = arith.constant 0 : i32
    %c0_i32_1 = arith.constant 0 : i32
    return %arg0, %c0_i32, %c0_i32_0 : i32, i32, i32
  }
  func.func @transform_3(%arg0: i32, %arg1: i32) -> (i32, i32, i32) {
    %c0_i32 = arith.constant 0 : i32
    %c0_i32_0 = arith.constant 0 : i32
    return %arg0, %c0_i32, %arg1 : i32, i32, i32
  }
  func.func @transform_4(%arg0: i32, %arg1: i32) -> (i32, i32, i32) {
    %c0_i32 = arith.constant 0 : i32
    %c0_i32_0 = arith.constant 0 : i32
    return %arg0, %c0_i32, %arg1 : i32, i32, i32
  }
  func.func @transform_5(%arg0: i32, %arg1: i32) -> (i32, i32, i32) {
    %c0_i32 = arith.constant 0 : i32
    %c0_i32_0 = arith.constant 0 : i32
    return %arg0, %c0_i32, %arg1 : i32, i32, i32
  }
  func.func @transform_6(%arg0: i32, %arg1: i32) -> (i32, i32, i32) {
    %c0_i32 = arith.constant 0 : i32
    %c0_i32_0 = arith.constant 0 : i32
    %c0_i32_1 = arith.constant 0 : i32
    return %arg0, %c0_i32, %c0_i32_0 : i32, i32, i32
  }
  func.func @transform_7(%arg0: i32, %arg1: i32) -> (i32, i32, i32) {
    %c0_i32 = arith.constant 0 : i32
    %c0_i32_0 = arith.constant 0 : i32
    return %arg0, %arg1, %c0_i32 : i32, i32, i32
  }
}

module attributes {stable_mosaic.version = 14 : i64} {
  func.func @_interp_body(%arg0: i32, %arg1: i32, %arg2: memref<1x1x512xf32, #tpu.memory_space<vmem>>, %arg3: memref<1x1x512xf32, #tpu.memory_space<vmem>>, %arg4: memref<1x1x512xf32, #tpu.memory_space<vmem>>, %arg5: memref<1x1x256xf32, #tpu.memory_space<vmem>>, %arg6: memref<1x1x256xf32, #tpu.memory_space<vmem>>, %arg7: memref<1x1x256xf32, #tpu.memory_space<vmem>>, %arg8: memref<1x512x256xf32, #tpu.memory_space<vmem>>, %arg9: memref<1x256x256xf32, #tpu.memory_space<vmem>>) attributes {dimension_semantics = [#tpu.dimension_semantics<arbitrary>, #tpu.dimension_semantics<arbitrary>], iteration_bounds = array<i64: 16, 16>, scalar_prefetch = 0 : i64, scratch_operands = 0 : i64, tpu.core_type = #tpu.core_type<tc>, window_params = [{transform_indices = @transform_0, window_bounds = array<i64: 1, 1, 512>}, {transform_indices = @transform_1, window_bounds = array<i64: 1, 1, 512>}, {transform_indices = @transform_2, window_bounds = array<i64: 1, 1, 512>}, {transform_indices = @transform_3, window_bounds = array<i64: 1, 1, 256>}, {transform_indices = @transform_4, window_bounds = array<i64: 1, 1, 256>}, {transform_indices = @transform_5, window_bounds = array<i64: 1, 1, 256>}, {transform_indices = @transform_6, window_bounds = array<i64: 1, 512, 256>}, {transform_indices = @transform_7, window_bounds = array<i64: 1, 256, 256>}]} {
    %get3A = arith.constant 0 : index
    %get3A_0 = arith.constant 0 : index
    %get3A_1 = arith.constant 0 : index
    %get3A_2 = vector.load %arg5[%get3A, %get3A_0, %get3A_1] : memref<1x1x256xf32, #tpu.memory_space<vmem>>, vector<1x1x256xf32>
    %get3A_3 = vector.shape_cast %get3A_2 : vector<1x1x256xf32> to vector<256xf32>
    %broadcast_in_dim3A = vector.shape_cast %get3A_3 : vector<256xf32> to vector<256x1xf32>
    %get3A_4 = arith.constant 0 : index
    %get3A_5 = arith.constant 0 : index
    %get3A_6 = arith.constant 0 : index
    %get3A_7 = vector.load %arg2[%get3A_4, %get3A_5, %get3A_6] : memref<1x1x512xf32, #tpu.memory_space<vmem>>, vector<1x1x512xf32>
    %get3A_8 = vector.shape_cast %get3A_7 : vector<1x1x512xf32> to vector<512xf32>
    %broadcast_in_dim3A_9 = vector.shape_cast %get3A_8 : vector<512xf32> to vector<1x512xf32>
    %sub3A = vector.broadcast %broadcast_in_dim3A : vector<256x1xf32> to vector<256x512xf32>
    %sub3A_10 = vector.broadcast %broadcast_in_dim3A_9 : vector<1x512xf32> to vector<256x512xf32>
    %sub3A_11 = arith.subf %sub3A, %sub3A_10 : vector<256x512xf32>
    %get3A_12 = arith.constant 0 : index
    %get3A_13 = arith.constant 0 : index
    %get3A_14 = arith.constant 0 : index
    %get3A_15 = vector.load %arg6[%get3A_12, %get3A_13, %get3A_14] : memref<1x1x256xf32, #tpu.memory_space<vmem>>, vector<1x1x256xf32>
    %get3A_16 = vector.shape_cast %get3A_15 : vector<1x1x256xf32> to vector<256xf32>
    %broadcast_in_dim3A_17 = vector.shape_cast %get3A_16 : vector<256xf32> to vector<256x1xf32>
    %get3A_18 = arith.constant 0 : index
    %get3A_19 = arith.constant 0 : index
    %get3A_20 = arith.constant 0 : index
    %get3A_21 = vector.load %arg3[%get3A_18, %get3A_19, %get3A_20] : memref<1x1x512xf32, #tpu.memory_space<vmem>>, vector<1x1x512xf32>
    %get3A_22 = vector.shape_cast %get3A_21 : vector<1x1x512xf32> to vector<512xf32>
    %broadcast_in_dim3A_23 = vector.shape_cast %get3A_22 : vector<512xf32> to vector<1x512xf32>
    %sub3A_24 = vector.broadcast %broadcast_in_dim3A_17 : vector<256x1xf32> to vector<256x512xf32>
    %sub3A_25 = vector.broadcast %broadcast_in_dim3A_23 : vector<1x512xf32> to vector<256x512xf32>
    %sub3A_26 = arith.subf %sub3A_24, %sub3A_25 : vector<256x512xf32>
    %get3A_27 = arith.constant 0 : index
    %get3A_28 = arith.constant 0 : index
    %get3A_29 = arith.constant 0 : index
    %get3A_30 = vector.load %arg7[%get3A_27, %get3A_28, %get3A_29] : memref<1x1x256xf32, #tpu.memory_space<vmem>>, vector<1x1x256xf32>
    %get3A_31 = vector.shape_cast %get3A_30 : vector<1x1x256xf32> to vector<256xf32>
    %broadcast_in_dim3A_32 = vector.shape_cast %get3A_31 : vector<256xf32> to vector<256x1xf32>
    %get3A_33 = arith.constant 0 : index
    %get3A_34 = arith.constant 0 : index
    %get3A_35 = arith.constant 0 : index
    %get3A_36 = vector.load %arg4[%get3A_33, %get3A_34, %get3A_35] : memref<1x1x512xf32, #tpu.memory_space<vmem>>, vector<1x1x512xf32>
    %get3A_37 = vector.shape_cast %get3A_36 : vector<1x1x512xf32> to vector<512xf32>
    %broadcast_in_dim3A_38 = vector.shape_cast %get3A_37 : vector<512xf32> to vector<1x512xf32>
    %sub3A_39 = vector.broadcast %broadcast_in_dim3A_32 : vector<256x1xf32> to vector<256x512xf32>
    %sub3A_40 = vector.broadcast %broadcast_in_dim3A_38 : vector<1x512xf32> to vector<256x512xf32>
    %sub3A_41 = arith.subf %sub3A_39, %sub3A_40 : vector<256x512xf32>
    %mul3A = arith.mulf %sub3A_11, %sub3A_11 : vector<256x512xf32>
    %mul3A_42 = arith.mulf %sub3A_26, %sub3A_26 : vector<256x512xf32>
    %add3A = arith.addf %mul3A, %mul3A_42 : vector<256x512xf32>
    %mul3A_43 = arith.mulf %sub3A_41, %sub3A_41 : vector<256x512xf32>
    %add3A_44 = arith.addf %add3A, %mul3A_43 : vector<256x512xf32>
    %iota3A = tpu.iota {dimensions = array<i32: 1>} : vector<256x512xi32>
    %broadcast_in_dim3A_45 = arith.constant 0.000000e+00 : f32
    %broadcast_in_dim3A_46 = vector.broadcast %broadcast_in_dim3A_45 : f32 to vector<256x512xf32>
    %broadcast_in_dim3A_47 = arith.constant 0.000000e+00 : f32
    %broadcast_in_dim3A_48 = vector.broadcast %broadcast_in_dim3A_47 : f32 to vector<256x1xf32>
    %reduce_min3A = arith.constant dense<0x7F800000> : vector<256xf32>
    %reduce_min3A_49 = vector.multi_reduction <minimumf>, %add3A_44, %reduce_min3A [1] : vector<256x512xf32> to vector<256xf32>
    %broadcast_in_dim3A_50 = vector.shape_cast %reduce_min3A_49 : vector<256xf32> to vector<256x1xf32>
    %argmin3A = tpu.reduce_index %add3A_44 {axis = 1 : i32, kind = #tpu.reduction_kind<arg_min>} : vector<256x512xf32> -> vector<256xi32>
    %broadcast_in_dim3A_51 = vector.shape_cast %argmin3A : vector<256xi32> to vector<256x1xi32>
    %max3A = arith.constant 1.000000e-16 : f32
    %max3A_52 = vector.broadcast %max3A : f32 to vector<256x1xf32>
    %max3A_53 = arith.maximumf %broadcast_in_dim3A_50, %max3A_52 : vector<256x1xf32>
    %div3A = arith.constant 1.000000e+00 : f32
    %div3A_54 = vector.broadcast %div3A : f32 to vector<256x1xf32>
    %div3A_55 = arith.divf %div3A_54, %max3A_53 : vector<256x1xf32>
    %eq3A = vector.broadcast %broadcast_in_dim3A_51 : vector<256x1xi32> to vector<256x512xi32>
    %eq3A_56 = arith.cmpi eq, %iota3A, %eq3A : vector<256x512xi32>
    %jit3A = arith.constant 0.000000e+00 : f32
    %broadcast_in_dim3A_57 = vector.shape_cast %div3A_55 : vector<256x1xf32> to vector<256x1xf32>
    %broadcast_in_dim3A_58 = vector.broadcast %broadcast_in_dim3A_57 : vector<256x1xf32> to vector<256x512xf32>
    %broadcast_in_dim3A_59 = vector.broadcast %jit3A : f32 to vector<256x512xf32>
    %select_n3A = arith.select %eq3A_56, %broadcast_in_dim3A_58, %broadcast_in_dim3A_59 : vector<256x512xi1>, vector<256x512xf32>
    %add3A_60 = arith.addf %broadcast_in_dim3A_46, %select_n3A : vector<256x512xf32>
    %add3A_61 = arith.addf %broadcast_in_dim3A_48, %div3A_55 : vector<256x1xf32>
    %jit3A_62 = arith.constant 1.000000e+30 : f32
    %broadcast_in_dim3A_63 = vector.broadcast %jit3A_62 : f32 to vector<256x512xf32>
    %select_n3A_64 = arith.select %eq3A_56, %broadcast_in_dim3A_63, %add3A_44 : vector<256x512xi1>, vector<256x512xf32>
    %reduce_min3A_65 = arith.constant dense<0x7F800000> : vector<256xf32>
    %reduce_min3A_66 = vector.multi_reduction <minimumf>, %select_n3A_64, %reduce_min3A_65 [1] : vector<256x512xf32> to vector<256xf32>
    %broadcast_in_dim3A_67 = vector.shape_cast %reduce_min3A_66 : vector<256xf32> to vector<256x1xf32>
    %argmin3A_68 = tpu.reduce_index %select_n3A_64 {axis = 1 : i32, kind = #tpu.reduction_kind<arg_min>} : vector<256x512xf32> -> vector<256xi32>
    %broadcast_in_dim3A_69 = vector.shape_cast %argmin3A_68 : vector<256xi32> to vector<256x1xi32>
    %max3A_70 = arith.constant 1.000000e-16 : f32
    %max3A_71 = vector.broadcast %max3A_70 : f32 to vector<256x1xf32>
    %max3A_72 = arith.maximumf %broadcast_in_dim3A_67, %max3A_71 : vector<256x1xf32>
    %div3A_73 = arith.constant 1.000000e+00 : f32
    %div3A_74 = vector.broadcast %div3A_73 : f32 to vector<256x1xf32>
    %div3A_75 = arith.divf %div3A_74, %max3A_72 : vector<256x1xf32>
    %eq3A_76 = vector.broadcast %broadcast_in_dim3A_69 : vector<256x1xi32> to vector<256x512xi32>
    %eq3A_77 = arith.cmpi eq, %iota3A, %eq3A_76 : vector<256x512xi32>
    %jit3A_78 = arith.constant 0.000000e+00 : f32
    %broadcast_in_dim3A_79 = vector.shape_cast %div3A_75 : vector<256x1xf32> to vector<256x1xf32>
    %broadcast_in_dim3A_80 = vector.broadcast %broadcast_in_dim3A_79 : vector<256x1xf32> to vector<256x512xf32>
    %broadcast_in_dim3A_81 = vector.broadcast %jit3A_78 : f32 to vector<256x512xf32>
    %select_n3A_82 = arith.select %eq3A_77, %broadcast_in_dim3A_80, %broadcast_in_dim3A_81 : vector<256x512xi1>, vector<256x512xf32>
    %add3A_83 = arith.addf %add3A_60, %select_n3A_82 : vector<256x512xf32>
    %add3A_84 = arith.addf %add3A_61, %div3A_75 : vector<256x1xf32>
    %jit3A_85 = arith.constant 1.000000e+30 : f32
    %broadcast_in_dim3A_86 = vector.broadcast %jit3A_85 : f32 to vector<256x512xf32>
    %select_n3A_87 = arith.select %eq3A_77, %broadcast_in_dim3A_86, %select_n3A_64 : vector<256x512xi1>, vector<256x512xf32>
    %reduce_min3A_88 = arith.constant dense<0x7F800000> : vector<256xf32>
    %reduce_min3A_89 = vector.multi_reduction <minimumf>, %select_n3A_87, %reduce_min3A_88 [1] : vector<256x512xf32> to vector<256xf32>
    %broadcast_in_dim3A_90 = vector.shape_cast %reduce_min3A_89 : vector<256xf32> to vector<256x1xf32>
    %argmin3A_91 = tpu.reduce_index %select_n3A_87 {axis = 1 : i32, kind = #tpu.reduction_kind<arg_min>} : vector<256x512xf32> -> vector<256xi32>
    %broadcast_in_dim3A_92 = vector.shape_cast %argmin3A_91 : vector<256xi32> to vector<256x1xi32>
    %max3A_93 = arith.constant 1.000000e-16 : f32
    %max3A_94 = vector.broadcast %max3A_93 : f32 to vector<256x1xf32>
    %max3A_95 = arith.maximumf %broadcast_in_dim3A_90, %max3A_94 : vector<256x1xf32>
    %div3A_96 = arith.constant 1.000000e+00 : f32
    %div3A_97 = vector.broadcast %div3A_96 : f32 to vector<256x1xf32>
    %div3A_98 = arith.divf %div3A_97, %max3A_95 : vector<256x1xf32>
    %eq3A_99 = vector.broadcast %broadcast_in_dim3A_92 : vector<256x1xi32> to vector<256x512xi32>
    %eq3A_100 = arith.cmpi eq, %iota3A, %eq3A_99 : vector<256x512xi32>
    %jit3A_101 = arith.constant 0.000000e+00 : f32
    %broadcast_in_dim3A_102 = vector.shape_cast %div3A_98 : vector<256x1xf32> to vector<256x1xf32>
    %broadcast_in_dim3A_103 = vector.broadcast %broadcast_in_dim3A_102 : vector<256x1xf32> to vector<256x512xf32>
    %broadcast_in_dim3A_104 = vector.broadcast %jit3A_101 : f32 to vector<256x512xf32>
    %select_n3A_105 = arith.select %eq3A_100, %broadcast_in_dim3A_103, %broadcast_in_dim3A_104 : vector<256x512xi1>, vector<256x512xf32>
    %add3A_106 = arith.addf %add3A_83, %select_n3A_105 : vector<256x512xf32>
    %add3A_107 = arith.addf %add3A_84, %div3A_98 : vector<256x1xf32>
    %get3A_108 = arith.constant 0 : index
    %get3A_109 = arith.constant 0 : index
    %get3A_110 = arith.constant 0 : index
    %get3A_111 = vector.load %arg8[%get3A_108, %get3A_109, %get3A_110] : memref<1x512x256xf32, #tpu.memory_space<vmem>>, vector<1x512x256xf32>
    %get3A_112 = vector.shape_cast %get3A_111 : vector<1x512x256xf32> to vector<512x256xf32>
    %dot_general3A = arith.constant dense<0.000000e+00> : vector<256x256xf32>
    %dot_general3A_113 = tpu.matmul %add3A_106, %get3A_112, %dot_general3A {dimension_numbers = #tpu.dot_dimension_numbers<[1], [0], [0], [1], [0, 0, 1, 1], [], []>, precision = #tpu.contract_precision<fp32>, transpose_lhs_hint = false} : vector<256x512xf32>, vector<512x256xf32>, vector<256x256xf32> -> vector<256x256xf32>
    %div3A_114 = vector.broadcast %add3A_107 : vector<256x1xf32> to vector<256x256xf32>
    %div3A_115 = arith.divf %dot_general3A_113, %div3A_114 : vector<256x256xf32>
    %swap3A = arith.constant 0 : index
    %swap3A_116 = arith.constant 0 : index
    %swap3A_117 = arith.constant 0 : index
    %swap3A_118 = vector.load %arg9[%swap3A, %swap3A_116, %swap3A_117] : memref<1x256x256xf32, #tpu.memory_space<vmem>>, vector<1x256x256xf32>
    %swap3A_119 = vector.shape_cast %swap3A_118 : vector<1x256x256xf32> to vector<256x256xf32>
    %swap3A_120 = vector.shape_cast %div3A_115 : vector<256x256xf32> to vector<1x256x256xf32>
    tpu.vector_store %arg9[%swap3A, %swap3A_116, %swap3A_117], %swap3A_120 {strides = array<i32>} : memref<1x256x256xf32, #tpu.memory_space<vmem>>, vector<1x256x256xf32>,
    return
  }
  func.func @transform_0(%arg0: i32, %arg1: i32) -> (i32, i32, i32) {
    %c0_i32 = arith.constant 0 : i32
    %c0_i32_0 = arith.constant 0 : i32
    %c0_i32_1 = arith.constant 0 : i32
    return %arg0, %c0_i32, %c0_i32_0 : i32, i32, i32
  }
  func.func @transform_1(%arg0: i32, %arg1: i32) -> (i32, i32, i32) {
    %c0_i32 = arith.constant 0 : i32
    %c0_i32_0 = arith.constant 0 : i32
    %c0_i32_1 = arith.constant 0 : i32
    return %arg0, %c0_i32, %c0_i32_0 : i32, i32, i32
  }
  func.func @transform_2(%arg0: i32, %arg1: i32) -> (i32, i32, i32) {
    %c0_i32 = arith.constant 0 : i32
    %c0_i32_0 = arith.constant 0 : i32
    %c0_i32_1 = arith.constant 0 : i32
    return %arg0, %c0_i32, %c0_i32_0 : i32, i32, i32
  }
  func.func @transform_3(%arg0: i32, %arg1: i32) -> (i32, i32, i32) {
    %c0_i32 = arith.constant 0 : i32
    %c0_i32_0 = arith.constant 0 : i32
    return %arg0, %c0_i32, %arg1 : i32, i32, i32
  }
  func.func @transform_4(%arg0: i32, %arg1: i32) -> (i32, i32, i32) {
    %c0_i32 = arith.constant 0 : i32
    %c0_i32_0 = arith.constant 0 : i32
    return %arg0, %c0_i32, %arg1 : i32, i32, i32
  }
  func.func @transform_5(%arg0: i32, %arg1: i32) -> (i32, i32, i32) {
    %c0_i32 = arith.constant 0 : i32
    %c0_i32_0 = arith.constant 0 : i32
    return %arg0, %c0_i32, %arg1 : i32, i32, i32
  }
  func.func @transform_6(%arg0: i32, %arg1: i32) -> (i32, i32, i32) {
    %c0_i32 = arith.constant 0 : i32
    %c0_i32_0 = arith.constant 0 : i32
    %c0_i32_1 = arith.constant 0 : i32
    return %arg0, %c0_i32, %c0_i32_0 : i32, i32, i32
  }
  func.func @transform_7(%arg0: i32, %arg1: i32) -> (i32, i32, i32) {
    %c0_i32 = arith.constant 0 : i32
    %c0_i32_0 = arith.constant 0 : i32
    return %arg0, %arg1, %c0_i32 : i32, i32, i32
  }
}

</mosaic_0001>

<sc_bundles>
// kernel: gather_offload_async_start.1
scs
__scs_entry_jumppad:
0x0: {  	(pc) =	sbr.rel $0x88, $3  }
0x1: {  	(tag) =	ssettag $0x0;
	lr =	simm.s32 $0x1  }
0x2: {  	[smem:$0x3F68] =	sst lr;
	_ =	strace $0xD0000000  }
0x3: {  	_ = 	snop  }
0x4: {  	_ = 	snop  }
0x5: {  	_ = 	snop  }
0x6: {  	_ = 	snop  }
0x7: {  	_ = 	snop  }
__scs_overlays_trampoline_lowered:
0x8: {  	[smem:$0x3F77] =	sst s0  }
0x9: {  	[smem:$0x3F78] =	sst s1  }
0xa: {  	[smem:$0x3F79] =	sst s2  }
0xb: {  	[smem:$0x3F7A] =	sst s3  }
0xc: {  	[smem:$0x3F7B] =	sst s4  }
0xd: {  	[smem:$0x3F7C] =	sst s5  }
0xe: {  	[smem:$0x3F7D] =	sst s6  }
0xf: {  	[smem:$0x3F7E] =	sst s7  }
0x10: {  	[smem:$0x3F7F] =	sst s8  }
0x11: {  	[smem:$0x3F80] =	sst s9;
	s0 =	simm.s32 @!p0 $0x0  }
0x12: {  	s1 =	sld [smem:$0x3F66];
	s0 =	simm.s32 @p0 $0x1  }
0x13: {  	[smem:$0x3F81] =	sst s0;
	s0 =	simm.s32 @!p1 $0x0  }
0x14: {  	s2 =	sld [smem:$0x3F65];
	s0 =	simm.s32 @p1 $0x1  }
0x15: {  	[smem:$0x3F82] =	sst s0;
	s0 =	simm.s32 @!p2 $0x0  }
0x16: {  	s3 =	sld [smem:$0x3FDB];
	s0 =	simm.s32 @p2 $0x1  }
0x17: {  	s4 =	simm.s32 $0x1BF5;
	[smem:$0x3F84] =	sst s0  }
0x18: {  	s0 =	sld [smem:$0x3F67];
	_ =	swait.ge [sflag:s4], $0x0  }
0x19: {  	s7 =	sld [smem:$0x3F68]  }
0x1a: {  	s8 =	sadd.s32 $0xFFFFE003, lr  }
0x1b: {  	s9 =	sadd.s32 $0xFFFFFEF7, lr;
	s5 =	simm.s32 $0xFFFFFFFF;
	p2 =	slt.u32 s8, $0xFFFFF086  }
0x1c: {  	p1 =	slt.u32 s9, $0xF7A;
	s5 =	simm.s32 @!p2 $0x0  }
0x1d: {  	s5 =	simm.s32 @p1 $0x1;
	p0 =	seq.s32 s7, s2  }
0x1e: {  	s7 =	smul.u32 @!p0 $0xF7A, s2;
	p2 =	seq.s32 @!p0 s5, $0x0  }
0x1f: {  	s9 =	smul.u32 $0xF7A, s1;
	s8 =	simm.s32 @!p0 $0x1BF5;
	p2 =	por !p2, p0  }
0x20: {  	[sflag:s8] =	ssyncset.s32 @!p0 $0xFFFFF086;
	s6 =	sadd.s32 @!p0 s3, s7;
	s7 =	simm.s32 @!p0 $0x108  }
0x21: {  	s3 =	sadd.s32 s3, s9;
	s6 =	sadd.s32 @!p0 $0x88, s6;
	s7 =	simm.s32 @p2 $0x1082  }
0x22: {  	[simem:s7], [sflag:s8] =	dma.local @!p0 [hbm:s6], $0xF7A  }
0x23: {  	s9 =	sor.u32 $0xD0000000, s2;
	s6 =	simm.s32 $0x108;
	_ =	swait.ge @!p0 [sflag:s8], $0x0  }
0x24: {  	s3 =	sadd.s32 $0x88, s3;
	s6 =	simm.s32 @!p1 $0x1082;
	[sflag:s4] =	ssyncset.s32 $0xFFFFF086  }
0x25: {  	[simem:s6], [sflag:s4] =	dma.local [hbm:s3], $0xF7A  }
0x26: {  	[smem:$0x3F68] =	sst s1;
	(tag) =	ssettag s2;
	_ =	strace s9  }
0x27: {  	s1 =	sld [smem:$0x3F78]  }
0x28: {  	s2 =	sld [smem:$0x3F79]  }
0x29: {  	s4 =	sld [smem:$0x3F7B]  }
0x2a: {  	p0 =	seq.s32 s5, $0x0;
	s5 =	sld [smem:$0x3F7C]  }
0x2b: {  	s6 =	sld [smem:$0x3F7D]  }
0x2c: {  	s7 =	sld [smem:$0x3F7E]  }
0x2d: {  	s3 =	simm.s32 $0x108;
	s8 =	sld [smem:$0x3F7F]  }
0x2e: {  	s3 =	simm.s32 @!p0 $0x1082;
	s9 =	sld [smem:$0x3F80]  }
0x2f: {  	lr =	sadd.s32 s0, s3;
	s0 =	sld [smem:$0x3F77]  }
0x30: {  	s3 =	sld [smem:$0x3F7A]  }
0x31: {  	[smem:$0x3F83] =	sst s10  }
0x32: {  	s10 =	sld [smem:$0x3F81];
	_ =	sdelay $0x3  }
0x33: {  	p0 =	seq.s32 s10, $0x1;
	s10 =	sld [smem:$0x3F83];
	_ =	sdelay $0x3  }
0x34: {  	[smem:$0x3F83] =	sst s10  }
0x35: {  	s10 =	sld [smem:$0x3F82];
	_ =	sdelay $0x3  }
0x36: {  	p1 =	seq.s32 s10, $0x1;
	s10 =	sld [smem:$0x3F83];
	_ =	sdelay $0x3  }
0x37: {  	[smem:$0x3F83] =	sst s10  }
0x38: {  	s10 =	sld [smem:$0x3F84]  }
0x39: {  	_ = 	snop;
	(pc) =	sbr.ind lr, $3  }
0x3a: {  	_ = 	snop  }
0x3b: {  	_ = 	snop  }
0x3c: {  	p2 =	seq.s32 s10, $0x1;
	s10 =	sld [smem:$0x3F83]  }
0x3d: {  	_ =	shalt  }
0x3e: {  	_ =	shalt  }
0x3f: {  	_ =	shalt  }
0x40: {  	_ =	shalt  }
0x41: {  	_ =	shalt  }
0x42: {  	_ =	shalt  }
0x43: {  	_ =	shalt  }
0x44: {  	_ =	shalt  }
0x45: {  	_ =	shalt  }
0x46: {  	_ =	shalt  }
0x47: {  	_ =	shalt  }
0x48: {  	_ =	shalt  }
0x49: {  	_ =	shalt  }
0x4a: {  	_ =	shalt  }
0x4b: {  	_ =	shalt  }
0x4c: {  	_ =	shalt  }
0x4d: {  	_ =	shalt  }
0x4e: {  	_ =	shalt  }
0x4f: {  	_ =	shalt  }
0x50: {  	_ =	shalt  }
0x51: {  	_ =	shalt  }
0x52: {  	_ =	shalt  }
0x53: {  	_ =	shalt  }
0x54: {  	_ =	shalt  }
0x55: {  	_ =	shalt  }
0x56: {  	_ =	shalt  }
0x57: {  	_ =	shalt  }
0x58: {  	_ =	shalt  }
0x59: {  	_ =	shalt  }
0x5a: {  	_ =	shalt  }
0x5b: {  	_ =	shalt  }
0x5c: {  	_ =	shalt  }
0x5d: {  	_ =	shalt  }
0x5e: {  	_ =	shalt  }
0x5f: {  	_ =	shalt  }
0x60: {  	_ =	shalt  }
0x61: {  	_ =	shalt  }
0x62: {  	_ =	shalt  }
0x63: {  	_ =	shalt  }
0x64: {  	_ =	shalt  }
0x65: {  	_ =	shalt  }
0x66: {  	_ =	shalt  }
0x67: {  	_ =	shalt  }
0x68: {  	_ =	shalt  }
0x69: {  	_ =	shalt  }
0x6a: {  	_ =	shalt  }
0x6b: {  	_ =	shalt  }
0x6c: {  	_ =	shalt  }
0x6d: {  	_ =	shalt  }
0x6e: {  	_ =	shalt  }
0x6f: {  	_ =	shalt  }
0x70: {  	_ =	shalt  }
0x71: {  	_ =	shalt  }
0x72: {  	_ =	shalt  }
0x73: {  	_ =	shalt  }
0x74: {  	_ =	shalt  }
0x75: {  	_ =	shalt  }
0x76: {  	_ =	shalt  }
0x77: {  	_ =	shalt  }
0x78: {  	_ =	shalt  }
0x79: {  	_ =	shalt  }
0x7a: {  	_ =	shalt  }
0x7b: {  	_ =	shalt  }
0x7c: {  	_ =	shalt  }
0x7d: {  	_ =	shalt  }
0x7e: {  	_ =	shalt  }
0x7f: {  	_ =	shalt  }
0x80: {  	_ =	shalt  }
0x81: {  	_ =	shalt  }
0x82: {  	_ =	shalt  }
0x83: {  	_ =	shalt  }
0x84: {  	_ =	shalt  }
0x85: {  	_ =	shalt  }
0x86: {  	_ =	shalt  }
0x87: {  	_ =	shalt  }
.Lfunc_end0:
.L_simem_size_0:
called_computation.2_lowered:
.L_overlay_start_0:
0x88: {  	s2 =	sld [smem:$0x3FD9]  }
0x89: {  	s3 =	sld [smem:$0x3FFE];
	_ =	sdelay $0x1  }
0x8a: {  	s1 =	srdreg.scid  }
0x8b: {  	s0 =	sand.u32 $0x1, s1  }
0x8c: {  	s14 =	sshll.u32 s0, $0xA;
	s2 =	sadd.s32 s3, s2  }
0x8d: {  	s2 =	sadd.s32 s2, s14  }
0x8e: {  	[smem:$0x3F8F] =	sst s2  }
0x8f: {  	_ = 	snop  }
0x90: {  	s2 =	sld [smem:$0x3FD0];
	_ =	sdelay $0x2  }
0x91: {  	s15 =	simm.s32 $0xB;
	s4 =	simm.s32 $0x10  }
0x92: {  	[smem:s4], [sflag:s15] =	dma.local [hbm:s2], $0x1  }
0x93: {  	_ =	swait.eq [sflag:s15], $0x1  }
0x94: {  	[sflag:s15] =	ssyncset.done $0x0  }
0x95: {  	[sflag:s15] =	ssyncadd.s32 $0xFFFFFFFF  }
0x96: {  	s16 =	sld [smem:$0x11];
	(tm) =	ssettm $0x1  }
0x97: {  	s17 =	sld [smem:$0x3FFB];
	_ =	sdelay $0x3  }
0x98: {  	_ =	strace s17  }
0x99: {  	s3 =	sld [smem:$0x3FFC];
	_ =	sdelay $0x3  }
0x9a: {  	_ =	strace s3  }
0x9b: {  	s3 =	sld [smem:$0x3FFD];
	_ =	sdelay $0x3  }
0x9c: {  	_ =	strace s3  }
0x9d: {  	_ =	strace $0x8FFFFFFF  }
0x9e: {  	s18 =	sld [smem:$0x3FDB];
	_ =	sdelay $0x1  }
0x9f: {  	s19 =	simm.s32 $_scs_section_size  }
0xa0: {  	s5 =	simm.s32 $_size__tile_overlayer_lowered;
	s6 =	simm.s32 $_tile_overlayer_lowered  }
0xa1: {  	s22 =	simm.s32 $0x1BFF;
	s21 =	sshll.u32 s6, $0x1;
	s3 =	sadd.s32 s19, s18  }
0xa2: {  	s7 =	simm.s32 $0x0;
	s20 =	sshll.u32 s5, $0x1;
	s5 =	sadd.s32 s21, s3  }
0xa3: {  	[timem:s7], [sflag:s22] =	dma.local [hbm:s5], s20  }
0xa4: {  	_ =	swait.ge [sflag:s22], s20  }
0xa5: {  	s4 =	ssub.s32 $0x0, s20;
	[sflag:s22] =	ssyncset.done $0x0  }
0xa6: {  	[sflag:s22] =	ssyncadd.s32 s4;
	_ =	sdelay $0x1  }
0xa7: {  	s23 =	simm.s32 $0x1B8B  }
0xa8: {  	_ =	swait.ge [sflag:s23], $0x1  }
0xa9: {  	[sflag:s23] =	ssyncset.done $0x0  }
0xaa: {  	s25 =	simm.s32 $0x1B8E;
	s24 =	sld [smem:$0x3FFE];
	[sflag:s23] =	ssyncadd.s32 $0xFFFFFFFF  }
0xab: {  	s26 =	simm.s32 $execute0_lowered;
	[smem:$0x3FD2] =	sst s25  }
0xac: {  	s5 =	sshll.u32 s26, $0x1;
	_ =	strace $0x80000049;
	[dreg:$0x1] =	wrdreg $0xFFFFFFFF  }
0xad: {  	s28 =	simm.s32 $_size_execute0_lowered;
	s3 =	sadd.s32 s3, s5;
	[dreg:$0x0] =	wrdreg $0x0  }
0xae: {  	s5 =	sshll.u32 s28, $0x1;
	[dreg:$0x2] =	wrdreg s3  }
0xaf: {  	[dreg:$0x3] =	wrdreg s5  }
0xb0: {  	[dreg:$0x4] =	wrdreg $0xC0  }
0xb1: {  	_ =	task [dreg:s7], $0x5FFFF  }
0xb2: {  	[dreg:$0x1] =	wrdreg $0xFFFFFFFF  }
0xb3: {  	[dreg:$0x0] =	wrdreg $0x60  }
0xb4: {  	[dreg:$0x2] =	wrdreg s24  }
0xb5: {  	[dreg:$0x3] =	wrdreg s16  }
0xb6: {  	[dreg:$0x4] =	wrdreg $0x9  }
0xb7: {  	_ =	task.clear_ibuf [dreg:s7], $0x5FFFF;
	_ =	strace $0x90000049  }
0xb8: {  	s29 =	simm.s32 $0x9;
	_ =	strace $0x8000004B  }
0xb9: {  	_ =	swait.ge [sflag:s29], $0x1  }
0xba: {  	[sflag:s29] =	ssyncadd.s32 $0xFFFFFFFF  }
0xbb: {  	_ =	strace $0x9000004B  }
0xbc: {  	_ =	sfence  }
0xbd: {  	s30 =	sld [smem:$0x0];
	_ =	sdelay $0x2  }
0xbe: {  	s31 =	sshll.u32 s1, $0xD;
	s1 =	sshrl.u32 s1, $0x2  }
0xbf: {  	s3 =	sand.u32 $0x4000, s31;
	s1 =	sadd.s32 s1, s30  }
0xc0: {  	s0 =	sor.u32 s3, s0;
	s1 =	sshll.u32 s1, $0x11  }
0xc1: {  	s0 =	sor.u32 s1, s0  }
0xc2: {  	s0 =	sadd.s32 $0x8F2B, s0  }
0xc3: {  	[sflag:s0] =	ssyncadd.remote.s32 $0x1  }
0xc4: {  	_ =	sfence.sel $0xFFFF  }
0xc5: {  	[dreg:$0x0] =	wrdreg $0xFFFFFFFF;
	(pc) =	sbr.abs _section_cstart, $3  }
0xc6: {  	[dreg:$0x1] =	wrdreg $0xFFFFFFFF  }
0xc7: {  	_ =	task.clear_ibuf [dreg:s7], $0x2FFFF;
	_ =	strace $0x9FFFFFFF  }
0xc8: {  	(tm) =	ssettm $0x7FFFFFFF  }
0xc9: {  	_ =	shalt  }
tec
execute0_lowered:
.L_overlay_start_1:
0x0: {  	(tag) =	ssettag $0x1  }
0x1: {  	s7 =	rddreg [dreg:$0x0]  }
0x2: {  	s2 =	rddreg [dreg:$0x1]  }
0x3: {  	s0 =	rddreg [dreg:$0x2]  }
0x4: {  	s1 =	srdreg.scid;
	_ =	strace $0x8000004A;
	s4 =	simm.s32 $0x1  }
0x5: {  	s9 =	simm.s32 $0x3;
	s12 =	simm.s32 $0x0;
	s5 =	sshll.u32 s1, $0x4  }
.Ltmp0:
0x6: {  	s1 =	stileid.u32;
	s5 =	sand.u32 $0x10, s5;
	(pc) =	sbr.rel .LBB2_1-.Ltmp0, $4  }
0x7: {  	s10 =	simm.s32 $0x0;
	s3 =	sadd.s32 $0x104600, s7;
	s6 =	sor.u32 s1, s5  }
0x8: {  	[sflag:s4] =	ssyncpa.u1 $0x0;
	s5 =	simm.s32 $0x2;
	s6 =	sshll.u32 s6, $0x6  }
0x9: {  	s7 =	sadd.s32 $0x146600, s7;
	[sflag:s5] =	ssyncpa.u1 $0x0;
	s8 =	sadd.s32 $0x40, s6  }
0xa: {  	vm0 =	vmmov $0xff;
	vm1 =	vcmask $0x3F20;
	[sflag:s9] =	ssyncpa.u1 $0x0;
	s9 =	simm.s32 $0x40;
	s11 =	smov.u32 s6  }
.LBB2_9:
0xb: {  	p0 =	seq.s32 s10, $0x2  }
.Ltmp1:
0xc: {  	_ = 	snop;
	(pc) =	sbr.rel @p0 .LBB2_11-.Ltmp1, $1  }
0xd: {  	_ =	sdelay $0x3  }
.LBB2_10:
0xe: {  	s12 =	sadd.s32 $0x40, s11  }
0xf: {  	s13 =	smov.u32 s6;
	p0 =	slt.s32 s12, s8  }
0x10: {  	s13 =	smov.u32 @p0 s12  }
0x11: {  	s10 =	sadd.s32 $0x1, s10;
	s12 =	smov.u32 s11;
	s11 =	smov.u32 s13  }
.LBB2_1:
0x12: {  	p0 =	sne.s32 s10, $0x0  }
.Ltmp2:
0x13: {  	_ = 	snop;
	(pc) =	sbr.rel @!p0 .LBB2_2-.Ltmp2, $1  }
0x14: {  	_ =	sdelay $0x3  }
0x15: {  	s13 =	sand.u32 $0x1, s10  }
0x16: {  	p0 =	seq.s32 s13, $0x0  }
.Ltmp3:
0x17: {  	_ = 	snop;
	(pc) =	sbr.rel @p0 .LBB2_9-.Ltmp3, $1  }
0x18: {  	_ =	sdelay $0x3  }
0x19: {  	_ =	swait.ge [sflag:s5], $0x40  }
0x1a: {  	[sflag:s5] =	ssyncset.done $0x0  }
0x1b: {  	s13 =	simm.s32 $0x0;
	[sflag:s5] =	ssyncadd.s32 $0xFFFFFFC0  }
0x1c: {  	v0 =	vld.msk [tilespmem:s13+$0x40 ss:$0x1], $0xffff;
	_ =	sdelay $0x4  }
0x1d: {  	v1 =	vshll.u32 v0, $0x3  }
0x1e: {  	vm2 =	veq.s32 v0, $0x80000000;
	v0 =	vshll.u32 v0, $0x10;
	v1 =	vand.u32 $0xFF80, v1  }
0x1f: {  	v0 =	vand.u32 $0xF0000, v0;
	v1 =	vsel vm2, $0xFFFFFF80, v1  }
0x20: {  	v0 =	vsel vm2, $0xFFFF0000, v0;
	v2 =	vand.u32 $0xFFFFFC00, v1  }
0x21: {  	v1 =	vand.u32 $0x380, v1;
	v0 =	vadd.s32 v0, v2  }
0x22: {  	v0 =	vor.u32 v1, v0  }
0x23: {  	v0 =	vshrl.u32 v0, $0x3;
	_ =	sdelay $0x3  }
0x24: {  	s13 =	simm.s32 $0x2080  }
0x25: {  	[tilespmem:s13], [sflag:$0x1] =	stream.indirect_vreg.gather [hbm:s3], $0x80, v0, vm0, $0x38;
	[tilespmem:$0x4080] =	vst v63  }
0x26: {  	s14 =	simm.s32 $0x2480;
	s31 =	simm.s32 $0x10  }
0x27: {  	[tilespmem:s14], [sflag:$0x1] =	stream.indirect_vreg.gather [hbm:s3], $0x80, v0, vm1, $0x38;
	[tilespmem:$0x4080] =	vst v63  }
0x28: {  	s14 =	simm.s32 $0x80;
	v0 =	vld.msk [tilespmem:s31+$0x40 ss:$0x1], $0xffff  }
.LBB2_5:
0x29: {  	p0 =	sne.s32 s14, $0xC0;
	_ =	sdelay $0x4  }
0x2a: {  	v1 =	vshll.u32 v0, $0x3  }
0x2b: {  	vm2 =	veq.s32 v0, $0x80000000;
	v0 =	vshll.u32 v0, $0x10;
	v1 =	vand.u32 $0xFF80, v1  }
0x2c: {  	v0 =	vand.u32 $0xF0000, v0;
	v1 =	vsel vm2, $0xFFFFFF80, v1  }
0x2d: {  	v0 =	vsel vm2, $0xFFFF0000, v0;
	v2 =	vand.u32 $0xFFFFFC00, v1  }
0x2e: {  	v1 =	vand.u32 $0x380, v1;
	v0 =	vadd.s32 v0, v2  }
0x2f: {  	v0 =	vor.u32 v1, v0  }
0x30: {  	v0 =	vshrl.u32 v0, $0x3;
	_ =	sdelay $0x3  }
.Ltmp4:
0x31: {  	s13 =	sadd.s32 $0x800, s13;
	(pc) =	sbr.rel @p0 .LBB2_5-.Ltmp4, $4  }
0x32: {  	[tilespmem:s13], [sflag:$0x1] =	stream.indirect_vreg.gather [hbm:s3], $0x80, v0, vm0, $0x38;
	[tilespmem:$0x4080] =	vst v63  }
0x33: {  	s15 =	sshra.s32 s14, $0x2;
	s16 =	sadd.s32 $0x400, s13  }
0x34: {  	[tilespmem:s16], [sflag:$0x1] =	stream.indirect_vreg.gather [hbm:s3], $0x80, v0, vm1, $0x38;
	[tilespmem:$0x4080] =	vst v63  }
0x35: {  	s14 =	sadd.s32 $0x40, s14;
	v0 =	vld.msk [tilespmem:s15+$0x40 ss:$0x1], $0xffff  }
0x36: {  	_ =	sdelay $0x3  }
0x37: {  	v1 =	vshll.u32 v0, $0x3  }
0x38: {  	vm2 =	veq.s32 v0, $0x80000000;
	v63 =	vshll.u32 v0, $0x10;
	v1 =	vand.u32 $0xFF80, v1  }
0x39: {  	v0 =	vand.u32 $0xF0000, v63;
	v1 =	vsel vm2, $0xFFFFFF80, v1  }
0x3a: {  	v0 =	vsel vm2, $0xFFFF0000, v0;
	v2 =	vand.u32 $0xFFFFFC00, v1  }
0x3b: {  	v1 =	vand.u32 $0x380, v1;
	v0 =	vadd.s32 v0, v2  }
0x3c: {  	v0 =	vor.u32 v1, v0  }
0x3d: {  	v0 =	vshrl.u32 v0, $0x3;
	_ =	sdelay $0x3  }
0x3e: {  	s13 =	sadd.s32 $0x800, s13  }
0x3f: {  	[tilespmem:s13], [sflag:$0x1] =	stream.indirect_vreg.gather [hbm:s3], $0x80, v0, vm0, $0x38;
	[tilespmem:$0x4080] =	vst v63  }
0x40: {  	s13 =	sadd.s32 $0x400, s13  }
0x41: {  	[tilespmem:s13], [sflag:$0x1] =	stream.indirect_vreg.gather [hbm:s3], $0x80, v0, vm1, $0x38;
	[tilespmem:$0x4080] =	vst v63  }
0x42: {  	s12 =	sshll.u32 s12, $0x4;
	s14 =	simm.s32 $0x80;
	_ =	swait.ge [sflag:s4], $0x2000  }
0x43: {  	s15 =	simm.s32 $0x2480;
	s12 =	sadd.s32 s12, s7;
	[sflag:s4] =	ssyncset.done $0x0  }
0x44: {  	s16 =	sadd.s32 $0x0, s12;
	s13 =	simm.s32 $0x2080;
	[sflag:s4] =	ssyncadd.s32 $0xFFFFE000  }
.LBB2_7:
0x45: {  	[hbm:s16] =	stream.linear.scatter [tilespmem:s13], [sflag:$0x3], $0x400, $0x38;
	[tilespmem:$0x4080] =	vst v63  }
0x46: {  	s16 =	smov.u32 s14;
	s13 =	smov.u32 s15;
	p0 =	sne.s32 s14, $0x380  }
.Ltmp5:
0x47: {  	s14 =	sadd.s32 $0x80, s14;
	(pc) =	sbr.rel @p0 .LBB2_7-.Ltmp5, $2  }
0x48: {  	_ =	sdelay $0x2  }
0x49: {  	s15 =	sadd.s32 $0x400, s15;
	s16 =	sadd.s32 s16, s12  }
.Ltmp6:
0x4a: {  	(pc) =	sbr.rel .LBB2_9-.Ltmp6, $2  }
0x4b: {  	_ =	sdelay $0x2  }
0x4c: {  	[hbm:s16] =	stream.linear.scatter [tilespmem:s13], [sflag:$0x3], $0x400, $0x38;
	[tilespmem:$0x4080] =	vst v63  }
.LBB2_2:
.Ltmp7:
0x4d: {  	(pc) =	sbr.rel .LBB2_10-.Ltmp7, $4  }
0x4e: {  	_ = 	snop  }
0x4f: {  	s12 =	sshrl.u32 s11, $0x3  }
0x50: {  	s13 =	sand.u32 $0x7, s11;
	s12 =	sadd.s32 s2, s12  }
0x51: {  	[tilespmem:s9], [sflag:$0x2] =	stream.linear.gather [hbm4b:s12+s13], $0x40, $0x38;
	[tilespmem:$0x4080] =	vst v63  }
.LBB2_11:
0x52: {  	s2 =	simm.s32 $0x3  }
0x53: {  	_ =	swait.ge [sflag:s2], $0x2000  }
0x54: {  	[sflag:s2] =	ssyncset.done $0x0  }
0x55: {  	[sflag:s2] =	ssyncadd.s32 $0xFFFFE000  }
0x56: {  	_ =	sfence.sel $0x180000  }
0x57: {  	s3 =	simm.s32 $0x2;
	[bflag:$0x0] =	sbarrier.arrive $0xFFFF  }
0x58: {  	[sflag:s3] =	ssyncpa.u1 $0x1  }
0x59: {  	s31 =	simm.s32 $0x1;
	[sflag:s2] =	ssyncpa.u1 $0x1  }
0x5a: {  	[sflag:s31] =	ssyncpa.u1 $0x1  }
0x5b: {  	p0 =	sne.s32 s1, $0x0;
	_ =	strace $0x9000004A  }
0x5c: {  	s0 =	sadd.s32 @!p0 $0x100000, s0;
	[bflag:$0x2] =	sbarrier.arrive $0xFFFF  }
0x5d: {  	[sflag:s0] =	ssyncadd.tile.s32 @!p0 $0x1;
	_ =	shalt  }
.Lfunc_end2:
_tile_overlayer_lowered:
.L_overlay_start_2:
0x5e: {  	(tag) =	ssettag $0x2  }
0x5f: {  	s0 =	rddreg [dreg:$0x0];
	s2 =	stileid.u32  }
0x60: {  	s1 =	rddreg [dreg:$0x1];
	p0 =	sne.s32 s2, $0x0  }
0x61: {  	s3 =	rddreg [dreg:$0x2];
	[bflag:$0x3] =	sbarrier.arrive $0xFFFF;
	s2 =	simm.s32 @!p0 $0x1C01  }
0x62: {  	[timem:s3], [sflag:s2] =	dma.local @!p0 [hbm:s0], s1  }
0x63: {  	s0 =	simm.s32 @!p0 $0x1  }
0x64: {  	_ =	swait.ge @!p0 [sflag:s0], s1  }
0x65: {  	s1 =	ssub.s32 @!p0 $0x0, s1;
	[sflag:s0] =	ssyncset.done @!p0 $0x0  }
0x66: {  	[sflag:s0] =	ssyncadd.s32 @!p0 s1  }
0x67: {  	[bflag:$0x3] =	sbarrier.arrive $0xFFFF  }
0x68: {  	_ =	shalt  }

// kernel: gather_offload_async_start
scs
__scs_entry_jumppad:
0x0: {  	(pc) =	sbr.rel $0x88, $3  }
0x1: {  	(tag) =	ssettag $0x0;
	lr =	simm.s32 $0x1  }
0x2: {  	[smem:$0x3F68] =	sst lr;
	_ =	strace $0xD0000000  }
0x3: {  	_ = 	snop  }
0x4: {  	_ = 	snop  }
0x5: {  	_ = 	snop  }
0x6: {  	_ = 	snop  }
0x7: {  	_ = 	snop  }
__scs_overlays_trampoline_lowered:
0x8: {  	[smem:$0x3F77] =	sst s0  }
0x9: {  	[smem:$0x3F78] =	sst s1  }
0xa: {  	[smem:$0x3F79] =	sst s2  }
0xb: {  	[smem:$0x3F7A] =	sst s3  }
0xc: {  	[smem:$0x3F7B] =	sst s4  }
0xd: {  	[smem:$0x3F7C] =	sst s5  }
0xe: {  	[smem:$0x3F7D] =	sst s6  }
0xf: {  	[smem:$0x3F7E] =	sst s7  }
0x10: {  	[smem:$0x3F7F] =	sst s8  }
0x11: {  	[smem:$0x3F80] =	sst s9;
	s0 =	simm.s32 @!p0 $0x0  }
0x12: {  	s1 =	sld [smem:$0x3F66];
	s0 =	simm.s32 @p0 $0x1  }
0x13: {  	[smem:$0x3F81] =	sst s0;
	s0 =	simm.s32 @!p1 $0x0  }
0x14: {  	s2 =	sld [smem:$0x3F65];
	s0 =	simm.s32 @p1 $0x1  }
0x15: {  	[smem:$0x3F82] =	sst s0;
	s0 =	simm.s32 @!p2 $0x0  }
0x16: {  	s3 =	sld [smem:$0x3FDB];
	s0 =	simm.s32 @p2 $0x1  }
0x17: {  	s4 =	simm.s32 $0x1BF5;
	[smem:$0x3F84] =	sst s0  }
0x18: {  	s0 =	sld [smem:$0x3F67];
	_ =	swait.ge [sflag:s4], $0x0  }
0x19: {  	s7 =	sld [smem:$0x3F68]  }
0x1a: {  	s8 =	sadd.s32 $0xFFFFE003, lr  }
0x1b: {  	s9 =	sadd.s32 $0xFFFFFEF7, lr;
	s5 =	simm.s32 $0xFFFFFFFF;
	p2 =	slt.u32 s8, $0xFFFFF086  }
0x1c: {  	p1 =	slt.u32 s9, $0xF7A;
	s5 =	simm.s32 @!p2 $0x0  }
0x1d: {  	s5 =	simm.s32 @p1 $0x1;
	p0 =	seq.s32 s7, s2  }
0x1e: {  	s7 =	smul.u32 @!p0 $0xF7A, s2;
	p2 =	seq.s32 @!p0 s5, $0x0  }
0x1f: {  	s9 =	smul.u32 $0xF7A, s1;
	s8 =	simm.s32 @!p0 $0x1BF5;
	p2 =	por !p2, p0  }
0x20: {  	[sflag:s8] =	ssyncset.s32 @!p0 $0xFFFFF086;
	s6 =	sadd.s32 @!p0 s3, s7;
	s7 =	simm.s32 @!p0 $0x108  }
0x21: {  	s3 =	sadd.s32 s3, s9;
	s6 =	sadd.s32 @!p0 $0x88, s6;
	s7 =	simm.s32 @p2 $0x1082  }
0x22: {  	[simem:s7], [sflag:s8] =	dma.local @!p0 [hbm:s6], $0xF7A  }
0x23: {  	s9 =	sor.u32 $0xD0000000, s2;
	s6 =	simm.s32 $0x108;
	_ =	swait.ge @!p0 [sflag:s8], $0x0  }
0x24: {  	s3 =	sadd.s32 $0x88, s3;
	s6 =	simm.s32 @!p1 $0x1082;
	[sflag:s4] =	ssyncset.s32 $0xFFFFF086  }
0x25: {  	[simem:s6], [sflag:s4] =	dma.local [hbm:s3], $0xF7A  }
0x26: {  	[smem:$0x3F68] =	sst s1;
	(tag) =	ssettag s2;
	_ =	strace s9  }
0x27: {  	s1 =	sld [smem:$0x3F78]  }
0x28: {  	s2 =	sld [smem:$0x3F79]  }
0x29: {  	s4 =	sld [smem:$0x3F7B]  }
0x2a: {  	p0 =	seq.s32 s5, $0x0;
	s5 =	sld [smem:$0x3F7C]  }
0x2b: {  	s6 =	sld [smem:$0x3F7D]  }
0x2c: {  	s7 =	sld [smem:$0x3F7E]  }
0x2d: {  	s3 =	simm.s32 $0x108;
	s8 =	sld [smem:$0x3F7F]  }
0x2e: {  	s3 =	simm.s32 @!p0 $0x1082;
	s9 =	sld [smem:$0x3F80]  }
0x2f: {  	lr =	sadd.s32 s0, s3;
	s0 =	sld [smem:$0x3F77]  }
0x30: {  	s3 =	sld [smem:$0x3F7A]  }
0x31: {  	[smem:$0x3F83] =	sst s10  }
0x32: {  	s10 =	sld [smem:$0x3F81];
	_ =	sdelay $0x3  }
0x33: {  	p0 =	seq.s32 s10, $0x1;
	s10 =	sld [smem:$0x3F83];
	_ =	sdelay $0x3  }
0x34: {  	[smem:$0x3F83] =	sst s10  }
0x35: {  	s10 =	sld [smem:$0x3F82];
	_ =	sdelay $0x3  }
0x36: {  	p1 =	seq.s32 s10, $0x1;
	s10 =	sld [smem:$0x3F83];
	_ =	sdelay $0x3  }
0x37: {  	[smem:$0x3F83] =	sst s10  }
0x38: {  	s10 =	sld [smem:$0x3F84]  }
0x39: {  	_ = 	snop;
	(pc) =	sbr.ind lr, $3  }
0x3a: {  	_ = 	snop  }
0x3b: {  	_ = 	snop  }
0x3c: {  	p2 =	seq.s32 s10, $0x1;
	s10 =	sld [smem:$0x3F83]  }
0x3d: {  	_ =	shalt  }
0x3e: {  	_ =	shalt  }
0x3f: {  	_ =	shalt  }
0x40: {  	_ =	shalt  }
0x41: {  	_ =	shalt  }
0x42: {  	_ =	shalt  }
0x43: {  	_ =	shalt  }
0x44: {  	_ =	shalt  }
0x45: {  	_ =	shalt  }
0x46: {  	_ =	shalt  }
0x47: {  	_ =	shalt  }
0x48: {  	_ =	shalt  }
0x49: {  	_ =	shalt  }
0x4a: {  	_ =	shalt  }
0x4b: {  	_ =	shalt  }
0x4c: {  	_ =	shalt  }
0x4d: {  	_ =	shalt  }
0x4e: {  	_ =	shalt  }
0x4f: {  	_ =	shalt  }
0x50: {  	_ =	shalt  }
0x51: {  	_ =	shalt  }
0x52: {  	_ =	shalt  }
0x53: {  	_ =	shalt  }
0x54: {  	_ =	shalt  }
0x55: {  	_ =	shalt  }
0x56: {  	_ =	shalt  }
0x57: {  	_ =	shalt  }
0x58: {  	_ =	shalt  }
0x59: {  	_ =	shalt  }
0x5a: {  	_ =	shalt  }
0x5b: {  	_ =	shalt  }
0x5c: {  	_ =	shalt  }
0x5d: {  	_ =	shalt  }
0x5e: {  	_ =	shalt  }
0x5f: {  	_ =	shalt  }
0x60: {  	_ =	shalt  }
0x61: {  	_ =	shalt  }
0x62: {  	_ =	shalt  }
0x63: {  	_ =	shalt  }
0x64: {  	_ =	shalt  }
0x65: {  	_ =	shalt  }
0x66: {  	_ =	shalt  }
0x67: {  	_ =	shalt  }
0x68: {  	_ =	shalt  }
0x69: {  	_ =	shalt  }
0x6a: {  	_ =	shalt  }
0x6b: {  	_ =	shalt  }
0x6c: {  	_ =	shalt  }
0x6d: {  	_ =	shalt  }
0x6e: {  	_ =	shalt  }
0x6f: {  	_ =	shalt  }
0x70: {  	_ =	shalt  }
0x71: {  	_ =	shalt  }
0x72: {  	_ =	shalt  }
0x73: {  	_ =	shalt  }
0x74: {  	_ =	shalt  }
0x75: {  	_ =	shalt  }
0x76: {  	_ =	shalt  }
0x77: {  	_ =	shalt  }
0x78: {  	_ =	shalt  }
0x79: {  	_ =	shalt  }
0x7a: {  	_ =	shalt  }
0x7b: {  	_ =	shalt  }
0x7c: {  	_ =	shalt  }
0x7d: {  	_ =	shalt  }
0x7e: {  	_ =	shalt  }
0x7f: {  	_ =	shalt  }
0x80: {  	_ =	shalt  }
0x81: {  	_ =	shalt  }
0x82: {  	_ =	shalt  }
0x83: {  	_ =	shalt  }
0x84: {  	_ =	shalt  }
0x85: {  	_ =	shalt  }
0x86: {  	_ =	shalt  }
0x87: {  	_ =	shalt  }
.Lfunc_end0:
.L_simem_size_0:
called_computation.1_lowered:
.L_overlay_start_0:
0x88: {  	s2 =	sld [smem:$0x3FD9]  }
0x89: {  	s3 =	sld [smem:$0x3FFE];
	_ =	sdelay $0x1  }
0x8a: {  	s1 =	srdreg.scid  }
0x8b: {  	s0 =	sand.u32 $0x1, s1  }
0x8c: {  	s16 =	sshll.u32 s0, $0xA;
	s2 =	sadd.s32 s3, s2  }
0x8d: {  	s2 =	sadd.s32 s2, s16  }
0x8e: {  	[smem:$0x3F8F] =	sst s2  }
0x8f: {  	_ = 	snop  }
0x90: {  	(tm) =	ssettm $0x1  }
0x91: {  	s17 =	sld [smem:$0x3FFB];
	_ =	sdelay $0x3  }
0x92: {  	_ =	strace s17  }
0x93: {  	s2 =	sld [smem:$0x3FFC];
	_ =	sdelay $0x3  }
0x94: {  	_ =	strace s2  }
0x95: {  	s2 =	sld [smem:$0x3FFD];
	_ =	sdelay $0x3  }
0x96: {  	_ =	strace s2  }
0x97: {  	_ =	strace $0x8FFFFFFF  }
0x98: {  	s18 =	sld [smem:$0x3FDB];
	_ =	sdelay $0x1  }
0x99: {  	s19 =	simm.s32 $_scs_section_size  }
0x9a: {  	s4 =	simm.s32 $_size__tile_overlayer_lowered;
	s5 =	simm.s32 $_tile_overlayer_lowered  }
0x9b: {  	s22 =	simm.s32 $0x1BFF;
	s21 =	sshll.u32 s5, $0x1;
	s2 =	sadd.s32 s19, s18  }
0x9c: {  	s6 =	simm.s32 $0x0;
	s20 =	sshll.u32 s4, $0x1;
	s4 =	sadd.s32 s21, s2  }
0x9d: {  	[timem:s6], [sflag:s22] =	dma.local [hbm:s4], s20  }
0x9e: {  	_ =	swait.ge [sflag:s22], s20  }
0x9f: {  	s3 =	ssub.s32 $0x0, s20;
	[sflag:s22] =	ssyncset.done $0x0  }
0xa0: {  	[sflag:s22] =	ssyncadd.s32 s3;
	_ =	sdelay $0x1  }
0xa1: {  	s23 =	simm.s32 $0x1B8B  }
0xa2: {  	_ =	swait.ge [sflag:s23], $0x1  }
0xa3: {  	[sflag:s23] =	ssyncset.done $0x0  }
0xa4: {  	s25 =	simm.s32 $0x1B8E;
	s24 =	sld [smem:$0x3FFE];
	[sflag:s23] =	ssyncadd.s32 $0xFFFFFFFF  }
0xa5: {  	s26 =	simm.s32 $execute0_lowered;
	[smem:$0x3FD2] =	sst s25  }
0xa6: {  	s4 =	sshll.u32 s26, $0x1;
	_ =	strace $0x80000046;
	[dreg:$0x1] =	wrdreg $0xFFFFFFFF  }
0xa7: {  	s28 =	simm.s32 $_size_execute0_lowered;
	s2 =	sadd.s32 s2, s4;
	[dreg:$0x0] =	wrdreg $0x0  }
0xa8: {  	s4 =	sshll.u32 s28, $0x1;
	[dreg:$0x2] =	wrdreg s2  }
0xa9: {  	[dreg:$0x3] =	wrdreg s4  }
0xaa: {  	[dreg:$0x4] =	wrdreg $0xC0  }
0xab: {  	_ =	task [dreg:s6], $0x5FFFF  }
0xac: {  	[dreg:$0x1] =	wrdreg $0xFFFFFFFF  }
0xad: {  	[dreg:$0x0] =	wrdreg $0x60  }
0xae: {  	[dreg:$0x2] =	wrdreg s24  }
0xaf: {  	[dreg:$0x3] =	wrdreg $0x9  }
0xb0: {  	_ =	task.clear_ibuf [dreg:s6], $0x4FFFF;
	_ =	strace $0x90000046  }
0xb1: {  	s29 =	simm.s32 $0x9;
	_ =	strace $0x80000048  }
0xb2: {  	_ =	swait.ge [sflag:s29], $0x1  }
0xb3: {  	[sflag:s29] =	ssyncadd.s32 $0xFFFFFFFF  }
0xb4: {  	_ =	strace $0x90000048  }
0xb5: {  	_ =	sfence  }
0xb6: {  	s30 =	sld [smem:$0x0];
	_ =	sdelay $0x2  }
0xb7: {  	s31 =	sshll.u32 s1, $0xD;
	s1 =	sshrl.u32 s1, $0x2  }
0xb8: {  	s3 =	sand.u32 $0x4000, s31;
	s1 =	sadd.s32 s1, s30  }
0xb9: {  	s0 =	sor.u32 s3, s0;
	s1 =	sshll.u32 s1, $0x11  }
0xba: {  	s0 =	sor.u32 s1, s0  }
0xbb: {  	s0 =	sadd.s32 $0x8F2B, s0  }
0xbc: {  	[sflag:s0] =	ssyncadd.remote.s32 $0x1  }
0xbd: {  	_ =	sfence.sel $0xFFFF  }
0xbe: {  	[dreg:$0x0] =	wrdreg $0xFFFFFFFF;
	(pc) =	sbr.abs _section_cstart, $3  }
0xbf: {  	[dreg:$0x1] =	wrdreg $0xFFFFFFFF  }
0xc0: {  	_ =	task.clear_ibuf [dreg:s6], $0x2FFFF;
	_ =	strace $0x9FFFFFFF  }
0xc1: {  	(tm) =	ssettm $0x7FFFFFFF  }
tec
execute0_lowered:
.L_overlay_start_1:
0x0: {  	(tag) =	ssettag $0x1  }
0x1: {  	s7 =	rddreg [dreg:$0x0]  }
0x2: {  	s0 =	rddreg [dreg:$0x1];
	_ =	strace $0x80000047  }
0x3: {  	s1 =	srdreg.scid;
	s4 =	simm.s32 $0x1;
	s9 =	simm.s32 $0x3  }
0x4: {  	s12 =	simm.s32 $0x0;
	s10 =	simm.s32 $0x0;
	s5 =	sshll.u32 s1, $0x4  }
.Ltmp0:
0x5: {  	s1 =	stileid.u32;
	s5 =	sand.u32 $0x10, s5;
	(pc) =	sbr.rel .LBB2_1-.Ltmp0, $4  }
0x6: {  	s2 =	sadd.s32 $0x200, s7;
	s3 =	sadd.s32 $0x100200, s7;
	s6 =	sor.u32 s1, s5  }
0x7: {  	[sflag:s4] =	ssyncpa.u1 $0x0;
	s5 =	simm.s32 $0x2;
	s6 =	sshll.u32 s6, $0x8  }
0x8: {  	s7 =	sadd.s32 $0x104600, s7;
	[sflag:s5] =	ssyncpa.u1 $0x0;
	s8 =	sadd.s32 $0x100, s6  }
0x9: {  	vm0 =	vmmov $0xff;
	vm1 =	vcmask $0x3F20;
	[sflag:s9] =	ssyncpa.u1 $0x0;
	s9 =	simm.s32 $0x100;
	s11 =	smov.u32 s6  }
.LBB2_9:
0xa: {  	p0 =	seq.s32 s10, $0x2  }
.Ltmp1:
0xb: {  	_ = 	snop;
	(pc) =	sbr.rel @p0 .LBB2_11-.Ltmp1, $1  }
0xc: {  	_ =	sdelay $0x3  }
.LBB2_10:
0xd: {  	s12 =	sadd.s32 $0x100, s11  }
0xe: {  	s13 =	smov.u32 s6;
	p0 =	slt.s32 s12, s8  }
0xf: {  	s13 =	smov.u32 @p0 s12  }
0x10: {  	s10 =	sadd.s32 $0x1, s10;
	s12 =	smov.u32 s11;
	s11 =	smov.u32 s13  }
.LBB2_1:
0x11: {  	p0 =	sne.s32 s10, $0x0  }
.Ltmp2:
0x12: {  	_ = 	snop;
	(pc) =	sbr.rel @!p0 .LBB2_2-.Ltmp2, $1  }
0x13: {  	_ =	sdelay $0x3  }
0x14: {  	s13 =	sand.u32 $0x1, s10  }
0x15: {  	p0 =	seq.s32 s13, $0x0  }
.Ltmp3:
0x16: {  	_ = 	snop;
	(pc) =	sbr.rel @p0 .LBB2_9-.Ltmp3, $1  }
0x17: {  	_ =	sdelay $0x3  }
0x18: {  	_ =	swait.ge [sflag:s5], $0x100  }
0x19: {  	[sflag:s5] =	ssyncset.done $0x0  }
0x1a: {  	s13 =	simm.s32 $0x0;
	[sflag:s5] =	ssyncadd.s32 $0xFFFFFF00  }
0x1b: {  	v0 =	vld.msk [tilespmem:s13+$0x100 ss:$0x1], $0xffff;
	_ =	sdelay $0x4  }
0x1c: {  	v1 =	vshll.u32 v0, $0x3  }
0x1d: {  	vm2 =	veq.s32 v0, $0x80000000;
	v0 =	vshll.u32 v0, $0x13;
	v1 =	vand.u32 $0x7FF80, v1  }
0x1e: {  	v0 =	vand.u32 $0x780000, v0;
	v1 =	vsel vm2, $0xFFFFFF80, v1  }
0x1f: {  	v0 =	vsel vm2, $0xFFF80000, v0;
	v2 =	vand.u32 $0xFFFFFC00, v1  }
0x20: {  	v1 =	vand.u32 $0x380, v1;
	v0 =	vadd.s32 v0, v2  }
0x21: {  	v0 =	vor.u32 v1, v0  }
0x22: {  	v0 =	vshrl.u32 v0, $0x3;
	_ =	sdelay $0x3  }
0x23: {  	s13 =	simm.s32 $0x8200  }
0x24: {  	[tilespmem:s13], [sflag:$0x1] =	stream.indirect_vreg.gather [hbm:s2], $0x80, v0, vm0, $0x38;
	[tilespmem:$0x10200] =	vst v63  }
0x25: {  	s14 =	simm.s32 $0x8600;
	s31 =	simm.s32 $0x10  }
0x26: {  	[tilespmem:s14], [sflag:$0x1] =	stream.indirect_vreg.gather [hbm:s2], $0x80, v0, vm1, $0x38;
	[tilespmem:$0x10200] =	vst v63  }
0x27: {  	s14 =	simm.s32 $0x80;
	v0 =	vld.msk [tilespmem:s31+$0x100 ss:$0x1], $0xffff  }
.LBB2_5:
0x28: {  	p0 =	sne.s32 s14, $0x3C0;
	_ =	sdelay $0x4  }
0x29: {  	v1 =	vshll.u32 v0, $0x3  }
0x2a: {  	vm2 =	veq.s32 v0, $0x80000000;
	v0 =	vshll.u32 v0, $0x13;
	v1 =	vand.u32 $0x7FF80, v1  }
0x2b: {  	v0 =	vand.u32 $0x780000, v0;
	v1 =	vsel vm2, $0xFFFFFF80, v1  }
0x2c: {  	v0 =	vsel vm2, $0xFFF80000, v0;
	v2 =	vand.u32 $0xFFFFFC00, v1  }
0x2d: {  	v1 =	vand.u32 $0x380, v1;
	v0 =	vadd.s32 v0, v2  }
0x2e: {  	v0 =	vor.u32 v1, v0  }
0x2f: {  	v0 =	vshrl.u32 v0, $0x3;
	_ =	sdelay $0x3  }
.Ltmp4:
0x30: {  	s13 =	sadd.s32 $0x800, s13;
	(pc) =	sbr.rel @p0 .LBB2_5-.Ltmp4, $4  }
0x31: {  	[tilespmem:s13], [sflag:$0x1] =	stream.indirect_vreg.gather [hbm:s2], $0x80, v0, vm0, $0x38;
	[tilespmem:$0x10200] =	vst v63  }
0x32: {  	s15 =	sshra.s32 s14, $0x2;
	s16 =	sadd.s32 $0x400, s13  }
0x33: {  	[tilespmem:s16], [sflag:$0x1] =	stream.indirect_vreg.gather [hbm:s2], $0x80, v0, vm1, $0x38;
	[tilespmem:$0x10200] =	vst v63  }
0x34: {  	s14 =	sadd.s32 $0x40, s14;
	v0 =	vld.msk [tilespmem:s15+$0x100 ss:$0x1], $0xffff  }
0x35: {  	_ =	sdelay $0x3  }
0x36: {  	v1 =	vshll.u32 v0, $0x3  }
0x37: {  	vm2 =	veq.s32 v0, $0x80000000;
	v63 =	vshll.u32 v0, $0x13;
	v1 =	vand.u32 $0x7FF80, v1  }
0x38: {  	v0 =	vand.u32 $0x780000, v63;
	v1 =	vsel vm2, $0xFFFFFF80, v1  }
0x39: {  	v0 =	vsel vm2, $0xFFF80000, v0;
	v2 =	vand.u32 $0xFFFFFC00, v1  }
0x3a: {  	v1 =	vand.u32 $0x380, v1;
	v0 =	vadd.s32 v0, v2  }
0x3b: {  	v0 =	vor.u32 v1, v0  }
0x3c: {  	v0 =	vshrl.u32 v0, $0x3;
	_ =	sdelay $0x3  }
0x3d: {  	s13 =	sadd.s32 $0x800, s13  }
0x3e: {  	[tilespmem:s13], [sflag:$0x1] =	stream.indirect_vreg.gather [hbm:s2], $0x80, v0, vm0, $0x38;
	[tilespmem:$0x10200] =	vst v63  }
0x3f: {  	s13 =	sadd.s32 $0x400, s13  }
0x40: {  	[tilespmem:s13], [sflag:$0x1] =	stream.indirect_vreg.gather [hbm:s2], $0x80, v0, vm1, $0x38;
	[tilespmem:$0x10200] =	vst v63  }
0x41: {  	s12 =	sshll.u32 s12, $0x4;
	s14 =	simm.s32 $0x80;
	_ =	swait.ge [sflag:s4], $0x8000  }
0x42: {  	s15 =	simm.s32 $0x8600;
	s12 =	sadd.s32 s12, s7;
	[sflag:s4] =	ssyncset.done $0x0  }
0x43: {  	s16 =	sadd.s32 $0x0, s12;
	s13 =	simm.s32 $0x8200;
	[sflag:s4] =	ssyncadd.s32 $0xFFFF8000  }
.LBB2_7:
0x44: {  	[hbm:s16] =	stream.linear.scatter [tilespmem:s13], [sflag:$0x3], $0x400, $0x38;
	[tilespmem:$0x10200] =	vst v63  }
0x45: {  	s16 =	smov.u32 s14;
	s13 =	smov.u32 s15;
	p0 =	sne.s32 s14, $0xF80  }
.Ltmp5:
0x46: {  	s14 =	sadd.s32 $0x80, s14;
	(pc) =	sbr.rel @p0 .LBB2_7-.Ltmp5, $2  }
0x47: {  	_ =	sdelay $0x2  }
0x48: {  	s15 =	sadd.s32 $0x400, s15;
	s16 =	sadd.s32 s16, s12  }
.Ltmp6:
0x49: {  	(pc) =	sbr.rel .LBB2_9-.Ltmp6, $2  }
0x4a: {  	_ =	sdelay $0x2  }
0x4b: {  	[hbm:s16] =	stream.linear.scatter [tilespmem:s13], [sflag:$0x3], $0x400, $0x38;
	[tilespmem:$0x10200] =	vst v63  }
.LBB2_2:
.Ltmp7:
0x4c: {  	(pc) =	sbr.rel .LBB2_10-.Ltmp7, $4  }
0x4d: {  	_ = 	snop  }
0x4e: {  	s12 =	sshrl.u32 s11, $0x3  }
0x4f: {  	s13 =	sand.u32 $0x7, s11;
	s12 =	sadd.s32 s3, s12  }
0x50: {  	[tilespmem:s9], [sflag:$0x2] =	stream.linear.gather [hbm4b:s12+s13], $0x100, $0x38;
	[tilespmem:$0x10200] =	vst v63  }
.LBB2_11:
0x51: {  	s2 =	simm.s32 $0x3  }
0x52: {  	_ =	swait.ge [sflag:s2], $0x8000  }
0x53: {  	[sflag:s2] =	ssyncset.done $0x0  }
0x54: {  	[sflag:s2] =	ssyncadd.s32 $0xFFFF8000  }
0x55: {  	_ =	sfence.sel $0x180000  }
0x56: {  	s3 =	simm.s32 $0x2;
	[bflag:$0x0] =	sbarrier.arrive $0xFFFF  }
0x57: {  	[sflag:s3] =	ssyncpa.u1 $0x1  }
0x58: {  	s31 =	simm.s32 $0x1;
	[sflag:s2] =	ssyncpa.u1 $0x1  }
0x59: {  	[sflag:s31] =	ssyncpa.u1 $0x1  }
0x5a: {  	p0 =	sne.s32 s1, $0x0;
	_ =	strace $0x90000047  }
0x5b: {  	s0 =	sadd.s32 @!p0 $0x100000, s0;
	[bflag:$0x2] =	sbarrier.arrive $0xFFFF  }
0x5c: {  	[sflag:s0] =	ssyncadd.tile.s32 @!p0 $0x1;
	_ =	shalt  }
.Lfunc_end2:
_tile_overlayer_lowered:
.L_overlay_start_2:
0x5d: {  	(tag) =	ssettag $0x2  }
0x5e: {  	s0 =	rddreg [dreg:$0x0];
	s2 =	stileid.u32  }
0x5f: {  	s1 =	rddreg [dreg:$0x1];
	p0 =	sne.s32 s2, $0x0  }
0x60: {  	s3 =	rddreg [dreg:$0x2];
	[bflag:$0x3] =	sbarrier.arrive $0xFFFF;
	s2 =	simm.s32 @!p0 $0x1C01  }
0x61: {  	[timem:s3], [sflag:s2] =	dma.local @!p0 [hbm:s0], s1  }
0x62: {  	s0 =	simm.s32 @!p0 $0x1  }
0x63: {  	_ =	swait.ge @!p0 [sflag:s0], s1  }
0x64: {  	s1 =	ssub.s32 @!p0 $0x0, s1;
	[sflag:s0] =	ssyncset.done @!p0 $0x0  }
0x65: {  	[sflag:s0] =	ssyncadd.s32 @!p0 s1  }
0x66: {  	[bflag:$0x3] =	sbarrier.arrive $0xFFFF  }
0x67: {  	_ =	shalt  }

// kernel: kernel.11.cloned.1.call-start
scs
__scs_entry_jumppad:
0x0: {  	(pc) =	sbr.rel $0x88, $3  }
0x1: {  	(tag) =	ssettag $0x0;
	lr =	simm.s32 $0x1  }
0x2: {  	[smem:$0x3F68] =	sst lr;
	_ =	strace $0xD0000000  }
0x3: {  	_ = 	snop  }
0x4: {  	_ = 	snop  }
0x5: {  	_ = 	snop  }
0x6: {  	_ = 	snop  }
0x7: {  	_ = 	snop  }
__scs_overlays_trampoline_lowered:
0x8: {  	[smem:$0x3F77] =	sst s0  }
0x9: {  	[smem:$0x3F78] =	sst s1  }
0xa: {  	[smem:$0x3F79] =	sst s2  }
0xb: {  	[smem:$0x3F7A] =	sst s3  }
0xc: {  	[smem:$0x3F7B] =	sst s4  }
0xd: {  	[smem:$0x3F7C] =	sst s5  }
0xe: {  	[smem:$0x3F7D] =	sst s6  }
0xf: {  	[smem:$0x3F7E] =	sst s7  }
0x10: {  	[smem:$0x3F7F] =	sst s8  }
0x11: {  	[smem:$0x3F80] =	sst s9;
	s0 =	simm.s32 @!p0 $0x0  }
0x12: {  	s1 =	sld [smem:$0x3F66];
	s0 =	simm.s32 @p0 $0x1  }
0x13: {  	[smem:$0x3F81] =	sst s0;
	s0 =	simm.s32 @!p1 $0x0  }
0x14: {  	s2 =	sld [smem:$0x3F65];
	s0 =	simm.s32 @p1 $0x1  }
0x15: {  	[smem:$0x3F82] =	sst s0;
	s0 =	simm.s32 @!p2 $0x0  }
0x16: {  	s3 =	sld [smem:$0x3FDB];
	s0 =	simm.s32 @p2 $0x1  }
0x17: {  	s4 =	simm.s32 $0x1BF5;
	[smem:$0x3F84] =	sst s0  }
0x18: {  	s0 =	sld [smem:$0x3F67];
	_ =	swait.ge [sflag:s4], $0x0  }
0x19: {  	s7 =	sld [smem:$0x3F68]  }
0x1a: {  	s8 =	sadd.s32 $0xFFFFE003, lr  }
0x1b: {  	s9 =	sadd.s32 $0xFFFFFEF7, lr;
	s5 =	simm.s32 $0xFFFFFFFF;
	p2 =	slt.u32 s8, $0xFFFFF086  }
0x1c: {  	p1 =	slt.u32 s9, $0xF7A;
	s5 =	simm.s32 @!p2 $0x0  }
0x1d: {  	s5 =	simm.s32 @p1 $0x1;
	p0 =	seq.s32 s7, s2  }
0x1e: {  	s7 =	smul.u32 @!p0 $0xF7A, s2;
	p2 =	seq.s32 @!p0 s5, $0x0  }
0x1f: {  	s9 =	smul.u32 $0xF7A, s1;
	s8 =	simm.s32 @!p0 $0x1BF5;
	p2 =	por !p2, p0  }
0x20: {  	[sflag:s8] =	ssyncset.s32 @!p0 $0xFFFFF086;
	s6 =	sadd.s32 @!p0 s3, s7;
	s7 =	simm.s32 @!p0 $0x108  }
0x21: {  	s3 =	sadd.s32 s3, s9;
	s6 =	sadd.s32 @!p0 $0x88, s6;
	s7 =	simm.s32 @p2 $0x1082  }
0x22: {  	[simem:s7], [sflag:s8] =	dma.local @!p0 [hbm:s6], $0xF7A  }
0x23: {  	s9 =	sor.u32 $0xD0000000, s2;
	s6 =	simm.s32 $0x108;
	_ =	swait.ge @!p0 [sflag:s8], $0x0  }
0x24: {  	s3 =	sadd.s32 $0x88, s3;
	s6 =	simm.s32 @!p1 $0x1082;
	[sflag:s4] =	ssyncset.s32 $0xFFFFF086  }
0x25: {  	[simem:s6], [sflag:s4] =	dma.local [hbm:s3], $0xF7A  }
0x26: {  	[smem:$0x3F68] =	sst s1;
	(tag) =	ssettag s2;
	_ =	strace s9  }
0x27: {  	s1 =	sld [smem:$0x3F78]  }
0x28: {  	s2 =	sld [smem:$0x3F79]  }
0x29: {  	s4 =	sld [smem:$0x3F7B]  }
0x2a: {  	p0 =	seq.s32 s5, $0x0;
	s5 =	sld [smem:$0x3F7C]  }
0x2b: {  	s6 =	sld [smem:$0x3F7D]  }
0x2c: {  	s7 =	sld [smem:$0x3F7E]  }
0x2d: {  	s3 =	simm.s32 $0x108;
	s8 =	sld [smem:$0x3F7F]  }
0x2e: {  	s3 =	simm.s32 @!p0 $0x1082;
	s9 =	sld [smem:$0x3F80]  }
0x2f: {  	lr =	sadd.s32 s0, s3;
	s0 =	sld [smem:$0x3F77]  }
0x30: {  	s3 =	sld [smem:$0x3F7A]  }
0x31: {  	[smem:$0x3F83] =	sst s10  }
0x32: {  	s10 =	sld [smem:$0x3F81];
	_ =	sdelay $0x3  }
0x33: {  	p0 =	seq.s32 s10, $0x1;
	s10 =	sld [smem:$0x3F83];
	_ =	sdelay $0x3  }
0x34: {  	[smem:$0x3F83] =	sst s10  }
0x35: {  	s10 =	sld [smem:$0x3F82];
	_ =	sdelay $0x3  }
0x36: {  	p1 =	seq.s32 s10, $0x1;
	s10 =	sld [smem:$0x3F83];
	_ =	sdelay $0x3  }
0x37: {  	[smem:$0x3F83] =	sst s10  }
0x38: {  	s10 =	sld [smem:$0x3F84]  }
0x39: {  	_ = 	snop;
	(pc) =	sbr.ind lr, $3  }
0x3a: {  	_ = 	snop  }
0x3b: {  	_ = 	snop  }
0x3c: {  	p2 =	seq.s32 s10, $0x1;
	s10 =	sld [smem:$0x3F83]  }
0x3d: {  	_ =	shalt  }
0x3e: {  	_ =	shalt  }
0x3f: {  	_ =	shalt  }
0x40: {  	_ =	shalt  }
0x41: {  	_ =	shalt  }
0x42: {  	_ =	shalt  }
0x43: {  	_ =	shalt  }
0x44: {  	_ =	shalt  }
0x45: {  	_ =	shalt  }
0x46: {  	_ =	shalt  }
0x47: {  	_ =	shalt  }
0x48: {  	_ =	shalt  }
0x49: {  	_ =	shalt  }
0x4a: {  	_ =	shalt  }
0x4b: {  	_ =	shalt  }
0x4c: {  	_ =	shalt  }
0x4d: {  	_ =	shalt  }
0x4e: {  	_ =	shalt  }
0x4f: {  	_ =	shalt  }
0x50: {  	_ =	shalt  }
0x51: {  	_ =	shalt  }
0x52: {  	_ =	shalt  }
0x53: {  	_ =	shalt  }
0x54: {  	_ =	shalt  }
0x55: {  	_ =	shalt  }
0x56: {  	_ =	shalt  }
0x57: {  	_ =	shalt  }
0x58: {  	_ =	shalt  }
0x59: {  	_ =	shalt  }
0x5a: {  	_ =	shalt  }
0x5b: {  	_ =	shalt  }
0x5c: {  	_ =	shalt  }
0x5d: {  	_ =	shalt  }
0x5e: {  	_ =	shalt  }
0x5f: {  	_ =	shalt  }
0x60: {  	_ =	shalt  }
0x61: {  	_ =	shalt  }
0x62: {  	_ =	shalt  }
0x63: {  	_ =	shalt  }
0x64: {  	_ =	shalt  }
0x65: {  	_ =	shalt  }
0x66: {  	_ =	shalt  }
0x67: {  	_ =	shalt  }
0x68: {  	_ =	shalt  }
0x69: {  	_ =	shalt  }
0x6a: {  	_ =	shalt  }
0x6b: {  	_ =	shalt  }
0x6c: {  	_ =	shalt  }
0x6d: {  	_ =	shalt  }
0x6e: {  	_ =	shalt  }
0x6f: {  	_ =	shalt  }
0x70: {  	_ =	shalt  }
0x71: {  	_ =	shalt  }
0x72: {  	_ =	shalt  }
0x73: {  	_ =	shalt  }
0x74: {  	_ =	shalt  }
0x75: {  	_ =	shalt  }
0x76: {  	_ =	shalt  }
0x77: {  	_ =	shalt  }
0x78: {  	_ =	shalt  }
0x79: {  	_ =	shalt  }
0x7a: {  	_ =	shalt  }
0x7b: {  	_ =	shalt  }
0x7c: {  	_ =	shalt  }
0x7d: {  	_ =	shalt  }
0x7e: {  	_ =	shalt  }
0x7f: {  	_ =	shalt  }
0x80: {  	_ =	shalt  }
0x81: {  	_ =	shalt  }
0x82: {  	_ =	shalt  }
0x83: {  	_ =	shalt  }
0x84: {  	_ =	shalt  }
0x85: {  	_ =	shalt  }
0x86: {  	_ =	shalt  }
0x87: {  	_ =	shalt  }
.Lfunc_end0:
.L_simem_size_0:
called_computation.4_lowered:
.L_overlay_start_0:
0x88: {  	s2 =	sld [smem:$0x3FD9]  }
0x89: {  	s3 =	sld [smem:$0x3FFE];
	_ =	sdelay $0x1  }
0x8a: {  	s1 =	srdreg.scid  }
0x8b: {  	s0 =	sand.u32 $0x1, s1  }
0x8c: {  	s14 =	sshll.u32 s0, $0xA;
	s2 =	sadd.s32 s3, s2  }
0x8d: {  	s2 =	sadd.s32 s2, s14  }
0x8e: {  	[smem:$0x3F8F] =	sst s2  }
0x8f: {  	_ = 	snop  }
0x90: {  	s2 =	sld [smem:$0x3FD0];
	_ =	sdelay $0x2  }
0x91: {  	s15 =	simm.s32 $0xB;
	s4 =	simm.s32 $0x10  }
0x92: {  	[smem:s4], [sflag:s15] =	dma.local [hbm:s2], $0x1  }
0x93: {  	_ =	swait.eq [sflag:s15], $0x1  }
0x94: {  	[sflag:s15] =	ssyncset.done $0x0  }
0x95: {  	[sflag:s15] =	ssyncadd.s32 $0xFFFFFFFF  }
0x96: {  	s16 =	sld [smem:$0x10];
	(tm) =	ssettm $0x1  }
0x97: {  	s17 =	sld [smem:$0x3FFB];
	_ =	sdelay $0x3  }
0x98: {  	_ =	strace s17  }
0x99: {  	s3 =	sld [smem:$0x3FFC];
	_ =	sdelay $0x3  }
0x9a: {  	_ =	strace s3  }
0x9b: {  	s3 =	sld [smem:$0x3FFD];
	_ =	sdelay $0x3  }
0x9c: {  	_ =	strace s3  }
0x9d: {  	_ =	strace $0x8FFFFFFF  }
0x9e: {  	s18 =	sld [smem:$0x3FDB];
	_ =	sdelay $0x1  }
0x9f: {  	s19 =	simm.s32 $_scs_section_size  }
0xa0: {  	s5 =	simm.s32 $_size__tile_overlayer_lowered;
	s6 =	simm.s32 $_tile_overlayer_lowered  }
0xa1: {  	s22 =	simm.s32 $0x1BFF;
	s21 =	sshll.u32 s6, $0x1;
	s3 =	sadd.s32 s19, s18  }
0xa2: {  	s7 =	simm.s32 $0x0;
	s20 =	sshll.u32 s5, $0x1;
	s5 =	sadd.s32 s21, s3  }
0xa3: {  	[timem:s7], [sflag:s22] =	dma.local [hbm:s5], s20  }
0xa4: {  	_ =	swait.ge [sflag:s22], s20  }
0xa5: {  	s4 =	ssub.s32 $0x0, s20;
	[sflag:s22] =	ssyncset.done $0x0  }
0xa6: {  	[sflag:s22] =	ssyncadd.s32 s4;
	_ =	sdelay $0x1  }
0xa7: {  	s23 =	simm.s32 $0x1B8B  }
0xa8: {  	_ =	swait.ge [sflag:s23], $0x1  }
0xa9: {  	[sflag:s23] =	ssyncset.done $0x0  }
0xaa: {  	s25 =	simm.s32 $0x1B8E;
	s24 =	sld [smem:$0x3FFE];
	[sflag:s23] =	ssyncadd.s32 $0xFFFFFFFF  }
0xab: {  	s26 =	simm.s32 $execute0_lowered;
	[smem:$0x3FD2] =	sst s25  }
0xac: {  	s5 =	sshll.u32 s26, $0x1;
	_ =	strace $0x8000004F;
	[dreg:$0x1] =	wrdreg $0xFFFFFFFF  }
0xad: {  	s28 =	simm.s32 $_size_execute0_lowered;
	s3 =	sadd.s32 s3, s5;
	[dreg:$0x0] =	wrdreg $0x0  }
0xae: {  	s5 =	sshll.u32 s28, $0x1;
	[dreg:$0x2] =	wrdreg s3  }
0xaf: {  	[dreg:$0x3] =	wrdreg s5  }
0xb0: {  	[dreg:$0x4] =	wrdreg $0xC0  }
0xb1: {  	_ =	task [dreg:s7], $0x5FFFF  }
0xb2: {  	[dreg:$0x1] =	wrdreg $0xFFFFFFFF  }
0xb3: {  	[dreg:$0x0] =	wrdreg $0x60  }
0xb4: {  	[dreg:$0x2] =	wrdreg s16  }
0xb5: {  	[dreg:$0x3] =	wrdreg s24  }
0xb6: {  	[dreg:$0x4] =	wrdreg $0x9  }
0xb7: {  	_ =	task.clear_ibuf [dreg:s7], $0x5FFFF;
	_ =	strace $0x9000004F  }
0xb8: {  	s29 =	simm.s32 $0x9;
	_ =	strace $0x80000051  }
0xb9: {  	_ =	swait.ge [sflag:s29], $0x1  }
0xba: {  	[sflag:s29] =	ssyncadd.s32 $0xFFFFFFFF  }
0xbb: {  	_ =	strace $0x90000051  }
0xbc: {  	_ =	sfence  }
0xbd: {  	s30 =	sld [smem:$0x0];
	_ =	sdelay $0x2  }
0xbe: {  	s31 =	sshll.u32 s1, $0xD;
	s1 =	sshrl.u32 s1, $0x2  }
0xbf: {  	s3 =	sand.u32 $0x4000, s31;
	s1 =	sadd.s32 s1, s30  }
0xc0: {  	s0 =	sor.u32 s3, s0;
	s1 =	sshll.u32 s1, $0x11  }
0xc1: {  	s0 =	sor.u32 s1, s0  }
0xc2: {  	s0 =	sadd.s32 $0x8F2B, s0  }
0xc3: {  	[sflag:s0] =	ssyncadd.remote.s32 $0x1  }
0xc4: {  	_ =	sfence.sel $0xFFFF  }
0xc5: {  	[dreg:$0x0] =	wrdreg $0xFFFFFFFF;
	(pc) =	sbr.abs _section_cstart, $3  }
0xc6: {  	[dreg:$0x1] =	wrdreg $0xFFFFFFFF  }
0xc7: {  	_ =	task.clear_ibuf [dreg:s7], $0x2FFFF;
	_ =	strace $0x9FFFFFFF  }
0xc8: {  	(tm) =	ssettm $0x7FFFFFFF  }
0xc9: {  	_ =	shalt  }
tec
execute0_lowered:
.L_overlay_start_1:
0x0: {  	(tag) =	ssettag $0x1  }
0x1: {  	s1 =	rddreg [dreg:$0x0]  }
0x2: {  	s4 =	rddreg [dreg:$0x1]  }
0x3: {  	s0 =	rddreg [dreg:$0x2];
	s3 =	simm.s32 $0x0  }
0x4: {  	s5 =	srdreg.scid;
	s2 =	stileid.u32;
	s10 =	simm.s32 $0x0  }
0x5: {  	[smem:$0x7FF] =	sst s3;
	s5 =	sand.u32 $0x1, s5;
	s6 =	sshll.u32 s2, $0xD  }
0x6: {  	s8 =	smul.u32 $0x44000, s2;
	_ =	strace $0x80000050;
	s7 =	sshll.u32 s5, $0xC  }
0x7: {  	s9 =	ssub.s32 $0x2, s5;
	s5 =	smul.u32 $0x22000, s5;
	s6 =	sor.u32 s7, s6  }
0x8: {  	s30 =	sshrl.u32 s9, $0x1;
	s8 =	sadd.s32 s8, s4;
	s6 =	sshrl.u32 s6, $0x3  }
0x9: {  	s7 =	ssub.s32 s9, s30;
	s31 =	sadd.s32 s5, s8;
	s8 =	simm.s32 $0x80  }
0xa: {  	s9 =	simm.s32 $0x1;
	s6 =	sadd.s32 s6, s4;
	s4 =	smax.u32 s7, $0x1  }
0xb: {  	s7 =	simm.s32 $0x2;
	s5 =	sadd.s32 $0x157600, s6;
	s6 =	sadd.s32 $0x19B600, s31  }
.LBB2_1:
0xc: {  	s11 =	sadd.s32 $0x0, s5  }
0xd: {  	[tilespmem:s3], [sflag:$0x2] =	stream.linear.gather [hbm4b:s11+s3], $0x80, $0x38;
	[tilespmem:$0x8880] =	vst v63  }
0xe: {  	_ =	swait.ge [sflag:s7], $0x80  }
0xf: {  	[sflag:s7] =	ssyncset.done $0x0  }
0x10: {  	[sflag:s7] =	ssyncadd.s32 $0xFFFFFF80  }
0x11: {  	[tilespmem:s8], [sflag:$0x1] =	stream.indirect.gather [hbm4b:s1+s8], $0x110, s3, s8, $0xb8;
	[tilespmem:$0x8880] =	vst v63  }
0x12: {  	_ =	swait.ge [sflag:s9], $0x8800  }
0x13: {  	[sflag:s9] =	ssyncset.done $0x0  }
0x14: {  	[sflag:s9] =	ssyncadd.s32 $0xFFFF7800  }
0x15: {  	[hbm4b:s6+s3] =	stream.linear.scatter [tilespmem:s8], [sflag:$0x2], $0x8800, $0x38;
	[tilespmem:$0x8880] =	vst v63  }
0x16: {  	s12 =	simm.s32 $0x10;
	_ =	swait.ge [sflag:s7], $0x8800  }
0x17: {  	s13 =	simm.s32 $0x20;
	s11 =	sadd.s32 $0x1100, s6;
	[sflag:s7] =	ssyncset.done $0x0  }
.LBB2_2:
0x18: {  	s14 =	sadd.s32 s12, s5  }
0x19: {  	[sflag:s7] =	ssyncadd.s32 $0xFFFF7800;
	s12 =	smov.u32 s13;
	s15 =	sadd.s32 $0x10, s13  }
0x1a: {  	[tilespmem:s3], [sflag:$0x2] =	stream.linear.gather [hbm4b:s14+s3], $0x80, $0x38;
	[tilespmem:$0x8880] =	vst v63  }
0x1b: {  	p0 =	sne.s32 s13, $0x1F0;
	_ =	swait.ge [sflag:s7], $0x80  }
0x1c: {  	[sflag:s7] =	ssyncset.done $0x0  }
0x1d: {  	[sflag:s7] =	ssyncadd.s32 $0xFFFFFF80  }
0x1e: {  	[tilespmem:s8], [sflag:$0x1] =	stream.indirect.gather [hbm4b:s1+s8], $0x110, s3, s8, $0xb8;
	[tilespmem:$0x8880] =	vst v63  }
0x1f: {  	_ =	swait.ge [sflag:s9], $0x8800  }
.Ltmp0:
0x20: {  	[sflag:s9] =	ssyncset.done $0x0;
	(pc) =	sbr.rel @p0 .LBB2_2-.Ltmp0, $4  }
0x21: {  	[sflag:s9] =	ssyncadd.s32 $0xFFFF7800  }
0x22: {  	[hbm4b:s11+s3] =	stream.linear.scatter [tilespmem:s8], [sflag:$0x2], $0x8800, $0x38;
	[tilespmem:$0x8880] =	vst v63  }
0x23: {  	_ =	swait.ge [sflag:s7], $0x8800  }
0x24: {  	s13 =	smov.u32 s15;
	s11 =	sadd.s32 $0x1100, s11;
	[sflag:s7] =	ssyncset.done $0x0  }
0x25: {  	s12 =	sadd.s32 s12, s5;
	[sflag:s7] =	ssyncadd.s32 $0xFFFF7800  }
0x26: {  	[tilespmem:s3], [sflag:$0x2] =	stream.linear.gather [hbm4b:s12+s3], $0x80, $0x38;
	[tilespmem:$0x8880] =	vst v63  }
0x27: {  	_ =	swait.ge [sflag:s7], $0x80  }
0x28: {  	[sflag:s7] =	ssyncset.done $0x0  }
0x29: {  	[sflag:s7] =	ssyncadd.s32 $0xFFFFFF80  }
0x2a: {  	[tilespmem:s8], [sflag:$0x1] =	stream.indirect.gather [hbm4b:s1+s8], $0x110, s3, s8, $0xb8;
	[tilespmem:$0x8880] =	vst v63  }
0x2b: {  	s10 =	sadd.s32 $0x1, s10;
	_ =	swait.ge [sflag:s9], $0x8800  }
0x2c: {  	p0 =	sne.s32 s10, s4;
	[sflag:s9] =	ssyncset.done $0x0  }
.Ltmp1:
0x2d: {  	[sflag:s9] =	ssyncadd.s32 $0xFFFF7800;
	(pc) =	sbr.rel @p0 .LBB2_1-.Ltmp1, $4  }
0x2e: {  	[hbm4b:s11+s3] =	stream.linear.scatter [tilespmem:s8], [sflag:$0x2], $0x8800, $0x38;
	[tilespmem:$0x8880] =	vst v63  }
0x2f: {  	_ =	swait.ge [sflag:s7], $0x8800  }
0x30: {  	[sflag:s7] =	ssyncset.done $0x0  }
0x31: {  	[sflag:s7] =	ssyncadd.s32 $0xFFFF7800  }
0x32: {  	_ =	sfence.sel $0x180000  }
0x33: {  	[bflag:$0x0] =	sbarrier.arrive $0xFFFF  }
0x34: {  	p0 =	sne.s32 s2, $0x0;
	_ =	strace $0x90000050  }
0x35: {  	s0 =	sadd.s32 @!p0 $0x100000, s0;
	[bflag:$0x2] =	sbarrier.arrive $0xFFFF  }
0x36: {  	[sflag:s0] =	ssyncadd.tile.s32 @!p0 $0x1;
	_ =	shalt  }
.Lfunc_end2:
_tile_overlayer_lowered:
.L_overlay_start_2:
0x37: {  	(tag) =	ssettag $0x2  }
0x38: {  	s0 =	rddreg [dreg:$0x0];
	s2 =	stileid.u32  }
0x39: {  	s1 =	rddreg [dreg:$0x1];
	p0 =	sne.s32 s2, $0x0  }
0x3a: {  	s3 =	rddreg [dreg:$0x2];
	[bflag:$0x3] =	sbarrier.arrive $0xFFFF;
	s2 =	simm.s32 @!p0 $0x1C02  }
0x3b: {  	[timem:s3], [sflag:s2] =	dma.local @!p0 [hbm:s0], s1  }
0x3c: {  	s0 =	simm.s32 @!p0 $0x2  }
0x3d: {  	_ =	swait.ge @!p0 [sflag:s0], s1  }
0x3e: {  	s1 =	ssub.s32 @!p0 $0x0, s1;
	[sflag:s0] =	ssyncset.done @!p0 $0x0  }
0x3f: {  	[sflag:s0] =	ssyncadd.s32 @!p0 s1  }
0x40: {  	[bflag:$0x3] =	sbarrier.arrive $0xFFFF  }
0x41: {  	_ =	shalt  }

// kernel: kernel.8.cloned.1.call-start
scs
__scs_entry_jumppad:
0x0: {  	(pc) =	sbr.rel $0x88, $3  }
0x1: {  	(tag) =	ssettag $0x0;
	lr =	simm.s32 $0x1  }
0x2: {  	[smem:$0x3F68] =	sst lr;
	_ =	strace $0xD0000000  }
0x3: {  	_ = 	snop  }
0x4: {  	_ = 	snop  }
0x5: {  	_ = 	snop  }
0x6: {  	_ = 	snop  }
0x7: {  	_ = 	snop  }
__scs_overlays_trampoline_lowered:
0x8: {  	[smem:$0x3F77] =	sst s0  }
0x9: {  	[smem:$0x3F78] =	sst s1  }
0xa: {  	[smem:$0x3F79] =	sst s2  }
0xb: {  	[smem:$0x3F7A] =	sst s3  }
0xc: {  	[smem:$0x3F7B] =	sst s4  }
0xd: {  	[smem:$0x3F7C] =	sst s5  }
0xe: {  	[smem:$0x3F7D] =	sst s6  }
0xf: {  	[smem:$0x3F7E] =	sst s7  }
0x10: {  	[smem:$0x3F7F] =	sst s8  }
0x11: {  	[smem:$0x3F80] =	sst s9;
	s0 =	simm.s32 @!p0 $0x0  }
0x12: {  	s1 =	sld [smem:$0x3F66];
	s0 =	simm.s32 @p0 $0x1  }
0x13: {  	[smem:$0x3F81] =	sst s0;
	s0 =	simm.s32 @!p1 $0x0  }
0x14: {  	s2 =	sld [smem:$0x3F65];
	s0 =	simm.s32 @p1 $0x1  }
0x15: {  	[smem:$0x3F82] =	sst s0;
	s0 =	simm.s32 @!p2 $0x0  }
0x16: {  	s3 =	sld [smem:$0x3FDB];
	s0 =	simm.s32 @p2 $0x1  }
0x17: {  	s4 =	simm.s32 $0x1BF5;
	[smem:$0x3F84] =	sst s0  }
0x18: {  	s0 =	sld [smem:$0x3F67];
	_ =	swait.ge [sflag:s4], $0x0  }
0x19: {  	s7 =	sld [smem:$0x3F68]  }
0x1a: {  	s8 =	sadd.s32 $0xFFFFE003, lr  }
0x1b: {  	s9 =	sadd.s32 $0xFFFFFEF7, lr;
	s5 =	simm.s32 $0xFFFFFFFF;
	p2 =	slt.u32 s8, $0xFFFFF086  }
0x1c: {  	p1 =	slt.u32 s9, $0xF7A;
	s5 =	simm.s32 @!p2 $0x0  }
0x1d: {  	s5 =	simm.s32 @p1 $0x1;
	p0 =	seq.s32 s7, s2  }
0x1e: {  	s7 =	smul.u32 @!p0 $0xF7A, s2;
	p2 =	seq.s32 @!p0 s5, $0x0  }
0x1f: {  	s9 =	smul.u32 $0xF7A, s1;
	s8 =	simm.s32 @!p0 $0x1BF5;
	p2 =	por !p2, p0  }
0x20: {  	[sflag:s8] =	ssyncset.s32 @!p0 $0xFFFFF086;
	s6 =	sadd.s32 @!p0 s3, s7;
	s7 =	simm.s32 @!p0 $0x108  }
0x21: {  	s3 =	sadd.s32 s3, s9;
	s6 =	sadd.s32 @!p0 $0x88, s6;
	s7 =	simm.s32 @p2 $0x1082  }
0x22: {  	[simem:s7], [sflag:s8] =	dma.local @!p0 [hbm:s6], $0xF7A  }
0x23: {  	s9 =	sor.u32 $0xD0000000, s2;
	s6 =	simm.s32 $0x108;
	_ =	swait.ge @!p0 [sflag:s8], $0x0  }
0x24: {  	s3 =	sadd.s32 $0x88, s3;
	s6 =	simm.s32 @!p1 $0x1082;
	[sflag:s4] =	ssyncset.s32 $0xFFFFF086  }
0x25: {  	[simem:s6], [sflag:s4] =	dma.local [hbm:s3], $0xF7A  }
0x26: {  	[smem:$0x3F68] =	sst s1;
	(tag) =	ssettag s2;
	_ =	strace s9  }
0x27: {  	s1 =	sld [smem:$0x3F78]  }
0x28: {  	s2 =	sld [smem:$0x3F79]  }
0x29: {  	s4 =	sld [smem:$0x3F7B]  }
0x2a: {  	p0 =	seq.s32 s5, $0x0;
	s5 =	sld [smem:$0x3F7C]  }
0x2b: {  	s6 =	sld [smem:$0x3F7D]  }
0x2c: {  	s7 =	sld [smem:$0x3F7E]  }
0x2d: {  	s3 =	simm.s32 $0x108;
	s8 =	sld [smem:$0x3F7F]  }
0x2e: {  	s3 =	simm.s32 @!p0 $0x1082;
	s9 =	sld [smem:$0x3F80]  }
0x2f: {  	lr =	sadd.s32 s0, s3;
	s0 =	sld [smem:$0x3F77]  }
0x30: {  	s3 =	sld [smem:$0x3F7A]  }
0x31: {  	[smem:$0x3F83] =	sst s10  }
0x32: {  	s10 =	sld [smem:$0x3F81];
	_ =	sdelay $0x3  }
0x33: {  	p0 =	seq.s32 s10, $0x1;
	s10 =	sld [smem:$0x3F83];
	_ =	sdelay $0x3  }
0x34: {  	[smem:$0x3F83] =	sst s10  }
0x35: {  	s10 =	sld [smem:$0x3F82];
	_ =	sdelay $0x3  }
0x36: {  	p1 =	seq.s32 s10, $0x1;
	s10 =	sld [smem:$0x3F83];
	_ =	sdelay $0x3  }
0x37: {  	[smem:$0x3F83] =	sst s10  }
0x38: {  	s10 =	sld [smem:$0x3F84]  }
0x39: {  	_ = 	snop;
	(pc) =	sbr.ind lr, $3  }
0x3a: {  	_ = 	snop  }
0x3b: {  	_ = 	snop  }
0x3c: {  	p2 =	seq.s32 s10, $0x1;
	s10 =	sld [smem:$0x3F83]  }
0x3d: {  	_ =	shalt  }
0x3e: {  	_ =	shalt  }
0x3f: {  	_ =	shalt  }
0x40: {  	_ =	shalt  }
0x41: {  	_ =	shalt  }
0x42: {  	_ =	shalt  }
0x43: {  	_ =	shalt  }
0x44: {  	_ =	shalt  }
0x45: {  	_ =	shalt  }
0x46: {  	_ =	shalt  }
0x47: {  	_ =	shalt  }
0x48: {  	_ =	shalt  }
0x49: {  	_ =	shalt  }
0x4a: {  	_ =	shalt  }
0x4b: {  	_ =	shalt  }
0x4c: {  	_ =	shalt  }
0x4d: {  	_ =	shalt  }
0x4e: {  	_ =	shalt  }
0x4f: {  	_ =	shalt  }
0x50: {  	_ =	shalt  }
0x51: {  	_ =	shalt  }
0x52: {  	_ =	shalt  }
0x53: {  	_ =	shalt  }
0x54: {  	_ =	shalt  }
0x55: {  	_ =	shalt  }
0x56: {  	_ =	shalt  }
0x57: {  	_ =	shalt  }
0x58: {  	_ =	shalt  }
0x59: {  	_ =	shalt  }
0x5a: {  	_ =	shalt  }
0x5b: {  	_ =	shalt  }
0x5c: {  	_ =	shalt  }
0x5d: {  	_ =	shalt  }
0x5e: {  	_ =	shalt  }
0x5f: {  	_ =	shalt  }
0x60: {  	_ =	shalt  }
0x61: {  	_ =	shalt  }
0x62: {  	_ =	shalt  }
0x63: {  	_ =	shalt  }
0x64: {  	_ =	shalt  }
0x65: {  	_ =	shalt  }
0x66: {  	_ =	shalt  }
0x67: {  	_ =	shalt  }
0x68: {  	_ =	shalt  }
0x69: {  	_ =	shalt  }
0x6a: {  	_ =	shalt  }
0x6b: {  	_ =	shalt  }
0x6c: {  	_ =	shalt  }
0x6d: {  	_ =	shalt  }
0x6e: {  	_ =	shalt  }
0x6f: {  	_ =	shalt  }
0x70: {  	_ =	shalt  }
0x71: {  	_ =	shalt  }
0x72: {  	_ =	shalt  }
0x73: {  	_ =	shalt  }
0x74: {  	_ =	shalt  }
0x75: {  	_ =	shalt  }
0x76: {  	_ =	shalt  }
0x77: {  	_ =	shalt  }
0x78: {  	_ =	shalt  }
0x79: {  	_ =	shalt  }
0x7a: {  	_ =	shalt  }
0x7b: {  	_ =	shalt  }
0x7c: {  	_ =	shalt  }
0x7d: {  	_ =	shalt  }
0x7e: {  	_ =	shalt  }
0x7f: {  	_ =	shalt  }
0x80: {  	_ =	shalt  }
0x81: {  	_ =	shalt  }
0x82: {  	_ =	shalt  }
0x83: {  	_ =	shalt  }
0x84: {  	_ =	shalt  }
0x85: {  	_ =	shalt  }
0x86: {  	_ =	shalt  }
0x87: {  	_ =	shalt  }
.Lfunc_end0:
.L_simem_size_0:
called_computation.3_lowered:
.L_overlay_start_0:
0x88: {  	s2 =	sld [smem:$0x3FD9]  }
0x89: {  	s3 =	sld [smem:$0x3FFE];
	_ =	sdelay $0x1  }
0x8a: {  	s1 =	srdreg.scid  }
0x8b: {  	s0 =	sand.u32 $0x1, s1  }
0x8c: {  	s15 =	sshll.u32 s0, $0xA;
	s2 =	sadd.s32 s3, s2  }
0x8d: {  	s2 =	sadd.s32 s2, s15  }
0x8e: {  	[smem:$0x3F8F] =	sst s2  }
0x8f: {  	_ = 	snop  }
0x90: {  	s2 =	sld [smem:$0x3FD0];
	_ =	sdelay $0x2  }
0x91: {  	s16 =	simm.s32 $0xB;
	s4 =	simm.s32 $0x10  }
0x92: {  	[smem:s4], [sflag:s16] =	dma.local [hbm:s2], $0x1  }
0x93: {  	_ =	swait.eq [sflag:s16], $0x1  }
0x94: {  	[sflag:s16] =	ssyncset.done $0x0  }
0x95: {  	[sflag:s16] =	ssyncadd.s32 $0xFFFFFFFF  }
0x96: {  	s17 =	sld [smem:$0x10];
	(tm) =	ssettm $0x1  }
0x97: {  	s18 =	sld [smem:$0x3FFB];
	_ =	sdelay $0x3  }
0x98: {  	_ =	strace s18  }
0x99: {  	s2 =	sld [smem:$0x3FFC];
	_ =	sdelay $0x3  }
0x9a: {  	_ =	strace s2  }
0x9b: {  	s2 =	sld [smem:$0x3FFD];
	_ =	sdelay $0x3  }
0x9c: {  	_ =	strace s2  }
0x9d: {  	_ =	strace $0x8FFFFFFF  }
0x9e: {  	s19 =	sld [smem:$0x3FDB];
	_ =	sdelay $0x1  }
0x9f: {  	s20 =	simm.s32 $_scs_section_size  }
0xa0: {  	s5 =	simm.s32 $_size__tile_overlayer_lowered;
	s6 =	simm.s32 $_tile_overlayer_lowered  }
0xa1: {  	s7 =	simm.s32 $0x1BFF;
	s21 =	sshll.u32 s6, $0x1;
	s4 =	sadd.s32 s20, s19  }
0xa2: {  	s22 =	simm.s32 $0x0;
	s5 =	sshll.u32 s5, $0x1;
	s6 =	sadd.s32 s21, s4  }
0xa3: {  	[timem:s22], [sflag:s7] =	dma.local [hbm:s6], s5  }
0xa4: {  	_ =	swait.ge [sflag:s7], s5  }
0xa5: {  	s5 =	ssub.s32 $0x0, s5;
	[sflag:s7] =	ssyncset.done $0x0  }
0xa6: {  	[sflag:s7] =	ssyncadd.s32 s5;
	_ =	sdelay $0x1  }
0xa7: {  	s23 =	simm.s32 $0x1B8B  }
0xa8: {  	_ =	swait.ge [sflag:s23], $0x1  }
0xa9: {  	[sflag:s23] =	ssyncset.done $0x0  }
0xaa: {  	[sflag:s23] =	ssyncadd.s32 $0xFFFFFFFF  }
0xab: {  	s5 =	sld [smem:$0x0]  }
0xac: {  	s6 =	sand.u32 $0xFFFFFFFE, s1  }
0xad: {  	p0 =	sne.s32 s1, s6  }
0xae: {  	s6 =	sshll.u32 @p0 s6, $0xE  }
0xaf: {  	s6 =	sadd.s32 @p0 $0x11B8D, s6;
	s7 =	sshll.u32 @p0 s5, $0x11  }
0xb0: {  	s6 =	sor.u32 @p0 s7, s6  }
0xb1: {  	[sflag:s6] =	ssyncadd.remote.s32 @p0 $0x1;
	_ =	sdelay $0x1  }
0xb2: {  	s6 =	simm.s32 @p0 $0x1B8D  }
0xb3: {  	_ =	swait.eq @p0 [sflag:s6], $0x1  }
0xb4: {  	[sflag:s6] =	ssyncadd.s32 @p0 $0xFFFFFFFF  }
0xb5: {  	s7 =	sshll.u32 @!p0 s1, $0xE  }
0xb6: {  	s7 =	sor.u32 @!p0 $0x4000, s7;
	s6 =	simm.s32 @!p0 $0x1B8D  }
0xb7: {  	s5 =	sshll.u32 @!p0 s5, $0x11;
	s7 =	sadd.s32 @!p0 $0x11B8D, s7;
	_ =	swait.eq @!p0 [sflag:s6], $0x1  }
0xb8: {  	s5 =	sor.u32 @!p0 s5, s7;
	[sflag:s6] =	ssyncadd.s32 @!p0 $0xFFFFFFFF  }
0xb9: {  	s25 =	simm.s32 $0x1B8E;
	s24 =	sld [smem:$0x3FFE];
	[sflag:s5] =	ssyncadd.remote.s32 @!p0 $0x1  }
0xba: {  	s26 =	simm.s32 $execute0_lowered;
	[smem:$0x3FD2] =	sst s25  }
0xbb: {  	s6 =	sshll.u32 s26, $0x1;
	_ =	strace $0x8000004C;
	[dreg:$0x1] =	wrdreg $0xFFFFFFFF  }
0xbc: {  	s28 =	simm.s32 $_size_execute0_lowered;
	s4 =	sadd.s32 s4, s6;
	[dreg:$0x0] =	wrdreg $0x0  }
0xbd: {  	s6 =	sshll.u32 s28, $0x1;
	[dreg:$0x2] =	wrdreg s4  }
0xbe: {  	[dreg:$0x3] =	wrdreg s6  }
0xbf: {  	[dreg:$0x4] =	wrdreg $0xC0  }
0xc0: {  	_ =	task [dreg:s22], $0x5FFFF  }
0xc1: {  	[dreg:$0x1] =	wrdreg $0xFFFFFFFF  }
0xc2: {  	[dreg:$0x0] =	wrdreg $0x60  }
0xc3: {  	[dreg:$0x2] =	wrdreg s24  }
0xc4: {  	[dreg:$0x3] =	wrdreg s17  }
0xc5: {  	[dreg:$0x4] =	wrdreg $0xA  }
0xc6: {  	_ =	task.clear_ibuf [dreg:s22], $0x5FFFF;
	_ =	strace $0x9000004C  }
0xc7: {  	s29 =	simm.s32 $0xA;
	_ =	strace $0x8000004E  }
0xc8: {  	_ =	swait.ge [sflag:s29], $0x1  }
0xc9: {  	[sflag:s29] =	ssyncadd.s32 $0xFFFFFFFF  }
0xca: {  	_ =	strace $0x9000004E  }
0xcb: {  	_ =	sfence  }
0xcc: {  	s30 =	sld [smem:$0x0];
	_ =	sdelay $0x2  }
0xcd: {  	s31 =	sshll.u32 s1, $0xD;
	s1 =	sshrl.u32 s1, $0x2  }
0xce: {  	s4 =	sand.u32 $0x4000, s31;
	s1 =	sadd.s32 s1, s30  }
0xcf: {  	s0 =	sor.u32 s4, s0;
	s1 =	sshll.u32 s1, $0x11  }
0xd0: {  	s0 =	sor.u32 s1, s0  }
0xd1: {  	s0 =	sadd.s32 $0x8F2B, s0  }
0xd2: {  	[sflag:s0] =	ssyncadd.remote.s32 $0x1  }
0xd3: {  	_ =	sfence.sel $0xFFFF  }
0xd4: {  	[dreg:$0x0] =	wrdreg $0xFFFFFFFF;
	(pc) =	sbr.abs _section_cstart, $3  }
0xd5: {  	[dreg:$0x1] =	wrdreg $0xFFFFFFFF  }
0xd6: {  	_ =	task.clear_ibuf [dreg:s22], $0x2FFFF;
	_ =	strace $0x9FFFFFFF  }
0xd7: {  	(tm) =	ssettm $0x7FFFFFFF  }
tec
execute0_lowered:
.L_overlay_start_1:
0x0: {  	(tag) =	ssettag $0x1  }
0x1: {  	s4 =	rddreg [dreg:$0x0]  }
0x2: {  	s5 =	rddreg [dreg:$0x1]  }
0x3: {  	s0 =	rddreg [dreg:$0x2];
	s3 =	srdreg.scid  }
0x4: {  	s2 =	simm.s32 $0x0;
	s1 =	stileid.u32;
	s10 =	simm.s32 $0x0  }
0x5: {  	s6 =	sand.u32 $0x1, s3;
	[smem:$0x7FF] =	sst s2;
	s29 =	sshll.u32 s1, $0xE  }
0x6: {  	s3 =	sadd.s32 $0x126600, s4;
	s31 =	sshll.u32 s1, $0xF;
	s7 =	sshll.u32 s6, $0xD  }
0x7: {  	_ =	strace $0x8000004D;
	s8 =	ssub.s32 $0x2, s6;
	s5 =	sadd.s32 s31, s5  }
0x8: {  	s6 =	sshll.u32 s6, $0xE;
	s7 =	sor.u32 s7, s29;
	s9 =	sshrl.u32 s8, $0x1  }
0x9: {  	s5 =	sadd.s32 s6, s5;
	s7 =	sshrl.u32 s7, $0x3;
	s30 =	ssub.s32 s8, s9  }
0xa: {  	s8 =	simm.s32 $0x80;
	s9 =	simm.s32 $0x1;
	s7 =	sadd.s32 s7, s4  }
0xb: {  	s4 =	smax.u32 s30, $0x1;
	s6 =	sadd.s32 $0x14EE00, s7;
	s7 =	simm.s32 $0x2  }
.LBB2_1:
0xc: {  	s11 =	sadd.s32 $0x0, s6  }
0xd: {  	[tilespmem:s2], [sflag:$0x2] =	stream.linear.gather [hbm4b:s11+s2], $0x80, $0x38;
	[tilespmem:$0x880] =	vst v63  }
0xe: {  	_ =	swait.ge [sflag:s7], $0x80  }
0xf: {  	[sflag:s7] =	ssyncset.done $0x0  }
0x10: {  	[sflag:s7] =	ssyncadd.s32 $0xFFFFFF80  }
0x11: {  	[tilespmem:s8], [sflag:$0x1] =	stream.indirect.gather [hbm4b:s3+s8], $0x10, s2, s8, $0xb8;
	[tilespmem:$0x880] =	vst v63  }
0x12: {  	_ =	swait.ge [sflag:s9], $0x800  }
0x13: {  	[sflag:s9] =	ssyncset.done $0x0  }
0x14: {  	[sflag:s9] =	ssyncadd.s32 $0xFFFFF800  }
0x15: {  	[hbm4b:s5+s2] =	stream.linear.scatter [tilespmem:s8], [sflag:$0x2], $0x800, $0x38;
	[tilespmem:$0x880] =	vst v63  }
0x16: {  	s12 =	simm.s32 $0x10;
	_ =	swait.ge [sflag:s7], $0x800  }
0x17: {  	s13 =	simm.s32 $0x20;
	s11 =	sadd.s32 $0x100, s5;
	[sflag:s7] =	ssyncset.done $0x0  }
.LBB2_2:
0x18: {  	s14 =	sadd.s32 s12, s6  }
0x19: {  	[sflag:s7] =	ssyncadd.s32 $0xFFFFF800;
	s12 =	smov.u32 s13;
	s15 =	sadd.s32 $0x10, s13  }
0x1a: {  	[tilespmem:s2], [sflag:$0x2] =	stream.linear.gather [hbm4b:s14+s2], $0x80, $0x38;
	[tilespmem:$0x880] =	vst v63  }
0x1b: {  	p0 =	sne.s32 s13, $0x3F0;
	_ =	swait.ge [sflag:s7], $0x80  }
0x1c: {  	[sflag:s7] =	ssyncset.done $0x0  }
0x1d: {  	[sflag:s7] =	ssyncadd.s32 $0xFFFFFF80  }
0x1e: {  	[tilespmem:s8], [sflag:$0x1] =	stream.indirect.gather [hbm4b:s3+s8], $0x10, s2, s8, $0xb8;
	[tilespmem:$0x880] =	vst v63  }
0x1f: {  	_ =	swait.ge [sflag:s9], $0x800  }
.Ltmp0:
0x20: {  	[sflag:s9] =	ssyncset.done $0x0;
	(pc) =	sbr.rel @p0 .LBB2_2-.Ltmp0, $4  }
0x21: {  	[sflag:s9] =	ssyncadd.s32 $0xFFFFF800  }
0x22: {  	[hbm4b:s11+s2] =	stream.linear.scatter [tilespmem:s8], [sflag:$0x2], $0x800, $0x38;
	[tilespmem:$0x880] =	vst v63  }
0x23: {  	_ =	swait.ge [sflag:s7], $0x800  }
0x24: {  	s13 =	smov.u32 s15;
	s11 =	sadd.s32 $0x100, s11;
	[sflag:s7] =	ssyncset.done $0x0  }
0x25: {  	s12 =	sadd.s32 s12, s6;
	[sflag:s7] =	ssyncadd.s32 $0xFFFFF800  }
0x26: {  	[tilespmem:s2], [sflag:$0x2] =	stream.linear.gather [hbm4b:s12+s2], $0x80, $0x38;
	[tilespmem:$0x880] =	vst v63  }
0x27: {  	_ =	swait.ge [sflag:s7], $0x80  }
0x28: {  	[sflag:s7] =	ssyncset.done $0x0  }
0x29: {  	[sflag:s7] =	ssyncadd.s32 $0xFFFFFF80  }
0x2a: {  	[tilespmem:s8], [sflag:$0x1] =	stream.indirect.gather [hbm4b:s3+s8], $0x10, s2, s8, $0xb8;
	[tilespmem:$0x880] =	vst v63  }
0x2b: {  	s10 =	sadd.s32 $0x1, s10;
	_ =	swait.ge [sflag:s9], $0x800  }
0x2c: {  	p0 =	sne.s32 s10, s4;
	[sflag:s9] =	ssyncset.done $0x0  }
.Ltmp1:
0x2d: {  	[sflag:s9] =	ssyncadd.s32 $0xFFFFF800;
	(pc) =	sbr.rel @p0 .LBB2_1-.Ltmp1, $4  }
0x2e: {  	[hbm4b:s11+s2] =	stream.linear.scatter [tilespmem:s8], [sflag:$0x2], $0x800, $0x38;
	[tilespmem:$0x880] =	vst v63  }
0x2f: {  	_ =	swait.ge [sflag:s7], $0x800  }
0x30: {  	[sflag:s7] =	ssyncset.done $0x0  }
0x31: {  	[sflag:s7] =	ssyncadd.s32 $0xFFFFF800  }
0x32: {  	_ =	sfence.sel $0x180000  }
0x33: {  	[bflag:$0x0] =	sbarrier.arrive $0xFFFF  }
0x34: {  	p0 =	sne.s32 s1, $0x0;
	_ =	strace $0x9000004D  }
0x35: {  	s0 =	sadd.s32 @!p0 $0x100000, s0;
	[bflag:$0x2] =	sbarrier.arrive $0xFFFF  }
0x36: {  	[sflag:s0] =	ssyncadd.tile.s32 @!p0 $0x1;
	_ =	shalt  }
.Lfunc_end2:
_tile_overlayer_lowered:
.L_overlay_start_2:
0x37: {  	(tag) =	ssettag $0x2  }
0x38: {  	s0 =	rddreg [dreg:$0x0];
	s2 =	stileid.u32  }
0x39: {  	s1 =	rddreg [dreg:$0x1];
	p0 =	sne.s32 s2, $0x0  }
0x3a: {  	s3 =	rddreg [dreg:$0x2];
	[bflag:$0x3] =	sbarrier.arrive $0xFFFF;
	s2 =	simm.s32 @!p0 $0x1C02  }
0x3b: {  	[timem:s3], [sflag:s2] =	dma.local @!p0 [hbm:s0], s1  }
0x3c: {  	s0 =	simm.s32 @!p0 $0x2  }
0x3d: {  	_ =	swait.ge @!p0 [sflag:s0], s1  }
0x3e: {  	s1 =	ssub.s32 @!p0 $0x0, s1;
	[sflag:s0] =	ssyncset.done @!p0 $0x0  }
0x3f: {  	[sflag:s0] =	ssyncadd.s32 @!p0 s1  }
0x40: {  	[bflag:$0x3] =	sbarrier.arrive $0xFFFF  }
0x41: {  	_ =	shalt  }

// kernel: sparse-core-data-format-call.cloned.1.call-start
scs
called_computation_lowered:
.L_overlay_start_0:
0x0: {  	s1 =	sld [smem:$0x3FD9]  }
0x1: {  	s2 =	sld [smem:$0x3FFE];
	_ =	sdelay $0x1  }
0x2: {  	s3 =	srdreg.scid  }
0x3: {  	s0 =	sand.u32 $0x1, s3  }
0x4: {  	s17 =	sshll.u32 s0, $0xA;
	s1 =	sadd.s32 s2, s1  }
0x5: {  	s1 =	sadd.s32 s1, s17  }
0x6: {  	[smem:$0x3F8F] =	sst s1  }
0x7: {  	_ = 	snop  }
0x8: {  	(tm) =	ssettm $0x1  }
0x9: {  	s18 =	sld [smem:$0x3FFB];
	_ =	sdelay $0x3  }
0xa: {  	_ =	strace s18  }
0xb: {  	s1 =	sld [smem:$0x3FFC];
	_ =	sdelay $0x3  }
0xc: {  	_ =	strace s1  }
0xd: {  	s1 =	sld [smem:$0x3FFD];
	_ =	sdelay $0x3  }
0xe: {  	_ =	strace s1  }
0xf: {  	_ =	strace $0x8FFFFFFF  }
0x10: {  	s19 =	sld [smem:$0x3FDB];
	_ =	sdelay $0x1  }
0x11: {  	s20 =	simm.s32 $_scs_section_size  }
0x12: {  	s4 =	simm.s32 $_size__tile_overlayer_lowered;
	s5 =	simm.s32 $_tile_overlayer_lowered  }
0x13: {  	s23 =	simm.s32 $0x1BFF;
	s22 =	sshll.u32 s5, $0x1;
	s1 =	sadd.s32 s20, s19  }
0x14: {  	s6 =	simm.s32 $0x0;
	s21 =	sshll.u32 s4, $0x1;
	s4 =	sadd.s32 s22, s1  }
0x15: {  	[timem:s6], [sflag:s23] =	dma.local [hbm:s4], s21  }
0x16: {  	_ =	swait.ge [sflag:s23], s21  }
0x17: {  	s2 =	ssub.s32 $0x0, s21;
	[sflag:s23] =	ssyncset.done $0x0  }
0x18: {  	[sflag:s23] =	ssyncadd.s32 s2;
	_ =	sdelay $0x1  }
0x19: {  	s24 =	simm.s32 $0x1B8B  }
0x1a: {  	_ =	swait.ge [sflag:s24], $0x1  }
0x1b: {  	[sflag:s24] =	ssyncset.done $0x0  }
0x1c: {  	s26 =	simm.s32 $0x1B8E;
	s25 =	sld [smem:$0x3FFE];
	[sflag:s24] =	ssyncadd.s32 $0xFFFFFFFF  }
0x1d: {  	s27 =	simm.s32 $execute0_lowered;
	[smem:$0x3FD2] =	sst s26  }
0x1e: {  	s4 =	sshll.u32 s27, $0x1;
	_ =	strace $0x80000052;
	[dreg:$0x1] =	wrdreg $0xFFFFFFFF  }
0x1f: {  	s28 =	simm.s32 $_size_execute0_lowered;
	s1 =	sadd.s32 s1, s4;
	[dreg:$0x0] =	wrdreg $0x0  }
0x20: {  	s4 =	sshll.u32 s28, $0x1;
	[dreg:$0x2] =	wrdreg s1  }
0x21: {  	[dreg:$0x3] =	wrdreg s4  }
0x22: {  	[dreg:$0x4] =	wrdreg $0xC0  }
0x23: {  	_ =	task [dreg:s6], $0x5FFFF  }
0x24: {  	[dreg:$0x1] =	wrdreg $0xFFFFFFFF  }
0x25: {  	[dreg:$0x0] =	wrdreg $0x60  }
0x26: {  	[dreg:$0x2] =	wrdreg s25  }
0x27: {  	[dreg:$0x3] =	wrdreg $0x9  }
0x28: {  	_ =	task.clear_ibuf [dreg:s6], $0x4FFFF;
	_ =	strace $0x90000052  }
0x29: {  	s29 =	simm.s32 $0x9;
	_ =	strace $0x80000054  }
0x2a: {  	_ =	swait.ge [sflag:s29], $0x1  }
0x2b: {  	[sflag:s29] =	ssyncadd.s32 $0xFFFFFFFF  }
0x2c: {  	_ =	strace $0x90000054  }
0x2d: {  	_ =	sfence  }
0x2e: {  	s30 =	sld [smem:$0x0];
	_ =	sdelay $0x2  }
0x2f: {  	s31 =	sshll.u32 s3, $0xD;
	s3 =	sshrl.u32 s3, $0x2  }
0x30: {  	s2 =	sand.u32 $0x4000, s31;
	s1 =	sadd.s32 s3, s30  }
0x31: {  	s0 =	sor.u32 s2, s0;
	s1 =	sshll.u32 s1, $0x11  }
0x32: {  	s0 =	sor.u32 s1, s0  }
0x33: {  	s0 =	sadd.s32 $0x8F2B, s0  }
0x34: {  	[sflag:s0] =	ssyncadd.remote.s32 $0x1  }
0x35: {  	_ =	sfence.sel $0xFFFF  }
0x36: {  	[dreg:$0x0] =	wrdreg $0xFFFFFFFF;
	(pc) =	sbr.abs _section_cstart, $3  }
0x37: {  	[dreg:$0x1] =	wrdreg $0xFFFFFFFF  }
0x38: {  	_ =	task.clear_ibuf [dreg:s6], $0x2FFFF;
	_ =	strace $0x9FFFFFFF  }
0x39: {  	(tm) =	ssettm $0x7FFFFFFF  }
tec
execute0_lowered:
.L_overlay_start_1:
0x0: {  	(tag) =	ssettag $0x1  }
0x1: {  	s0 =	srdreg.scid  }
0x2: {  	s1 =	rddreg [dreg:$0x0];
	s5 =	simm.s32 $0x1;
	s8 =	simm.s32 $0x2  }
0x3: {  	s17 =	simm.s32 $0x0;
	p0 =	por $0x0, $0x0;
	s15 =	simm.s32 $0x0  }
0x4: {  	s14 =	simm.s32 $0x0;
	s16 =	simm.s32 $0x0;
	s9 =	simm.s32 $0x0  }
0x5: {  	s11 =	simm.s32 $0x0;
	s12 =	stileid.u32;
	s2 =	sshll.u32 s0, $0x1  }
0x6: {  	s13 =	simm.s32 $0x0;
	s0 =	rddreg [dreg:$0x1];
	s2 =	sand.u32 $0x2, s2  }
.Ltmp0:
0x7: {  	_ =	strace $0x80000053;
	s6 =	ssub.s32 $0x40, s2;
	(pc) =	sbr.rel .LBB1_1-.Ltmp0, $4  }
0x8: {  	s3 =	sadd.s32 $0x19B600, s1;
	s4 =	sadd.s32 $0x39B600, s1;
	s7 =	sshrl.u32 s6, $0x1  }
0x9: {  	[sflag:s5] =	ssyncpa.u1 $0x0;
	s6 =	sand.u32 $0x2, s6;
	s7 =	sand.u32 $0x3E, s7  }
0xa: {  	s1 =	stileid.u32;
	[sflag:s8] =	ssyncpa.u1 $0x0;
	s6 =	sadd.s32 s6, s7  }
0xb: {  	s8 =	simm.s32 $0x4000;
	s10 =	smov.u32 s2;
	s7 =	sor.u32 $0x1, s6  }
.LBB1_4:
0xc: {  	v11 =	vld [tilespmem:s21+$0xFFFFFFE0];
	v12 =	vcombine.low v6, v7  }
0xd: {  	v3 =	vperm.xlane.i2c.b16 v3;
	[tilespmem:s22+$0x3870 ss:$0x81] =	vst.msk $0xffff, v9;
	v46 =	vld [tilespmem:s21+$0xFFFFFFF0];
	v4 =	vperm.xlane.i2c.b16 v4  }
0xe: {  	v47 =	vcombine.high v6, v7;
	[tilespmem:s20+$0x2040 ss:$0x81] =	vst.msk $0xffff, v10;
	v48 =	vld [tilespmem:s21+$0x0];
	v5 =	vperm.xlane.i2c.b16 v5  }
0xf: {  	v50 =	vld [tilespmem:s21+$0x10];
	v2 =	vperm.xlane.i2c.b16 v2;
	[tilespmem:s22+$0x810 ss:$0x81] =	vst.msk $0xffff, v12;
	v49 =	vcombine.low v8, v3  }
0x10: {  	v52 =	vld [tilespmem:s21+$0xFFFFFFC0];
	v1 =	vperm.xlane.i2c.b16 v1;
	v51 =	vcombine.low v4, v0;
	[tilespmem:s22+$0x2850 ss:$0x81] =	vst.msk $0xffff, v47  }
0x11: {  	s24 =	sshra.s32 s23, $0x2;
	v3 =	vcombine.high v8, v3;
	v53 =	vcombine.low v2, v5;
	[tilespmem:s22+$0x1020 ss:$0x81] =	vst.msk $0xffff, v49  }
0x12: {  	s19 =	sadd.s32 s24, s19;
	v2 =	vcombine.high v2, v5;
	v56 =	vcombine.high v4, v0;
	[tilespmem:s22+$0x0 ss:$0x81] =	vst.msk $0xffff, v51  }
0x13: {  	[tilespmem:s19+$0x1830 ss:$0x81] =	vst.msk $0xffff, v53;
	v11 =	vperm.xlane.i2c.b16 v11;
	v54 =	vperm.xlane.i2c.b16 v46  }
0x14: {  	[tilespmem:s22+$0x3060 ss:$0x81] =	vst.msk $0xffff, v3;
	v55 =	vperm.xlane.i2c.b16 v48;
	v58 =	vperm.xlane.i2c.b16 v50  }
0x15: {  	s17 =	sshll.u32 s17, $0x7;
	s25 =	sshll.u32 s14, $0x3;
	s27 =	sshll.u32 s14, $0x1;
	[tilespmem:s19+$0x3870 ss:$0x81] =	vst.msk $0xffff, v2;
	v60 =	vperm.xlane.i2c.b16 v52;
	v57 =	vcombine.low v11, v54  }
0x16: {  	s16 =	sshll.u32 s16, $0x11;
	s26 =	sand.u32 $0x7C00, s17;
	s20 =	sand.u32 $0x7C00, s25;
	[tilespmem:s22+$0x2040 ss:$0x81] =	vst.msk $0xffff, v56;
	v61 =	vcombine.low v55, v58  }
0x17: {  	s15 =	sshll.u32 s15, $0xB;
	s17 =	sand.u32 $0x300, s17;
	s20 =	sadd.s32 s20, s26;
	v63 =	vcombine.low v60, v1;
	[tilespmem:s19+$0x810 ss:$0x81] =	vst.msk $0xffff, v57  }
0x18: {  	s29 =	sshrl.u32 s14, $0x3;
	s28 =	sand.u32 $0x80, s27;
	s17 =	sor.u32 s17, s20;
	v59 =	vcombine.high v11, v54;
	[tilespmem:s19+$0x1020 ss:$0x81] =	vst.msk $0xffff, v61  }
0x19: {  	s30 =	sand.u32 $0x7, s14;
	s16 =	sadd.s32 s4, s16;
	s17 =	sor.u32 s28, s17;
	v62 =	vcombine.high v55, v58;
	[tilespmem:s19+$0x0 ss:$0x81] =	vst.msk $0xffff, v63  }
0x1a: {  	s15 =	sadd.s32 s15, s16;
	s20 =	sand.u32 $0x7, s29;
	s17 =	sshrl.u32 s17, $0x4;
	v0 =	vcombine.high v60, v1;
	[tilespmem:s19+$0x2850 ss:$0x81] =	vst.msk $0xffff, v59  }
0x1b: {  	s14 =	sshll.u32 s30, $0x12;
	s15 =	sadd.s32 s20, s15;
	s31 =	sand.u32 $0x7F8, s17;
	[tilespmem:s19+$0x3060 ss:$0x81] =	vst.msk $0xffff, v62  }
0x1c: {  	s14 =	sor.u32 $0x2000, s14;
	s15 =	sadd.s32 s31, s15;
	[tilespmem:s19+$0x2040 ss:$0x81] =	vst.msk $0xffff, v0  }
0x1d: {  	[hbm4b:s15+s14] =	stream.strided.scatter [tilespmem:s18], [sflag:$0x2], $0x4000, s8, s14, $0x20;
	[tilespmem:$0x10100] =	vst v63  }
.LBB1_5:
0x1e: {  	s18 =	sadd.s32 $0x80, s9  }
0x1f: {  	s14 =	sadd.s32 $0x4, s10;
	s19 =	smov.u32 s10;
	p2 =	sgt.s32 s18, $0xFF  }
0x20: {  	s19 =	smov.u32 @p2 s14  }
0x21: {  	s20 =	smov.u32 s11;
	s14 =	sadd.s32 $0x80, s11;
	p3 =	sgt.s32 s19, $0x3F  }
0x22: {  	s20 =	smov.u32 @p3 s14  }
0x23: {  	s21 =	smov.u32 s12;
	s14 =	sadd.s32 $0x10, s12;
	p4 =	sgt.s32 s20, $0x7F  }
0x24: {  	p1 =	slt.u32 s13, $0x2;
	s21 =	smov.u32 @p4 s14  }
0x25: {  	s17 =	smov.u32 s9;
	s18 =	simm.s32 @p2 $0x0;
	p2 =	sgt.s32 s21, $0xF  }
0x26: {  	s22 =	simm.s32 @!p1 $0x2;
	s21 =	smov.u32 @p2 s1;
	p2 =	sne.s32 s13, s7  }
.Ltmp1:
0x27: {  	s15 =	smov.u32 s10;
	_ =	swait.ge @!p1 [sflag:s22], $0x4000;
	(pc) =	sbr.rel @!p2 .LBB1_6-.Ltmp1, $4  }
0x28: {  	s16 =	smov.u32 s12;
	p0 =	por !p0, !p0;
	[sflag:s22] =	ssyncset.done @!p1 $0x0  }
0x29: {  	s9 =	smov.u32 s18;
	s19 =	smov.u32 @p3 s2;
	[sflag:s22] =	ssyncadd.s32 @!p1 $0xFFFFC000  }
0x2a: {  	s10 =	smov.u32 s19;
	s20 =	simm.s32 @p4 $0x0;
	s14 =	smov.u32 s11  }
0x2b: {  	s11 =	smov.u32 s20;
	s13 =	sadd.s32 $0x1, s13;
	s12 =	smov.u32 s21  }
.LBB1_1:
0x2c: {  	p1 =	sge.u32 s13, s6  }
0x2d: {  	s18 =	sshll.u32 @!p1 s10, $0x8;
	s19 =	sshll.u32 @!p1 s9, $0x3  }
0x2e: {  	s20 =	sshll.u32 @!p1 s10, $0x7;
	s18 =	sand.u32 @!p1 $0x3800, s18;
	s19 =	sand.u32 @!p1 $0x3C00, s19  }
0x2f: {  	s31 =	sadd.s32 $0xFFFFFFFF, s13;
	s18 =	sadd.s32 @!p1 s18, s19;
	s19 =	sand.u32 @!p1 $0x300, s20  }
0x30: {  	s22 =	sshrl.u32 @!p1 s9, $0x3;
	s18 =	sor.u32 @!p1 s19, s18;
	s19 =	sshll.u32 @!p1 s12, $0x11  }
0x31: {  	s21 =	sshll.u32 @!p1 s11, $0xA;
	s22 =	sand.u32 @!p1 $0xF, s22;
	s19 =	sadd.s32 @!p1 s3, s19  }
0x32: {  	s20 =	sxor.u32 @!p1 $0xFFFFFFFF, s13;
	s18 =	sshrl.u32 @!p1 s18, $0x4;
	s19 =	sadd.s32 @!p1 s21, s19  }
0x33: {  	s18 =	sand.u32 @!p1 $0x3F0, s18;
	s21 =	sand.u32 @!p1 $0x7, s9;
	s19 =	sadd.s32 @!p1 s22, s19  }
0x34: {  	s18 =	sadd.s32 @!p1 s18, s19;
	s19 =	sshll.u32 @!p1 s20, $0xE;
	s20 =	sshll.u32 @!p1 s21, $0x12  }
0x35: {  	s21 =	simm.s32 @!p1 $0x2000;
	s19 =	sand.u32 @!p1 $0x4000, s19;
	s20 =	sor.u32 @!p1 $0x80, s20  }
0x36: {  	[tilespmem:s19], [sflag:$0x1] =	stream.strided.gather @!p1 [hbm4b:s18+s20], $0x4000, s21, s20, $0x38;
	[tilespmem:$0x10100] =	vst v63  }
0x37: {  	p1 =	sge.u32 s31, s6  }
.Ltmp2:
0x38: {  	_ = 	snop;
	(pc) =	sbr.rel @p1 .LBB1_5-.Ltmp2, $1  }
0x39: {  	_ =	sdelay $0x3  }
0x3a: {  	s18 =	simm.s32 $0x1  }
0x3b: {  	_ =	swait.ge [sflag:s5], $0x4000;
	s18 =	simm.s32 @!p0 $0x0  }
0x3c: {  	[sflag:s5] =	ssyncset.done $0x0;
	s19 =	sshll.u32 s18, $0xE  }
0x3d: {  	[sflag:s5] =	ssyncadd.s32 $0xFFFFC000;
	s19 =	sor.u32 $0x40, s19  }
0x3e: {  	v0 =	vld [tilespmem:s19+$0x20]  }
0x3f: {  	v1 =	vld [tilespmem:s19+$0x30]  }
0x40: {  	v2 =	vld [tilespmem:s19+$0xFFFFFFD0]  }
0x41: {  	v3 =	vld [tilespmem:s19+$0xFFFFFFE0]  }
0x42: {  	v4 =	vld [tilespmem:s19+$0xFFFFFFF0]  }
0x43: {  	v5 =	vld [tilespmem:s19+$0x0]  }
0x44: {  	v6 =	vld [tilespmem:s19+$0x10];
	_ =	sdelay $0x1  }
0x45: {  	s18 =	smul.u32 $0x10200, s18;
	v1 =	vperm.xlane.i2c.b16 v1;
	v0 =	vperm.xlane.i2c.b16 v0  }
0x46: {  	v7 =	vld [tilespmem:s19+$0xFFFFFFC0];
	s21 =	sadd.s32 $0x80, s19;
	v10 =	vperm.xlane.i2c.b16 v2;
	v3 =	vperm.xlane.i2c.b16 v3  }
0x47: {  	s18 =	sshrl.u32 s18, $0x2;
	v9 =	vld [tilespmem:s21+$0x30];
	v4 =	vperm.xlane.i2c.b16 v4;
	v5 =	vperm.xlane.i2c.b16 v5  }
0x48: {  	s19 =	sor.u32 $0x8000, s18;
	v2 =	vld [tilespmem:s21+$0x20];
	v6 =	vperm.xlane.i2c.b16 v6;
	v8 =	vcombine.low v0, v1  }
0x49: {  	s20 =	sadd.s32 $0x0, s19;
	v0 =	vcombine.high v0, v1;
	v1 =	vld [tilespmem:s21+$0xFFFFFFD0];
	v11 =	vcombine.low v3, v4  }
0x4a: {  	v12 =	vld [tilespmem:s21+$0xFFFFFFF0];
	[tilespmem:s20+$0x1830 ss:$0x81] =	vst.msk $0xffff, v8  }
0x4b: {  	v13 =	vperm.xlane.i2c.b16 v7;
	v7 =	vcombine.low v5, v6;
	v8 =	vld [tilespmem:s21+$0xFFFFFFE0];
	[tilespmem:s20+$0x810 ss:$0x81] =	vst.msk $0xffff, v11  }
0x4c: {  	v14 =	vld [tilespmem:s21+$0x0];
	v9 =	vperm.xlane.i2c.b16 v9;
	[tilespmem:s20+$0x3870 ss:$0x81] =	vst.msk $0xffff, v0;
	v0 =	vcombine.high v3, v4  }
0x4d: {  	s31 =	sand.u32 $0x1, s13;
	v5 =	vcombine.high v5, v6;
	[tilespmem:s20+$0x1020 ss:$0x81] =	vst.msk $0xffff, v7;
	v3 =	vld [tilespmem:s21+$0x10];
	v11 =	vperm.xlane.i2c.b16 v2  }
0x4e: {  	s18 =	smul.u32 $0x10200, s31;
	v4 =	vld [tilespmem:s21+$0xFFFFFFC0];
	s21 =	sadd.s32 $0x80, s21;
	[tilespmem:s20+$0x2850 ss:$0x81] =	vst.msk $0xffff, v0;
	v0 =	vperm.xlane.i2c.b16 v1;
	v1 =	vcombine.low v13, v10  }
0x4f: {  	v7 =	vperm.xlane.i2c.b16 v12;
	[tilespmem:s20+$0x3060 ss:$0x81] =	vst.msk $0xffff, v5;
	v2 =	vld [tilespmem:s21+$0x20];
	v15 =	vcombine.low v11, v9  }
0x50: {  	s22 =	sadd.s32 $0x1, s19;
	s18 =	sshrl.u32 s18, $0x2;
	v5 =	vld [tilespmem:s21+$0x30];
	v9 =	vcombine.high v11, v9;
	v6 =	vperm.xlane.i2c.b16 v8;
	[tilespmem:s20+$0x0 ss:$0x81] =	vst.msk $0xffff, v1  }
0x51: {  	s23 =	simm.s32 $0x8;
	s24 =	simm.s32 $0xC;
	s18 =	sor.u32 $0x8000, s18;
	v10 =	vcombine.high v13, v10;
	v1 =	vld [tilespmem:s21+$0xFFFFFFD0];
	v8 =	vperm.xlane.i2c.b16 v14;
	[tilespmem:s22+$0x1830 ss:$0x81] =	vst.msk $0xffff, v15  }
.LBB1_3:
0x52: {  	p1 =	sne.s32 s24, $0x1FC;
	v11 =	vld [tilespmem:s21+$0xFFFFFFE0];
	v12 =	vcombine.low v6, v7;
	v3 =	vperm.xlane.i2c.b16 v3;
	[tilespmem:s22+$0x3870 ss:$0x81] =	vst.msk $0xffff, v9  }
0x53: {  	v13 =	vperm.xlane.i2c.b16 v4;
	v4 =	vcombine.high v6, v7;
	v9 =	vld [tilespmem:s21+$0xFFFFFFF0];
	[tilespmem:s20+$0x2040 ss:$0x81] =	vst.msk $0xffff, v10;
	s20 =	smov.u32 s22  }
0x54: {  	v10 =	vld [tilespmem:s21+$0x0];
	[tilespmem:s20+$0x810 ss:$0x81] =	vst.msk $0xffff, v12;
	v6 =	vcombine.low v8, v3;
	v7 =	vcombine.high v8, v3  }
.Ltmp3:
0x55: {  	v8 =	vperm.xlane.i2c.b16 v5;
	v12 =	vperm.xlane.i2c.b16 v2;
	v3 =	vld [tilespmem:s21+$0x10];
	[tilespmem:s20+$0x2850 ss:$0x81] =	vst.msk $0xffff, v4;
	(pc) =	sbr.rel @p1 .LBB1_3-.Ltmp3, $4  }
0x56: {  	v14 =	vperm.xlane.i2c.b16 v1;
	v1 =	vcombine.low v13, v0;
	v4 =	vld [tilespmem:s21+$0xFFFFFFC0];
	s21 =	sadd.s32 $0x80, s21;
	[tilespmem:s20+$0x1020 ss:$0x81] =	vst.msk $0xffff, v6  }
0x57: {  	s22 =	sshra.s32 s23, $0x2;
	s23 =	smov.u32 s24;
	v2 =	vld [tilespmem:s21+$0x20];
	v6 =	vperm.xlane.i2c.b16 v11;
	v11 =	vcombine.low v12, v8;
	[tilespmem:s20+$0x3060 ss:$0x81] =	vst.msk $0xffff, v7  }
0x58: {  	s22 =	sadd.s32 s22, s19;
	v5 =	vld [tilespmem:s21+$0x30];
	v7 =	vperm.xlane.i2c.b16 v9;
	v9 =	vcombine.high v12, v8;
	[tilespmem:s20+$0x0 ss:$0x81] =	vst.msk $0xffff, v1  }
0x59: {  	s24 =	sadd.s32 $0x4, s24;
	v1 =	vld [tilespmem:s21+$0xFFFFFFD0];
	v8 =	vperm.xlane.i2c.b16 v10;
	[tilespmem:s22+$0x1830 ss:$0x81] =	vst.msk $0xffff, v11;
	v10 =	vcombine.high v13, v0;
	v0 =	vmov v14  }
.Ltmp4:
0x5a: {  	_ = 	snop;
	(pc) =	sbr.rel .LBB1_4-.Ltmp4, $1  }
0x5b: {  	_ =	sdelay $0x3  }
.LBB1_6:
0x5c: {  	_ =	sfence.sel $0x180000  }
0x5d: {  	s2 =	simm.s32 $0x1;
	[bflag:$0x0] =	sbarrier.arrive $0xFFFF  }
0x5e: {  	s31 =	simm.s32 $0x2;
	[sflag:s2] =	ssyncpa.u1 $0x1  }
0x5f: {  	[sflag:s31] =	ssyncpa.u1 $0x1  }
0x60: {  	p0 =	sne.s32 s1, $0x0;
	_ =	strace $0x90000053  }
0x61: {  	s0 =	sadd.s32 @!p0 $0x100000, s0;
	[bflag:$0x2] =	sbarrier.arrive $0xFFFF  }
0x62: {  	[sflag:s0] =	ssyncadd.tile.s32 @!p0 $0x1;
	_ =	shalt  }
.Lfunc_end1:
_tile_overlayer_lowered:
.L_overlay_start_2:
0x63: {  	(tag) =	ssettag $0x2  }
0x64: {  	s0 =	rddreg [dreg:$0x0];
	s2 =	stileid.u32  }
0x65: {  	s1 =	rddreg [dreg:$0x1];
	p0 =	sne.s32 s2, $0x0  }
0x66: {  	s3 =	rddreg [dreg:$0x2];
	[bflag:$0x3] =	sbarrier.arrive $0xFFFF;
	s2 =	simm.s32 @!p0 $0x1C01  }
0x67: {  	[timem:s3], [sflag:s2] =	dma.local @!p0 [hbm:s0], s1  }
0x68: {  	s0 =	simm.s32 @!p0 $0x1  }
0x69: {  	_ =	swait.ge @!p0 [sflag:s0], s1  }
0x6a: {  	s1 =	ssub.s32 @!p0 $0x0, s1;
	[sflag:s0] =	ssyncset.done @!p0 $0x0  }
0x6b: {  	[sflag:s0] =	ssyncadd.s32 @!p0 s1  }
0x6c: {  	[bflag:$0x3] =	sbarrier.arrive $0xFFFF  }
0x6d: {  	_ =	shalt  }

</sc_bundles>
